<compile_context>
chip_gen: v7x
topology: tpu7x:2x2x1
jax: 0.10.2.dev20260603
libtpu: 0.0.44.dev20260713+nightly
codegen_flags: <defaults>
</compile_context>

<pallas_src>
import functools

import jax
import jax.numpy as jnp
from jax import lax
from jax.experimental import pallas as pl
from jax.experimental.pallas import tpu as pltpu
from jax.experimental.pallas import tpu_sc as plsc

_N = 10000
_E = 320000
_D = 128
_BN_EPS = 1e-5
_BN_RS = float((1.0 + _BN_EPS) ** -0.5)

_NP = 10240
_NCORES = 2
_NSUB = 16
_NTILES = _NCORES * _NSUB
_CHUNK = 112
_EP = 344064
_PER_TILE = _EP // _NTILES
_NCHUNK = _PER_TILE // _CHUNK
_ZB = 128
_RSUB = _NP // _NSUB
_DEGW = 16

_sc_mesh = plsc.VectorSubcoreMesh(
    core_axis_name="c", subcore_axis_name="s",
    num_cores=_NCORES, num_subcores=_NSUB)



@functools.partial(
    pl.kernel,
    out_type=jax.ShapeDtypeStruct((_NCORES, _NP, _D), jnp.float32),
    mesh=_sc_mesh,
    scratch_types=(
        [pltpu.VMEM((_CHUNK,), jnp.int32) for _ in range(4)]
        + [pltpu.VMEM((_CHUNK, _D), jnp.float32),
           pltpu.VMEM_SHARED((_NP, _D), jnp.float32)]
        + [pltpu.SemaphoreType.DMA for _ in range(8)]
    ),
)
def _sc_deg(dstp, ones_h, zros_h, out, *rest):
    idxd = rest[0:4]
    ones_v = rest[4]
    acc = rest[5]
    dsem = rest[6:10]
    ssem = rest[10:14]
    c = lax.axis_index("c")
    s = lax.axis_index("s")
    wid = c * _NSUB + s
    base = wid * _PER_TILE

    def idx_load(j, slot):
        pltpu.async_copy(dstp.at[pl.ds(base + j * _CHUNK, _CHUNK)],
                         idxd[slot], dsem[slot])

    def wait_d(slot):
        pltpu.make_async_copy(dstp.at[pl.ds(0, _CHUNK)], idxd[slot],
                              dsem[slot]).wait()

    def scatter(slot):
        pltpu.async_copy(ones_v, acc.at[idxd[slot]], ssem[slot], add=True)

    def swait(slot):
        pltpu.make_async_copy(ones_v, acc.at[idxd[0]], ssem[slot]).wait()

    pltpu.sync_copy(ones_h, ones_v)
    rb = s * _RSUB
    for k in range(_RSUB // _ZB):
        pltpu.sync_copy(zros_h, acc.at[pl.ds(rb + k * _ZB, _ZB)])
    plsc.subcore_barrier()

    for r in range(4):
        idx_load(r, r)

    def body(i, carry):
        for b in range(4):
            wait_d(b)
            scatter(b)
        for b in range(4):
            j = 4 * i + b
            swait(b)
            idx_load(j + 4, b)
        return carry

    lax.fori_loop(0, (_NCHUNK - 4) // 4, body, 0)
    for b in range(4):
        wait_d(b)
        scatter(b)
    for b in range(4):
        swait(b)
    plsc.subcore_barrier()
    for k in range(_RSUB // _ZB):
        pltpu.sync_copy(acc.at[pl.ds(rb + k * _ZB, _ZB)],
                        out.at[c].at[pl.ds(rb + k * _ZB, _ZB)])


@functools.partial(
    pl.kernel,
    out_type=jax.ShapeDtypeStruct((_NCORES, _NP, _D), jnp.float32),
    mesh=_sc_mesh,
    scratch_types=(
        [pltpu.VMEM((_CHUNK,), jnp.int32) for _ in range(12)]
        + [pltpu.VMEM((_CHUNK, _D), jnp.float32) for _ in range(3)]
        + [pltpu.VMEM_SHARED((_NP, _D), jnp.float32)]
        + [pltpu.SemaphoreType.DMA for _ in range(18)]
    ),
)
def _sc_agg(hs, srcp, dstp, zrow_h, out, *rest):
    idxs = rest[0:6]
    idxd = rest[6:12]
    bufs = rest[12:15]
    acc = rest[15]
    isem = rest[16:22]
    dsem = rest[22:28]
    gsem = rest[28:31]
    ssem = rest[31:34]
    c = lax.axis_index("c")
    s = lax.axis_index("s")
    wid = c * _NSUB + s
    base = wid * _PER_TILE

    def idx_load(j, slot):
        pltpu.async_copy(srcp.at[pl.ds(base + j * _CHUNK, _CHUNK)],
                         idxs[slot], isem[slot])
        pltpu.async_copy(dstp.at[pl.ds(base + j * _CHUNK, _CHUNK)],
                         idxd[slot], dsem[slot])

    def wait_s(slot):
        pltpu.make_async_copy(srcp.at[pl.ds(0, _CHUNK)], idxs[slot],
                              isem[slot]).wait()

    def wait_d(slot):
        pltpu.make_async_copy(dstp.at[pl.ds(0, _CHUNK)], idxd[slot],
                              dsem[slot]).wait()

    def gather(slot, b):
        pltpu.async_copy(hs.at[idxs[slot]], bufs[b], gsem[b])

    def gwait(b):
        pltpu.make_async_copy(hs.at[idxs[0]], bufs[b], gsem[b]).wait()

    def scatter(slot, b):
        pltpu.async_copy(bufs[b], acc.at[idxd[slot]], ssem[b], add=True)

    def swait(b):
        pltpu.make_async_copy(bufs[b], acc.at[idxd[0]], ssem[b]).wait()

    rb = s * _RSUB
    for k in range(_RSUB // _ZB):
        pltpu.sync_copy(zrow_h, acc.at[pl.ds(rb + k * _ZB, _ZB)])
    plsc.subcore_barrier()

    for r in range(6):
        idx_load(r, r)
    for b in range(3):
        wait_s(b)
        gather(b, b)

    def it(i, carry):
        for b in range(6):
            j = 6 * i + b
            buf = b % 3
            gwait(buf)
            wait_d(b)
            scatter(b, buf)
            swait(buf)
            idx_load(j + 6, b)
            wait_s((b + 3) % 6)
            gather((b + 3) % 6, buf)
        return carry

    lax.fori_loop(0, (_NCHUNK - 6) // 6, it, 0)
    for b in range(6):
        buf = b % 3
        gwait(buf)
        wait_d(b)
        scatter(b, buf)
        if b < 3:
            swait(buf)
            wait_s(b + 3)
            gather(b + 3, buf)
    for b in range(3):
        swait(b)
    plsc.subcore_barrier()
    for k in range(_RSUB // _ZB):
        pltpu.sync_copy(acc.at[pl.ds(rb + k * _ZB, _ZB)],
                        out.at[c].at[pl.ds(rb + k * _ZB, _ZB)])



_BLK = 256
_GRID = _NP // _BLK


def _tc_a_body(x_ref, w_ref, dg_ref, hs_ref, dd_ref):
    deg = dg_ref[0] + dg_ref[1] + 1.0
    d16 = lax.rsqrt(deg[:, :_DEGW])
    d = d16[:, :1]
    h = jnp.dot(x_ref[...], w_ref[...], preferred_element_type=jnp.float32,
                precision=lax.Precision.HIGHEST)
    hs_ref[...] = h * d
    dd_ref[...] = d16


def _tc_mid_body(p_ref, hs_ref, dd_ref, w_ref, b_ref, g_ref, bt_ref, out_ref):
    d = dd_ref[:, :1]
    t = (p_ref[0] + p_ref[1] + hs_ref[...]) * d + b_ref[...]
    t = t * (_BN_RS * g_ref[...]) + bt_ref[...]
    h = jnp.maximum(t, 0.0)
    out_ref[...] = jnp.dot(h, w_ref[...], preferred_element_type=jnp.float32,
                           precision=lax.Precision.HIGHEST) * d


def _tc_final_body(p_ref, hs_ref, dd_ref, b_ref, out_ref):
    d = dd_ref[:, :1]
    out_ref[...] = (p_ref[0] + p_ref[1] + hs_ref[...]) * d + b_ref[...]


_row_spec = pl.BlockSpec((_BLK, _D), lambda i: (i, 0))
_dd_spec = pl.BlockSpec((_BLK, _DEGW), lambda i: (i, 0))
_p_spec = pl.BlockSpec((_NCORES, _BLK, _D), lambda i: (0, i, 0))
_w_spec = pl.BlockSpec((_D, _D), lambda i: (0, 0))
_vec_spec = pl.BlockSpec((1, _D), lambda i: (0, 0))

_tc_a = pl.pallas_call(
    _tc_a_body,
    grid=(_GRID,),
    in_specs=[_row_spec, _w_spec, _p_spec],
    out_specs=[_row_spec, _dd_spec],
    out_shape=[jax.ShapeDtypeStruct((_NP, _D), jnp.float32),
               jax.ShapeDtypeStruct((_NP, _DEGW), jnp.float32)],
)

_tc_mid = pl.pallas_call(
    _tc_mid_body,
    grid=(_GRID,),
    in_specs=[_p_spec, _row_spec, _dd_spec, _w_spec,
              _vec_spec, _vec_spec, _vec_spec],
    out_specs=_row_spec,
    out_shape=jax.ShapeDtypeStruct((_NP, _D), jnp.float32),
)

_tc_final = pl.pallas_call(
    _tc_final_body,
    grid=(_GRID,),
    in_specs=[_p_spec, _row_spec, _dd_spec, _vec_spec],
    out_specs=_row_spec,
    out_shape=jax.ShapeDtypeStruct((_NP, _D), jnp.float32),
)


def kernel(x, pos, mu_r_norm, edge_index, edge_attr, batch,
           W1, b1, W2, b2, W3, b3, g1, bt1, g2, bt2):
    src = edge_index[0]
    dst = edge_index[1]
    pad = _EP - _E
    padrows = _N + (jnp.arange(pad, dtype=jnp.int32) % (_NP - _N))
    srcp = jnp.concatenate([src, padrows])
    dstp = jnp.concatenate([dst, padrows])
    xp = jnp.pad(x, ((0, _NP - _N), (0, 0)))

    onesr = jnp.ones((_CHUNK, _D), jnp.float32)
    zrow = jnp.zeros((_ZB, _D), jnp.float32)

    degp = _sc_deg(dstp, onesr, zrow)

    hs1, dd = _tc_a(xp, W1, degp)
    p1 = _sc_agg(hs1, srcp, dstp, zrow)
    hs2 = _tc_mid(p1, hs1, dd, W2, b1.reshape(1, _D),
                  g1.reshape(1, _D), bt1.reshape(1, _D))
    p2 = _sc_agg(hs2, srcp, dstp, zrow)
    hs3 = _tc_mid(p2, hs2, dd, W3, b2.reshape(1, _D),
                  g2.reshape(1, _D), bt2.reshape(1, _D))
    p3 = _sc_agg(hs3, srcp, dstp, zrow)
    out = _tc_final(p3, hs3, dd, b3.reshape(1, _D))
    return out[:_N]

# --- scband reference (transcript-rebuilt; emitter-appended) ---
"""Pipeline reference for scband-gcn-91345364451527 (READ-ONLY COPY).

The authoritative reference and input builder live on the scoring server;
editing this copy changes nothing except your own understanding.
"""

import jax, jax.numpy as jnp
import numpy as np

N = 10000
E = 320000
D_IN = 128
D_HID = 128
D_OUT = 128
BN_EPS = 1e-5

def setup_inputs(seed: int = 0):
    key = jax.random.key(seed)
    ks = jax.random.split(key, 16)
    inp = {}
    inp["x"] = jax.random.normal(ks[0], (N, D_IN), dtype=jnp.float32)
    inp["pos"] = jax.random.normal(ks[1], (N, 3), dtype=jnp.float32)
    inp["mu_r_norm"] = jax.random.normal(ks[2], (N, 5), dtype=jnp.float32)
    inp["edge_index"] = jax.random.randint(ks[3], (2, E), 0, N, dtype=jnp.int32)
    inp["edge_attr"] = jax.random.normal(ks[4], (E, 4), dtype=jnp.float32)
    inp["batch"] = jnp.zeros((N,), dtype=jnp.int32)
    inp["W1"] = jax.random.normal(ks[5], (D_IN, D_HID), dtype=jnp.float32) * 0.05
    inp["b1"] = jnp.zeros((D_HID,), dtype=jnp.float32)
    inp["W2"] = jax.random.normal(ks[6], (D_HID, D_HID), dtype=jnp.float32) * 0.05
    inp["b2"] = jnp.zeros((D_HID,), dtype=jnp.float32)
    inp["W3"] = jax.random.normal(ks[7], (D_HID, D_OUT), dtype=jnp.float32) * 0.05
    inp["b3"] = jnp.zeros((D_OUT,), dtype=jnp.float32)
    inp["g1"] = jnp.ones((D_HID,), dtype=jnp.float32)
    inp["bt1"] = jnp.zeros((D_HID,), dtype=jnp.float32)
    inp["g2"] = jnp.ones((D_HID,), dtype=jnp.float32)
    inp["bt2"] = jnp.zeros((D_HID,), dtype=jnp.float32)
    return inp

def _gcn_conv(x, edge_index, W, b):
    # PyG GCNConv: add self-loops, symmetric normalization, scatter-add aggregation
    n = x.shape[0]
    src = edge_index[0]
    dst = edge_index[1]
    loop = jnp.arange(n, dtype=src.dtype)
    src = jnp.concatenate([src, loop])
    dst = jnp.concatenate([dst, loop])
    deg = jnp.zeros((n,), x.dtype).at[dst].add(1.0)
    dinv = jnp.where(deg > 0, 1.0 / jnp.sqrt(deg), 0.0)
    norm = dinv[src] * dinv[dst]
    h = x @ W
    msg = h[src] * norm[:, None]
    out = jnp.zeros((n, h.shape[1]), x.dtype).at[dst].add(msg)
    return out + b

def _bn_eval(x, g, bt):
    # BatchNorm1d in eval mode with running_mean=0, running_var=1
    return x / jnp.sqrt(1.0 + BN_EPS) * g + bt

def reference(x, pos, mu_r_norm, edge_index, edge_attr, batch, W1, b1, W2, b2, W3, b3, g1, bt1, g2, bt2):
    # feat_type == 'manual' -> input_x = cat([empty, x]) = x
    h = x
    h = _gcn_conv(h, edge_index, W1, b1)
    h = _bn_eval(h, g1, bt1)
    h = jax.nn.relu(h)
    # dropout p=0.0 (and eval mode) -> identity
    h = _gcn_conv(h, edge_index, W2, b2)
    h = _bn_eval(h, g2, bt2)
    h = jax.nn.relu(h)
    h = _gcn_conv(h, edge_index, W3, b3)
    return h

if __name__ == "__main__":
    import jax
    _d = setup_inputs()
    print(jax.jit(kernel)(*tuple(_d.values())))

</pallas_src>

<mosaic_0001>
#map = affine_map<(d0, d1) -> (0, 0)>
#map1 = affine_map<(d0, d1) -> (0)>
#map2 = affine_map<(d0, d1) -> (0, 0, 0)>
module attributes {stable_mosaic.version = 14 : i64} {
  func.func @_sc_agg(%arg0: i32, %arg1: i32, %arg2: memref<10240x128xf32, #tpu.memory_space<hbm>>, %arg3: memref<344064xi32, #tpu.memory_space<hbm>>, %arg4: memref<344064xi32, #tpu.memory_space<hbm>>, %arg5: memref<128x128xf32, #tpu.memory_space<hbm>>, %arg6: memref<2x10240x128xf32, #tpu.memory_space<hbm>>, %arg7: memref<112xi32, #tpu.memory_space<vmem>>, %arg8: memref<112xi32, #tpu.memory_space<vmem>>, %arg9: memref<112xi32, #tpu.memory_space<vmem>>, %arg10: memref<112xi32, #tpu.memory_space<vmem>>, %arg11: memref<112xi32, #tpu.memory_space<vmem>>, %arg12: memref<112xi32, #tpu.memory_space<vmem>>, %arg13: memref<112xi32, #tpu.memory_space<vmem>>, %arg14: memref<112xi32, #tpu.memory_space<vmem>>, %arg15: memref<112xi32, #tpu.memory_space<vmem>>, %arg16: memref<112xi32, #tpu.memory_space<vmem>>, %arg17: memref<112xi32, #tpu.memory_space<vmem>>, %arg18: memref<112xi32, #tpu.memory_space<vmem>>, %arg19: memref<112x128xf32, #tpu.memory_space<vmem>>, %arg20: memref<112x128xf32, #tpu.memory_space<vmem>>, %arg21: memref<112x128xf32, #tpu.memory_space<vmem>>, %arg22: memref<10240x128xf32, #tpu.memory_space<vmem_shared>>, %arg23: memref<!tpu.dma_semaphore, #tpu.memory_space<semaphore_mem>>, %arg24: memref<!tpu.dma_semaphore, #tpu.memory_space<semaphore_mem>>, %arg25: memref<!tpu.dma_semaphore, #tpu.memory_space<semaphore_mem>>, %arg26: memref<!tpu.dma_semaphore, #tpu.memory_space<semaphore_mem>>, %arg27: memref<!tpu.dma_semaphore, #tpu.memory_space<semaphore_mem>>, %arg28: memref<!tpu.dma_semaphore, #tpu.memory_space<semaphore_mem>>, %arg29: memref<!tpu.dma_semaphore, #tpu.memory_space<semaphore_mem>>, %arg30: memref<!tpu.dma_semaphore, #tpu.memory_space<semaphore_mem>>, %arg31: memref<!tpu.dma_semaphore, #tpu.memory_space<semaphore_mem>>, %arg32: memref<!tpu.dma_semaphore, #tpu.memory_space<semaphore_mem>>, %arg33: memref<!tpu.dma_semaphore, #tpu.memory_space<semaphore_mem>>, %arg34: memref<!tpu.dma_semaphore, #tpu.memory_space<semaphore_mem>>, %arg35: memref<!tpu.dma_semaphore, #tpu.memory_space<semaphore_mem>>, %arg36: memref<!tpu.dma_semaphore, #tpu.memory_space<semaphore_mem>>, %arg37: memref<!tpu.dma_semaphore, #tpu.memory_space<semaphore_mem>>, %arg38: memref<!tpu.dma_semaphore, #tpu.memory_space<semaphore_mem>>, %arg39: memref<!tpu.dma_semaphore, #tpu.memory_space<semaphore_mem>>, %arg40: memref<!tpu.dma_semaphore, #tpu.memory_space<semaphore_mem>>) attributes {dimension_semantics = [#tpu.dimension_semantics<core_parallel>, #tpu.dimension_semantics<subcore_parallel>], iteration_bounds = array<i64: 2, 16>, scalar_prefetch = 0 : i64, scratch_operands = 34 : i64, tpu.core_type = #tpu.core_type<sc_vector_subcore>, window_params = [{transform_indices = #map}, {transform_indices = #map1}, {transform_indices = #map1}, {transform_indices = #map}, {transform_indices = #map2}]} {
    %mul3A = arith.constant 16 : i32
    %mul3A_0 = arith.muli %arg0, %mul3A : i32
    %add3A = arith.addi %mul3A_0, %arg1 : i32
    %mul3A_1 = arith.constant 10752 : i32
    %mul3A_2 = arith.muli %add3A, %mul3A_1 : i32
    %mul3A_3 = arith.constant 640 : i32
    %mul3A_4 = arith.muli %arg1, %mul3A_3 : i32
    %add3A_5 = arith.constant 0 : i32
    %add3A_6 = arith.addi %mul3A_4, %add3A_5 : i32
    "tpu.region"() ({
      %run_scoped3A = tpu.sem_alloc : memref<!tpu.dma_semaphore, #tpu.memory_space<semaphore_mem>>
      %dma_start3A_207 = arith.constant 0 : i32
      %dma_start3A_208 = tpu.memref_slice %arg22[%add3A_6, %dma_start3A_207] : memref<10240x128xf32, #tpu.memory_space<vmem_shared>> -> memref<128x128xf32, #tpu.memory_space<vmem_shared>>
      tpu.enqueue_dma source(%arg5 : memref<128x128xf32, #tpu.memory_space<hbm>>) target(%dma_start3A_208 : memref<128x128xf32, #tpu.memory_space<vmem_shared>>) target_semaphore(%run_scoped3A : memref<!tpu.dma_semaphore, #tpu.memory_space<semaphore_mem>>)
      %dma_wait3A_209 = arith.constant 0 : i32
      %dma_wait3A_210 = tpu.memref_slice %arg22[%add3A_6, %dma_wait3A_209] : memref<10240x128xf32, #tpu.memory_space<vmem_shared>> -> memref<128x128xf32, #tpu.memory_space<vmem_shared>>
      tpu.wait_dma2 semaphore(%run_scoped3A : memref<!tpu.dma_semaphore, #tpu.memory_space<semaphore_mem>>) src(%arg5 : memref<128x128xf32, #tpu.memory_space<hbm>>) dst(%dma_wait3A_210 : memref<128x128xf32, #tpu.memory_space<vmem_shared>>)
      tpu.yield
    }) : () -> ()
    %add3A_7 = arith.constant 128 : i32
    %add3A_8 = arith.addi %mul3A_4, %add3A_7 : i32
    "tpu.region"() ({
      %run_scoped3A = tpu.sem_alloc : memref<!tpu.dma_semaphore, #tpu.memory_space<semaphore_mem>>
      %dma_start3A_207 = arith.constant 0 : i32
      %dma_start3A_208 = tpu.memref_slice %arg22[%add3A_8, %dma_start3A_207] : memref<10240x128xf32, #tpu.memory_space<vmem_shared>> -> memref<128x128xf32, #tpu.memory_space<vmem_shared>>
      tpu.enqueue_dma source(%arg5 : memref<128x128xf32, #tpu.memory_space<hbm>>) target(%dma_start3A_208 : memref<128x128xf32, #tpu.memory_space<vmem_shared>>) target_semaphore(%run_scoped3A : memref<!tpu.dma_semaphore, #tpu.memory_space<semaphore_mem>>)
      %dma_wait3A_209 = arith.constant 0 : i32
      %dma_wait3A_210 = tpu.memref_slice %arg22[%add3A_8, %dma_wait3A_209] : memref<10240x128xf32, #tpu.memory_space<vmem_shared>> -> memref<128x128xf32, #tpu.memory_space<vmem_shared>>
      tpu.wait_dma2 semaphore(%run_scoped3A : memref<!tpu.dma_semaphore, #tpu.memory_space<semaphore_mem>>) src(%arg5 : memref<128x128xf32, #tpu.memory_space<hbm>>) dst(%dma_wait3A_210 : memref<128x128xf32, #tpu.memory_space<vmem_shared>>)
      tpu.yield
    }) : () -> ()
    %add3A_9 = arith.constant 256 : i32
    %add3A_10 = arith.addi %mul3A_4, %add3A_9 : i32
    "tpu.region"() ({
      %run_scoped3A = tpu.sem_alloc : memref<!tpu.dma_semaphore, #tpu.memory_space<semaphore_mem>>
      %dma_start3A_207 = arith.constant 0 : i32
      %dma_start3A_208 = tpu.memref_slice %arg22[%add3A_10, %dma_start3A_207] : memref<10240x128xf32, #tpu.memory_space<vmem_shared>> -> memref<128x128xf32, #tpu.memory_space<vmem_shared>>
      tpu.enqueue_dma source(%arg5 : memref<128x128xf32, #tpu.memory_space<hbm>>) target(%dma_start3A_208 : memref<128x128xf32, #tpu.memory_space<vmem_shared>>) target_semaphore(%run_scoped3A : memref<!tpu.dma_semaphore, #tpu.memory_space<semaphore_mem>>)
      %dma_wait3A_209 = arith.constant 0 : i32
      %dma_wait3A_210 = tpu.memref_slice %arg22[%add3A_10, %dma_wait3A_209] : memref<10240x128xf32, #tpu.memory_space<vmem_shared>> -> memref<128x128xf32, #tpu.memory_space<vmem_shared>>
      tpu.wait_dma2 semaphore(%run_scoped3A : memref<!tpu.dma_semaphore, #tpu.memory_space<semaphore_mem>>) src(%arg5 : memref<128x128xf32, #tpu.memory_space<hbm>>) dst(%dma_wait3A_210 : memref<128x128xf32, #tpu.memory_space<vmem_shared>>)
      tpu.yield
    }) : () -> ()
    %add3A_11 = arith.constant 384 : i32
    %add3A_12 = arith.addi %mul3A_4, %add3A_11 : i32
    "tpu.region"() ({
      %run_scoped3A = tpu.sem_alloc : memref<!tpu.dma_semaphore, #tpu.memory_space<semaphore_mem>>
      %dma_start3A_207 = arith.constant 0 : i32
      %dma_start3A_208 = tpu.memref_slice %arg22[%add3A_12, %dma_start3A_207] : memref<10240x128xf32, #tpu.memory_space<vmem_shared>> -> memref<128x128xf32, #tpu.memory_space<vmem_shared>>
      tpu.enqueue_dma source(%arg5 : memref<128x128xf32, #tpu.memory_space<hbm>>) target(%dma_start3A_208 : memref<128x128xf32, #tpu.memory_space<vmem_shared>>) target_semaphore(%run_scoped3A : memref<!tpu.dma_semaphore, #tpu.memory_space<semaphore_mem>>)
      %dma_wait3A_209 = arith.constant 0 : i32
      %dma_wait3A_210 = tpu.memref_slice %arg22[%add3A_12, %dma_wait3A_209] : memref<10240x128xf32, #tpu.memory_space<vmem_shared>> -> memref<128x128xf32, #tpu.memory_space<vmem_shared>>
      tpu.wait_dma2 semaphore(%run_scoped3A : memref<!tpu.dma_semaphore, #tpu.memory_space<semaphore_mem>>) src(%arg5 : memref<128x128xf32, #tpu.memory_space<hbm>>) dst(%dma_wait3A_210 : memref<128x128xf32, #tpu.memory_space<vmem_shared>>)
      tpu.yield
    }) : () -> ()
    %add3A_13 = arith.constant 512 : i32
    %add3A_14 = arith.addi %mul3A_4, %add3A_13 : i32
    "tpu.region"() ({
      %run_scoped3A = tpu.sem_alloc : memref<!tpu.dma_semaphore, #tpu.memory_space<semaphore_mem>>
      %dma_start3A_207 = arith.constant 0 : i32
      %dma_start3A_208 = tpu.memref_slice %arg22[%add3A_14, %dma_start3A_207] : memref<10240x128xf32, #tpu.memory_space<vmem_shared>> -> memref<128x128xf32, #tpu.memory_space<vmem_shared>>
      tpu.enqueue_dma source(%arg5 : memref<128x128xf32, #tpu.memory_space<hbm>>) target(%dma_start3A_208 : memref<128x128xf32, #tpu.memory_space<vmem_shared>>) target_semaphore(%run_scoped3A : memref<!tpu.dma_semaphore, #tpu.memory_space<semaphore_mem>>)
      %dma_wait3A_209 = arith.constant 0 : i32
      %dma_wait3A_210 = tpu.memref_slice %arg22[%add3A_14, %dma_wait3A_209] : memref<10240x128xf32, #tpu.memory_space<vmem_shared>> -> memref<128x128xf32, #tpu.memory_space<vmem_shared>>
      tpu.wait_dma2 semaphore(%run_scoped3A : memref<!tpu.dma_semaphore, #tpu.memory_space<semaphore_mem>>) src(%arg5 : memref<128x128xf32, #tpu.memory_space<hbm>>) dst(%dma_wait3A_210 : memref<128x128xf32, #tpu.memory_space<vmem_shared>>)
      tpu.yield
    }) : () -> ()
    %barrier3A = arith.constant 0 : index
    tpu.barrier barrier_id(%barrier3A)
    %add3A_15 = arith.constant 0 : i32
    %add3A_16 = arith.addi %mul3A_2, %add3A_15 : i32
    %dma_start3A = tpu.memref_slice %arg3[%add3A_16] : memref<344064xi32, #tpu.memory_space<hbm>> -> memref<112xi32, #tpu.memory_space<hbm>>
    %dma_start3A_17 = tpu.memref_slice %arg3[%add3A_16] : memref<344064xi32, #tpu.memory_space<hbm>> -> memref<112xi32, #tpu.memory_space<hbm>>
    tpu.enqueue_dma source(%dma_start3A_17 : memref<112xi32, #tpu.memory_space<hbm>>) target(%arg7 : memref<112xi32, #tpu.memory_space<vmem>>) target_semaphore(%arg23 : memref<!tpu.dma_semaphore, #tpu.memory_space<semaphore_mem>>)
    %add3A_18 = arith.constant 0 : i32
    %add3A_19 = arith.addi %mul3A_2, %add3A_18 : i32
    %dma_start3A_20 = tpu.memref_slice %arg4[%add3A_19] : memref<344064xi32, #tpu.memory_space<hbm>> -> memref<112xi32, #tpu.memory_space<hbm>>
    %dma_start3A_21 = tpu.memref_slice %arg4[%add3A_19] : memref<344064xi32, #tpu.memory_space<hbm>> -> memref<112xi32, #tpu.memory_space<hbm>>
    tpu.enqueue_dma source(%dma_start3A_21 : memref<112xi32, #tpu.memory_space<hbm>>) target(%arg13 : memref<112xi32, #tpu.memory_space<vmem>>) target_semaphore(%arg29 : memref<!tpu.dma_semaphore, #tpu.memory_space<semaphore_mem>>)
    %add3A_22 = arith.constant 112 : i32
    %add3A_23 = arith.addi %mul3A_2, %add3A_22 : i32
    %dma_start3A_24 = tpu.memref_slice %arg3[%add3A_23] : memref<344064xi32, #tpu.memory_space<hbm>> -> memref<112xi32, #tpu.memory_space<hbm>>
    %dma_start3A_25 = tpu.memref_slice %arg3[%add3A_23] : memref<344064xi32, #tpu.memory_space<hbm>> -> memref<112xi32, #tpu.memory_space<hbm>>
    tpu.enqueue_dma source(%dma_start3A_25 : memref<112xi32, #tpu.memory_space<hbm>>) target(%arg8 : memref<112xi32, #tpu.memory_space<vmem>>) target_semaphore(%arg24 : memref<!tpu.dma_semaphore, #tpu.memory_space<semaphore_mem>>)
    %add3A_26 = arith.constant 112 : i32
    %add3A_27 = arith.addi %mul3A_2, %add3A_26 : i32
    %dma_start3A_28 = tpu.memref_slice %arg4[%add3A_27] : memref<344064xi32, #tpu.memory_space<hbm>> -> memref<112xi32, #tpu.memory_space<hbm>>
    %dma_start3A_29 = tpu.memref_slice %arg4[%add3A_27] : memref<344064xi32, #tpu.memory_space<hbm>> -> memref<112xi32, #tpu.memory_space<hbm>>
    tpu.enqueue_dma source(%dma_start3A_29 : memref<112xi32, #tpu.memory_space<hbm>>) target(%arg14 : memref<112xi32, #tpu.memory_space<vmem>>) target_semaphore(%arg30 : memref<!tpu.dma_semaphore, #tpu.memory_space<semaphore_mem>>)
    %add3A_30 = arith.constant 224 : i32
    %add3A_31 = arith.addi %mul3A_2, %add3A_30 : i32
    %dma_start3A_32 = tpu.memref_slice %arg3[%add3A_31] : memref<344064xi32, #tpu.memory_space<hbm>> -> memref<112xi32, #tpu.memory_space<hbm>>
    %dma_start3A_33 = tpu.memref_slice %arg3[%add3A_31] : memref<344064xi32, #tpu.memory_space<hbm>> -> memref<112xi32, #tpu.memory_space<hbm>>
    tpu.enqueue_dma source(%dma_start3A_33 : memref<112xi32, #tpu.memory_space<hbm>>) target(%arg9 : memref<112xi32, #tpu.memory_space<vmem>>) target_semaphore(%arg25 : memref<!tpu.dma_semaphore, #tpu.memory_space<semaphore_mem>>)
    %add3A_34 = arith.constant 224 : i32
    %add3A_35 = arith.addi %mul3A_2, %add3A_34 : i32
    %dma_start3A_36 = tpu.memref_slice %arg4[%add3A_35] : memref<344064xi32, #tpu.memory_space<hbm>> -> memref<112xi32, #tpu.memory_space<hbm>>
    %dma_start3A_37 = tpu.memref_slice %arg4[%add3A_35] : memref<344064xi32, #tpu.memory_space<hbm>> -> memref<112xi32, #tpu.memory_space<hbm>>
    tpu.enqueue_dma source(%dma_start3A_37 : memref<112xi32, #tpu.memory_space<hbm>>) target(%arg15 : memref<112xi32, #tpu.memory_space<vmem>>) target_semaphore(%arg31 : memref<!tpu.dma_semaphore, #tpu.memory_space<semaphore_mem>>)
    %add3A_38 = arith.constant 336 : i32
    %add3A_39 = arith.addi %mul3A_2, %add3A_38 : i32
    %dma_start3A_40 = tpu.memref_slice %arg3[%add3A_39] : memref<344064xi32, #tpu.memory_space<hbm>> -> memref<112xi32, #tpu.memory_space<hbm>>
    %dma_start3A_41 = tpu.memref_slice %arg3[%add3A_39] : memref<344064xi32, #tpu.memory_space<hbm>> -> memref<112xi32, #tpu.memory_space<hbm>>
    tpu.enqueue_dma source(%dma_start3A_41 : memref<112xi32, #tpu.memory_space<hbm>>) target(%arg10 : memref<112xi32, #tpu.memory_space<vmem>>) target_semaphore(%arg26 : memref<!tpu.dma_semaphore, #tpu.memory_space<semaphore_mem>>)
    %add3A_42 = arith.constant 336 : i32
    %add3A_43 = arith.addi %mul3A_2, %add3A_42 : i32
    %dma_start3A_44 = tpu.memref_slice %arg4[%add3A_43] : memref<344064xi32, #tpu.memory_space<hbm>> -> memref<112xi32, #tpu.memory_space<hbm>>
    %dma_start3A_45 = tpu.memref_slice %arg4[%add3A_43] : memref<344064xi32, #tpu.memory_space<hbm>> -> memref<112xi32, #tpu.memory_space<hbm>>
    tpu.enqueue_dma source(%dma_start3A_45 : memref<112xi32, #tpu.memory_space<hbm>>) target(%arg16 : memref<112xi32, #tpu.memory_space<vmem>>) target_semaphore(%arg32 : memref<!tpu.dma_semaphore, #tpu.memory_space<semaphore_mem>>)
    %add3A_46 = arith.constant 448 : i32
    %add3A_47 = arith.addi %mul3A_2, %add3A_46 : i32
    %dma_start3A_48 = tpu.memref_slice %arg3[%add3A_47] : memref<344064xi32, #tpu.memory_space<hbm>> -> memref<112xi32, #tpu.memory_space<hbm>>
    %dma_start3A_49 = tpu.memref_slice %arg3[%add3A_47] : memref<344064xi32, #tpu.memory_space<hbm>> -> memref<112xi32, #tpu.memory_space<hbm>>
    tpu.enqueue_dma source(%dma_start3A_49 : memref<112xi32, #tpu.memory_space<hbm>>) target(%arg11 : memref<112xi32, #tpu.memory_space<vmem>>) target_semaphore(%arg27 : memref<!tpu.dma_semaphore, #tpu.memory_space<semaphore_mem>>)
    %add3A_50 = arith.constant 448 : i32
    %add3A_51 = arith.addi %mul3A_2, %add3A_50 : i32
    %dma_start3A_52 = tpu.memref_slice %arg4[%add3A_51] : memref<344064xi32, #tpu.memory_space<hbm>> -> memref<112xi32, #tpu.memory_space<hbm>>
    %dma_start3A_53 = tpu.memref_slice %arg4[%add3A_51] : memref<344064xi32, #tpu.memory_space<hbm>> -> memref<112xi32, #tpu.memory_space<hbm>>
    tpu.enqueue_dma source(%dma_start3A_53 : memref<112xi32, #tpu.memory_space<hbm>>) target(%arg17 : memref<112xi32, #tpu.memory_space<vmem>>) target_semaphore(%arg33 : memref<!tpu.dma_semaphore, #tpu.memory_space<semaphore_mem>>)
    %add3A_54 = arith.constant 560 : i32
    %add3A_55 = arith.addi %mul3A_2, %add3A_54 : i32
    %dma_start3A_56 = tpu.memref_slice %arg3[%add3A_55] : memref<344064xi32, #tpu.memory_space<hbm>> -> memref<112xi32, #tpu.memory_space<hbm>>
    %dma_start3A_57 = tpu.memref_slice %arg3[%add3A_55] : memref<344064xi32, #tpu.memory_space<hbm>> -> memref<112xi32, #tpu.memory_space<hbm>>
    tpu.enqueue_dma source(%dma_start3A_57 : memref<112xi32, #tpu.memory_space<hbm>>) target(%arg12 : memref<112xi32, #tpu.memory_space<vmem>>) target_semaphore(%arg28 : memref<!tpu.dma_semaphore, #tpu.memory_space<semaphore_mem>>)
    %add3A_58 = arith.constant 560 : i32
    %add3A_59 = arith.addi %mul3A_2, %add3A_58 : i32
    %dma_start3A_60 = tpu.memref_slice %arg4[%add3A_59] : memref<344064xi32, #tpu.memory_space<hbm>> -> memref<112xi32, #tpu.memory_space<hbm>>
    %dma_start3A_61 = tpu.memref_slice %arg4[%add3A_59] : memref<344064xi32, #tpu.memory_space<hbm>> -> memref<112xi32, #tpu.memory_space<hbm>>
    tpu.enqueue_dma source(%dma_start3A_61 : memref<112xi32, #tpu.memory_space<hbm>>) target(%arg18 : memref<112xi32, #tpu.memory_space<vmem>>) target_semaphore(%arg34 : memref<!tpu.dma_semaphore, #tpu.memory_space<semaphore_mem>>)
    %dma_wait3A = arith.constant 0 : i32
    %dma_wait3A_62 = tpu.memref_slice %arg3[%dma_wait3A] : memref<344064xi32, #tpu.memory_space<hbm>> -> memref<112xi32, #tpu.memory_space<hbm>>
    %dma_wait3A_63 = arith.constant 0 : i32
    %dma_wait3A_64 = tpu.memref_slice %arg3[%dma_wait3A_63] : memref<344064xi32, #tpu.memory_space<hbm>> -> memref<112xi32, #tpu.memory_space<hbm>>
    tpu.wait_dma2 semaphore(%arg23 : memref<!tpu.dma_semaphore, #tpu.memory_space<semaphore_mem>>) src(%dma_wait3A_64 : memref<112xi32, #tpu.memory_space<hbm>>) dst(%arg7 : memref<112xi32, #tpu.memory_space<vmem>>)
    %dma_start3A_65 = arith.constant 0 : i32
    %dma_start3A_66 = arith.constant 0 : i32
    %dma_start3A_67 = tpu.memref_slice %arg2[%dma_start3A_65, %dma_start3A_66] : memref<10240x128xf32, #tpu.memory_space<hbm>> -> memref<10240x128xf32, #tpu.memory_space<hbm>>
    tpu.enqueue_indirect_dma source(%dma_start3A_67 : memref<10240x128xf32, #tpu.memory_space<hbm>>) target(%arg19 : memref<112x128xf32, #tpu.memory_space<vmem>>) offsets(%arg7 : memref<112xi32, #tpu.memory_space<vmem>>) semaphore(%arg35 : memref<!tpu.dma_semaphore, #tpu.memory_space<semaphore_mem>>)
    %dma_wait3A_68 = arith.constant 0 : i32
    %dma_wait3A_69 = tpu.memref_slice %arg3[%dma_wait3A_68] : memref<344064xi32, #tpu.memory_space<hbm>> -> memref<112xi32, #tpu.memory_space<hbm>>
    %dma_wait3A_70 = arith.constant 0 : i32
    %dma_wait3A_71 = tpu.memref_slice %arg3[%dma_wait3A_70] : memref<344064xi32, #tpu.memory_space<hbm>> -> memref<112xi32, #tpu.memory_space<hbm>>
    tpu.wait_dma2 semaphore(%arg24 : memref<!tpu.dma_semaphore, #tpu.memory_space<semaphore_mem>>) src(%dma_wait3A_71 : memref<112xi32, #tpu.memory_space<hbm>>) dst(%arg8 : memref<112xi32, #tpu.memory_space<vmem>>)
    %dma_start3A_72 = arith.constant 0 : i32
    %dma_start3A_73 = arith.constant 0 : i32
    %dma_start3A_74 = tpu.memref_slice %arg2[%dma_start3A_72, %dma_start3A_73] : memref<10240x128xf32, #tpu.memory_space<hbm>> -> memref<10240x128xf32, #tpu.memory_space<hbm>>
    tpu.enqueue_indirect_dma source(%dma_start3A_74 : memref<10240x128xf32, #tpu.memory_space<hbm>>) target(%arg20 : memref<112x128xf32, #tpu.memory_space<vmem>>) offsets(%arg8 : memref<112xi32, #tpu.memory_space<vmem>>) semaphore(%arg36 : memref<!tpu.dma_semaphore, #tpu.memory_space<semaphore_mem>>)
    %dma_wait3A_75 = arith.constant 0 : i32
    %dma_wait3A_76 = tpu.memref_slice %arg3[%dma_wait3A_75] : memref<344064xi32, #tpu.memory_space<hbm>> -> memref<112xi32, #tpu.memory_space<hbm>>
    %dma_wait3A_77 = arith.constant 0 : i32
    %dma_wait3A_78 = tpu.memref_slice %arg3[%dma_wait3A_77] : memref<344064xi32, #tpu.memory_space<hbm>> -> memref<112xi32, #tpu.memory_space<hbm>>
    tpu.wait_dma2 semaphore(%arg25 : memref<!tpu.dma_semaphore, #tpu.memory_space<semaphore_mem>>) src(%dma_wait3A_78 : memref<112xi32, #tpu.memory_space<hbm>>) dst(%arg9 : memref<112xi32, #tpu.memory_space<vmem>>)
    %dma_start3A_79 = arith.constant 0 : i32
    %dma_start3A_80 = arith.constant 0 : i32
    %dma_start3A_81 = tpu.memref_slice %arg2[%dma_start3A_79, %dma_start3A_80] : memref<10240x128xf32, #tpu.memory_space<hbm>> -> memref<10240x128xf32, #tpu.memory_space<hbm>>
    tpu.enqueue_indirect_dma source(%dma_start3A_81 : memref<10240x128xf32, #tpu.memory_space<hbm>>) target(%arg21 : memref<112x128xf32, #tpu.memory_space<vmem>>) offsets(%arg9 : memref<112xi32, #tpu.memory_space<vmem>>) semaphore(%arg37 : memref<!tpu.dma_semaphore, #tpu.memory_space<semaphore_mem>>)
    %scan3A = arith.constant 0 : i32
    %scan3A_82 = arith.constant 0 : i32
    %scan3A_83 = arith.constant 15 : i32
    %scan3A_84 = arith.addi %scan3A_82, %scan3A_83 : i32
    %scan3A_85 = arith.constant 1 : i32
    scf.for %scan3A_207 = %scan3A_82 to %scan3A_84 step %scan3A_85  : i32 {
      %mul3A_208 = arith.constant 6 : i32
      %mul3A_209 = arith.muli %mul3A_208, %scan3A_207 : i32
      %add3A_210 = arith.constant 0 : i32
      %add3A_211 = arith.addi %mul3A_209, %add3A_210 : i32
      %dma_wait3A_212 = arith.constant 0 : i32
      %dma_wait3A_213 = arith.constant 0 : i32
      %dma_wait3A_214 = tpu.memref_slice %arg2[%dma_wait3A_212, %dma_wait3A_213] : memref<10240x128xf32, #tpu.memory_space<hbm>> -> memref<10240x128xf32, #tpu.memory_space<hbm>>
      tpu.wait_indirect_dma semaphore(%arg35 : memref<!tpu.dma_semaphore, #tpu.memory_space<semaphore_mem>>) src(%dma_wait3A_214 : memref<10240x128xf32, #tpu.memory_space<hbm>>) dst(%arg19 : memref<112x128xf32, #tpu.memory_space<vmem>>)
      %dma_wait3A_215 = arith.constant 0 : i32
      %dma_wait3A_216 = tpu.memref_slice %arg4[%dma_wait3A_215] : memref<344064xi32, #tpu.memory_space<hbm>> -> memref<112xi32, #tpu.memory_space<hbm>>
      %dma_wait3A_217 = arith.constant 0 : i32
      %dma_wait3A_218 = tpu.memref_slice %arg4[%dma_wait3A_217] : memref<344064xi32, #tpu.memory_space<hbm>> -> memref<112xi32, #tpu.memory_space<hbm>>
      tpu.wait_dma2 semaphore(%arg29 : memref<!tpu.dma_semaphore, #tpu.memory_space<semaphore_mem>>) src(%dma_wait3A_218 : memref<112xi32, #tpu.memory_space<hbm>>) dst(%arg13 : memref<112xi32, #tpu.memory_space<vmem>>)
      %dma_start3A_219 = arith.constant 0 : i32
      %dma_start3A_220 = arith.constant 0 : i32
      %dma_start3A_221 = tpu.memref_slice %arg22[%dma_start3A_219, %dma_start3A_220] : memref<10240x128xf32, #tpu.memory_space<vmem_shared>> -> memref<10240x128xf32, #tpu.memory_space<vmem_shared>>
      tpu.enqueue_indirect_dma source(%arg19 : memref<112x128xf32, #tpu.memory_space<vmem>>) target(%dma_start3A_221 : memref<10240x128xf32, #tpu.memory_space<vmem_shared>>) offsets(%arg13 : memref<112xi32, #tpu.memory_space<vmem>>) semaphore(%arg38 : memref<!tpu.dma_semaphore, #tpu.memory_space<semaphore_mem>>) {add = true}
      %dma_wait3A_222 = arith.constant 0 : i32
      %dma_wait3A_223 = arith.constant 0 : i32
      %dma_wait3A_224 = tpu.memref_slice %arg22[%dma_wait3A_222, %dma_wait3A_223] : memref<10240x128xf32, #tpu.memory_space<vmem_shared>> -> memref<10240x128xf32, #tpu.memory_space<vmem_shared>>
      tpu.wait_indirect_dma semaphore(%arg38 : memref<!tpu.dma_semaphore, #tpu.memory_space<semaphore_mem>>) src(%arg19 : memref<112x128xf32, #tpu.memory_space<vmem>>) dst(%dma_wait3A_224 : memref<10240x128xf32, #tpu.memory_space<vmem_shared>>)
      %add3A_225 = arith.constant 6 : i32
      %add3A_226 = arith.addi %add3A_211, %add3A_225 : i32
      %mul3A_227 = arith.constant 112 : i32
      %mul3A_228 = arith.muli %add3A_226, %mul3A_227 : i32
      %add3A_229 = arith.addi %mul3A_2, %mul3A_228 : i32
      %dma_start3A_230 = tpu.memref_slice %arg3[%add3A_229] : memref<344064xi32, #tpu.memory_space<hbm>> -> memref<112xi32, #tpu.memory_space<hbm>>
      %dma_start3A_231 = tpu.memref_slice %arg3[%add3A_229] : memref<344064xi32, #tpu.memory_space<hbm>> -> memref<112xi32, #tpu.memory_space<hbm>>
      tpu.enqueue_dma source(%dma_start3A_231 : memref<112xi32, #tpu.memory_space<hbm>>) target(%arg7 : memref<112xi32, #tpu.memory_space<vmem>>) target_semaphore(%arg23 : memref<!tpu.dma_semaphore, #tpu.memory_space<semaphore_mem>>)
      %mul3A_232 = arith.constant 112 : i32
      %mul3A_233 = arith.muli %add3A_226, %mul3A_232 : i32
      %add3A_234 = arith.addi %mul3A_2, %mul3A_233 : i32
      %dma_start3A_235 = tpu.memref_slice %arg4[%add3A_234] : memref<344064xi32, #tpu.memory_space<hbm>> -> memref<112xi32, #tpu.memory_space<hbm>>
      %dma_start3A_236 = tpu.memref_slice %arg4[%add3A_234] : memref<344064xi32, #tpu.memory_space<hbm>> -> memref<112xi32, #tpu.memory_space<hbm>>
      tpu.enqueue_dma source(%dma_start3A_236 : memref<112xi32, #tpu.memory_space<hbm>>) target(%arg13 : memref<112xi32, #tpu.memory_space<vmem>>) target_semaphore(%arg29 : memref<!tpu.dma_semaphore, #tpu.memory_space<semaphore_mem>>)
      %dma_wait3A_237 = arith.constant 0 : i32
      %dma_wait3A_238 = tpu.memref_slice %arg3[%dma_wait3A_237] : memref<344064xi32, #tpu.memory_space<hbm>> -> memref<112xi32, #tpu.memory_space<hbm>>
      %dma_wait3A_239 = arith.constant 0 : i32
      %dma_wait3A_240 = tpu.memref_slice %arg3[%dma_wait3A_239] : memref<344064xi32, #tpu.memory_space<hbm>> -> memref<112xi32, #tpu.memory_space<hbm>>
      tpu.wait_dma2 semaphore(%arg26 : memref<!tpu.dma_semaphore, #tpu.memory_space<semaphore_mem>>) src(%dma_wait3A_240 : memref<112xi32, #tpu.memory_space<hbm>>) dst(%arg10 : memref<112xi32, #tpu.memory_space<vmem>>)
      %dma_start3A_241 = arith.constant 0 : i32
      %dma_start3A_242 = arith.constant 0 : i32
      %dma_start3A_243 = tpu.memref_slice %arg2[%dma_start3A_241, %dma_start3A_242] : memref<10240x128xf32, #tpu.memory_space<hbm>> -> memref<10240x128xf32, #tpu.memory_space<hbm>>
      tpu.enqueue_indirect_dma source(%dma_start3A_243 : memref<10240x128xf32, #tpu.memory_space<hbm>>) target(%arg19 : memref<112x128xf32, #tpu.memory_space<vmem>>) offsets(%arg10 : memref<112xi32, #tpu.memory_space<vmem>>) semaphore(%arg35 : memref<!tpu.dma_semaphore, #tpu.memory_space<semaphore_mem>>)
      %mul3A_244 = arith.constant 6 : i32
      %mul3A_245 = arith.muli %mul3A_244, %scan3A_207 : i32
      %add3A_246 = arith.constant 1 : i32
      %add3A_247 = arith.addi %mul3A_245, %add3A_246 : i32
      %dma_wait3A_248 = arith.constant 0 : i32
      %dma_wait3A_249 = arith.constant 0 : i32
      %dma_wait3A_250 = tpu.memref_slice %arg2[%dma_wait3A_248, %dma_wait3A_249] : memref<10240x128xf32, #tpu.memory_space<hbm>> -> memref<10240x128xf32, #tpu.memory_space<hbm>>
      tpu.wait_indirect_dma semaphore(%arg36 : memref<!tpu.dma_semaphore, #tpu.memory_space<semaphore_mem>>) src(%dma_wait3A_250 : memref<10240x128xf32, #tpu.memory_space<hbm>>) dst(%arg20 : memref<112x128xf32, #tpu.memory_space<vmem>>)
      %dma_wait3A_251 = arith.constant 0 : i32
      %dma_wait3A_252 = tpu.memref_slice %arg4[%dma_wait3A_251] : memref<344064xi32, #tpu.memory_space<hbm>> -> memref<112xi32, #tpu.memory_space<hbm>>
      %dma_wait3A_253 = arith.constant 0 : i32
      %dma_wait3A_254 = tpu.memref_slice %arg4[%dma_wait3A_253] : memref<344064xi32, #tpu.memory_space<hbm>> -> memref<112xi32, #tpu.memory_space<hbm>>
      tpu.wait_dma2 semaphore(%arg30 : memref<!tpu.dma_semaphore, #tpu.memory_space<semaphore_mem>>) src(%dma_wait3A_254 : memref<112xi32, #tpu.memory_space<hbm>>) dst(%arg14 : memref<112xi32, #tpu.memory_space<vmem>>)
      %dma_start3A_255 = arith.constant 0 : i32
      %dma_start3A_256 = arith.constant 0 : i32
      %dma_start3A_257 = tpu.memref_slice %arg22[%dma_start3A_255, %dma_start3A_256] : memref<10240x128xf32, #tpu.memory_space<vmem_shared>> -> memref<10240x128xf32, #tpu.memory_space<vmem_shared>>
      tpu.enqueue_indirect_dma source(%arg20 : memref<112x128xf32, #tpu.memory_space<vmem>>) target(%dma_start3A_257 : memref<10240x128xf32, #tpu.memory_space<vmem_shared>>) offsets(%arg14 : memref<112xi32, #tpu.memory_space<vmem>>) semaphore(%arg39 : memref<!tpu.dma_semaphore, #tpu.memory_space<semaphore_mem>>) {add = true}
      %dma_wait3A_258 = arith.constant 0 : i32
      %dma_wait3A_259 = arith.constant 0 : i32
      %dma_wait3A_260 = tpu.memref_slice %arg22[%dma_wait3A_258, %dma_wait3A_259] : memref<10240x128xf32, #tpu.memory_space<vmem_shared>> -> memref<10240x128xf32, #tpu.memory_space<vmem_shared>>
      tpu.wait_indirect_dma semaphore(%arg39 : memref<!tpu.dma_semaphore, #tpu.memory_space<semaphore_mem>>) src(%arg20 : memref<112x128xf32, #tpu.memory_space<vmem>>) dst(%dma_wait3A_260 : memref<10240x128xf32, #tpu.memory_space<vmem_shared>>)
      %add3A_261 = arith.constant 6 : i32
      %add3A_262 = arith.addi %add3A_247, %add3A_261 : i32
      %mul3A_263 = arith.constant 112 : i32
      %mul3A_264 = arith.muli %add3A_262, %mul3A_263 : i32
      %add3A_265 = arith.addi %mul3A_2, %mul3A_264 : i32
      %dma_start3A_266 = tpu.memref_slice %arg3[%add3A_265] : memref<344064xi32, #tpu.memory_space<hbm>> -> memref<112xi32, #tpu.memory_space<hbm>>
      %dma_start3A_267 = tpu.memref_slice %arg3[%add3A_265] : memref<344064xi32, #tpu.memory_space<hbm>> -> memref<112xi32, #tpu.memory_space<hbm>>
      tpu.enqueue_dma source(%dma_start3A_267 : memref<112xi32, #tpu.memory_space<hbm>>) target(%arg8 : memref<112xi32, #tpu.memory_space<vmem>>) target_semaphore(%arg24 : memref<!tpu.dma_semaphore, #tpu.memory_space<semaphore_mem>>)
      %mul3A_268 = arith.constant 112 : i32
      %mul3A_269 = arith.muli %add3A_262, %mul3A_268 : i32
      %add3A_270 = arith.addi %mul3A_2, %mul3A_269 : i32
      %dma_start3A_271 = tpu.memref_slice %arg4[%add3A_270] : memref<344064xi32, #tpu.memory_space<hbm>> -> memref<112xi32, #tpu.memory_space<hbm>>
      %dma_start3A_272 = tpu.memref_slice %arg4[%add3A_270] : memref<344064xi32, #tpu.memory_space<hbm>> -> memref<112xi32, #tpu.memory_space<hbm>>
      tpu.enqueue_dma source(%dma_start3A_272 : memref<112xi32, #tpu.memory_space<hbm>>) target(%arg14 : memref<112xi32, #tpu.memory_space<vmem>>) target_semaphore(%arg30 : memref<!tpu.dma_semaphore, #tpu.memory_space<semaphore_mem>>)
      %dma_wait3A_273 = arith.constant 0 : i32
      %dma_wait3A_274 = tpu.memref_slice %arg3[%dma_wait3A_273] : memref<344064xi32, #tpu.memory_space<hbm>> -> memref<112xi32, #tpu.memory_space<hbm>>
      %dma_wait3A_275 = arith.constant 0 : i32
      %dma_wait3A_276 = tpu.memref_slice %arg3[%dma_wait3A_275] : memref<344064xi32, #tpu.memory_space<hbm>> -> memref<112xi32, #tpu.memory_space<hbm>>
      tpu.wait_dma2 semaphore(%arg27 : memref<!tpu.dma_semaphore, #tpu.memory_space<semaphore_mem>>) src(%dma_wait3A_276 : memref<112xi32, #tpu.memory_space<hbm>>) dst(%arg11 : memref<112xi32, #tpu.memory_space<vmem>>)
      %dma_start3A_277 = arith.constant 0 : i32
      %dma_start3A_278 = arith.constant 0 : i32
      %dma_start3A_279 = tpu.memref_slice %arg2[%dma_start3A_277, %dma_start3A_278] : memref<10240x128xf32, #tpu.memory_space<hbm>> -> memref<10240x128xf32, #tpu.memory_space<hbm>>
      tpu.enqueue_indirect_dma source(%dma_start3A_279 : memref<10240x128xf32, #tpu.memory_space<hbm>>) target(%arg20 : memref<112x128xf32, #tpu.memory_space<vmem>>) offsets(%arg11 : memref<112xi32, #tpu.memory_space<vmem>>) semaphore(%arg36 : memref<!tpu.dma_semaphore, #tpu.memory_space<semaphore_mem>>)
      %mul3A_280 = arith.constant 6 : i32
      %mul3A_281 = arith.muli %mul3A_280, %scan3A_207 : i32
      %add3A_282 = arith.constant 2 : i32
      %add3A_283 = arith.addi %mul3A_281, %add3A_282 : i32
      %dma_wait3A_284 = arith.constant 0 : i32
      %dma_wait3A_285 = arith.constant 0 : i32
      %dma_wait3A_286 = tpu.memref_slice %arg2[%dma_wait3A_284, %dma_wait3A_285] : memref<10240x128xf32, #tpu.memory_space<hbm>> -> memref<10240x128xf32, #tpu.memory_space<hbm>>
      tpu.wait_indirect_dma semaphore(%arg37 : memref<!tpu.dma_semaphore, #tpu.memory_space<semaphore_mem>>) src(%dma_wait3A_286 : memref<10240x128xf32, #tpu.memory_space<hbm>>) dst(%arg21 : memref<112x128xf32, #tpu.memory_space<vmem>>)
      %dma_wait3A_287 = arith.constant 0 : i32
      %dma_wait3A_288 = tpu.memref_slice %arg4[%dma_wait3A_287] : memref<344064xi32, #tpu.memory_space<hbm>> -> memref<112xi32, #tpu.memory_space<hbm>>
      %dma_wait3A_289 = arith.constant 0 : i32
      %dma_wait3A_290 = tpu.memref_slice %arg4[%dma_wait3A_289] : memref<344064xi32, #tpu.memory_space<hbm>> -> memref<112xi32, #tpu.memory_space<hbm>>
      tpu.wait_dma2 semaphore(%arg31 : memref<!tpu.dma_semaphore, #tpu.memory_space<semaphore_mem>>) src(%dma_wait3A_290 : memref<112xi32, #tpu.memory_space<hbm>>) dst(%arg15 : memref<112xi32, #tpu.memory_space<vmem>>)
      %dma_start3A_291 = arith.constant 0 : i32
      %dma_start3A_292 = arith.constant 0 : i32
      %dma_start3A_293 = tpu.memref_slice %arg22[%dma_start3A_291, %dma_start3A_292] : memref<10240x128xf32, #tpu.memory_space<vmem_shared>> -> memref<10240x128xf32, #tpu.memory_space<vmem_shared>>
      tpu.enqueue_indirect_dma source(%arg21 : memref<112x128xf32, #tpu.memory_space<vmem>>) target(%dma_start3A_293 : memref<10240x128xf32, #tpu.memory_space<vmem_shared>>) offsets(%arg15 : memref<112xi32, #tpu.memory_space<vmem>>) semaphore(%arg40 : memref<!tpu.dma_semaphore, #tpu.memory_space<semaphore_mem>>) {add = true}
      %dma_wait3A_294 = arith.constant 0 : i32
      %dma_wait3A_295 = arith.constant 0 : i32
      %dma_wait3A_296 = tpu.memref_slice %arg22[%dma_wait3A_294, %dma_wait3A_295] : memref<10240x128xf32, #tpu.memory_space<vmem_shared>> -> memref<10240x128xf32, #tpu.memory_space<vmem_shared>>
      tpu.wait_indirect_dma semaphore(%arg40 : memref<!tpu.dma_semaphore, #tpu.memory_space<semaphore_mem>>) src(%arg21 : memref<112x128xf32, #tpu.memory_space<vmem>>) dst(%dma_wait3A_296 : memref<10240x128xf32, #tpu.memory_space<vmem_shared>>)
      %add3A_297 = arith.constant 6 : i32
      %add3A_298 = arith.addi %add3A_283, %add3A_297 : i32
      %mul3A_299 = arith.constant 112 : i32
      %mul3A_300 = arith.muli %add3A_298, %mul3A_299 : i32
      %add3A_301 = arith.addi %mul3A_2, %mul3A_300 : i32
      %dma_start3A_302 = tpu.memref_slice %arg3[%add3A_301] : memref<344064xi32, #tpu.memory_space<hbm>> -> memref<112xi32, #tpu.memory_space<hbm>>
      %dma_start3A_303 = tpu.memref_slice %arg3[%add3A_301] : memref<344064xi32, #tpu.memory_space<hbm>> -> memref<112xi32, #tpu.memory_space<hbm>>
      tpu.enqueue_dma source(%dma_start3A_303 : memref<112xi32, #tpu.memory_space<hbm>>) target(%arg9 : memref<112xi32, #tpu.memory_space<vmem>>) target_semaphore(%arg25 : memref<!tpu.dma_semaphore, #tpu.memory_space<semaphore_mem>>)
      %mul3A_304 = arith.constant 112 : i32
      %mul3A_305 = arith.muli %add3A_298, %mul3A_304 : i32
      %add3A_306 = arith.addi %mul3A_2, %mul3A_305 : i32
      %dma_start3A_307 = tpu.memref_slice %arg4[%add3A_306] : memref<344064xi32, #tpu.memory_space<hbm>> -> memref<112xi32, #tpu.memory_space<hbm>>
      %dma_start3A_308 = tpu.memref_slice %arg4[%add3A_306] : memref<344064xi32, #tpu.memory_space<hbm>> -> memref<112xi32, #tpu.memory_space<hbm>>
      tpu.enqueue_dma source(%dma_start3A_308 : memref<112xi32, #tpu.memory_space<hbm>>) target(%arg15 : memref<112xi32, #tpu.memory_space<vmem>>) target_semaphore(%arg31 : memref<!tpu.dma_semaphore, #tpu.memory_space<semaphore_mem>>)
      %dma_wait3A_309 = arith.constant 0 : i32
      %dma_wait3A_310 = tpu.memref_slice %arg3[%dma_wait3A_309] : memref<344064xi32, #tpu.memory_space<hbm>> -> memref<112xi32, #tpu.memory_space<hbm>>
      %dma_wait3A_311 = arith.constant 0 : i32
      %dma_wait3A_312 = tpu.memref_slice %arg3[%dma_wait3A_311] : memref<344064xi32, #tpu.memory_space<hbm>> -> memref<112xi32, #tpu.memory_space<hbm>>
      tpu.wait_dma2 semaphore(%arg28 : memref<!tpu.dma_semaphore, #tpu.memory_space<semaphore_mem>>) src(%dma_wait3A_312 : memref<112xi32, #tpu.memory_space<hbm>>) dst(%arg12 : memref<112xi32, #tpu.memory_space<vmem>>)
      %dma_start3A_313 = arith.constant 0 : i32
      %dma_start3A_314 = arith.constant 0 : i32
      %dma_start3A_315 = tpu.memref_slice %arg2[%dma_start3A_313, %dma_start3A_314] : memref<10240x128xf32, #tpu.memory_space<hbm>> -> memref<10240x128xf32, #tpu.memory_space<hbm>>
      tpu.enqueue_indirect_dma source(%dma_start3A_315 : memref<10240x128xf32, #tpu.memory_space<hbm>>) target(%arg21 : memref<112x128xf32, #tpu.memory_space<vmem>>) offsets(%arg12 : memref<112xi32, #tpu.memory_space<vmem>>) semaphore(%arg37 : memref<!tpu.dma_semaphore, #tpu.memory_space<semaphore_mem>>)
      %mul3A_316 = arith.constant 6 : i32
      %mul3A_317 = arith.muli %mul3A_316, %scan3A_207 : i32
      %add3A_318 = arith.constant 3 : i32
      %add3A_319 = arith.addi %mul3A_317, %add3A_318 : i32
      %dma_wait3A_320 = arith.constant 0 : i32
      %dma_wait3A_321 = arith.constant 0 : i32
      %dma_wait3A_322 = tpu.memref_slice %arg2[%dma_wait3A_320, %dma_wait3A_321] : memref<10240x128xf32, #tpu.memory_space<hbm>> -> memref<10240x128xf32, #tpu.memory_space<hbm>>
      tpu.wait_indirect_dma semaphore(%arg35 : memref<!tpu.dma_semaphore, #tpu.memory_space<semaphore_mem>>) src(%dma_wait3A_322 : memref<10240x128xf32, #tpu.memory_space<hbm>>) dst(%arg19 : memref<112x128xf32, #tpu.memory_space<vmem>>)
      %dma_wait3A_323 = arith.constant 0 : i32
      %dma_wait3A_324 = tpu.memref_slice %arg4[%dma_wait3A_323] : memref<344064xi32, #tpu.memory_space<hbm>> -> memref<112xi32, #tpu.memory_space<hbm>>
      %dma_wait3A_325 = arith.constant 0 : i32
      %dma_wait3A_326 = tpu.memref_slice %arg4[%dma_wait3A_325] : memref<344064xi32, #tpu.memory_space<hbm>> -> memref<112xi32, #tpu.memory_space<hbm>>
      tpu.wait_dma2 semaphore(%arg32 : memref<!tpu.dma_semaphore, #tpu.memory_space<semaphore_mem>>) src(%dma_wait3A_326 : memref<112xi32, #tpu.memory_space<hbm>>) dst(%arg16 : memref<112xi32, #tpu.memory_space<vmem>>)
      %dma_start3A_327 = arith.constant 0 : i32
      %dma_start3A_328 = arith.constant 0 : i32
      %dma_start3A_329 = tpu.memref_slice %arg22[%dma_start3A_327, %dma_start3A_328] : memref<10240x128xf32, #tpu.memory_space<vmem_shared>> -> memref<10240x128xf32, #tpu.memory_space<vmem_shared>>
      tpu.enqueue_indirect_dma source(%arg19 : memref<112x128xf32, #tpu.memory_space<vmem>>) target(%dma_start3A_329 : memref<10240x128xf32, #tpu.memory_space<vmem_shared>>) offsets(%arg16 : memref<112xi32, #tpu.memory_space<vmem>>) semaphore(%arg38 : memref<!tpu.dma_semaphore, #tpu.memory_space<semaphore_mem>>) {add = true}
      %dma_wait3A_330 = arith.constant 0 : i32
      %dma_wait3A_331 = arith.constant 0 : i32
      %dma_wait3A_332 = tpu.memref_slice %arg22[%dma_wait3A_330, %dma_wait3A_331] : memref<10240x128xf32, #tpu.memory_space<vmem_shared>> -> memref<10240x128xf32, #tpu.memory_space<vmem_shared>>
      tpu.wait_indirect_dma semaphore(%arg38 : memref<!tpu.dma_semaphore, #tpu.memory_space<semaphore_mem>>) src(%arg19 : memref<112x128xf32, #tpu.memory_space<vmem>>) dst(%dma_wait3A_332 : memref<10240x128xf32, #tpu.memory_space<vmem_shared>>)
      %add3A_333 = arith.constant 6 : i32
      %add3A_334 = arith.addi %add3A_319, %add3A_333 : i32
      %mul3A_335 = arith.constant 112 : i32
      %mul3A_336 = arith.muli %add3A_334, %mul3A_335 : i32
      %add3A_337 = arith.addi %mul3A_2, %mul3A_336 : i32
      %dma_start3A_338 = tpu.memref_slice %arg3[%add3A_337] : memref<344064xi32, #tpu.memory_space<hbm>> -> memref<112xi32, #tpu.memory_space<hbm>>
      %dma_start3A_339 = tpu.memref_slice %arg3[%add3A_337] : memref<344064xi32, #tpu.memory_space<hbm>> -> memref<112xi32, #tpu.memory_space<hbm>>
      tpu.enqueue_dma source(%dma_start3A_339 : memref<112xi32, #tpu.memory_space<hbm>>) target(%arg10 : memref<112xi32, #tpu.memory_space<vmem>>) target_semaphore(%arg26 : memref<!tpu.dma_semaphore, #tpu.memory_space<semaphore_mem>>)
      %mul3A_340 = arith.constant 112 : i32
      %mul3A_341 = arith.muli %add3A_334, %mul3A_340 : i32
      %add3A_342 = arith.addi %mul3A_2, %mul3A_341 : i32
      %dma_start3A_343 = tpu.memref_slice %arg4[%add3A_342] : memref<344064xi32, #tpu.memory_space<hbm>> -> memref<112xi32, #tpu.memory_space<hbm>>
      %dma_start3A_344 = tpu.memref_slice %arg4[%add3A_342] : memref<344064xi32, #tpu.memory_space<hbm>> -> memref<112xi32, #tpu.memory_space<hbm>>
      tpu.enqueue_dma source(%dma_start3A_344 : memref<112xi32, #tpu.memory_space<hbm>>) target(%arg16 : memref<112xi32, #tpu.memory_space<vmem>>) target_semaphore(%arg32 : memref<!tpu.dma_semaphore, #tpu.memory_space<semaphore_mem>>)
      %dma_wait3A_345 = arith.constant 0 : i32
      %dma_wait3A_346 = tpu.memref_slice %arg3[%dma_wait3A_345] : memref<344064xi32, #tpu.memory_space<hbm>> -> memref<112xi32, #tpu.memory_space<hbm>>
      %dma_wait3A_347 = arith.constant 0 : i32
      %dma_wait3A_348 = tpu.memref_slice %arg3[%dma_wait3A_347] : memref<344064xi32, #tpu.memory_space<hbm>> -> memref<112xi32, #tpu.memory_space<hbm>>
      tpu.wait_dma2 semaphore(%arg23 : memref<!tpu.dma_semaphore, #tpu.memory_space<semaphore_mem>>) src(%dma_wait3A_348 : memref<112xi32, #tpu.memory_space<hbm>>) dst(%arg7 : memref<112xi32, #tpu.memory_space<vmem>>)
      %dma_start3A_349 = arith.constant 0 : i32
      %dma_start3A_350 = arith.constant 0 : i32
      %dma_start3A_351 = tpu.memref_slice %arg2[%dma_start3A_349, %dma_start3A_350] : memref<10240x128xf32, #tpu.memory_space<hbm>> -> memref<10240x128xf32, #tpu.memory_space<hbm>>
      tpu.enqueue_indirect_dma source(%dma_start3A_351 : memref<10240x128xf32, #tpu.memory_space<hbm>>) target(%arg19 : memref<112x128xf32, #tpu.memory_space<vmem>>) offsets(%arg7 : memref<112xi32, #tpu.memory_space<vmem>>) semaphore(%arg35 : memref<!tpu.dma_semaphore, #tpu.memory_space<semaphore_mem>>)
      %mul3A_352 = arith.constant 6 : i32
      %mul3A_353 = arith.muli %mul3A_352, %scan3A_207 : i32
      %add3A_354 = arith.constant 4 : i32
      %add3A_355 = arith.addi %mul3A_353, %add3A_354 : i32
      %dma_wait3A_356 = arith.constant 0 : i32
      %dma_wait3A_357 = arith.constant 0 : i32
      %dma_wait3A_358 = tpu.memref_slice %arg2[%dma_wait3A_356, %dma_wait3A_357] : memref<10240x128xf32, #tpu.memory_space<hbm>> -> memref<10240x128xf32, #tpu.memory_space<hbm>>
      tpu.wait_indirect_dma semaphore(%arg36 : memref<!tpu.dma_semaphore, #tpu.memory_space<semaphore_mem>>) src(%dma_wait3A_358 : memref<10240x128xf32, #tpu.memory_space<hbm>>) dst(%arg20 : memref<112x128xf32, #tpu.memory_space<vmem>>)
      %dma_wait3A_359 = arith.constant 0 : i32
      %dma_wait3A_360 = tpu.memref_slice %arg4[%dma_wait3A_359] : memref<344064xi32, #tpu.memory_space<hbm>> -> memref<112xi32, #tpu.memory_space<hbm>>
      %dma_wait3A_361 = arith.constant 0 : i32
      %dma_wait3A_362 = tpu.memref_slice %arg4[%dma_wait3A_361] : memref<344064xi32, #tpu.memory_space<hbm>> -> memref<112xi32, #tpu.memory_space<hbm>>
      tpu.wait_dma2 semaphore(%arg33 : memref<!tpu.dma_semaphore, #tpu.memory_space<semaphore_mem>>) src(%dma_wait3A_362 : memref<112xi32, #tpu.memory_space<hbm>>) dst(%arg17 : memref<112xi32, #tpu.memory_space<vmem>>)
      %dma_start3A_363 = arith.constant 0 : i32
      %dma_start3A_364 = arith.constant 0 : i32
      %dma_start3A_365 = tpu.memref_slice %arg22[%dma_start3A_363, %dma_start3A_364] : memref<10240x128xf32, #tpu.memory_space<vmem_shared>> -> memref<10240x128xf32, #tpu.memory_space<vmem_shared>>
      tpu.enqueue_indirect_dma source(%arg20 : memref<112x128xf32, #tpu.memory_space<vmem>>) target(%dma_start3A_365 : memref<10240x128xf32, #tpu.memory_space<vmem_shared>>) offsets(%arg17 : memref<112xi32, #tpu.memory_space<vmem>>) semaphore(%arg39 : memref<!tpu.dma_semaphore, #tpu.memory_space<semaphore_mem>>) {add = true}
      %dma_wait3A_366 = arith.constant 0 : i32
      %dma_wait3A_367 = arith.constant 0 : i32
      %dma_wait3A_368 = tpu.memref_slice %arg22[%dma_wait3A_366, %dma_wait3A_367] : memref<10240x128xf32, #tpu.memory_space<vmem_shared>> -> memref<10240x128xf32, #tpu.memory_space<vmem_shared>>
      tpu.wait_indirect_dma semaphore(%arg39 : memref<!tpu.dma_semaphore, #tpu.memory_space<semaphore_mem>>) src(%arg20 : memref<112x128xf32, #tpu.memory_space<vmem>>) dst(%dma_wait3A_368 : memref<10240x128xf32, #tpu.memory_space<vmem_shared>>)
      %add3A_369 = arith.constant 6 : i32
      %add3A_370 = arith.addi %add3A_355, %add3A_369 : i32
      %mul3A_371 = arith.constant 112 : i32
      %mul3A_372 = arith.muli %add3A_370, %mul3A_371 : i32
      %add3A_373 = arith.addi %mul3A_2, %mul3A_372 : i32
      %dma_start3A_374 = tpu.memref_slice %arg3[%add3A_373] : memref<344064xi32, #tpu.memory_space<hbm>> -> memref<112xi32, #tpu.memory_space<hbm>>
      %dma_start3A_375 = tpu.memref_slice %arg3[%add3A_373] : memref<344064xi32, #tpu.memory_space<hbm>> -> memref<112xi32, #tpu.memory_space<hbm>>
      tpu.enqueue_dma source(%dma_start3A_375 : memref<112xi32, #tpu.memory_space<hbm>>) target(%arg11 : memref<112xi32, #tpu.memory_space<vmem>>) target_semaphore(%arg27 : memref<!tpu.dma_semaphore, #tpu.memory_space<semaphore_mem>>)
      %mul3A_376 = arith.constant 112 : i32
      %mul3A_377 = arith.muli %add3A_370, %mul3A_376 : i32
      %add3A_378 = arith.addi %mul3A_2, %mul3A_377 : i32
      %dma_start3A_379 = tpu.memref_slice %arg4[%add3A_378] : memref<344064xi32, #tpu.memory_space<hbm>> -> memref<112xi32, #tpu.memory_space<hbm>>
      %dma_start3A_380 = tpu.memref_slice %arg4[%add3A_378] : memref<344064xi32, #tpu.memory_space<hbm>> -> memref<112xi32, #tpu.memory_space<hbm>>
      tpu.enqueue_dma source(%dma_start3A_380 : memref<112xi32, #tpu.memory_space<hbm>>) target(%arg17 : memref<112xi32, #tpu.memory_space<vmem>>) target_semaphore(%arg33 : memref<!tpu.dma_semaphore, #tpu.memory_space<semaphore_mem>>)
      %dma_wait3A_381 = arith.constant 0 : i32
      %dma_wait3A_382 = tpu.memref_slice %arg3[%dma_wait3A_381] : memref<344064xi32, #tpu.memory_space<hbm>> -> memref<112xi32, #tpu.memory_space<hbm>>
      %dma_wait3A_383 = arith.constant 0 : i32
      %dma_wait3A_384 = tpu.memref_slice %arg3[%dma_wait3A_383] : memref<344064xi32, #tpu.memory_space<hbm>> -> memref<112xi32, #tpu.memory_space<hbm>>
      tpu.wait_dma2 semaphore(%arg24 : memref<!tpu.dma_semaphore, #tpu.memory_space<semaphore_mem>>) src(%dma_wait3A_384 : memref<112xi32, #tpu.memory_space<hbm>>) dst(%arg8 : memref<112xi32, #tpu.memory_space<vmem>>)
      %dma_start3A_385 = arith.constant 0 : i32
      %dma_start3A_386 = arith.constant 0 : i32
      %dma_start3A_387 = tpu.memref_slice %arg2[%dma_start3A_385, %dma_start3A_386] : memref<10240x128xf32, #tpu.memory_space<hbm>> -> memref<10240x128xf32, #tpu.memory_space<hbm>>
      tpu.enqueue_indirect_dma source(%dma_start3A_387 : memref<10240x128xf32, #tpu.memory_space<hbm>>) target(%arg20 : memref<112x128xf32, #tpu.memory_space<vmem>>) offsets(%arg8 : memref<112xi32, #tpu.memory_space<vmem>>) semaphore(%arg36 : memref<!tpu.dma_semaphore, #tpu.memory_space<semaphore_mem>>)
      %mul3A_388 = arith.constant 6 : i32
      %mul3A_389 = arith.muli %mul3A_388, %scan3A_207 : i32
      %add3A_390 = arith.constant 5 : i32
      %add3A_391 = arith.addi %mul3A_389, %add3A_390 : i32
      %dma_wait3A_392 = arith.constant 0 : i32
      %dma_wait3A_393 = arith.constant 0 : i32
      %dma_wait3A_394 = tpu.memref_slice %arg2[%dma_wait3A_392, %dma_wait3A_393] : memref<10240x128xf32, #tpu.memory_space<hbm>> -> memref<10240x128xf32, #tpu.memory_space<hbm>>
      tpu.wait_indirect_dma semaphore(%arg37 : memref<!tpu.dma_semaphore, #tpu.memory_space<semaphore_mem>>) src(%dma_wait3A_394 : memref<10240x128xf32, #tpu.memory_space<hbm>>) dst(%arg21 : memref<112x128xf32, #tpu.memory_space<vmem>>)
      %dma_wait3A_395 = arith.constant 0 : i32
      %dma_wait3A_396 = tpu.memref_slice %arg4[%dma_wait3A_395] : memref<344064xi32, #tpu.memory_space<hbm>> -> memref<112xi32, #tpu.memory_space<hbm>>
      %dma_wait3A_397 = arith.constant 0 : i32
      %dma_wait3A_398 = tpu.memref_slice %arg4[%dma_wait3A_397] : memref<344064xi32, #tpu.memory_space<hbm>> -> memref<112xi32, #tpu.memory_space<hbm>>
      tpu.wait_dma2 semaphore(%arg34 : memref<!tpu.dma_semaphore, #tpu.memory_space<semaphore_mem>>) src(%dma_wait3A_398 : memref<112xi32, #tpu.memory_space<hbm>>) dst(%arg18 : memref<112xi32, #tpu.memory_space<vmem>>)
      %dma_start3A_399 = arith.constant 0 : i32
      %dma_start3A_400 = arith.constant 0 : i32
      %dma_start3A_401 = tpu.memref_slice %arg22[%dma_start3A_399, %dma_start3A_400] : memref<10240x128xf32, #tpu.memory_space<vmem_shared>> -> memref<10240x128xf32, #tpu.memory_space<vmem_shared>>
      tpu.enqueue_indirect_dma source(%arg21 : memref<112x128xf32, #tpu.memory_space<vmem>>) target(%dma_start3A_401 : memref<10240x128xf32, #tpu.memory_space<vmem_shared>>) offsets(%arg18 : memref<112xi32, #tpu.memory_space<vmem>>) semaphore(%arg40 : memref<!tpu.dma_semaphore, #tpu.memory_space<semaphore_mem>>) {add = true}
      %dma_wait3A_402 = arith.constant 0 : i32
      %dma_wait3A_403 = arith.constant 0 : i32
      %dma_wait3A_404 = tpu.memref_slice %arg22[%dma_wait3A_402, %dma_wait3A_403] : memref<10240x128xf32, #tpu.memory_space<vmem_shared>> -> memref<10240x128xf32, #tpu.memory_space<vmem_shared>>
      tpu.wait_indirect_dma semaphore(%arg40 : memref<!tpu.dma_semaphore, #tpu.memory_space<semaphore_mem>>) src(%arg21 : memref<112x128xf32, #tpu.memory_space<vmem>>) dst(%dma_wait3A_404 : memref<10240x128xf32, #tpu.memory_space<vmem_shared>>)
      %add3A_405 = arith.constant 6 : i32
      %add3A_406 = arith.addi %add3A_391, %add3A_405 : i32
      %mul3A_407 = arith.constant 112 : i32
      %mul3A_408 = arith.muli %add3A_406, %mul3A_407 : i32
      %add3A_409 = arith.addi %mul3A_2, %mul3A_408 : i32
      %dma_start3A_410 = tpu.memref_slice %arg3[%add3A_409] : memref<344064xi32, #tpu.memory_space<hbm>> -> memref<112xi32, #tpu.memory_space<hbm>>
      %dma_start3A_411 = tpu.memref_slice %arg3[%add3A_409] : memref<344064xi32, #tpu.memory_space<hbm>> -> memref<112xi32, #tpu.memory_space<hbm>>
      tpu.enqueue_dma source(%dma_start3A_411 : memref<112xi32, #tpu.memory_space<hbm>>) target(%arg12 : memref<112xi32, #tpu.memory_space<vmem>>) target_semaphore(%arg28 : memref<!tpu.dma_semaphore, #tpu.memory_space<semaphore_mem>>)
      %mul3A_412 = arith.constant 112 : i32
      %mul3A_413 = arith.muli %add3A_406, %mul3A_412 : i32
      %add3A_414 = arith.addi %mul3A_2, %mul3A_413 : i32
      %dma_start3A_415 = tpu.memref_slice %arg4[%add3A_414] : memref<344064xi32, #tpu.memory_space<hbm>> -> memref<112xi32, #tpu.memory_space<hbm>>
      %dma_start3A_416 = tpu.memref_slice %arg4[%add3A_414] : memref<344064xi32, #tpu.memory_space<hbm>> -> memref<112xi32, #tpu.memory_space<hbm>>
      tpu.enqueue_dma source(%dma_start3A_416 : memref<112xi32, #tpu.memory_space<hbm>>) target(%arg18 : memref<112xi32, #tpu.memory_space<vmem>>) target_semaphore(%arg34 : memref<!tpu.dma_semaphore, #tpu.memory_space<semaphore_mem>>)
      %dma_wait3A_417 = arith.constant 0 : i32
      %dma_wait3A_418 = tpu.memref_slice %arg3[%dma_wait3A_417] : memref<344064xi32, #tpu.memory_space<hbm>> -> memref<112xi32, #tpu.memory_space<hbm>>
      %dma_wait3A_419 = arith.constant 0 : i32
      %dma_wait3A_420 = tpu.memref_slice %arg3[%dma_wait3A_419] : memref<344064xi32, #tpu.memory_space<hbm>> -> memref<112xi32, #tpu.memory_space<hbm>>
      tpu.wait_dma2 semaphore(%arg25 : memref<!tpu.dma_semaphore, #tpu.memory_space<semaphore_mem>>) src(%dma_wait3A_420 : memref<112xi32, #tpu.memory_space<hbm>>) dst(%arg9 : memref<112xi32, #tpu.memory_space<vmem>>)
      %dma_start3A_421 = arith.constant 0 : i32
      %dma_start3A_422 = arith.constant 0 : i32
      %dma_start3A_423 = tpu.memref_slice %arg2[%dma_start3A_421, %dma_start3A_422] : memref<10240x128xf32, #tpu.memory_space<hbm>> -> memref<10240x128xf32, #tpu.memory_space<hbm>>
      tpu.enqueue_indirect_dma source(%dma_start3A_423 : memref<10240x128xf32, #tpu.memory_space<hbm>>) target(%arg21 : memref<112x128xf32, #tpu.memory_space<vmem>>) offsets(%arg9 : memref<112xi32, #tpu.memory_space<vmem>>) semaphore(%arg37 : memref<!tpu.dma_semaphore, #tpu.memory_space<semaphore_mem>>)
    }
    %scan3A_86 = arith.constant 15 : i32
    %dma_wait3A_87 = arith.constant 0 : i32
    %dma_wait3A_88 = arith.constant 0 : i32
    %dma_wait3A_89 = tpu.memref_slice %arg2[%dma_wait3A_87, %dma_wait3A_88] : memref<10240x128xf32, #tpu.memory_space<hbm>> -> memref<10240x128xf32, #tpu.memory_space<hbm>>
    tpu.wait_indirect_dma semaphore(%arg35 : memref<!tpu.dma_semaphore, #tpu.memory_space<semaphore_mem>>) src(%dma_wait3A_89 : memref<10240x128xf32, #tpu.memory_space<hbm>>) dst(%arg19 : memref<112x128xf32, #tpu.memory_space<vmem>>)
    %dma_wait3A_90 = arith.constant 0 : i32
    %dma_wait3A_91 = tpu.memref_slice %arg4[%dma_wait3A_90] : memref<344064xi32, #tpu.memory_space<hbm>> -> memref<112xi32, #tpu.memory_space<hbm>>
    %dma_wait3A_92 = arith.constant 0 : i32
    %dma_wait3A_93 = tpu.memref_slice %arg4[%dma_wait3A_92] : memref<344064xi32, #tpu.memory_space<hbm>> -> memref<112xi32, #tpu.memory_space<hbm>>
    tpu.wait_dma2 semaphore(%arg29 : memref<!tpu.dma_semaphore, #tpu.memory_space<semaphore_mem>>) src(%dma_wait3A_93 : memref<112xi32, #tpu.memory_space<hbm>>) dst(%arg13 : memref<112xi32, #tpu.memory_space<vmem>>)
    %dma_start3A_94 = arith.constant 0 : i32
    %dma_start3A_95 = arith.constant 0 : i32
    %dma_start3A_96 = tpu.memref_slice %arg22[%dma_start3A_94, %dma_start3A_95] : memref<10240x128xf32, #tpu.memory_space<vmem_shared>> -> memref<10240x128xf32, #tpu.memory_space<vmem_shared>>
    tpu.enqueue_indirect_dma source(%arg19 : memref<112x128xf32, #tpu.memory_space<vmem>>) target(%dma_start3A_96 : memref<10240x128xf32, #tpu.memory_space<vmem_shared>>) offsets(%arg13 : memref<112xi32, #tpu.memory_space<vmem>>) semaphore(%arg38 : memref<!tpu.dma_semaphore, #tpu.memory_space<semaphore_mem>>) {add = true}
    %dma_wait3A_97 = arith.constant 0 : i32
    %dma_wait3A_98 = arith.constant 0 : i32
    %dma_wait3A_99 = tpu.memref_slice %arg22[%dma_wait3A_97, %dma_wait3A_98] : memref<10240x128xf32, #tpu.memory_space<vmem_shared>> -> memref<10240x128xf32, #tpu.memory_space<vmem_shared>>
    tpu.wait_indirect_dma semaphore(%arg38 : memref<!tpu.dma_semaphore, #tpu.memory_space<semaphore_mem>>) src(%arg19 : memref<112x128xf32, #tpu.memory_space<vmem>>) dst(%dma_wait3A_99 : memref<10240x128xf32, #tpu.memory_space<vmem_shared>>)
    %dma_wait3A_100 = arith.constant 0 : i32
    %dma_wait3A_101 = tpu.memref_slice %arg3[%dma_wait3A_100] : memref<344064xi32, #tpu.memory_space<hbm>> -> memref<112xi32, #tpu.memory_space<hbm>>
    %dma_wait3A_102 = arith.constant 0 : i32
    %dma_wait3A_103 = tpu.memref_slice %arg3[%dma_wait3A_102] : memref<344064xi32, #tpu.memory_space<hbm>> -> memref<112xi32, #tpu.memory_space<hbm>>
    tpu.wait_dma2 semaphore(%arg26 : memref<!tpu.dma_semaphore, #tpu.memory_space<semaphore_mem>>) src(%dma_wait3A_103 : memref<112xi32, #tpu.memory_space<hbm>>) dst(%arg10 : memref<112xi32, #tpu.memory_space<vmem>>)
    %dma_start3A_104 = arith.constant 0 : i32
    %dma_start3A_105 = arith.constant 0 : i32
    %dma_start3A_106 = tpu.memref_slice %arg2[%dma_start3A_104, %dma_start3A_105] : memref<10240x128xf32, #tpu.memory_space<hbm>> -> memref<10240x128xf32, #tpu.memory_space<hbm>>
    tpu.enqueue_indirect_dma source(%dma_start3A_106 : memref<10240x128xf32, #tpu.memory_space<hbm>>) target(%arg19 : memref<112x128xf32, #tpu.memory_space<vmem>>) offsets(%arg10 : memref<112xi32, #tpu.memory_space<vmem>>) semaphore(%arg35 : memref<!tpu.dma_semaphore, #tpu.memory_space<semaphore_mem>>)
    %dma_wait3A_107 = arith.constant 0 : i32
    %dma_wait3A_108 = arith.constant 0 : i32
    %dma_wait3A_109 = tpu.memref_slice %arg2[%dma_wait3A_107, %dma_wait3A_108] : memref<10240x128xf32, #tpu.memory_space<hbm>> -> memref<10240x128xf32, #tpu.memory_space<hbm>>
    tpu.wait_indirect_dma semaphore(%arg36 : memref<!tpu.dma_semaphore, #tpu.memory_space<semaphore_mem>>) src(%dma_wait3A_109 : memref<10240x128xf32, #tpu.memory_space<hbm>>) dst(%arg20 : memref<112x128xf32, #tpu.memory_space<vmem>>)
    %dma_wait3A_110 = arith.constant 0 : i32
    %dma_wait3A_111 = tpu.memref_slice %arg4[%dma_wait3A_110] : memref<344064xi32, #tpu.memory_space<hbm>> -> memref<112xi32, #tpu.memory_space<hbm>>
    %dma_wait3A_112 = arith.constant 0 : i32
    %dma_wait3A_113 = tpu.memref_slice %arg4[%dma_wait3A_112] : memref<344064xi32, #tpu.memory_space<hbm>> -> memref<112xi32, #tpu.memory_space<hbm>>
    tpu.wait_dma2 semaphore(%arg30 : memref<!tpu.dma_semaphore, #tpu.memory_space<semaphore_mem>>) src(%dma_wait3A_113 : memref<112xi32, #tpu.memory_space<hbm>>) dst(%arg14 : memref<112xi32, #tpu.memory_space<vmem>>)
    %dma_start3A_114 = arith.constant 0 : i32
    %dma_start3A_115 = arith.constant 0 : i32
    %dma_start3A_116 = tpu.memref_slice %arg22[%dma_start3A_114, %dma_start3A_115] : memref<10240x128xf32, #tpu.memory_space<vmem_shared>> -> memref<10240x128xf32, #tpu.memory_space<vmem_shared>>
    tpu.enqueue_indirect_dma source(%arg20 : memref<112x128xf32, #tpu.memory_space<vmem>>) target(%dma_start3A_116 : memref<10240x128xf32, #tpu.memory_space<vmem_shared>>) offsets(%arg14 : memref<112xi32, #tpu.memory_space<vmem>>) semaphore(%arg39 : memref<!tpu.dma_semaphore, #tpu.memory_space<semaphore_mem>>) {add = true}
    %dma_wait3A_117 = arith.constant 0 : i32
    %dma_wait3A_118 = arith.constant 0 : i32
    %dma_wait3A_119 = tpu.memref_slice %arg22[%dma_wait3A_117, %dma_wait3A_118] : memref<10240x128xf32, #tpu.memory_space<vmem_shared>> -> memref<10240x128xf32, #tpu.memory_space<vmem_shared>>
    tpu.wait_indirect_dma semaphore(%arg39 : memref<!tpu.dma_semaphore, #tpu.memory_space<semaphore_mem>>) src(%arg20 : memref<112x128xf32, #tpu.memory_space<vmem>>) dst(%dma_wait3A_119 : memref<10240x128xf32, #tpu.memory_space<vmem_shared>>)
    %dma_wait3A_120 = arith.constant 0 : i32
    %dma_wait3A_121 = tpu.memref_slice %arg3[%dma_wait3A_120] : memref<344064xi32, #tpu.memory_space<hbm>> -> memref<112xi32, #tpu.memory_space<hbm>>
    %dma_wait3A_122 = arith.constant 0 : i32
    %dma_wait3A_123 = tpu.memref_slice %arg3[%dma_wait3A_122] : memref<344064xi32, #tpu.memory_space<hbm>> -> memref<112xi32, #tpu.memory_space<hbm>>
    tpu.wait_dma2 semaphore(%arg27 : memref<!tpu.dma_semaphore, #tpu.memory_space<semaphore_mem>>) src(%dma_wait3A_123 : memref<112xi32, #tpu.memory_space<hbm>>) dst(%arg11 : memref<112xi32, #tpu.memory_space<vmem>>)
    %dma_start3A_124 = arith.constant 0 : i32
    %dma_start3A_125 = arith.constant 0 : i32
    %dma_start3A_126 = tpu.memref_slice %arg2[%dma_start3A_124, %dma_start3A_125] : memref<10240x128xf32, #tpu.memory_space<hbm>> -> memref<10240x128xf32, #tpu.memory_space<hbm>>
    tpu.enqueue_indirect_dma source(%dma_start3A_126 : memref<10240x128xf32, #tpu.memory_space<hbm>>) target(%arg20 : memref<112x128xf32, #tpu.memory_space<vmem>>) offsets(%arg11 : memref<112xi32, #tpu.memory_space<vmem>>) semaphore(%arg36 : memref<!tpu.dma_semaphore, #tpu.memory_space<semaphore_mem>>)
    %dma_wait3A_127 = arith.constant 0 : i32
    %dma_wait3A_128 = arith.constant 0 : i32
    %dma_wait3A_129 = tpu.memref_slice %arg2[%dma_wait3A_127, %dma_wait3A_128] : memref<10240x128xf32, #tpu.memory_space<hbm>> -> memref<10240x128xf32, #tpu.memory_space<hbm>>
    tpu.wait_indirect_dma semaphore(%arg37 : memref<!tpu.dma_semaphore, #tpu.memory_space<semaphore_mem>>) src(%dma_wait3A_129 : memref<10240x128xf32, #tpu.memory_space<hbm>>) dst(%arg21 : memref<112x128xf32, #tpu.memory_space<vmem>>)
    %dma_wait3A_130 = arith.constant 0 : i32
    %dma_wait3A_131 = tpu.memref_slice %arg4[%dma_wait3A_130] : memref<344064xi32, #tpu.memory_space<hbm>> -> memref<112xi32, #tpu.memory_space<hbm>>
    %dma_wait3A_132 = arith.constant 0 : i32
    %dma_wait3A_133 = tpu.memref_slice %arg4[%dma_wait3A_132] : memref<344064xi32, #tpu.memory_space<hbm>> -> memref<112xi32, #tpu.memory_space<hbm>>
    tpu.wait_dma2 semaphore(%arg31 : memref<!tpu.dma_semaphore, #tpu.memory_space<semaphore_mem>>) src(%dma_wait3A_133 : memref<112xi32, #tpu.memory_space<hbm>>) dst(%arg15 : memref<112xi32, #tpu.memory_space<vmem>>)
    %dma_start3A_134 = arith.constant 0 : i32
    %dma_start3A_135 = arith.constant 0 : i32
    %dma_start3A_136 = tpu.memref_slice %arg22[%dma_start3A_134, %dma_start3A_135] : memref<10240x128xf32, #tpu.memory_space<vmem_shared>> -> memref<10240x128xf32, #tpu.memory_space<vmem_shared>>
    tpu.enqueue_indirect_dma source(%arg21 : memref<112x128xf32, #tpu.memory_space<vmem>>) target(%dma_start3A_136 : memref<10240x128xf32, #tpu.memory_space<vmem_shared>>) offsets(%arg15 : memref<112xi32, #tpu.memory_space<vmem>>) semaphore(%arg40 : memref<!tpu.dma_semaphore, #tpu.memory_space<semaphore_mem>>) {add = true}
    %dma_wait3A_137 = arith.constant 0 : i32
    %dma_wait3A_138 = arith.constant 0 : i32
    %dma_wait3A_139 = tpu.memref_slice %arg22[%dma_wait3A_137, %dma_wait3A_138] : memref<10240x128xf32, #tpu.memory_space<vmem_shared>> -> memref<10240x128xf32, #tpu.memory_space<vmem_shared>>
    tpu.wait_indirect_dma semaphore(%arg40 : memref<!tpu.dma_semaphore, #tpu.memory_space<semaphore_mem>>) src(%arg21 : memref<112x128xf32, #tpu.memory_space<vmem>>) dst(%dma_wait3A_139 : memref<10240x128xf32, #tpu.memory_space<vmem_shared>>)
    %dma_wait3A_140 = arith.constant 0 : i32
    %dma_wait3A_141 = tpu.memref_slice %arg3[%dma_wait3A_140] : memref<344064xi32, #tpu.memory_space<hbm>> -> memref<112xi32, #tpu.memory_space<hbm>>
    %dma_wait3A_142 = arith.constant 0 : i32
    %dma_wait3A_143 = tpu.memref_slice %arg3[%dma_wait3A_142] : memref<344064xi32, #tpu.memory_space<hbm>> -> memref<112xi32, #tpu.memory_space<hbm>>
    tpu.wait_dma2 semaphore(%arg28 : memref<!tpu.dma_semaphore, #tpu.memory_space<semaphore_mem>>) src(%dma_wait3A_143 : memref<112xi32, #tpu.memory_space<hbm>>) dst(%arg12 : memref<112xi32, #tpu.memory_space<vmem>>)
    %dma_start3A_144 = arith.constant 0 : i32
    %dma_start3A_145 = arith.constant 0 : i32
    %dma_start3A_146 = tpu.memref_slice %arg2[%dma_start3A_144, %dma_start3A_145] : memref<10240x128xf32, #tpu.memory_space<hbm>> -> memref<10240x128xf32, #tpu.memory_space<hbm>>
    tpu.enqueue_indirect_dma source(%dma_start3A_146 : memref<10240x128xf32, #tpu.memory_space<hbm>>) target(%arg21 : memref<112x128xf32, #tpu.memory_space<vmem>>) offsets(%arg12 : memref<112xi32, #tpu.memory_space<vmem>>) semaphore(%arg37 : memref<!tpu.dma_semaphore, #tpu.memory_space<semaphore_mem>>)
    %dma_wait3A_147 = arith.constant 0 : i32
    %dma_wait3A_148 = arith.constant 0 : i32
    %dma_wait3A_149 = tpu.memref_slice %arg2[%dma_wait3A_147, %dma_wait3A_148] : memref<10240x128xf32, #tpu.memory_space<hbm>> -> memref<10240x128xf32, #tpu.memory_space<hbm>>
    tpu.wait_indirect_dma semaphore(%arg35 : memref<!tpu.dma_semaphore, #tpu.memory_space<semaphore_mem>>) src(%dma_wait3A_149 : memref<10240x128xf32, #tpu.memory_space<hbm>>) dst(%arg19 : memref<112x128xf32, #tpu.memory_space<vmem>>)
    %dma_wait3A_150 = arith.constant 0 : i32
    %dma_wait3A_151 = tpu.memref_slice %arg4[%dma_wait3A_150] : memref<344064xi32, #tpu.memory_space<hbm>> -> memref<112xi32, #tpu.memory_space<hbm>>
    %dma_wait3A_152 = arith.constant 0 : i32
    %dma_wait3A_153 = tpu.memref_slice %arg4[%dma_wait3A_152] : memref<344064xi32, #tpu.memory_space<hbm>> -> memref<112xi32, #tpu.memory_space<hbm>>
    tpu.wait_dma2 semaphore(%arg32 : memref<!tpu.dma_semaphore, #tpu.memory_space<semaphore_mem>>) src(%dma_wait3A_153 : memref<112xi32, #tpu.memory_space<hbm>>) dst(%arg16 : memref<112xi32, #tpu.memory_space<vmem>>)
    %dma_start3A_154 = arith.constant 0 : i32
    %dma_start3A_155 = arith.constant 0 : i32
    %dma_start3A_156 = tpu.memref_slice %arg22[%dma_start3A_154, %dma_start3A_155] : memref<10240x128xf32, #tpu.memory_space<vmem_shared>> -> memref<10240x128xf32, #tpu.memory_space<vmem_shared>>
    tpu.enqueue_indirect_dma source(%arg19 : memref<112x128xf32, #tpu.memory_space<vmem>>) target(%dma_start3A_156 : memref<10240x128xf32, #tpu.memory_space<vmem_shared>>) offsets(%arg16 : memref<112xi32, #tpu.memory_space<vmem>>) semaphore(%arg38 : memref<!tpu.dma_semaphore, #tpu.memory_space<semaphore_mem>>) {add = true}
    %dma_wait3A_157 = arith.constant 0 : i32
    %dma_wait3A_158 = arith.constant 0 : i32
    %dma_wait3A_159 = tpu.memref_slice %arg2[%dma_wait3A_157, %dma_wait3A_158] : memref<10240x128xf32, #tpu.memory_space<hbm>> -> memref<10240x128xf32, #tpu.memory_space<hbm>>
    tpu.wait_indirect_dma semaphore(%arg36 : memref<!tpu.dma_semaphore, #tpu.memory_space<semaphore_mem>>) src(%dma_wait3A_159 : memref<10240x128xf32, #tpu.memory_space<hbm>>) dst(%arg20 : memref<112x128xf32, #tpu.memory_space<vmem>>)
    %dma_wait3A_160 = arith.constant 0 : i32
    %dma_wait3A_161 = tpu.memref_slice %arg4[%dma_wait3A_160] : memref<344064xi32, #tpu.memory_space<hbm>> -> memref<112xi32, #tpu.memory_space<hbm>>
    %dma_wait3A_162 = arith.constant 0 : i32
    %dma_wait3A_163 = tpu.memref_slice %arg4[%dma_wait3A_162] : memref<344064xi32, #tpu.memory_space<hbm>> -> memref<112xi32, #tpu.memory_space<hbm>>
    tpu.wait_dma2 semaphore(%arg33 : memref<!tpu.dma_semaphore, #tpu.memory_space<semaphore_mem>>) src(%dma_wait3A_163 : memref<112xi32, #tpu.memory_space<hbm>>) dst(%arg17 : memref<112xi32, #tpu.memory_space<vmem>>)
    %dma_start3A_164 = arith.constant 0 : i32
    %dma_start3A_165 = arith.constant 0 : i32
    %dma_start3A_166 = tpu.memref_slice %arg22[%dma_start3A_164, %dma_start3A_165] : memref<10240x128xf32, #tpu.memory_space<vmem_shared>> -> memref<10240x128xf32, #tpu.memory_space<vmem_shared>>
    tpu.enqueue_indirect_dma source(%arg20 : memref<112x128xf32, #tpu.memory_space<vmem>>) target(%dma_start3A_166 : memref<10240x128xf32, #tpu.memory_space<vmem_shared>>) offsets(%arg17 : memref<112xi32, #tpu.memory_space<vmem>>) semaphore(%arg39 : memref<!tpu.dma_semaphore, #tpu.memory_space<semaphore_mem>>) {add = true}
    %dma_wait3A_167 = arith.constant 0 : i32
    %dma_wait3A_168 = arith.constant 0 : i32
    %dma_wait3A_169 = tpu.memref_slice %arg2[%dma_wait3A_167, %dma_wait3A_168] : memref<10240x128xf32, #tpu.memory_space<hbm>> -> memref<10240x128xf32, #tpu.memory_space<hbm>>
    tpu.wait_indirect_dma semaphore(%arg37 : memref<!tpu.dma_semaphore, #tpu.memory_space<semaphore_mem>>) src(%dma_wait3A_169 : memref<10240x128xf32, #tpu.memory_space<hbm>>) dst(%arg21 : memref<112x128xf32, #tpu.memory_space<vmem>>)
    %dma_wait3A_170 = arith.constant 0 : i32
    %dma_wait3A_171 = tpu.memref_slice %arg4[%dma_wait3A_170] : memref<344064xi32, #tpu.memory_space<hbm>> -> memref<112xi32, #tpu.memory_space<hbm>>
    %dma_wait3A_172 = arith.constant 0 : i32
    %dma_wait3A_173 = tpu.memref_slice %arg4[%dma_wait3A_172] : memref<344064xi32, #tpu.memory_space<hbm>> -> memref<112xi32, #tpu.memory_space<hbm>>
    tpu.wait_dma2 semaphore(%arg34 : memref<!tpu.dma_semaphore, #tpu.memory_space<semaphore_mem>>) src(%dma_wait3A_173 : memref<112xi32, #tpu.memory_space<hbm>>) dst(%arg18 : memref<112xi32, #tpu.memory_space<vmem>>)
    %dma_start3A_174 = arith.constant 0 : i32
    %dma_start3A_175 = arith.constant 0 : i32
    %dma_start3A_176 = tpu.memref_slice %arg22[%dma_start3A_174, %dma_start3A_175] : memref<10240x128xf32, #tpu.memory_space<vmem_shared>> -> memref<10240x128xf32, #tpu.memory_space<vmem_shared>>
    tpu.enqueue_indirect_dma source(%arg21 : memref<112x128xf32, #tpu.memory_space<vmem>>) target(%dma_start3A_176 : memref<10240x128xf32, #tpu.memory_space<vmem_shared>>) offsets(%arg18 : memref<112xi32, #tpu.memory_space<vmem>>) semaphore(%arg40 : memref<!tpu.dma_semaphore, #tpu.memory_space<semaphore_mem>>) {add = true}
    %dma_wait3A_177 = arith.constant 0 : i32
    %dma_wait3A_178 = arith.constant 0 : i32
    %dma_wait3A_179 = tpu.memref_slice %arg22[%dma_wait3A_177, %dma_wait3A_178] : memref<10240x128xf32, #tpu.memory_space<vmem_shared>> -> memref<10240x128xf32, #tpu.memory_space<vmem_shared>>
    tpu.wait_indirect_dma semaphore(%arg38 : memref<!tpu.dma_semaphore, #tpu.memory_space<semaphore_mem>>) src(%arg19 : memref<112x128xf32, #tpu.memory_space<vmem>>) dst(%dma_wait3A_179 : memref<10240x128xf32, #tpu.memory_space<vmem_shared>>)
    %dma_wait3A_180 = arith.constant 0 : i32
    %dma_wait3A_181 = arith.constant 0 : i32
    %dma_wait3A_182 = tpu.memref_slice %arg22[%dma_wait3A_180, %dma_wait3A_181] : memref<10240x128xf32, #tpu.memory_space<vmem_shared>> -> memref<10240x128xf32, #tpu.memory_space<vmem_shared>>
    tpu.wait_indirect_dma semaphore(%arg39 : memref<!tpu.dma_semaphore, #tpu.memory_space<semaphore_mem>>) src(%arg20 : memref<112x128xf32, #tpu.memory_space<vmem>>) dst(%dma_wait3A_182 : memref<10240x128xf32, #tpu.memory_space<vmem_shared>>)
    %dma_wait3A_183 = arith.constant 0 : i32
    %dma_wait3A_184 = arith.constant 0 : i32
    %dma_wait3A_185 = tpu.memref_slice %arg22[%dma_wait3A_183, %dma_wait3A_184] : memref<10240x128xf32, #tpu.memory_space<vmem_shared>> -> memref<10240x128xf32, #tpu.memory_space<vmem_shared>>
    tpu.wait_indirect_dma semaphore(%arg40 : memref<!tpu.dma_semaphore, #tpu.memory_space<semaphore_mem>>) src(%arg21 : memref<112x128xf32, #tpu.memory_space<vmem>>) dst(%dma_wait3A_185 : memref<10240x128xf32, #tpu.memory_space<vmem_shared>>)
    %barrier3A_186 = arith.constant 0 : index
    tpu.barrier barrier_id(%barrier3A_186)
    %add3A_187 = arith.constant 0 : i32
    %add3A_188 = arith.addi %mul3A_4, %add3A_187 : i32
    %add3A_189 = arith.constant 0 : i32
    %add3A_190 = arith.addi %mul3A_4, %add3A_189 : i32
    "tpu.region"() ({
      %run_scoped3A = tpu.sem_alloc : memref<!tpu.dma_semaphore, #tpu.memory_space<semaphore_mem>>
      %dma_start3A_207 = arith.constant 0 : i32
      %dma_start3A_208 = arith.constant 0 : i32
      %dma_start3A_209 = tpu.memref_slice %arg6[%arg0, %dma_start3A_207, %dma_start3A_208] : memref<2x10240x128xf32, #tpu.memory_space<hbm>> -> memref<1x10240x128xf32, #tpu.memory_space<hbm>>
      %dma_start3A_210 = tpu.memref_squeeze %dma_start3A_209 : memref<1x10240x128xf32, #tpu.memory_space<hbm>> -> memref<10240x128xf32, #tpu.memory_space<hbm>>
      %dma_start3A_211 = arith.constant 0 : i32
      %dma_start3A_212 = tpu.memref_slice %dma_start3A_210[%add3A_190, %dma_start3A_211] : memref<10240x128xf32, #tpu.memory_space<hbm>> -> memref<128x128xf32, #tpu.memory_space<hbm>>
      %dma_start3A_213 = arith.constant 0 : i32
      %dma_start3A_214 = tpu.memref_slice %arg22[%add3A_188, %dma_start3A_213] : memref<10240x128xf32, #tpu.memory_space<vmem_shared>> -> memref<128x128xf32, #tpu.memory_space<vmem_shared>>
      tpu.enqueue_dma source(%dma_start3A_214 : memref<128x128xf32, #tpu.memory_space<vmem_shared>>) target(%dma_start3A_212 : memref<128x128xf32, #tpu.memory_space<hbm>>) target_semaphore(%run_scoped3A : memref<!tpu.dma_semaphore, #tpu.memory_space<semaphore_mem>>)
      %dma_wait3A_215 = arith.constant 0 : i32
      %dma_wait3A_216 = arith.constant 0 : i32
      %dma_wait3A_217 = tpu.memref_slice %arg6[%arg0, %dma_wait3A_215, %dma_wait3A_216] : memref<2x10240x128xf32, #tpu.memory_space<hbm>> -> memref<1x10240x128xf32, #tpu.memory_space<hbm>>
      %dma_wait3A_218 = tpu.memref_squeeze %dma_wait3A_217 : memref<1x10240x128xf32, #tpu.memory_space<hbm>> -> memref<10240x128xf32, #tpu.memory_space<hbm>>
      %dma_wait3A_219 = arith.constant 0 : i32
      %dma_wait3A_220 = tpu.memref_slice %dma_wait3A_218[%add3A_190, %dma_wait3A_219] : memref<10240x128xf32, #tpu.memory_space<hbm>> -> memref<128x128xf32, #tpu.memory_space<hbm>>
      %dma_wait3A_221 = arith.constant 0 : i32
      %dma_wait3A_222 = tpu.memref_slice %arg22[%add3A_188, %dma_wait3A_221] : memref<10240x128xf32, #tpu.memory_space<vmem_shared>> -> memref<128x128xf32, #tpu.memory_space<vmem_shared>>
      tpu.wait_dma2 semaphore(%run_scoped3A : memref<!tpu.dma_semaphore, #tpu.memory_space<semaphore_mem>>) src(%dma_wait3A_222 : memref<128x128xf32, #tpu.memory_space<vmem_shared>>) dst(%dma_wait3A_220 : memref<128x128xf32, #tpu.memory_space<hbm>>)
      tpu.yield
    }) : () -> ()
    %add3A_191 = arith.constant 128 : i32
    %add3A_192 = arith.addi %mul3A_4, %add3A_191 : i32
    %add3A_193 = arith.constant 128 : i32
    %add3A_194 = arith.addi %mul3A_4, %add3A_193 : i32
    "tpu.region"() ({
      %run_scoped3A = tpu.sem_alloc : memref<!tpu.dma_semaphore, #tpu.memory_space<semaphore_mem>>
      %dma_start3A_207 = arith.constant 0 : i32
      %dma_start3A_208 = arith.constant 0 : i32
      %dma_start3A_209 = tpu.memref_slice %arg6[%arg0, %dma_start3A_207, %dma_start3A_208] : memref<2x10240x128xf32, #tpu.memory_space<hbm>> -> memref<1x10240x128xf32, #tpu.memory_space<hbm>>
      %dma_start3A_210 = tpu.memref_squeeze %dma_start3A_209 : memref<1x10240x128xf32, #tpu.memory_space<hbm>> -> memref<10240x128xf32, #tpu.memory_space<hbm>>
      %dma_start3A_211 = arith.constant 0 : i32
      %dma_start3A_212 = tpu.memref_slice %dma_start3A_210[%add3A_194, %dma_start3A_211] : memref<10240x128xf32, #tpu.memory_space<hbm>> -> memref<128x128xf32, #tpu.memory_space<hbm>>
      %dma_start3A_213 = arith.constant 0 : i32
      %dma_start3A_214 = tpu.memref_slice %arg22[%add3A_192, %dma_start3A_213] : memref<10240x128xf32, #tpu.memory_space<vmem_shared>> -> memref<128x128xf32, #tpu.memory_space<vmem_shared>>
      tpu.enqueue_dma source(%dma_start3A_214 : memref<128x128xf32, #tpu.memory_space<vmem_shared>>) target(%dma_start3A_212 : memref<128x128xf32, #tpu.memory_space<hbm>>) target_semaphore(%run_scoped3A : memref<!tpu.dma_semaphore, #tpu.memory_space<semaphore_mem>>)
      %dma_wait3A_215 = arith.constant 0 : i32
      %dma_wait3A_216 = arith.constant 0 : i32
      %dma_wait3A_217 = tpu.memref_slice %arg6[%arg0, %dma_wait3A_215, %dma_wait3A_216] : memref<2x10240x128xf32, #tpu.memory_space<hbm>> -> memref<1x10240x128xf32, #tpu.memory_space<hbm>>
      %dma_wait3A_218 = tpu.memref_squeeze %dma_wait3A_217 : memref<1x10240x128xf32, #tpu.memory_space<hbm>> -> memref<10240x128xf32, #tpu.memory_space<hbm>>
      %dma_wait3A_219 = arith.constant 0 : i32
      %dma_wait3A_220 = tpu.memref_slice %dma_wait3A_218[%add3A_194, %dma_wait3A_219] : memref<10240x128xf32, #tpu.memory_space<hbm>> -> memref<128x128xf32, #tpu.memory_space<hbm>>
      %dma_wait3A_221 = arith.constant 0 : i32
      %dma_wait3A_222 = tpu.memref_slice %arg22[%add3A_192, %dma_wait3A_221] : memref<10240x128xf32, #tpu.memory_space<vmem_shared>> -> memref<128x128xf32, #tpu.memory_space<vmem_shared>>
      tpu.wait_dma2 semaphore(%run_scoped3A : memref<!tpu.dma_semaphore, #tpu.memory_space<semaphore_mem>>) src(%dma_wait3A_222 : memref<128x128xf32, #tpu.memory_space<vmem_shared>>) dst(%dma_wait3A_220 : memref<128x128xf32, #tpu.memory_space<hbm>>)
      tpu.yield
    }) : () -> ()
    %add3A_195 = arith.constant 256 : i32
    %add3A_196 = arith.addi %mul3A_4, %add3A_195 : i32
    %add3A_197 = arith.constant 256 : i32
    %add3A_198 = arith.addi %mul3A_4, %add3A_197 : i32
    "tpu.region"() ({
      %run_scoped3A = tpu.sem_alloc : memref<!tpu.dma_semaphore, #tpu.memory_space<semaphore_mem>>
      %dma_start3A_207 = arith.constant 0 : i32
      %dma_start3A_208 = arith.constant 0 : i32
      %dma_start3A_209 = tpu.memref_slice %arg6[%arg0, %dma_start3A_207, %dma_start3A_208] : memref<2x10240x128xf32, #tpu.memory_space<hbm>> -> memref<1x10240x128xf32, #tpu.memory_space<hbm>>
      %dma_start3A_210 = tpu.memref_squeeze %dma_start3A_209 : memref<1x10240x128xf32, #tpu.memory_space<hbm>> -> memref<10240x128xf32, #tpu.memory_space<hbm>>
      %dma_start3A_211 = arith.constant 0 : i32
      %dma_start3A_212 = tpu.memref_slice %dma_start3A_210[%add3A_198, %dma_start3A_211] : memref<10240x128xf32, #tpu.memory_space<hbm>> -> memref<128x128xf32, #tpu.memory_space<hbm>>
      %dma_start3A_213 = arith.constant 0 : i32
      %dma_start3A_214 = tpu.memref_slice %arg22[%add3A_196, %dma_start3A_213] : memref<10240x128xf32, #tpu.memory_space<vmem_shared>> -> memref<128x128xf32, #tpu.memory_space<vmem_shared>>
      tpu.enqueue_dma source(%dma_start3A_214 : memref<128x128xf32, #tpu.memory_space<vmem_shared>>) target(%dma_start3A_212 : memref<128x128xf32, #tpu.memory_space<hbm>>) target_semaphore(%run_scoped3A : memref<!tpu.dma_semaphore, #tpu.memory_space<semaphore_mem>>)
      %dma_wait3A_215 = arith.constant 0 : i32
      %dma_wait3A_216 = arith.constant 0 : i32
      %dma_wait3A_217 = tpu.memref_slice %arg6[%arg0, %dma_wait3A_215, %dma_wait3A_216] : memref<2x10240x128xf32, #tpu.memory_space<hbm>> -> memref<1x10240x128xf32, #tpu.memory_space<hbm>>
      %dma_wait3A_218 = tpu.memref_squeeze %dma_wait3A_217 : memref<1x10240x128xf32, #tpu.memory_space<hbm>> -> memref<10240x128xf32, #tpu.memory_space<hbm>>
      %dma_wait3A_219 = arith.constant 0 : i32
      %dma_wait3A_220 = tpu.memref_slice %dma_wait3A_218[%add3A_198, %dma_wait3A_219] : memref<10240x128xf32, #tpu.memory_space<hbm>> -> memref<128x128xf32, #tpu.memory_space<hbm>>
      %dma_wait3A_221 = arith.constant 0 : i32
      %dma_wait3A_222 = tpu.memref_slice %arg22[%add3A_196, %dma_wait3A_221] : memref<10240x128xf32, #tpu.memory_space<vmem_shared>> -> memref<128x128xf32, #tpu.memory_space<vmem_shared>>
      tpu.wait_dma2 semaphore(%run_scoped3A : memref<!tpu.dma_semaphore, #tpu.memory_space<semaphore_mem>>) src(%dma_wait3A_222 : memref<128x128xf32, #tpu.memory_space<vmem_shared>>) dst(%dma_wait3A_220 : memref<128x128xf32, #tpu.memory_space<hbm>>)
      tpu.yield
    }) : () -> ()
    %add3A_199 = arith.constant 384 : i32
    %add3A_200 = arith.addi %mul3A_4, %add3A_199 : i32
    %add3A_201 = arith.constant 384 : i32
    %add3A_202 = arith.addi %mul3A_4, %add3A_201 : i32
    "tpu.region"() ({
      %run_scoped3A = tpu.sem_alloc : memref<!tpu.dma_semaphore, #tpu.memory_space<semaphore_mem>>
      %dma_start3A_207 = arith.constant 0 : i32
      %dma_start3A_208 = arith.constant 0 : i32
      %dma_start3A_209 = tpu.memref_slice %arg6[%arg0, %dma_start3A_207, %dma_start3A_208] : memref<2x10240x128xf32, #tpu.memory_space<hbm>> -> memref<1x10240x128xf32, #tpu.memory_space<hbm>>
      %dma_start3A_210 = tpu.memref_squeeze %dma_start3A_209 : memref<1x10240x128xf32, #tpu.memory_space<hbm>> -> memref<10240x128xf32, #tpu.memory_space<hbm>>
      %dma_start3A_211 = arith.constant 0 : i32
      %dma_start3A_212 = tpu.memref_slice %dma_start3A_210[%add3A_202, %dma_start3A_211] : memref<10240x128xf32, #tpu.memory_space<hbm>> -> memref<128x128xf32, #tpu.memory_space<hbm>>
      %dma_start3A_213 = arith.constant 0 : i32
      %dma_start3A_214 = tpu.memref_slice %arg22[%add3A_200, %dma_start3A_213] : memref<10240x128xf32, #tpu.memory_space<vmem_shared>> -> memref<128x128xf32, #tpu.memory_space<vmem_shared>>
      tpu.enqueue_dma source(%dma_start3A_214 : memref<128x128xf32, #tpu.memory_space<vmem_shared>>) target(%dma_start3A_212 : memref<128x128xf32, #tpu.memory_space<hbm>>) target_semaphore(%run_scoped3A : memref<!tpu.dma_semaphore, #tpu.memory_space<semaphore_mem>>)
      %dma_wait3A_215 = arith.constant 0 : i32
      %dma_wait3A_216 = arith.constant 0 : i32
      %dma_wait3A_217 = tpu.memref_slice %arg6[%arg0, %dma_wait3A_215, %dma_wait3A_216] : memref<2x10240x128xf32, #tpu.memory_space<hbm>> -> memref<1x10240x128xf32, #tpu.memory_space<hbm>>
      %dma_wait3A_218 = tpu.memref_squeeze %dma_wait3A_217 : memref<1x10240x128xf32, #tpu.memory_space<hbm>> -> memref<10240x128xf32, #tpu.memory_space<hbm>>
      %dma_wait3A_219 = arith.constant 0 : i32
      %dma_wait3A_220 = tpu.memref_slice %dma_wait3A_218[%add3A_202, %dma_wait3A_219] : memref<10240x128xf32, #tpu.memory_space<hbm>> -> memref<128x128xf32, #tpu.memory_space<hbm>>
      %dma_wait3A_221 = arith.constant 0 : i32
      %dma_wait3A_222 = tpu.memref_slice %arg22[%add3A_200, %dma_wait3A_221] : memref<10240x128xf32, #tpu.memory_space<vmem_shared>> -> memref<128x128xf32, #tpu.memory_space<vmem_shared>>
      tpu.wait_dma2 semaphore(%run_scoped3A : memref<!tpu.dma_semaphore, #tpu.memory_space<semaphore_mem>>) src(%dma_wait3A_222 : memref<128x128xf32, #tpu.memory_space<vmem_shared>>) dst(%dma_wait3A_220 : memref<128x128xf32, #tpu.memory_space<hbm>>)
      tpu.yield
    }) : () -> ()
    %add3A_203 = arith.constant 512 : i32
    %add3A_204 = arith.addi %mul3A_4, %add3A_203 : i32
    %add3A_205 = arith.constant 512 : i32
    %add3A_206 = arith.addi %mul3A_4, %add3A_205 : i32
    "tpu.region"() ({
      %run_scoped3A = tpu.sem_alloc : memref<!tpu.dma_semaphore, #tpu.memory_space<semaphore_mem>>
      %dma_start3A_207 = arith.constant 0 : i32
      %dma_start3A_208 = arith.constant 0 : i32
      %dma_start3A_209 = tpu.memref_slice %arg6[%arg0, %dma_start3A_207, %dma_start3A_208] : memref<2x10240x128xf32, #tpu.memory_space<hbm>> -> memref<1x10240x128xf32, #tpu.memory_space<hbm>>
      %dma_start3A_210 = tpu.memref_squeeze %dma_start3A_209 : memref<1x10240x128xf32, #tpu.memory_space<hbm>> -> memref<10240x128xf32, #tpu.memory_space<hbm>>
      %dma_start3A_211 = arith.constant 0 : i32
      %dma_start3A_212 = tpu.memref_slice %dma_start3A_210[%add3A_206, %dma_start3A_211] : memref<10240x128xf32, #tpu.memory_space<hbm>> -> memref<128x128xf32, #tpu.memory_space<hbm>>
      %dma_start3A_213 = arith.constant 0 : i32
      %dma_start3A_214 = tpu.memref_slice %arg22[%add3A_204, %dma_start3A_213] : memref<10240x128xf32, #tpu.memory_space<vmem_shared>> -> memref<128x128xf32, #tpu.memory_space<vmem_shared>>
      tpu.enqueue_dma source(%dma_start3A_214 : memref<128x128xf32, #tpu.memory_space<vmem_shared>>) target(%dma_start3A_212 : memref<128x128xf32, #tpu.memory_space<hbm>>) target_semaphore(%run_scoped3A : memref<!tpu.dma_semaphore, #tpu.memory_space<semaphore_mem>>)
      %dma_wait3A_215 = arith.constant 0 : i32
      %dma_wait3A_216 = arith.constant 0 : i32
      %dma_wait3A_217 = tpu.memref_slice %arg6[%arg0, %dma_wait3A_215, %dma_wait3A_216] : memref<2x10240x128xf32, #tpu.memory_space<hbm>> -> memref<1x10240x128xf32, #tpu.memory_space<hbm>>
      %dma_wait3A_218 = tpu.memref_squeeze %dma_wait3A_217 : memref<1x10240x128xf32, #tpu.memory_space<hbm>> -> memref<10240x128xf32, #tpu.memory_space<hbm>>
      %dma_wait3A_219 = arith.constant 0 : i32
      %dma_wait3A_220 = tpu.memref_slice %dma_wait3A_218[%add3A_206, %dma_wait3A_219] : memref<10240x128xf32, #tpu.memory_space<hbm>> -> memref<128x128xf32, #tpu.memory_space<hbm>>
      %dma_wait3A_221 = arith.constant 0 : i32
      %dma_wait3A_222 = tpu.memref_slice %arg22[%add3A_204, %dma_wait3A_221] : memref<10240x128xf32, #tpu.memory_space<vmem_shared>> -> memref<128x128xf32, #tpu.memory_space<vmem_shared>>
      tpu.wait_dma2 semaphore(%run_scoped3A : memref<!tpu.dma_semaphore, #tpu.memory_space<semaphore_mem>>) src(%dma_wait3A_222 : memref<128x128xf32, #tpu.memory_space<vmem_shared>>) dst(%dma_wait3A_220 : memref<128x128xf32, #tpu.memory_space<hbm>>)
      tpu.yield
    }) : () -> ()
    return
  }
}

#map = affine_map<(d0, d1) -> (0, 0)>
#map1 = affine_map<(d0, d1) -> (0)>
#map2 = affine_map<(d0, d1) -> (0, 0, 0)>
module attributes {stable_mosaic.version = 14 : i64} {
  func.func @_sc_agg(%arg0: i32, %arg1: i32, %arg2: memref<10240x128xf32, #tpu.memory_space<hbm>>, %arg3: memref<344064xi32, #tpu.memory_space<hbm>>, %arg4: memref<344064xi32, #tpu.memory_space<hbm>>, %arg5: memref<128x128xf32, #tpu.memory_space<hbm>>, %arg6: memref<2x10240x128xf32, #tpu.memory_space<hbm>>, %arg7: memref<112xi32, #tpu.memory_space<vmem>>, %arg8: memref<112xi32, #tpu.memory_space<vmem>>, %arg9: memref<112xi32, #tpu.memory_space<vmem>>, %arg10: memref<112xi32, #tpu.memory_space<vmem>>, %arg11: memref<112xi32, #tpu.memory_space<vmem>>, %arg12: memref<112xi32, #tpu.memory_space<vmem>>, %arg13: memref<112xi32, #tpu.memory_space<vmem>>, %arg14: memref<112xi32, #tpu.memory_space<vmem>>, %arg15: memref<112xi32, #tpu.memory_space<vmem>>, %arg16: memref<112xi32, #tpu.memory_space<vmem>>, %arg17: memref<112xi32, #tpu.memory_space<vmem>>, %arg18: memref<112xi32, #tpu.memory_space<vmem>>, %arg19: memref<112x128xf32, #tpu.memory_space<vmem>>, %arg20: memref<112x128xf32, #tpu.memory_space<vmem>>, %arg21: memref<112x128xf32, #tpu.memory_space<vmem>>, %arg22: memref<10240x128xf32, #tpu.memory_space<vmem_shared>>, %arg23: memref<!tpu.dma_semaphore, #tpu.memory_space<semaphore_mem>>, %arg24: memref<!tpu.dma_semaphore, #tpu.memory_space<semaphore_mem>>, %arg25: memref<!tpu.dma_semaphore, #tpu.memory_space<semaphore_mem>>, %arg26: memref<!tpu.dma_semaphore, #tpu.memory_space<semaphore_mem>>, %arg27: memref<!tpu.dma_semaphore, #tpu.memory_space<semaphore_mem>>, %arg28: memref<!tpu.dma_semaphore, #tpu.memory_space<semaphore_mem>>, %arg29: memref<!tpu.dma_semaphore, #tpu.memory_space<semaphore_mem>>, %arg30: memref<!tpu.dma_semaphore, #tpu.memory_space<semaphore_mem>>, %arg31: memref<!tpu.dma_semaphore, #tpu.memory_space<semaphore_mem>>, %arg32: memref<!tpu.dma_semaphore, #tpu.memory_space<semaphore_mem>>, %arg33: memref<!tpu.dma_semaphore, #tpu.memory_space<semaphore_mem>>, %arg34: memref<!tpu.dma_semaphore, #tpu.memory_space<semaphore_mem>>, %arg35: memref<!tpu.dma_semaphore, #tpu.memory_space<semaphore_mem>>, %arg36: memref<!tpu.dma_semaphore, #tpu.memory_space<semaphore_mem>>, %arg37: memref<!tpu.dma_semaphore, #tpu.memory_space<semaphore_mem>>, %arg38: memref<!tpu.dma_semaphore, #tpu.memory_space<semaphore_mem>>, %arg39: memref<!tpu.dma_semaphore, #tpu.memory_space<semaphore_mem>>, %arg40: memref<!tpu.dma_semaphore, #tpu.memory_space<semaphore_mem>>) attributes {dimension_semantics = [#tpu.dimension_semantics<core_parallel>, #tpu.dimension_semantics<subcore_parallel>], iteration_bounds = array<i64: 2, 16>, scalar_prefetch = 0 : i64, scratch_operands = 34 : i64, tpu.core_type = #tpu.core_type<sc_vector_subcore>, window_params = [{transform_indices = #map}, {transform_indices = #map1}, {transform_indices = #map1}, {transform_indices = #map}, {transform_indices = #map2}]} {
    %mul3A = arith.constant 16 : i32
    %mul3A_0 = arith.muli %arg0, %mul3A : i32
    %add3A = arith.addi %mul3A_0, %arg1 : i32
    %mul3A_1 = arith.constant 10752 : i32
    %mul3A_2 = arith.muli %add3A, %mul3A_1 : i32
    %mul3A_3 = arith.constant 640 : i32
    %mul3A_4 = arith.muli %arg1, %mul3A_3 : i32
    %add3A_5 = arith.constant 0 : i32
    %add3A_6 = arith.addi %mul3A_4, %add3A_5 : i32
    "tpu.region"() ({
      %run_scoped3A = tpu.sem_alloc : memref<!tpu.dma_semaphore, #tpu.memory_space<semaphore_mem>>
      %dma_start3A_207 = arith.constant 0 : i32
      %dma_start3A_208 = tpu.memref_slice %arg22[%add3A_6, %dma_start3A_207] : memref<10240x128xf32, #tpu.memory_space<vmem_shared>> -> memref<128x128xf32, #tpu.memory_space<vmem_shared>>
      tpu.enqueue_dma source(%arg5 : memref<128x128xf32, #tpu.memory_space<hbm>>) target(%dma_start3A_208 : memref<128x128xf32, #tpu.memory_space<vmem_shared>>) target_semaphore(%run_scoped3A : memref<!tpu.dma_semaphore, #tpu.memory_space<semaphore_mem>>)
      %dma_wait3A_209 = arith.constant 0 : i32
      %dma_wait3A_210 = tpu.memref_slice %arg22[%add3A_6, %dma_wait3A_209] : memref<10240x128xf32, #tpu.memory_space<vmem_shared>> -> memref<128x128xf32, #tpu.memory_space<vmem_shared>>
      tpu.wait_dma2 semaphore(%run_scoped3A : memref<!tpu.dma_semaphore, #tpu.memory_space<semaphore_mem>>) src(%arg5 : memref<128x128xf32, #tpu.memory_space<hbm>>) dst(%dma_wait3A_210 : memref<128x128xf32, #tpu.memory_space<vmem_shared>>)
      tpu.yield
    }) : () -> ()
    %add3A_7 = arith.constant 128 : i32
    %add3A_8 = arith.addi %mul3A_4, %add3A_7 : i32
    "tpu.region"() ({
      %run_scoped3A = tpu.sem_alloc : memref<!tpu.dma_semaphore, #tpu.memory_space<semaphore_mem>>
      %dma_start3A_207 = arith.constant 0 : i32
      %dma_start3A_208 = tpu.memref_slice %arg22[%add3A_8, %dma_start3A_207] : memref<10240x128xf32, #tpu.memory_space<vmem_shared>> -> memref<128x128xf32, #tpu.memory_space<vmem_shared>>
      tpu.enqueue_dma source(%arg5 : memref<128x128xf32, #tpu.memory_space<hbm>>) target(%dma_start3A_208 : memref<128x128xf32, #tpu.memory_space<vmem_shared>>) target_semaphore(%run_scoped3A : memref<!tpu.dma_semaphore, #tpu.memory_space<semaphore_mem>>)
      %dma_wait3A_209 = arith.constant 0 : i32
      %dma_wait3A_210 = tpu.memref_slice %arg22[%add3A_8, %dma_wait3A_209] : memref<10240x128xf32, #tpu.memory_space<vmem_shared>> -> memref<128x128xf32, #tpu.memory_space<vmem_shared>>
      tpu.wait_dma2 semaphore(%run_scoped3A : memref<!tpu.dma_semaphore, #tpu.memory_space<semaphore_mem>>) src(%arg5 : memref<128x128xf32, #tpu.memory_space<hbm>>) dst(%dma_wait3A_210 : memref<128x128xf32, #tpu.memory_space<vmem_shared>>)
      tpu.yield
    }) : () -> ()
    %add3A_9 = arith.constant 256 : i32
    %add3A_10 = arith.addi %mul3A_4, %add3A_9 : i32
    "tpu.region"() ({
      %run_scoped3A = tpu.sem_alloc : memref<!tpu.dma_semaphore, #tpu.memory_space<semaphore_mem>>
      %dma_start3A_207 = arith.constant 0 : i32
      %dma_start3A_208 = tpu.memref_slice %arg22[%add3A_10, %dma_start3A_207] : memref<10240x128xf32, #tpu.memory_space<vmem_shared>> -> memref<128x128xf32, #tpu.memory_space<vmem_shared>>
      tpu.enqueue_dma source(%arg5 : memref<128x128xf32, #tpu.memory_space<hbm>>) target(%dma_start3A_208 : memref<128x128xf32, #tpu.memory_space<vmem_shared>>) target_semaphore(%run_scoped3A : memref<!tpu.dma_semaphore, #tpu.memory_space<semaphore_mem>>)
      %dma_wait3A_209 = arith.constant 0 : i32
      %dma_wait3A_210 = tpu.memref_slice %arg22[%add3A_10, %dma_wait3A_209] : memref<10240x128xf32, #tpu.memory_space<vmem_shared>> -> memref<128x128xf32, #tpu.memory_space<vmem_shared>>
      tpu.wait_dma2 semaphore(%run_scoped3A : memref<!tpu.dma_semaphore, #tpu.memory_space<semaphore_mem>>) src(%arg5 : memref<128x128xf32, #tpu.memory_space<hbm>>) dst(%dma_wait3A_210 : memref<128x128xf32, #tpu.memory_space<vmem_shared>>)
      tpu.yield
    }) : () -> ()
    %add3A_11 = arith.constant 384 : i32
    %add3A_12 = arith.addi %mul3A_4, %add3A_11 : i32
    "tpu.region"() ({
      %run_scoped3A = tpu.sem_alloc : memref<!tpu.dma_semaphore, #tpu.memory_space<semaphore_mem>>
      %dma_start3A_207 = arith.constant 0 : i32
      %dma_start3A_208 = tpu.memref_slice %arg22[%add3A_12, %dma_start3A_207] : memref<10240x128xf32, #tpu.memory_space<vmem_shared>> -> memref<128x128xf32, #tpu.memory_space<vmem_shared>>
      tpu.enqueue_dma source(%arg5 : memref<128x128xf32, #tpu.memory_space<hbm>>) target(%dma_start3A_208 : memref<128x128xf32, #tpu.memory_space<vmem_shared>>) target_semaphore(%run_scoped3A : memref<!tpu.dma_semaphore, #tpu.memory_space<semaphore_mem>>)
      %dma_wait3A_209 = arith.constant 0 : i32
      %dma_wait3A_210 = tpu.memref_slice %arg22[%add3A_12, %dma_wait3A_209] : memref<10240x128xf32, #tpu.memory_space<vmem_shared>> -> memref<128x128xf32, #tpu.memory_space<vmem_shared>>
      tpu.wait_dma2 semaphore(%run_scoped3A : memref<!tpu.dma_semaphore, #tpu.memory_space<semaphore_mem>>) src(%arg5 : memref<128x128xf32, #tpu.memory_space<hbm>>) dst(%dma_wait3A_210 : memref<128x128xf32, #tpu.memory_space<vmem_shared>>)
      tpu.yield
    }) : () -> ()
    %add3A_13 = arith.constant 512 : i32
    %add3A_14 = arith.addi %mul3A_4, %add3A_13 : i32
    "tpu.region"() ({
      %run_scoped3A = tpu.sem_alloc : memref<!tpu.dma_semaphore, #tpu.memory_space<semaphore_mem>>
      %dma_start3A_207 = arith.constant 0 : i32
      %dma_start3A_208 = tpu.memref_slice %arg22[%add3A_14, %dma_start3A_207] : memref<10240x128xf32, #tpu.memory_space<vmem_shared>> -> memref<128x128xf32, #tpu.memory_space<vmem_shared>>
      tpu.enqueue_dma source(%arg5 : memref<128x128xf32, #tpu.memory_space<hbm>>) target(%dma_start3A_208 : memref<128x128xf32, #tpu.memory_space<vmem_shared>>) target_semaphore(%run_scoped3A : memref<!tpu.dma_semaphore, #tpu.memory_space<semaphore_mem>>)
      %dma_wait3A_209 = arith.constant 0 : i32
      %dma_wait3A_210 = tpu.memref_slice %arg22[%add3A_14, %dma_wait3A_209] : memref<10240x128xf32, #tpu.memory_space<vmem_shared>> -> memref<128x128xf32, #tpu.memory_space<vmem_shared>>
      tpu.wait_dma2 semaphore(%run_scoped3A : memref<!tpu.dma_semaphore, #tpu.memory_space<semaphore_mem>>) src(%arg5 : memref<128x128xf32, #tpu.memory_space<hbm>>) dst(%dma_wait3A_210 : memref<128x128xf32, #tpu.memory_space<vmem_shared>>)
      tpu.yield
    }) : () -> ()
    %barrier3A = arith.constant 0 : index
    tpu.barrier barrier_id(%barrier3A)
    %add3A_15 = arith.constant 0 : i32
    %add3A_16 = arith.addi %mul3A_2, %add3A_15 : i32
    %dma_start3A = tpu.memref_slice %arg3[%add3A_16] : memref<344064xi32, #tpu.memory_space<hbm>> -> memref<112xi32, #tpu.memory_space<hbm>>
    %dma_start3A_17 = tpu.memref_slice %arg3[%add3A_16] : memref<344064xi32, #tpu.memory_space<hbm>> -> memref<112xi32, #tpu.memory_space<hbm>>
    tpu.enqueue_dma source(%dma_start3A_17 : memref<112xi32, #tpu.memory_space<hbm>>) target(%arg7 : memref<112xi32, #tpu.memory_space<vmem>>) target_semaphore(%arg23 : memref<!tpu.dma_semaphore, #tpu.memory_space<semaphore_mem>>)
    %add3A_18 = arith.constant 0 : i32
    %add3A_19 = arith.addi %mul3A_2, %add3A_18 : i32
    %dma_start3A_20 = tpu.memref_slice %arg4[%add3A_19] : memref<344064xi32, #tpu.memory_space<hbm>> -> memref<112xi32, #tpu.memory_space<hbm>>
    %dma_start3A_21 = tpu.memref_slice %arg4[%add3A_19] : memref<344064xi32, #tpu.memory_space<hbm>> -> memref<112xi32, #tpu.memory_space<hbm>>
    tpu.enqueue_dma source(%dma_start3A_21 : memref<112xi32, #tpu.memory_space<hbm>>) target(%arg13 : memref<112xi32, #tpu.memory_space<vmem>>) target_semaphore(%arg29 : memref<!tpu.dma_semaphore, #tpu.memory_space<semaphore_mem>>)
    %add3A_22 = arith.constant 112 : i32
    %add3A_23 = arith.addi %mul3A_2, %add3A_22 : i32
    %dma_start3A_24 = tpu.memref_slice %arg3[%add3A_23] : memref<344064xi32, #tpu.memory_space<hbm>> -> memref<112xi32, #tpu.memory_space<hbm>>
    %dma_start3A_25 = tpu.memref_slice %arg3[%add3A_23] : memref<344064xi32, #tpu.memory_space<hbm>> -> memref<112xi32, #tpu.memory_space<hbm>>
    tpu.enqueue_dma source(%dma_start3A_25 : memref<112xi32, #tpu.memory_space<hbm>>) target(%arg8 : memref<112xi32, #tpu.memory_space<vmem>>) target_semaphore(%arg24 : memref<!tpu.dma_semaphore, #tpu.memory_space<semaphore_mem>>)
    %add3A_26 = arith.constant 112 : i32
    %add3A_27 = arith.addi %mul3A_2, %add3A_26 : i32
    %dma_start3A_28 = tpu.memref_slice %arg4[%add3A_27] : memref<344064xi32, #tpu.memory_space<hbm>> -> memref<112xi32, #tpu.memory_space<hbm>>
    %dma_start3A_29 = tpu.memref_slice %arg4[%add3A_27] : memref<344064xi32, #tpu.memory_space<hbm>> -> memref<112xi32, #tpu.memory_space<hbm>>
    tpu.enqueue_dma source(%dma_start3A_29 : memref<112xi32, #tpu.memory_space<hbm>>) target(%arg14 : memref<112xi32, #tpu.memory_space<vmem>>) target_semaphore(%arg30 : memref<!tpu.dma_semaphore, #tpu.memory_space<semaphore_mem>>)
    %add3A_30 = arith.constant 224 : i32
    %add3A_31 = arith.addi %mul3A_2, %add3A_30 : i32
    %dma_start3A_32 = tpu.memref_slice %arg3[%add3A_31] : memref<344064xi32, #tpu.memory_space<hbm>> -> memref<112xi32, #tpu.memory_space<hbm>>
    %dma_start3A_33 = tpu.memref_slice %arg3[%add3A_31] : memref<344064xi32, #tpu.memory_space<hbm>> -> memref<112xi32, #tpu.memory_space<hbm>>
    tpu.enqueue_dma source(%dma_start3A_33 : memref<112xi32, #tpu.memory_space<hbm>>) target(%arg9 : memref<112xi32, #tpu.memory_space<vmem>>) target_semaphore(%arg25 : memref<!tpu.dma_semaphore, #tpu.memory_space<semaphore_mem>>)
    %add3A_34 = arith.constant 224 : i32
    %add3A_35 = arith.addi %mul3A_2, %add3A_34 : i32
    %dma_start3A_36 = tpu.memref_slice %arg4[%add3A_35] : memref<344064xi32, #tpu.memory_space<hbm>> -> memref<112xi32, #tpu.memory_space<hbm>>
    %dma_start3A_37 = tpu.memref_slice %arg4[%add3A_35] : memref<344064xi32, #tpu.memory_space<hbm>> -> memref<112xi32, #tpu.memory_space<hbm>>
    tpu.enqueue_dma source(%dma_start3A_37 : memref<112xi32, #tpu.memory_space<hbm>>) target(%arg15 : memref<112xi32, #tpu.memory_space<vmem>>) target_semaphore(%arg31 : memref<!tpu.dma_semaphore, #tpu.memory_space<semaphore_mem>>)
    %add3A_38 = arith.constant 336 : i32
    %add3A_39 = arith.addi %mul3A_2, %add3A_38 : i32
    %dma_start3A_40 = tpu.memref_slice %arg3[%add3A_39] : memref<344064xi32, #tpu.memory_space<hbm>> -> memref<112xi32, #tpu.memory_space<hbm>>
    %dma_start3A_41 = tpu.memref_slice %arg3[%add3A_39] : memref<344064xi32, #tpu.memory_space<hbm>> -> memref<112xi32, #tpu.memory_space<hbm>>
    tpu.enqueue_dma source(%dma_start3A_41 : memref<112xi32, #tpu.memory_space<hbm>>) target(%arg10 : memref<112xi32, #tpu.memory_space<vmem>>) target_semaphore(%arg26 : memref<!tpu.dma_semaphore, #tpu.memory_space<semaphore_mem>>)
    %add3A_42 = arith.constant 336 : i32
    %add3A_43 = arith.addi %mul3A_2, %add3A_42 : i32
    %dma_start3A_44 = tpu.memref_slice %arg4[%add3A_43] : memref<344064xi32, #tpu.memory_space<hbm>> -> memref<112xi32, #tpu.memory_space<hbm>>
    %dma_start3A_45 = tpu.memref_slice %arg4[%add3A_43] : memref<344064xi32, #tpu.memory_space<hbm>> -> memref<112xi32, #tpu.memory_space<hbm>>
    tpu.enqueue_dma source(%dma_start3A_45 : memref<112xi32, #tpu.memory_space<hbm>>) target(%arg16 : memref<112xi32, #tpu.memory_space<vmem>>) target_semaphore(%arg32 : memref<!tpu.dma_semaphore, #tpu.memory_space<semaphore_mem>>)
    %add3A_46 = arith.constant 448 : i32
    %add3A_47 = arith.addi %mul3A_2, %add3A_46 : i32
    %dma_start3A_48 = tpu.memref_slice %arg3[%add3A_47] : memref<344064xi32, #tpu.memory_space<hbm>> -> memref<112xi32, #tpu.memory_space<hbm>>
    %dma_start3A_49 = tpu.memref_slice %arg3[%add3A_47] : memref<344064xi32, #tpu.memory_space<hbm>> -> memref<112xi32, #tpu.memory_space<hbm>>
    tpu.enqueue_dma source(%dma_start3A_49 : memref<112xi32, #tpu.memory_space<hbm>>) target(%arg11 : memref<112xi32, #tpu.memory_space<vmem>>) target_semaphore(%arg27 : memref<!tpu.dma_semaphore, #tpu.memory_space<semaphore_mem>>)
    %add3A_50 = arith.constant 448 : i32
    %add3A_51 = arith.addi %mul3A_2, %add3A_50 : i32
    %dma_start3A_52 = tpu.memref_slice %arg4[%add3A_51] : memref<344064xi32, #tpu.memory_space<hbm>> -> memref<112xi32, #tpu.memory_space<hbm>>
    %dma_start3A_53 = tpu.memref_slice %arg4[%add3A_51] : memref<344064xi32, #tpu.memory_space<hbm>> -> memref<112xi32, #tpu.memory_space<hbm>>
    tpu.enqueue_dma source(%dma_start3A_53 : memref<112xi32, #tpu.memory_space<hbm>>) target(%arg17 : memref<112xi32, #tpu.memory_space<vmem>>) target_semaphore(%arg33 : memref<!tpu.dma_semaphore, #tpu.memory_space<semaphore_mem>>)
    %add3A_54 = arith.constant 560 : i32
    %add3A_55 = arith.addi %mul3A_2, %add3A_54 : i32
    %dma_start3A_56 = tpu.memref_slice %arg3[%add3A_55] : memref<344064xi32, #tpu.memory_space<hbm>> -> memref<112xi32, #tpu.memory_space<hbm>>
    %dma_start3A_57 = tpu.memref_slice %arg3[%add3A_55] : memref<344064xi32, #tpu.memory_space<hbm>> -> memref<112xi32, #tpu.memory_space<hbm>>
    tpu.enqueue_dma source(%dma_start3A_57 : memref<112xi32, #tpu.memory_space<hbm>>) target(%arg12 : memref<112xi32, #tpu.memory_space<vmem>>) target_semaphore(%arg28 : memref<!tpu.dma_semaphore, #tpu.memory_space<semaphore_mem>>)
    %add3A_58 = arith.constant 560 : i32
    %add3A_59 = arith.addi %mul3A_2, %add3A_58 : i32
    %dma_start3A_60 = tpu.memref_slice %arg4[%add3A_59] : memref<344064xi32, #tpu.memory_space<hbm>> -> memref<112xi32, #tpu.memory_space<hbm>>
    %dma_start3A_61 = tpu.memref_slice %arg4[%add3A_59] : memref<344064xi32, #tpu.memory_space<hbm>> -> memref<112xi32, #tpu.memory_space<hbm>>
    tpu.enqueue_dma source(%dma_start3A_61 : memref<112xi32, #tpu.memory_space<hbm>>) target(%arg18 : memref<112xi32, #tpu.memory_space<vmem>>) target_semaphore(%arg34 : memref<!tpu.dma_semaphore, #tpu.memory_space<semaphore_mem>>)
    %dma_wait3A = arith.constant 0 : i32
    %dma_wait3A_62 = tpu.memref_slice %arg3[%dma_wait3A] : memref<344064xi32, #tpu.memory_space<hbm>> -> memref<112xi32, #tpu.memory_space<hbm>>
    %dma_wait3A_63 = arith.constant 0 : i32
    %dma_wait3A_64 = tpu.memref_slice %arg3[%dma_wait3A_63] : memref<344064xi32, #tpu.memory_space<hbm>> -> memref<112xi32, #tpu.memory_space<hbm>>
    tpu.wait_dma2 semaphore(%arg23 : memref<!tpu.dma_semaphore, #tpu.memory_space<semaphore_mem>>) src(%dma_wait3A_64 : memref<112xi32, #tpu.memory_space<hbm>>) dst(%arg7 : memref<112xi32, #tpu.memory_space<vmem>>)
    %dma_start3A_65 = arith.constant 0 : i32
    %dma_start3A_66 = arith.constant 0 : i32
    %dma_start3A_67 = tpu.memref_slice %arg2[%dma_start3A_65, %dma_start3A_66] : memref<10240x128xf32, #tpu.memory_space<hbm>> -> memref<10240x128xf32, #tpu.memory_space<hbm>>
    tpu.enqueue_indirect_dma source(%dma_start3A_67 : memref<10240x128xf32, #tpu.memory_space<hbm>>) target(%arg19 : memref<112x128xf32, #tpu.memory_space<vmem>>) offsets(%arg7 : memref<112xi32, #tpu.memory_space<vmem>>) semaphore(%arg35 : memref<!tpu.dma_semaphore, #tpu.memory_space<semaphore_mem>>)
    %dma_wait3A_68 = arith.constant 0 : i32
    %dma_wait3A_69 = tpu.memref_slice %arg3[%dma_wait3A_68] : memref<344064xi32, #tpu.memory_space<hbm>> -> memref<112xi32, #tpu.memory_space<hbm>>
    %dma_wait3A_70 = arith.constant 0 : i32
    %dma_wait3A_71 = tpu.memref_slice %arg3[%dma_wait3A_70] : memref<344064xi32, #tpu.memory_space<hbm>> -> memref<112xi32, #tpu.memory_space<hbm>>
    tpu.wait_dma2 semaphore(%arg24 : memref<!tpu.dma_semaphore, #tpu.memory_space<semaphore_mem>>) src(%dma_wait3A_71 : memref<112xi32, #tpu.memory_space<hbm>>) dst(%arg8 : memref<112xi32, #tpu.memory_space<vmem>>)
    %dma_start3A_72 = arith.constant 0 : i32
    %dma_start3A_73 = arith.constant 0 : i32
    %dma_start3A_74 = tpu.memref_slice %arg2[%dma_start3A_72, %dma_start3A_73] : memref<10240x128xf32, #tpu.memory_space<hbm>> -> memref<10240x128xf32, #tpu.memory_space<hbm>>
    tpu.enqueue_indirect_dma source(%dma_start3A_74 : memref<10240x128xf32, #tpu.memory_space<hbm>>) target(%arg20 : memref<112x128xf32, #tpu.memory_space<vmem>>) offsets(%arg8 : memref<112xi32, #tpu.memory_space<vmem>>) semaphore(%arg36 : memref<!tpu.dma_semaphore, #tpu.memory_space<semaphore_mem>>)
    %dma_wait3A_75 = arith.constant 0 : i32
    %dma_wait3A_76 = tpu.memref_slice %arg3[%dma_wait3A_75] : memref<344064xi32, #tpu.memory_space<hbm>> -> memref<112xi32, #tpu.memory_space<hbm>>
    %dma_wait3A_77 = arith.constant 0 : i32
    %dma_wait3A_78 = tpu.memref_slice %arg3[%dma_wait3A_77] : memref<344064xi32, #tpu.memory_space<hbm>> -> memref<112xi32, #tpu.memory_space<hbm>>
    tpu.wait_dma2 semaphore(%arg25 : memref<!tpu.dma_semaphore, #tpu.memory_space<semaphore_mem>>) src(%dma_wait3A_78 : memref<112xi32, #tpu.memory_space<hbm>>) dst(%arg9 : memref<112xi32, #tpu.memory_space<vmem>>)
    %dma_start3A_79 = arith.constant 0 : i32
    %dma_start3A_80 = arith.constant 0 : i32
    %dma_start3A_81 = tpu.memref_slice %arg2[%dma_start3A_79, %dma_start3A_80] : memref<10240x128xf32, #tpu.memory_space<hbm>> -> memref<10240x128xf32, #tpu.memory_space<hbm>>
    tpu.enqueue_indirect_dma source(%dma_start3A_81 : memref<10240x128xf32, #tpu.memory_space<hbm>>) target(%arg21 : memref<112x128xf32, #tpu.memory_space<vmem>>) offsets(%arg9 : memref<112xi32, #tpu.memory_space<vmem>>) semaphore(%arg37 : memref<!tpu.dma_semaphore, #tpu.memory_space<semaphore_mem>>)
    %scan3A = arith.constant 0 : i32
    %scan3A_82 = arith.constant 0 : i32
    %scan3A_83 = arith.constant 15 : i32
    %scan3A_84 = arith.addi %scan3A_82, %scan3A_83 : i32
    %scan3A_85 = arith.constant 1 : i32
    scf.for %scan3A_207 = %scan3A_82 to %scan3A_84 step %scan3A_85  : i32 {
      %mul3A_208 = arith.constant 6 : i32
      %mul3A_209 = arith.muli %mul3A_208, %scan3A_207 : i32
      %add3A_210 = arith.constant 0 : i32
      %add3A_211 = arith.addi %mul3A_209, %add3A_210 : i32
      %dma_wait3A_212 = arith.constant 0 : i32
      %dma_wait3A_213 = arith.constant 0 : i32
      %dma_wait3A_214 = tpu.memref_slice %arg2[%dma_wait3A_212, %dma_wait3A_213] : memref<10240x128xf32, #tpu.memory_space<hbm>> -> memref<10240x128xf32, #tpu.memory_space<hbm>>
      tpu.wait_indirect_dma semaphore(%arg35 : memref<!tpu.dma_semaphore, #tpu.memory_space<semaphore_mem>>) src(%dma_wait3A_214 : memref<10240x128xf32, #tpu.memory_space<hbm>>) dst(%arg19 : memref<112x128xf32, #tpu.memory_space<vmem>>)
      %dma_wait3A_215 = arith.constant 0 : i32
      %dma_wait3A_216 = tpu.memref_slice %arg4[%dma_wait3A_215] : memref<344064xi32, #tpu.memory_space<hbm>> -> memref<112xi32, #tpu.memory_space<hbm>>
      %dma_wait3A_217 = arith.constant 0 : i32
      %dma_wait3A_218 = tpu.memref_slice %arg4[%dma_wait3A_217] : memref<344064xi32, #tpu.memory_space<hbm>> -> memref<112xi32, #tpu.memory_space<hbm>>
      tpu.wait_dma2 semaphore(%arg29 : memref<!tpu.dma_semaphore, #tpu.memory_space<semaphore_mem>>) src(%dma_wait3A_218 : memref<112xi32, #tpu.memory_space<hbm>>) dst(%arg13 : memref<112xi32, #tpu.memory_space<vmem>>)
      %dma_start3A_219 = arith.constant 0 : i32
      %dma_start3A_220 = arith.constant 0 : i32
      %dma_start3A_221 = tpu.memref_slice %arg22[%dma_start3A_219, %dma_start3A_220] : memref<10240x128xf32, #tpu.memory_space<vmem_shared>> -> memref<10240x128xf32, #tpu.memory_space<vmem_shared>>
      tpu.enqueue_indirect_dma source(%arg19 : memref<112x128xf32, #tpu.memory_space<vmem>>) target(%dma_start3A_221 : memref<10240x128xf32, #tpu.memory_space<vmem_shared>>) offsets(%arg13 : memref<112xi32, #tpu.memory_space<vmem>>) semaphore(%arg38 : memref<!tpu.dma_semaphore, #tpu.memory_space<semaphore_mem>>) {add = true}
      %dma_wait3A_222 = arith.constant 0 : i32
      %dma_wait3A_223 = arith.constant 0 : i32
      %dma_wait3A_224 = tpu.memref_slice %arg22[%dma_wait3A_222, %dma_wait3A_223] : memref<10240x128xf32, #tpu.memory_space<vmem_shared>> -> memref<10240x128xf32, #tpu.memory_space<vmem_shared>>
      tpu.wait_indirect_dma semaphore(%arg38 : memref<!tpu.dma_semaphore, #tpu.memory_space<semaphore_mem>>) src(%arg19 : memref<112x128xf32, #tpu.memory_space<vmem>>) dst(%dma_wait3A_224 : memref<10240x128xf32, #tpu.memory_space<vmem_shared>>)
      %add3A_225 = arith.constant 6 : i32
      %add3A_226 = arith.addi %add3A_211, %add3A_225 : i32
      %mul3A_227 = arith.constant 112 : i32
      %mul3A_228 = arith.muli %add3A_226, %mul3A_227 : i32
      %add3A_229 = arith.addi %mul3A_2, %mul3A_228 : i32
      %dma_start3A_230 = tpu.memref_slice %arg3[%add3A_229] : memref<344064xi32, #tpu.memory_space<hbm>> -> memref<112xi32, #tpu.memory_space<hbm>>
      %dma_start3A_231 = tpu.memref_slice %arg3[%add3A_229] : memref<344064xi32, #tpu.memory_space<hbm>> -> memref<112xi32, #tpu.memory_space<hbm>>
      tpu.enqueue_dma source(%dma_start3A_231 : memref<112xi32, #tpu.memory_space<hbm>>) target(%arg7 : memref<112xi32, #tpu.memory_space<vmem>>) target_semaphore(%arg23 : memref<!tpu.dma_semaphore, #tpu.memory_space<semaphore_mem>>)
      %mul3A_232 = arith.constant 112 : i32
      %mul3A_233 = arith.muli %add3A_226, %mul3A_232 : i32
      %add3A_234 = arith.addi %mul3A_2, %mul3A_233 : i32
      %dma_start3A_235 = tpu.memref_slice %arg4[%add3A_234] : memref<344064xi32, #tpu.memory_space<hbm>> -> memref<112xi32, #tpu.memory_space<hbm>>
      %dma_start3A_236 = tpu.memref_slice %arg4[%add3A_234] : memref<344064xi32, #tpu.memory_space<hbm>> -> memref<112xi32, #tpu.memory_space<hbm>>
      tpu.enqueue_dma source(%dma_start3A_236 : memref<112xi32, #tpu.memory_space<hbm>>) target(%arg13 : memref<112xi32, #tpu.memory_space<vmem>>) target_semaphore(%arg29 : memref<!tpu.dma_semaphore, #tpu.memory_space<semaphore_mem>>)
      %dma_wait3A_237 = arith.constant 0 : i32
      %dma_wait3A_238 = tpu.memref_slice %arg3[%dma_wait3A_237] : memref<344064xi32, #tpu.memory_space<hbm>> -> memref<112xi32, #tpu.memory_space<hbm>>
      %dma_wait3A_239 = arith.constant 0 : i32
      %dma_wait3A_240 = tpu.memref_slice %arg3[%dma_wait3A_239] : memref<344064xi32, #tpu.memory_space<hbm>> -> memref<112xi32, #tpu.memory_space<hbm>>
      tpu.wait_dma2 semaphore(%arg26 : memref<!tpu.dma_semaphore, #tpu.memory_space<semaphore_mem>>) src(%dma_wait3A_240 : memref<112xi32, #tpu.memory_space<hbm>>) dst(%arg10 : memref<112xi32, #tpu.memory_space<vmem>>)
      %dma_start3A_241 = arith.constant 0 : i32
      %dma_start3A_242 = arith.constant 0 : i32
      %dma_start3A_243 = tpu.memref_slice %arg2[%dma_start3A_241, %dma_start3A_242] : memref<10240x128xf32, #tpu.memory_space<hbm>> -> memref<10240x128xf32, #tpu.memory_space<hbm>>
      tpu.enqueue_indirect_dma source(%dma_start3A_243 : memref<10240x128xf32, #tpu.memory_space<hbm>>) target(%arg19 : memref<112x128xf32, #tpu.memory_space<vmem>>) offsets(%arg10 : memref<112xi32, #tpu.memory_space<vmem>>) semaphore(%arg35 : memref<!tpu.dma_semaphore, #tpu.memory_space<semaphore_mem>>)
      %mul3A_244 = arith.constant 6 : i32
      %mul3A_245 = arith.muli %mul3A_244, %scan3A_207 : i32
      %add3A_246 = arith.constant 1 : i32
      %add3A_247 = arith.addi %mul3A_245, %add3A_246 : i32
      %dma_wait3A_248 = arith.constant 0 : i32
      %dma_wait3A_249 = arith.constant 0 : i32
      %dma_wait3A_250 = tpu.memref_slice %arg2[%dma_wait3A_248, %dma_wait3A_249] : memref<10240x128xf32, #tpu.memory_space<hbm>> -> memref<10240x128xf32, #tpu.memory_space<hbm>>
      tpu.wait_indirect_dma semaphore(%arg36 : memref<!tpu.dma_semaphore, #tpu.memory_space<semaphore_mem>>) src(%dma_wait3A_250 : memref<10240x128xf32, #tpu.memory_space<hbm>>) dst(%arg20 : memref<112x128xf32, #tpu.memory_space<vmem>>)
      %dma_wait3A_251 = arith.constant 0 : i32
      %dma_wait3A_252 = tpu.memref_slice %arg4[%dma_wait3A_251] : memref<344064xi32, #tpu.memory_space<hbm>> -> memref<112xi32, #tpu.memory_space<hbm>>
      %dma_wait3A_253 = arith.constant 0 : i32
      %dma_wait3A_254 = tpu.memref_slice %arg4[%dma_wait3A_253] : memref<344064xi32, #tpu.memory_space<hbm>> -> memref<112xi32, #tpu.memory_space<hbm>>
      tpu.wait_dma2 semaphore(%arg30 : memref<!tpu.dma_semaphore, #tpu.memory_space<semaphore_mem>>) src(%dma_wait3A_254 : memref<112xi32, #tpu.memory_space<hbm>>) dst(%arg14 : memref<112xi32, #tpu.memory_space<vmem>>)
      %dma_start3A_255 = arith.constant 0 : i32
      %dma_start3A_256 = arith.constant 0 : i32
      %dma_start3A_257 = tpu.memref_slice %arg22[%dma_start3A_255, %dma_start3A_256] : memref<10240x128xf32, #tpu.memory_space<vmem_shared>> -> memref<10240x128xf32, #tpu.memory_space<vmem_shared>>
      tpu.enqueue_indirect_dma source(%arg20 : memref<112x128xf32, #tpu.memory_space<vmem>>) target(%dma_start3A_257 : memref<10240x128xf32, #tpu.memory_space<vmem_shared>>) offsets(%arg14 : memref<112xi32, #tpu.memory_space<vmem>>) semaphore(%arg39 : memref<!tpu.dma_semaphore, #tpu.memory_space<semaphore_mem>>) {add = true}
      %dma_wait3A_258 = arith.constant 0 : i32
      %dma_wait3A_259 = arith.constant 0 : i32
      %dma_wait3A_260 = tpu.memref_slice %arg22[%dma_wait3A_258, %dma_wait3A_259] : memref<10240x128xf32, #tpu.memory_space<vmem_shared>> -> memref<10240x128xf32, #tpu.memory_space<vmem_shared>>
      tpu.wait_indirect_dma semaphore(%arg39 : memref<!tpu.dma_semaphore, #tpu.memory_space<semaphore_mem>>) src(%arg20 : memref<112x128xf32, #tpu.memory_space<vmem>>) dst(%dma_wait3A_260 : memref<10240x128xf32, #tpu.memory_space<vmem_shared>>)
      %add3A_261 = arith.constant 6 : i32
      %add3A_262 = arith.addi %add3A_247, %add3A_261 : i32
      %mul3A_263 = arith.constant 112 : i32
      %mul3A_264 = arith.muli %add3A_262, %mul3A_263 : i32
      %add3A_265 = arith.addi %mul3A_2, %mul3A_264 : i32
      %dma_start3A_266 = tpu.memref_slice %arg3[%add3A_265] : memref<344064xi32, #tpu.memory_space<hbm>> -> memref<112xi32, #tpu.memory_space<hbm>>
      %dma_start3A_267 = tpu.memref_slice %arg3[%add3A_265] : memref<344064xi32, #tpu.memory_space<hbm>> -> memref<112xi32, #tpu.memory_space<hbm>>
      tpu.enqueue_dma source(%dma_start3A_267 : memref<112xi32, #tpu.memory_space<hbm>>) target(%arg8 : memref<112xi32, #tpu.memory_space<vmem>>) target_semaphore(%arg24 : memref<!tpu.dma_semaphore, #tpu.memory_space<semaphore_mem>>)
      %mul3A_268 = arith.constant 112 : i32
      %mul3A_269 = arith.muli %add3A_262, %mul3A_268 : i32
      %add3A_270 = arith.addi %mul3A_2, %mul3A_269 : i32
      %dma_start3A_271 = tpu.memref_slice %arg4[%add3A_270] : memref<344064xi32, #tpu.memory_space<hbm>> -> memref<112xi32, #tpu.memory_space<hbm>>
      %dma_start3A_272 = tpu.memref_slice %arg4[%add3A_270] : memref<344064xi32, #tpu.memory_space<hbm>> -> memref<112xi32, #tpu.memory_space<hbm>>
      tpu.enqueue_dma source(%dma_start3A_272 : memref<112xi32, #tpu.memory_space<hbm>>) target(%arg14 : memref<112xi32, #tpu.memory_space<vmem>>) target_semaphore(%arg30 : memref<!tpu.dma_semaphore, #tpu.memory_space<semaphore_mem>>)
      %dma_wait3A_273 = arith.constant 0 : i32
      %dma_wait3A_274 = tpu.memref_slice %arg3[%dma_wait3A_273] : memref<344064xi32, #tpu.memory_space<hbm>> -> memref<112xi32, #tpu.memory_space<hbm>>
      %dma_wait3A_275 = arith.constant 0 : i32
      %dma_wait3A_276 = tpu.memref_slice %arg3[%dma_wait3A_275] : memref<344064xi32, #tpu.memory_space<hbm>> -> memref<112xi32, #tpu.memory_space<hbm>>
      tpu.wait_dma2 semaphore(%arg27 : memref<!tpu.dma_semaphore, #tpu.memory_space<semaphore_mem>>) src(%dma_wait3A_276 : memref<112xi32, #tpu.memory_space<hbm>>) dst(%arg11 : memref<112xi32, #tpu.memory_space<vmem>>)
      %dma_start3A_277 = arith.constant 0 : i32
      %dma_start3A_278 = arith.constant 0 : i32
      %dma_start3A_279 = tpu.memref_slice %arg2[%dma_start3A_277, %dma_start3A_278] : memref<10240x128xf32, #tpu.memory_space<hbm>> -> memref<10240x128xf32, #tpu.memory_space<hbm>>
      tpu.enqueue_indirect_dma source(%dma_start3A_279 : memref<10240x128xf32, #tpu.memory_space<hbm>>) target(%arg20 : memref<112x128xf32, #tpu.memory_space<vmem>>) offsets(%arg11 : memref<112xi32, #tpu.memory_space<vmem>>) semaphore(%arg36 : memref<!tpu.dma_semaphore, #tpu.memory_space<semaphore_mem>>)
      %mul3A_280 = arith.constant 6 : i32
      %mul3A_281 = arith.muli %mul3A_280, %scan3A_207 : i32
      %add3A_282 = arith.constant 2 : i32
      %add3A_283 = arith.addi %mul3A_281, %add3A_282 : i32
      %dma_wait3A_284 = arith.constant 0 : i32
      %dma_wait3A_285 = arith.constant 0 : i32
      %dma_wait3A_286 = tpu.memref_slice %arg2[%dma_wait3A_284, %dma_wait3A_285] : memref<10240x128xf32, #tpu.memory_space<hbm>> -> memref<10240x128xf32, #tpu.memory_space<hbm>>
      tpu.wait_indirect_dma semaphore(%arg37 : memref<!tpu.dma_semaphore, #tpu.memory_space<semaphore_mem>>) src(%dma_wait3A_286 : memref<10240x128xf32, #tpu.memory_space<hbm>>) dst(%arg21 : memref<112x128xf32, #tpu.memory_space<vmem>>)
      %dma_wait3A_287 = arith.constant 0 : i32
      %dma_wait3A_288 = tpu.memref_slice %arg4[%dma_wait3A_287] : memref<344064xi32, #tpu.memory_space<hbm>> -> memref<112xi32, #tpu.memory_space<hbm>>
      %dma_wait3A_289 = arith.constant 0 : i32
      %dma_wait3A_290 = tpu.memref_slice %arg4[%dma_wait3A_289] : memref<344064xi32, #tpu.memory_space<hbm>> -> memref<112xi32, #tpu.memory_space<hbm>>
      tpu.wait_dma2 semaphore(%arg31 : memref<!tpu.dma_semaphore, #tpu.memory_space<semaphore_mem>>) src(%dma_wait3A_290 : memref<112xi32, #tpu.memory_space<hbm>>) dst(%arg15 : memref<112xi32, #tpu.memory_space<vmem>>)
      %dma_start3A_291 = arith.constant 0 : i32
      %dma_start3A_292 = arith.constant 0 : i32
      %dma_start3A_293 = tpu.memref_slice %arg22[%dma_start3A_291, %dma_start3A_292] : memref<10240x128xf32, #tpu.memory_space<vmem_shared>> -> memref<10240x128xf32, #tpu.memory_space<vmem_shared>>
      tpu.enqueue_indirect_dma source(%arg21 : memref<112x128xf32, #tpu.memory_space<vmem>>) target(%dma_start3A_293 : memref<10240x128xf32, #tpu.memory_space<vmem_shared>>) offsets(%arg15 : memref<112xi32, #tpu.memory_space<vmem>>) semaphore(%arg40 : memref<!tpu.dma_semaphore, #tpu.memory_space<semaphore_mem>>) {add = true}
      %dma_wait3A_294 = arith.constant 0 : i32
      %dma_wait3A_295 = arith.constant 0 : i32
      %dma_wait3A_296 = tpu.memref_slice %arg22[%dma_wait3A_294, %dma_wait3A_295] : memref<10240x128xf32, #tpu.memory_space<vmem_shared>> -> memref<10240x128xf32, #tpu.memory_space<vmem_shared>>
      tpu.wait_indirect_dma semaphore(%arg40 : memref<!tpu.dma_semaphore, #tpu.memory_space<semaphore_mem>>) src(%arg21 : memref<112x128xf32, #tpu.memory_space<vmem>>) dst(%dma_wait3A_296 : memref<10240x128xf32, #tpu.memory_space<vmem_shared>>)
      %add3A_297 = arith.constant 6 : i32
      %add3A_298 = arith.addi %add3A_283, %add3A_297 : i32
      %mul3A_299 = arith.constant 112 : i32
      %mul3A_300 = arith.muli %add3A_298, %mul3A_299 : i32
      %add3A_301 = arith.addi %mul3A_2, %mul3A_300 : i32
      %dma_start3A_302 = tpu.memref_slice %arg3[%add3A_301] : memref<344064xi32, #tpu.memory_space<hbm>> -> memref<112xi32, #tpu.memory_space<hbm>>
      %dma_start3A_303 = tpu.memref_slice %arg3[%add3A_301] : memref<344064xi32, #tpu.memory_space<hbm>> -> memref<112xi32, #tpu.memory_space<hbm>>
      tpu.enqueue_dma source(%dma_start3A_303 : memref<112xi32, #tpu.memory_space<hbm>>) target(%arg9 : memref<112xi32, #tpu.memory_space<vmem>>) target_semaphore(%arg25 : memref<!tpu.dma_semaphore, #tpu.memory_space<semaphore_mem>>)
      %mul3A_304 = arith.constant 112 : i32
      %mul3A_305 = arith.muli %add3A_298, %mul3A_304 : i32
      %add3A_306 = arith.addi %mul3A_2, %mul3A_305 : i32
      %dma_start3A_307 = tpu.memref_slice %arg4[%add3A_306] : memref<344064xi32, #tpu.memory_space<hbm>> -> memref<112xi32, #tpu.memory_space<hbm>>
      %dma_start3A_308 = tpu.memref_slice %arg4[%add3A_306] : memref<344064xi32, #tpu.memory_space<hbm>> -> memref<112xi32, #tpu.memory_space<hbm>>
      tpu.enqueue_dma source(%dma_start3A_308 : memref<112xi32, #tpu.memory_space<hbm>>) target(%arg15 : memref<112xi32, #tpu.memory_space<vmem>>) target_semaphore(%arg31 : memref<!tpu.dma_semaphore, #tpu.memory_space<semaphore_mem>>)
      %dma_wait3A_309 = arith.constant 0 : i32
      %dma_wait3A_310 = tpu.memref_slice %arg3[%dma_wait3A_309] : memref<344064xi32, #tpu.memory_space<hbm>> -> memref<112xi32, #tpu.memory_space<hbm>>
      %dma_wait3A_311 = arith.constant 0 : i32
      %dma_wait3A_312 = tpu.memref_slice %arg3[%dma_wait3A_311] : memref<344064xi32, #tpu.memory_space<hbm>> -> memref<112xi32, #tpu.memory_space<hbm>>
      tpu.wait_dma2 semaphore(%arg28 : memref<!tpu.dma_semaphore, #tpu.memory_space<semaphore_mem>>) src(%dma_wait3A_312 : memref<112xi32, #tpu.memory_space<hbm>>) dst(%arg12 : memref<112xi32, #tpu.memory_space<vmem>>)
      %dma_start3A_313 = arith.constant 0 : i32
      %dma_start3A_314 = arith.constant 0 : i32
      %dma_start3A_315 = tpu.memref_slice %arg2[%dma_start3A_313, %dma_start3A_314] : memref<10240x128xf32, #tpu.memory_space<hbm>> -> memref<10240x128xf32, #tpu.memory_space<hbm>>
      tpu.enqueue_indirect_dma source(%dma_start3A_315 : memref<10240x128xf32, #tpu.memory_space<hbm>>) target(%arg21 : memref<112x128xf32, #tpu.memory_space<vmem>>) offsets(%arg12 : memref<112xi32, #tpu.memory_space<vmem>>) semaphore(%arg37 : memref<!tpu.dma_semaphore, #tpu.memory_space<semaphore_mem>>)
      %mul3A_316 = arith.constant 6 : i32
      %mul3A_317 = arith.muli %mul3A_316, %scan3A_207 : i32
      %add3A_318 = arith.constant 3 : i32
      %add3A_319 = arith.addi %mul3A_317, %add3A_318 : i32
      %dma_wait3A_320 = arith.constant 0 : i32
      %dma_wait3A_321 = arith.constant 0 : i32
      %dma_wait3A_322 = tpu.memref_slice %arg2[%dma_wait3A_320, %dma_wait3A_321] : memref<10240x128xf32, #tpu.memory_space<hbm>> -> memref<10240x128xf32, #tpu.memory_space<hbm>>
      tpu.wait_indirect_dma semaphore(%arg35 : memref<!tpu.dma_semaphore, #tpu.memory_space<semaphore_mem>>) src(%dma_wait3A_322 : memref<10240x128xf32, #tpu.memory_space<hbm>>) dst(%arg19 : memref<112x128xf32, #tpu.memory_space<vmem>>)
      %dma_wait3A_323 = arith.constant 0 : i32
      %dma_wait3A_324 = tpu.memref_slice %arg4[%dma_wait3A_323] : memref<344064xi32, #tpu.memory_space<hbm>> -> memref<112xi32, #tpu.memory_space<hbm>>
      %dma_wait3A_325 = arith.constant 0 : i32
      %dma_wait3A_326 = tpu.memref_slice %arg4[%dma_wait3A_325] : memref<344064xi32, #tpu.memory_space<hbm>> -> memref<112xi32, #tpu.memory_space<hbm>>
      tpu.wait_dma2 semaphore(%arg32 : memref<!tpu.dma_semaphore, #tpu.memory_space<semaphore_mem>>) src(%dma_wait3A_326 : memref<112xi32, #tpu.memory_space<hbm>>) dst(%arg16 : memref<112xi32, #tpu.memory_space<vmem>>)
      %dma_start3A_327 = arith.constant 0 : i32
      %dma_start3A_328 = arith.constant 0 : i32
      %dma_start3A_329 = tpu.memref_slice %arg22[%dma_start3A_327, %dma_start3A_328] : memref<10240x128xf32, #tpu.memory_space<vmem_shared>> -> memref<10240x128xf32, #tpu.memory_space<vmem_shared>>
      tpu.enqueue_indirect_dma source(%arg19 : memref<112x128xf32, #tpu.memory_space<vmem>>) target(%dma_start3A_329 : memref<10240x128xf32, #tpu.memory_space<vmem_shared>>) offsets(%arg16 : memref<112xi32, #tpu.memory_space<vmem>>) semaphore(%arg38 : memref<!tpu.dma_semaphore, #tpu.memory_space<semaphore_mem>>) {add = true}
      %dma_wait3A_330 = arith.constant 0 : i32
      %dma_wait3A_331 = arith.constant 0 : i32
      %dma_wait3A_332 = tpu.memref_slice %arg22[%dma_wait3A_330, %dma_wait3A_331] : memref<10240x128xf32, #tpu.memory_space<vmem_shared>> -> memref<10240x128xf32, #tpu.memory_space<vmem_shared>>
      tpu.wait_indirect_dma semaphore(%arg38 : memref<!tpu.dma_semaphore, #tpu.memory_space<semaphore_mem>>) src(%arg19 : memref<112x128xf32, #tpu.memory_space<vmem>>) dst(%dma_wait3A_332 : memref<10240x128xf32, #tpu.memory_space<vmem_shared>>)
      %add3A_333 = arith.constant 6 : i32
      %add3A_334 = arith.addi %add3A_319, %add3A_333 : i32
      %mul3A_335 = arith.constant 112 : i32
      %mul3A_336 = arith.muli %add3A_334, %mul3A_335 : i32
      %add3A_337 = arith.addi %mul3A_2, %mul3A_336 : i32
      %dma_start3A_338 = tpu.memref_slice %arg3[%add3A_337] : memref<344064xi32, #tpu.memory_space<hbm>> -> memref<112xi32, #tpu.memory_space<hbm>>
      %dma_start3A_339 = tpu.memref_slice %arg3[%add3A_337] : memref<344064xi32, #tpu.memory_space<hbm>> -> memref<112xi32, #tpu.memory_space<hbm>>
      tpu.enqueue_dma source(%dma_start3A_339 : memref<112xi32, #tpu.memory_space<hbm>>) target(%arg10 : memref<112xi32, #tpu.memory_space<vmem>>) target_semaphore(%arg26 : memref<!tpu.dma_semaphore, #tpu.memory_space<semaphore_mem>>)
      %mul3A_340 = arith.constant 112 : i32
      %mul3A_341 = arith.muli %add3A_334, %mul3A_340 : i32
      %add3A_342 = arith.addi %mul3A_2, %mul3A_341 : i32
      %dma_start3A_343 = tpu.memref_slice %arg4[%add3A_342] : memref<344064xi32, #tpu.memory_space<hbm>> -> memref<112xi32, #tpu.memory_space<hbm>>
      %dma_start3A_344 = tpu.memref_slice %arg4[%add3A_342] : memref<344064xi32, #tpu.memory_space<hbm>> -> memref<112xi32, #tpu.memory_space<hbm>>
      tpu.enqueue_dma source(%dma_start3A_344 : memref<112xi32, #tpu.memory_space<hbm>>) target(%arg16 : memref<112xi32, #tpu.memory_space<vmem>>) target_semaphore(%arg32 : memref<!tpu.dma_semaphore, #tpu.memory_space<semaphore_mem>>)
      %dma_wait3A_345 = arith.constant 0 : i32
      %dma_wait3A_346 = tpu.memref_slice %arg3[%dma_wait3A_345] : memref<344064xi32, #tpu.memory_space<hbm>> -> memref<112xi32, #tpu.memory_space<hbm>>
      %dma_wait3A_347 = arith.constant 0 : i32
      %dma_wait3A_348 = tpu.memref_slice %arg3[%dma_wait3A_347] : memref<344064xi32, #tpu.memory_space<hbm>> -> memref<112xi32, #tpu.memory_space<hbm>>
      tpu.wait_dma2 semaphore(%arg23 : memref<!tpu.dma_semaphore, #tpu.memory_space<semaphore_mem>>) src(%dma_wait3A_348 : memref<112xi32, #tpu.memory_space<hbm>>) dst(%arg7 : memref<112xi32, #tpu.memory_space<vmem>>)
      %dma_start3A_349 = arith.constant 0 : i32
      %dma_start3A_350 = arith.constant 0 : i32
      %dma_start3A_351 = tpu.memref_slice %arg2[%dma_start3A_349, %dma_start3A_350] : memref<10240x128xf32, #tpu.memory_space<hbm>> -> memref<10240x128xf32, #tpu.memory_space<hbm>>
      tpu.enqueue_indirect_dma source(%dma_start3A_351 : memref<10240x128xf32, #tpu.memory_space<hbm>>) target(%arg19 : memref<112x128xf32, #tpu.memory_space<vmem>>) offsets(%arg7 : memref<112xi32, #tpu.memory_space<vmem>>) semaphore(%arg35 : memref<!tpu.dma_semaphore, #tpu.memory_space<semaphore_mem>>)
      %mul3A_352 = arith.constant 6 : i32
      %mul3A_353 = arith.muli %mul3A_352, %scan3A_207 : i32
      %add3A_354 = arith.constant 4 : i32
      %add3A_355 = arith.addi %mul3A_353, %add3A_354 : i32
      %dma_wait3A_356 = arith.constant 0 : i32
      %dma_wait3A_357 = arith.constant 0 : i32
      %dma_wait3A_358 = tpu.memref_slice %arg2[%dma_wait3A_356, %dma_wait3A_357] : memref<10240x128xf32, #tpu.memory_space<hbm>> -> memref<10240x128xf32, #tpu.memory_space<hbm>>
      tpu.wait_indirect_dma semaphore(%arg36 : memref<!tpu.dma_semaphore, #tpu.memory_space<semaphore_mem>>) src(%dma_wait3A_358 : memref<10240x128xf32, #tpu.memory_space<hbm>>) dst(%arg20 : memref<112x128xf32, #tpu.memory_space<vmem>>)
      %dma_wait3A_359 = arith.constant 0 : i32
      %dma_wait3A_360 = tpu.memref_slice %arg4[%dma_wait3A_359] : memref<344064xi32, #tpu.memory_space<hbm>> -> memref<112xi32, #tpu.memory_space<hbm>>
      %dma_wait3A_361 = arith.constant 0 : i32
      %dma_wait3A_362 = tpu.memref_slice %arg4[%dma_wait3A_361] : memref<344064xi32, #tpu.memory_space<hbm>> -> memref<112xi32, #tpu.memory_space<hbm>>
      tpu.wait_dma2 semaphore(%arg33 : memref<!tpu.dma_semaphore, #tpu.memory_space<semaphore_mem>>) src(%dma_wait3A_362 : memref<112xi32, #tpu.memory_space<hbm>>) dst(%arg17 : memref<112xi32, #tpu.memory_space<vmem>>)
      %dma_start3A_363 = arith.constant 0 : i32
      %dma_start3A_364 = arith.constant 0 : i32
      %dma_start3A_365 = tpu.memref_slice %arg22[%dma_start3A_363, %dma_start3A_364] : memref<10240x128xf32, #tpu.memory_space<vmem_shared>> -> memref<10240x128xf32, #tpu.memory_space<vmem_shared>>
      tpu.enqueue_indirect_dma source(%arg20 : memref<112x128xf32, #tpu.memory_space<vmem>>) target(%dma_start3A_365 : memref<10240x128xf32, #tpu.memory_space<vmem_shared>>) offsets(%arg17 : memref<112xi32, #tpu.memory_space<vmem>>) semaphore(%arg39 : memref<!tpu.dma_semaphore, #tpu.memory_space<semaphore_mem>>) {add = true}
      %dma_wait3A_366 = arith.constant 0 : i32
      %dma_wait3A_367 = arith.constant 0 : i32
      %dma_wait3A_368 = tpu.memref_slice %arg22[%dma_wait3A_366, %dma_wait3A_367] : memref<10240x128xf32, #tpu.memory_space<vmem_shared>> -> memref<10240x128xf32, #tpu.memory_space<vmem_shared>>
      tpu.wait_indirect_dma semaphore(%arg39 : memref<!tpu.dma_semaphore, #tpu.memory_space<semaphore_mem>>) src(%arg20 : memref<112x128xf32, #tpu.memory_space<vmem>>) dst(%dma_wait3A_368 : memref<10240x128xf32, #tpu.memory_space<vmem_shared>>)
      %add3A_369 = arith.constant 6 : i32
      %add3A_370 = arith.addi %add3A_355, %add3A_369 : i32
      %mul3A_371 = arith.constant 112 : i32
      %mul3A_372 = arith.muli %add3A_370, %mul3A_371 : i32
      %add3A_373 = arith.addi %mul3A_2, %mul3A_372 : i32
      %dma_start3A_374 = tpu.memref_slice %arg3[%add3A_373] : memref<344064xi32, #tpu.memory_space<hbm>> -> memref<112xi32, #tpu.memory_space<hbm>>
      %dma_start3A_375 = tpu.memref_slice %arg3[%add3A_373] : memref<344064xi32, #tpu.memory_space<hbm>> -> memref<112xi32, #tpu.memory_space<hbm>>
      tpu.enqueue_dma source(%dma_start3A_375 : memref<112xi32, #tpu.memory_space<hbm>>) target(%arg11 : memref<112xi32, #tpu.memory_space<vmem>>) target_semaphore(%arg27 : memref<!tpu.dma_semaphore, #tpu.memory_space<semaphore_mem>>)
      %mul3A_376 = arith.constant 112 : i32
      %mul3A_377 = arith.muli %add3A_370, %mul3A_376 : i32
      %add3A_378 = arith.addi %mul3A_2, %mul3A_377 : i32
      %dma_start3A_379 = tpu.memref_slice %arg4[%add3A_378] : memref<344064xi32, #tpu.memory_space<hbm>> -> memref<112xi32, #tpu.memory_space<hbm>>
      %dma_start3A_380 = tpu.memref_slice %arg4[%add3A_378] : memref<344064xi32, #tpu.memory_space<hbm>> -> memref<112xi32, #tpu.memory_space<hbm>>
      tpu.enqueue_dma source(%dma_start3A_380 : memref<112xi32, #tpu.memory_space<hbm>>) target(%arg17 : memref<112xi32, #tpu.memory_space<vmem>>) target_semaphore(%arg33 : memref<!tpu.dma_semaphore, #tpu.memory_space<semaphore_mem>>)
      %dma_wait3A_381 = arith.constant 0 : i32
      %dma_wait3A_382 = tpu.memref_slice %arg3[%dma_wait3A_381] : memref<344064xi32, #tpu.memory_space<hbm>> -> memref<112xi32, #tpu.memory_space<hbm>>
      %dma_wait3A_383 = arith.constant 0 : i32
      %dma_wait3A_384 = tpu.memref_slice %arg3[%dma_wait3A_383] : memref<344064xi32, #tpu.memory_space<hbm>> -> memref<112xi32, #tpu.memory_space<hbm>>
      tpu.wait_dma2 semaphore(%arg24 : memref<!tpu.dma_semaphore, #tpu.memory_space<semaphore_mem>>) src(%dma_wait3A_384 : memref<112xi32, #tpu.memory_space<hbm>>) dst(%arg8 : memref<112xi32, #tpu.memory_space<vmem>>)
      %dma_start3A_385 = arith.constant 0 : i32
      %dma_start3A_386 = arith.constant 0 : i32
      %dma_start3A_387 = tpu.memref_slice %arg2[%dma_start3A_385, %dma_start3A_386] : memref<10240x128xf32, #tpu.memory_space<hbm>> -> memref<10240x128xf32, #tpu.memory_space<hbm>>
      tpu.enqueue_indirect_dma source(%dma_start3A_387 : memref<10240x128xf32, #tpu.memory_space<hbm>>) target(%arg20 : memref<112x128xf32, #tpu.memory_space<vmem>>) offsets(%arg8 : memref<112xi32, #tpu.memory_space<vmem>>) semaphore(%arg36 : memref<!tpu.dma_semaphore, #tpu.memory_space<semaphore_mem>>)
      %mul3A_388 = arith.constant 6 : i32
      %mul3A_389 = arith.muli %mul3A_388, %scan3A_207 : i32
      %add3A_390 = arith.constant 5 : i32
      %add3A_391 = arith.addi %mul3A_389, %add3A_390 : i32
      %dma_wait3A_392 = arith.constant 0 : i32
      %dma_wait3A_393 = arith.constant 0 : i32
      %dma_wait3A_394 = tpu.memref_slice %arg2[%dma_wait3A_392, %dma_wait3A_393] : memref<10240x128xf32, #tpu.memory_space<hbm>> -> memref<10240x128xf32, #tpu.memory_space<hbm>>
      tpu.wait_indirect_dma semaphore(%arg37 : memref<!tpu.dma_semaphore, #tpu.memory_space<semaphore_mem>>) src(%dma_wait3A_394 : memref<10240x128xf32, #tpu.memory_space<hbm>>) dst(%arg21 : memref<112x128xf32, #tpu.memory_space<vmem>>)
      %dma_wait3A_395 = arith.constant 0 : i32
      %dma_wait3A_396 = tpu.memref_slice %arg4[%dma_wait3A_395] : memref<344064xi32, #tpu.memory_space<hbm>> -> memref<112xi32, #tpu.memory_space<hbm>>
      %dma_wait3A_397 = arith.constant 0 : i32
      %dma_wait3A_398 = tpu.memref_slice %arg4[%dma_wait3A_397] : memref<344064xi32, #tpu.memory_space<hbm>> -> memref<112xi32, #tpu.memory_space<hbm>>
      tpu.wait_dma2 semaphore(%arg34 : memref<!tpu.dma_semaphore, #tpu.memory_space<semaphore_mem>>) src(%dma_wait3A_398 : memref<112xi32, #tpu.memory_space<hbm>>) dst(%arg18 : memref<112xi32, #tpu.memory_space<vmem>>)
      %dma_start3A_399 = arith.constant 0 : i32
      %dma_start3A_400 = arith.constant 0 : i32
      %dma_start3A_401 = tpu.memref_slice %arg22[%dma_start3A_399, %dma_start3A_400] : memref<10240x128xf32, #tpu.memory_space<vmem_shared>> -> memref<10240x128xf32, #tpu.memory_space<vmem_shared>>
      tpu.enqueue_indirect_dma source(%arg21 : memref<112x128xf32, #tpu.memory_space<vmem>>) target(%dma_start3A_401 : memref<10240x128xf32, #tpu.memory_space<vmem_shared>>) offsets(%arg18 : memref<112xi32, #tpu.memory_space<vmem>>) semaphore(%arg40 : memref<!tpu.dma_semaphore, #tpu.memory_space<semaphore_mem>>) {add = true}
      %dma_wait3A_402 = arith.constant 0 : i32
      %dma_wait3A_403 = arith.constant 0 : i32
      %dma_wait3A_404 = tpu.memref_slice %arg22[%dma_wait3A_402, %dma_wait3A_403] : memref<10240x128xf32, #tpu.memory_space<vmem_shared>> -> memref<10240x128xf32, #tpu.memory_space<vmem_shared>>
      tpu.wait_indirect_dma semaphore(%arg40 : memref<!tpu.dma_semaphore, #tpu.memory_space<semaphore_mem>>) src(%arg21 : memref<112x128xf32, #tpu.memory_space<vmem>>) dst(%dma_wait3A_404 : memref<10240x128xf32, #tpu.memory_space<vmem_shared>>)
      %add3A_405 = arith.constant 6 : i32
      %add3A_406 = arith.addi %add3A_391, %add3A_405 : i32
      %mul3A_407 = arith.constant 112 : i32
      %mul3A_408 = arith.muli %add3A_406, %mul3A_407 : i32
      %add3A_409 = arith.addi %mul3A_2, %mul3A_408 : i32
      %dma_start3A_410 = tpu.memref_slice %arg3[%add3A_409] : memref<344064xi32, #tpu.memory_space<hbm>> -> memref<112xi32, #tpu.memory_space<hbm>>
      %dma_start3A_411 = tpu.memref_slice %arg3[%add3A_409] : memref<344064xi32, #tpu.memory_space<hbm>> -> memref<112xi32, #tpu.memory_space<hbm>>
      tpu.enqueue_dma source(%dma_start3A_411 : memref<112xi32, #tpu.memory_space<hbm>>) target(%arg12 : memref<112xi32, #tpu.memory_space<vmem>>) target_semaphore(%arg28 : memref<!tpu.dma_semaphore, #tpu.memory_space<semaphore_mem>>)
      %mul3A_412 = arith.constant 112 : i32
      %mul3A_413 = arith.muli %add3A_406, %mul3A_412 : i32
      %add3A_414 = arith.addi %mul3A_2, %mul3A_413 : i32
      %dma_start3A_415 = tpu.memref_slice %arg4[%add3A_414] : memref<344064xi32, #tpu.memory_space<hbm>> -> memref<112xi32, #tpu.memory_space<hbm>>
      %dma_start3A_416 = tpu.memref_slice %arg4[%add3A_414] : memref<344064xi32, #tpu.memory_space<hbm>> -> memref<112xi32, #tpu.memory_space<hbm>>
      tpu.enqueue_dma source(%dma_start3A_416 : memref<112xi32, #tpu.memory_space<hbm>>) target(%arg18 : memref<112xi32, #tpu.memory_space<vmem>>) target_semaphore(%arg34 : memref<!tpu.dma_semaphore, #tpu.memory_space<semaphore_mem>>)
      %dma_wait3A_417 = arith.constant 0 : i32
      %dma_wait3A_418 = tpu.memref_slice %arg3[%dma_wait3A_417] : memref<344064xi32, #tpu.memory_space<hbm>> -> memref<112xi32, #tpu.memory_space<hbm>>
      %dma_wait3A_419 = arith.constant 0 : i32
      %dma_wait3A_420 = tpu.memref_slice %arg3[%dma_wait3A_419] : memref<344064xi32, #tpu.memory_space<hbm>> -> memref<112xi32, #tpu.memory_space<hbm>>
      tpu.wait_dma2 semaphore(%arg25 : memref<!tpu.dma_semaphore, #tpu.memory_space<semaphore_mem>>) src(%dma_wait3A_420 : memref<112xi32, #tpu.memory_space<hbm>>) dst(%arg9 : memref<112xi32, #tpu.memory_space<vmem>>)
      %dma_start3A_421 = arith.constant 0 : i32
      %dma_start3A_422 = arith.constant 0 : i32
      %dma_start3A_423 = tpu.memref_slice %arg2[%dma_start3A_421, %dma_start3A_422] : memref<10240x128xf32, #tpu.memory_space<hbm>> -> memref<10240x128xf32, #tpu.memory_space<hbm>>
      tpu.enqueue_indirect_dma source(%dma_start3A_423 : memref<10240x128xf32, #tpu.memory_space<hbm>>) target(%arg21 : memref<112x128xf32, #tpu.memory_space<vmem>>) offsets(%arg9 : memref<112xi32, #tpu.memory_space<vmem>>) semaphore(%arg37 : memref<!tpu.dma_semaphore, #tpu.memory_space<semaphore_mem>>)
    }
    %scan3A_86 = arith.constant 15 : i32
    %dma_wait3A_87 = arith.constant 0 : i32
    %dma_wait3A_88 = arith.constant 0 : i32
    %dma_wait3A_89 = tpu.memref_slice %arg2[%dma_wait3A_87, %dma_wait3A_88] : memref<10240x128xf32, #tpu.memory_space<hbm>> -> memref<10240x128xf32, #tpu.memory_space<hbm>>
    tpu.wait_indirect_dma semaphore(%arg35 : memref<!tpu.dma_semaphore, #tpu.memory_space<semaphore_mem>>) src(%dma_wait3A_89 : memref<10240x128xf32, #tpu.memory_space<hbm>>) dst(%arg19 : memref<112x128xf32, #tpu.memory_space<vmem>>)
    %dma_wait3A_90 = arith.constant 0 : i32
    %dma_wait3A_91 = tpu.memref_slice %arg4[%dma_wait3A_90] : memref<344064xi32, #tpu.memory_space<hbm>> -> memref<112xi32, #tpu.memory_space<hbm>>
    %dma_wait3A_92 = arith.constant 0 : i32
    %dma_wait3A_93 = tpu.memref_slice %arg4[%dma_wait3A_92] : memref<344064xi32, #tpu.memory_space<hbm>> -> memref<112xi32, #tpu.memory_space<hbm>>
    tpu.wait_dma2 semaphore(%arg29 : memref<!tpu.dma_semaphore, #tpu.memory_space<semaphore_mem>>) src(%dma_wait3A_93 : memref<112xi32, #tpu.memory_space<hbm>>) dst(%arg13 : memref<112xi32, #tpu.memory_space<vmem>>)
    %dma_start3A_94 = arith.constant 0 : i32
    %dma_start3A_95 = arith.constant 0 : i32
    %dma_start3A_96 = tpu.memref_slice %arg22[%dma_start3A_94, %dma_start3A_95] : memref<10240x128xf32, #tpu.memory_space<vmem_shared>> -> memref<10240x128xf32, #tpu.memory_space<vmem_shared>>
    tpu.enqueue_indirect_dma source(%arg19 : memref<112x128xf32, #tpu.memory_space<vmem>>) target(%dma_start3A_96 : memref<10240x128xf32, #tpu.memory_space<vmem_shared>>) offsets(%arg13 : memref<112xi32, #tpu.memory_space<vmem>>) semaphore(%arg38 : memref<!tpu.dma_semaphore, #tpu.memory_space<semaphore_mem>>) {add = true}
    %dma_wait3A_97 = arith.constant 0 : i32
    %dma_wait3A_98 = arith.constant 0 : i32
    %dma_wait3A_99 = tpu.memref_slice %arg22[%dma_wait3A_97, %dma_wait3A_98] : memref<10240x128xf32, #tpu.memory_space<vmem_shared>> -> memref<10240x128xf32, #tpu.memory_space<vmem_shared>>
    tpu.wait_indirect_dma semaphore(%arg38 : memref<!tpu.dma_semaphore, #tpu.memory_space<semaphore_mem>>) src(%arg19 : memref<112x128xf32, #tpu.memory_space<vmem>>) dst(%dma_wait3A_99 : memref<10240x128xf32, #tpu.memory_space<vmem_shared>>)
    %dma_wait3A_100 = arith.constant 0 : i32
    %dma_wait3A_101 = tpu.memref_slice %arg3[%dma_wait3A_100] : memref<344064xi32, #tpu.memory_space<hbm>> -> memref<112xi32, #tpu.memory_space<hbm>>
    %dma_wait3A_102 = arith.constant 0 : i32
    %dma_wait3A_103 = tpu.memref_slice %arg3[%dma_wait3A_102] : memref<344064xi32, #tpu.memory_space<hbm>> -> memref<112xi32, #tpu.memory_space<hbm>>
    tpu.wait_dma2 semaphore(%arg26 : memref<!tpu.dma_semaphore, #tpu.memory_space<semaphore_mem>>) src(%dma_wait3A_103 : memref<112xi32, #tpu.memory_space<hbm>>) dst(%arg10 : memref<112xi32, #tpu.memory_space<vmem>>)
    %dma_start3A_104 = arith.constant 0 : i32
    %dma_start3A_105 = arith.constant 0 : i32
    %dma_start3A_106 = tpu.memref_slice %arg2[%dma_start3A_104, %dma_start3A_105] : memref<10240x128xf32, #tpu.memory_space<hbm>> -> memref<10240x128xf32, #tpu.memory_space<hbm>>
    tpu.enqueue_indirect_dma source(%dma_start3A_106 : memref<10240x128xf32, #tpu.memory_space<hbm>>) target(%arg19 : memref<112x128xf32, #tpu.memory_space<vmem>>) offsets(%arg10 : memref<112xi32, #tpu.memory_space<vmem>>) semaphore(%arg35 : memref<!tpu.dma_semaphore, #tpu.memory_space<semaphore_mem>>)
    %dma_wait3A_107 = arith.constant 0 : i32
    %dma_wait3A_108 = arith.constant 0 : i32
    %dma_wait3A_109 = tpu.memref_slice %arg2[%dma_wait3A_107, %dma_wait3A_108] : memref<10240x128xf32, #tpu.memory_space<hbm>> -> memref<10240x128xf32, #tpu.memory_space<hbm>>
    tpu.wait_indirect_dma semaphore(%arg36 : memref<!tpu.dma_semaphore, #tpu.memory_space<semaphore_mem>>) src(%dma_wait3A_109 : memref<10240x128xf32, #tpu.memory_space<hbm>>) dst(%arg20 : memref<112x128xf32, #tpu.memory_space<vmem>>)
    %dma_wait3A_110 = arith.constant 0 : i32
    %dma_wait3A_111 = tpu.memref_slice %arg4[%dma_wait3A_110] : memref<344064xi32, #tpu.memory_space<hbm>> -> memref<112xi32, #tpu.memory_space<hbm>>
    %dma_wait3A_112 = arith.constant 0 : i32
    %dma_wait3A_113 = tpu.memref_slice %arg4[%dma_wait3A_112] : memref<344064xi32, #tpu.memory_space<hbm>> -> memref<112xi32, #tpu.memory_space<hbm>>
    tpu.wait_dma2 semaphore(%arg30 : memref<!tpu.dma_semaphore, #tpu.memory_space<semaphore_mem>>) src(%dma_wait3A_113 : memref<112xi32, #tpu.memory_space<hbm>>) dst(%arg14 : memref<112xi32, #tpu.memory_space<vmem>>)
    %dma_start3A_114 = arith.constant 0 : i32
    %dma_start3A_115 = arith.constant 0 : i32
    %dma_start3A_116 = tpu.memref_slice %arg22[%dma_start3A_114, %dma_start3A_115] : memref<10240x128xf32, #tpu.memory_space<vmem_shared>> -> memref<10240x128xf32, #tpu.memory_space<vmem_shared>>
    tpu.enqueue_indirect_dma source(%arg20 : memref<112x128xf32, #tpu.memory_space<vmem>>) target(%dma_start3A_116 : memref<10240x128xf32, #tpu.memory_space<vmem_shared>>) offsets(%arg14 : memref<112xi32, #tpu.memory_space<vmem>>) semaphore(%arg39 : memref<!tpu.dma_semaphore, #tpu.memory_space<semaphore_mem>>) {add = true}
    %dma_wait3A_117 = arith.constant 0 : i32
    %dma_wait3A_118 = arith.constant 0 : i32
    %dma_wait3A_119 = tpu.memref_slice %arg22[%dma_wait3A_117, %dma_wait3A_118] : memref<10240x128xf32, #tpu.memory_space<vmem_shared>> -> memref<10240x128xf32, #tpu.memory_space<vmem_shared>>
    tpu.wait_indirect_dma semaphore(%arg39 : memref<!tpu.dma_semaphore, #tpu.memory_space<semaphore_mem>>) src(%arg20 : memref<112x128xf32, #tpu.memory_space<vmem>>) dst(%dma_wait3A_119 : memref<10240x128xf32, #tpu.memory_space<vmem_shared>>)
    %dma_wait3A_120 = arith.constant 0 : i32
    %dma_wait3A_121 = tpu.memref_slice %arg3[%dma_wait3A_120] : memref<344064xi32, #tpu.memory_space<hbm>> -> memref<112xi32, #tpu.memory_space<hbm>>
    %dma_wait3A_122 = arith.constant 0 : i32
    %dma_wait3A_123 = tpu.memref_slice %arg3[%dma_wait3A_122] : memref<344064xi32, #tpu.memory_space<hbm>> -> memref<112xi32, #tpu.memory_space<hbm>>
    tpu.wait_dma2 semaphore(%arg27 : memref<!tpu.dma_semaphore, #tpu.memory_space<semaphore_mem>>) src(%dma_wait3A_123 : memref<112xi32, #tpu.memory_space<hbm>>) dst(%arg11 : memref<112xi32, #tpu.memory_space<vmem>>)
    %dma_start3A_124 = arith.constant 0 : i32
    %dma_start3A_125 = arith.constant 0 : i32
    %dma_start3A_126 = tpu.memref_slice %arg2[%dma_start3A_124, %dma_start3A_125] : memref<10240x128xf32, #tpu.memory_space<hbm>> -> memref<10240x128xf32, #tpu.memory_space<hbm>>
    tpu.enqueue_indirect_dma source(%dma_start3A_126 : memref<10240x128xf32, #tpu.memory_space<hbm>>) target(%arg20 : memref<112x128xf32, #tpu.memory_space<vmem>>) offsets(%arg11 : memref<112xi32, #tpu.memory_space<vmem>>) semaphore(%arg36 : memref<!tpu.dma_semaphore, #tpu.memory_space<semaphore_mem>>)
    %dma_wait3A_127 = arith.constant 0 : i32
    %dma_wait3A_128 = arith.constant 0 : i32
    %dma_wait3A_129 = tpu.memref_slice %arg2[%dma_wait3A_127, %dma_wait3A_128] : memref<10240x128xf32, #tpu.memory_space<hbm>> -> memref<10240x128xf32, #tpu.memory_space<hbm>>
    tpu.wait_indirect_dma semaphore(%arg37 : memref<!tpu.dma_semaphore, #tpu.memory_space<semaphore_mem>>) src(%dma_wait3A_129 : memref<10240x128xf32, #tpu.memory_space<hbm>>) dst(%arg21 : memref<112x128xf32, #tpu.memory_space<vmem>>)
    %dma_wait3A_130 = arith.constant 0 : i32
    %dma_wait3A_131 = tpu.memref_slice %arg4[%dma_wait3A_130] : memref<344064xi32, #tpu.memory_space<hbm>> -> memref<112xi32, #tpu.memory_space<hbm>>
    %dma_wait3A_132 = arith.constant 0 : i32
    %dma_wait3A_133 = tpu.memref_slice %arg4[%dma_wait3A_132] : memref<344064xi32, #tpu.memory_space<hbm>> -> memref<112xi32, #tpu.memory_space<hbm>>
    tpu.wait_dma2 semaphore(%arg31 : memref<!tpu.dma_semaphore, #tpu.memory_space<semaphore_mem>>) src(%dma_wait3A_133 : memref<112xi32, #tpu.memory_space<hbm>>) dst(%arg15 : memref<112xi32, #tpu.memory_space<vmem>>)
    %dma_start3A_134 = arith.constant 0 : i32
    %dma_start3A_135 = arith.constant 0 : i32
    %dma_start3A_136 = tpu.memref_slice %arg22[%dma_start3A_134, %dma_start3A_135] : memref<10240x128xf32, #tpu.memory_space<vmem_shared>> -> memref<10240x128xf32, #tpu.memory_space<vmem_shared>>
    tpu.enqueue_indirect_dma source(%arg21 : memref<112x128xf32, #tpu.memory_space<vmem>>) target(%dma_start3A_136 : memref<10240x128xf32, #tpu.memory_space<vmem_shared>>) offsets(%arg15 : memref<112xi32, #tpu.memory_space<vmem>>) semaphore(%arg40 : memref<!tpu.dma_semaphore, #tpu.memory_space<semaphore_mem>>) {add = true}
    %dma_wait3A_137 = arith.constant 0 : i32
    %dma_wait3A_138 = arith.constant 0 : i32
    %dma_wait3A_139 = tpu.memref_slice %arg22[%dma_wait3A_137, %dma_wait3A_138] : memref<10240x128xf32, #tpu.memory_space<vmem_shared>> -> memref<10240x128xf32, #tpu.memory_space<vmem_shared>>
    tpu.wait_indirect_dma semaphore(%arg40 : memref<!tpu.dma_semaphore, #tpu.memory_space<semaphore_mem>>) src(%arg21 : memref<112x128xf32, #tpu.memory_space<vmem>>) dst(%dma_wait3A_139 : memref<10240x128xf32, #tpu.memory_space<vmem_shared>>)
    %dma_wait3A_140 = arith.constant 0 : i32
    %dma_wait3A_141 = tpu.memref_slice %arg3[%dma_wait3A_140] : memref<344064xi32, #tpu.memory_space<hbm>> -> memref<112xi32, #tpu.memory_space<hbm>>
    %dma_wait3A_142 = arith.constant 0 : i32
    %dma_wait3A_143 = tpu.memref_slice %arg3[%dma_wait3A_142] : memref<344064xi32, #tpu.memory_space<hbm>> -> memref<112xi32, #tpu.memory_space<hbm>>
    tpu.wait_dma2 semaphore(%arg28 : memref<!tpu.dma_semaphore, #tpu.memory_space<semaphore_mem>>) src(%dma_wait3A_143 : memref<112xi32, #tpu.memory_space<hbm>>) dst(%arg12 : memref<112xi32, #tpu.memory_space<vmem>>)
    %dma_start3A_144 = arith.constant 0 : i32
    %dma_start3A_145 = arith.constant 0 : i32
    %dma_start3A_146 = tpu.memref_slice %arg2[%dma_start3A_144, %dma_start3A_145] : memref<10240x128xf32, #tpu.memory_space<hbm>> -> memref<10240x128xf32, #tpu.memory_space<hbm>>
    tpu.enqueue_indirect_dma source(%dma_start3A_146 : memref<10240x128xf32, #tpu.memory_space<hbm>>) target(%arg21 : memref<112x128xf32, #tpu.memory_space<vmem>>) offsets(%arg12 : memref<112xi32, #tpu.memory_space<vmem>>) semaphore(%arg37 : memref<!tpu.dma_semaphore, #tpu.memory_space<semaphore_mem>>)
    %dma_wait3A_147 = arith.constant 0 : i32
    %dma_wait3A_148 = arith.constant 0 : i32
    %dma_wait3A_149 = tpu.memref_slice %arg2[%dma_wait3A_147, %dma_wait3A_148] : memref<10240x128xf32, #tpu.memory_space<hbm>> -> memref<10240x128xf32, #tpu.memory_space<hbm>>
    tpu.wait_indirect_dma semaphore(%arg35 : memref<!tpu.dma_semaphore, #tpu.memory_space<semaphore_mem>>) src(%dma_wait3A_149 : memref<10240x128xf32, #tpu.memory_space<hbm>>) dst(%arg19 : memref<112x128xf32, #tpu.memory_space<vmem>>)
    %dma_wait3A_150 = arith.constant 0 : i32
    %dma_wait3A_151 = tpu.memref_slice %arg4[%dma_wait3A_150] : memref<344064xi32, #tpu.memory_space<hbm>> -> memref<112xi32, #tpu.memory_space<hbm>>
    %dma_wait3A_152 = arith.constant 0 : i32
    %dma_wait3A_153 = tpu.memref_slice %arg4[%dma_wait3A_152] : memref<344064xi32, #tpu.memory_space<hbm>> -> memref<112xi32, #tpu.memory_space<hbm>>
    tpu.wait_dma2 semaphore(%arg32 : memref<!tpu.dma_semaphore, #tpu.memory_space<semaphore_mem>>) src(%dma_wait3A_153 : memref<112xi32, #tpu.memory_space<hbm>>) dst(%arg16 : memref<112xi32, #tpu.memory_space<vmem>>)
    %dma_start3A_154 = arith.constant 0 : i32
    %dma_start3A_155 = arith.constant 0 : i32
    %dma_start3A_156 = tpu.memref_slice %arg22[%dma_start3A_154, %dma_start3A_155] : memref<10240x128xf32, #tpu.memory_space<vmem_shared>> -> memref<10240x128xf32, #tpu.memory_space<vmem_shared>>
    tpu.enqueue_indirect_dma source(%arg19 : memref<112x128xf32, #tpu.memory_space<vmem>>) target(%dma_start3A_156 : memref<10240x128xf32, #tpu.memory_space<vmem_shared>>) offsets(%arg16 : memref<112xi32, #tpu.memory_space<vmem>>) semaphore(%arg38 : memref<!tpu.dma_semaphore, #tpu.memory_space<semaphore_mem>>) {add = true}
    %dma_wait3A_157 = arith.constant 0 : i32
    %dma_wait3A_158 = arith.constant 0 : i32
    %dma_wait3A_159 = tpu.memref_slice %arg2[%dma_wait3A_157, %dma_wait3A_158] : memref<10240x128xf32, #tpu.memory_space<hbm>> -> memref<10240x128xf32, #tpu.memory_space<hbm>>
    tpu.wait_indirect_dma semaphore(%arg36 : memref<!tpu.dma_semaphore, #tpu.memory_space<semaphore_mem>>) src(%dma_wait3A_159 : memref<10240x128xf32, #tpu.memory_space<hbm>>) dst(%arg20 : memref<112x128xf32, #tpu.memory_space<vmem>>)
    %dma_wait3A_160 = arith.constant 0 : i32
    %dma_wait3A_161 = tpu.memref_slice %arg4[%dma_wait3A_160] : memref<344064xi32, #tpu.memory_space<hbm>> -> memref<112xi32, #tpu.memory_space<hbm>>
    %dma_wait3A_162 = arith.constant 0 : i32
    %dma_wait3A_163 = tpu.memref_slice %arg4[%dma_wait3A_162] : memref<344064xi32, #tpu.memory_space<hbm>> -> memref<112xi32, #tpu.memory_space<hbm>>
    tpu.wait_dma2 semaphore(%arg33 : memref<!tpu.dma_semaphore, #tpu.memory_space<semaphore_mem>>) src(%dma_wait3A_163 : memref<112xi32, #tpu.memory_space<hbm>>) dst(%arg17 : memref<112xi32, #tpu.memory_space<vmem>>)
    %dma_start3A_164 = arith.constant 0 : i32
    %dma_start3A_165 = arith.constant 0 : i32
    %dma_start3A_166 = tpu.memref_slice %arg22[%dma_start3A_164, %dma_start3A_165] : memref<10240x128xf32, #tpu.memory_space<vmem_shared>> -> memref<10240x128xf32, #tpu.memory_space<vmem_shared>>
    tpu.enqueue_indirect_dma source(%arg20 : memref<112x128xf32, #tpu.memory_space<vmem>>) target(%dma_start3A_166 : memref<10240x128xf32, #tpu.memory_space<vmem_shared>>) offsets(%arg17 : memref<112xi32, #tpu.memory_space<vmem>>) semaphore(%arg39 : memref<!tpu.dma_semaphore, #tpu.memory_space<semaphore_mem>>) {add = true}
    %dma_wait3A_167 = arith.constant 0 : i32
    %dma_wait3A_168 = arith.constant 0 : i32
    %dma_wait3A_169 = tpu.memref_slice %arg2[%dma_wait3A_167, %dma_wait3A_168] : memref<10240x128xf32, #tpu.memory_space<hbm>> -> memref<10240x128xf32, #tpu.memory_space<hbm>>
    tpu.wait_indirect_dma semaphore(%arg37 : memref<!tpu.dma_semaphore, #tpu.memory_space<semaphore_mem>>) src(%dma_wait3A_169 : memref<10240x128xf32, #tpu.memory_space<hbm>>) dst(%arg21 : memref<112x128xf32, #tpu.memory_space<vmem>>)
    %dma_wait3A_170 = arith.constant 0 : i32
    %dma_wait3A_171 = tpu.memref_slice %arg4[%dma_wait3A_170] : memref<344064xi32, #tpu.memory_space<hbm>> -> memref<112xi32, #tpu.memory_space<hbm>>
    %dma_wait3A_172 = arith.constant 0 : i32
    %dma_wait3A_173 = tpu.memref_slice %arg4[%dma_wait3A_172] : memref<344064xi32, #tpu.memory_space<hbm>> -> memref<112xi32, #tpu.memory_space<hbm>>
    tpu.wait_dma2 semaphore(%arg34 : memref<!tpu.dma_semaphore, #tpu.memory_space<semaphore_mem>>) src(%dma_wait3A_173 : memref<112xi32, #tpu.memory_space<hbm>>) dst(%arg18 : memref<112xi32, #tpu.memory_space<vmem>>)
    %dma_start3A_174 = arith.constant 0 : i32
    %dma_start3A_175 = arith.constant 0 : i32
    %dma_start3A_176 = tpu.memref_slice %arg22[%dma_start3A_174, %dma_start3A_175] : memref<10240x128xf32, #tpu.memory_space<vmem_shared>> -> memref<10240x128xf32, #tpu.memory_space<vmem_shared>>
    tpu.enqueue_indirect_dma source(%arg21 : memref<112x128xf32, #tpu.memory_space<vmem>>) target(%dma_start3A_176 : memref<10240x128xf32, #tpu.memory_space<vmem_shared>>) offsets(%arg18 : memref<112xi32, #tpu.memory_space<vmem>>) semaphore(%arg40 : memref<!tpu.dma_semaphore, #tpu.memory_space<semaphore_mem>>) {add = true}
    %dma_wait3A_177 = arith.constant 0 : i32
    %dma_wait3A_178 = arith.constant 0 : i32
    %dma_wait3A_179 = tpu.memref_slice %arg22[%dma_wait3A_177, %dma_wait3A_178] : memref<10240x128xf32, #tpu.memory_space<vmem_shared>> -> memref<10240x128xf32, #tpu.memory_space<vmem_shared>>
    tpu.wait_indirect_dma semaphore(%arg38 : memref<!tpu.dma_semaphore, #tpu.memory_space<semaphore_mem>>) src(%arg19 : memref<112x128xf32, #tpu.memory_space<vmem>>) dst(%dma_wait3A_179 : memref<10240x128xf32, #tpu.memory_space<vmem_shared>>)
    %dma_wait3A_180 = arith.constant 0 : i32
    %dma_wait3A_181 = arith.constant 0 : i32
    %dma_wait3A_182 = tpu.memref_slice %arg22[%dma_wait3A_180, %dma_wait3A_181] : memref<10240x128xf32, #tpu.memory_space<vmem_shared>> -> memref<10240x128xf32, #tpu.memory_space<vmem_shared>>
    tpu.wait_indirect_dma semaphore(%arg39 : memref<!tpu.dma_semaphore, #tpu.memory_space<semaphore_mem>>) src(%arg20 : memref<112x128xf32, #tpu.memory_space<vmem>>) dst(%dma_wait3A_182 : memref<10240x128xf32, #tpu.memory_space<vmem_shared>>)
    %dma_wait3A_183 = arith.constant 0 : i32
    %dma_wait3A_184 = arith.constant 0 : i32
    %dma_wait3A_185 = tpu.memref_slice %arg22[%dma_wait3A_183, %dma_wait3A_184] : memref<10240x128xf32, #tpu.memory_space<vmem_shared>> -> memref<10240x128xf32, #tpu.memory_space<vmem_shared>>
    tpu.wait_indirect_dma semaphore(%arg40 : memref<!tpu.dma_semaphore, #tpu.memory_space<semaphore_mem>>) src(%arg21 : memref<112x128xf32, #tpu.memory_space<vmem>>) dst(%dma_wait3A_185 : memref<10240x128xf32, #tpu.memory_space<vmem_shared>>)
    %barrier3A_186 = arith.constant 0 : index
    tpu.barrier barrier_id(%barrier3A_186)
    %add3A_187 = arith.constant 0 : i32
    %add3A_188 = arith.addi %mul3A_4, %add3A_187 : i32
    %add3A_189 = arith.constant 0 : i32
    %add3A_190 = arith.addi %mul3A_4, %add3A_189 : i32
    "tpu.region"() ({
      %run_scoped3A = tpu.sem_alloc : memref<!tpu.dma_semaphore, #tpu.memory_space<semaphore_mem>>
      %dma_start3A_207 = arith.constant 0 : i32
      %dma_start3A_208 = arith.constant 0 : i32
      %dma_start3A_209 = tpu.memref_slice %arg6[%arg0, %dma_start3A_207, %dma_start3A_208] : memref<2x10240x128xf32, #tpu.memory_space<hbm>> -> memref<1x10240x128xf32, #tpu.memory_space<hbm>>
      %dma_start3A_210 = tpu.memref_squeeze %dma_start3A_209 : memref<1x10240x128xf32, #tpu.memory_space<hbm>> -> memref<10240x128xf32, #tpu.memory_space<hbm>>
      %dma_start3A_211 = arith.constant 0 : i32
      %dma_start3A_212 = tpu.memref_slice %dma_start3A_210[%add3A_190, %dma_start3A_211] : memref<10240x128xf32, #tpu.memory_space<hbm>> -> memref<128x128xf32, #tpu.memory_space<hbm>>
      %dma_start3A_213 = arith.constant 0 : i32
      %dma_start3A_214 = tpu.memref_slice %arg22[%add3A_188, %dma_start3A_213] : memref<10240x128xf32, #tpu.memory_space<vmem_shared>> -> memref<128x128xf32, #tpu.memory_space<vmem_shared>>
      tpu.enqueue_dma source(%dma_start3A_214 : memref<128x128xf32, #tpu.memory_space<vmem_shared>>) target(%dma_start3A_212 : memref<128x128xf32, #tpu.memory_space<hbm>>) target_semaphore(%run_scoped3A : memref<!tpu.dma_semaphore, #tpu.memory_space<semaphore_mem>>)
      %dma_wait3A_215 = arith.constant 0 : i32
      %dma_wait3A_216 = arith.constant 0 : i32
      %dma_wait3A_217 = tpu.memref_slice %arg6[%arg0, %dma_wait3A_215, %dma_wait3A_216] : memref<2x10240x128xf32, #tpu.memory_space<hbm>> -> memref<1x10240x128xf32, #tpu.memory_space<hbm>>
      %dma_wait3A_218 = tpu.memref_squeeze %dma_wait3A_217 : memref<1x10240x128xf32, #tpu.memory_space<hbm>> -> memref<10240x128xf32, #tpu.memory_space<hbm>>
      %dma_wait3A_219 = arith.constant 0 : i32
      %dma_wait3A_220 = tpu.memref_slice %dma_wait3A_218[%add3A_190, %dma_wait3A_219] : memref<10240x128xf32, #tpu.memory_space<hbm>> -> memref<128x128xf32, #tpu.memory_space<hbm>>
      %dma_wait3A_221 = arith.constant 0 : i32
      %dma_wait3A_222 = tpu.memref_slice %arg22[%add3A_188, %dma_wait3A_221] : memref<10240x128xf32, #tpu.memory_space<vmem_shared>> -> memref<128x128xf32, #tpu.memory_space<vmem_shared>>
      tpu.wait_dma2 semaphore(%run_scoped3A : memref<!tpu.dma_semaphore, #tpu.memory_space<semaphore_mem>>) src(%dma_wait3A_222 : memref<128x128xf32, #tpu.memory_space<vmem_shared>>) dst(%dma_wait3A_220 : memref<128x128xf32, #tpu.memory_space<hbm>>)
      tpu.yield
    }) : () -> ()
    %add3A_191 = arith.constant 128 : i32
    %add3A_192 = arith.addi %mul3A_4, %add3A_191 : i32
    %add3A_193 = arith.constant 128 : i32
    %add3A_194 = arith.addi %mul3A_4, %add3A_193 : i32
    "tpu.region"() ({
      %run_scoped3A = tpu.sem_alloc : memref<!tpu.dma_semaphore, #tpu.memory_space<semaphore_mem>>
      %dma_start3A_207 = arith.constant 0 : i32
      %dma_start3A_208 = arith.constant 0 : i32
      %dma_start3A_209 = tpu.memref_slice %arg6[%arg0, %dma_start3A_207, %dma_start3A_208] : memref<2x10240x128xf32, #tpu.memory_space<hbm>> -> memref<1x10240x128xf32, #tpu.memory_space<hbm>>
      %dma_start3A_210 = tpu.memref_squeeze %dma_start3A_209 : memref<1x10240x128xf32, #tpu.memory_space<hbm>> -> memref<10240x128xf32, #tpu.memory_space<hbm>>
      %dma_start3A_211 = arith.constant 0 : i32
      %dma_start3A_212 = tpu.memref_slice %dma_start3A_210[%add3A_194, %dma_start3A_211] : memref<10240x128xf32, #tpu.memory_space<hbm>> -> memref<128x128xf32, #tpu.memory_space<hbm>>
      %dma_start3A_213 = arith.constant 0 : i32
      %dma_start3A_214 = tpu.memref_slice %arg22[%add3A_192, %dma_start3A_213] : memref<10240x128xf32, #tpu.memory_space<vmem_shared>> -> memref<128x128xf32, #tpu.memory_space<vmem_shared>>
      tpu.enqueue_dma source(%dma_start3A_214 : memref<128x128xf32, #tpu.memory_space<vmem_shared>>) target(%dma_start3A_212 : memref<128x128xf32, #tpu.memory_space<hbm>>) target_semaphore(%run_scoped3A : memref<!tpu.dma_semaphore, #tpu.memory_space<semaphore_mem>>)
      %dma_wait3A_215 = arith.constant 0 : i32
      %dma_wait3A_216 = arith.constant 0 : i32
      %dma_wait3A_217 = tpu.memref_slice %arg6[%arg0, %dma_wait3A_215, %dma_wait3A_216] : memref<2x10240x128xf32, #tpu.memory_space<hbm>> -> memref<1x10240x128xf32, #tpu.memory_space<hbm>>
      %dma_wait3A_218 = tpu.memref_squeeze %dma_wait3A_217 : memref<1x10240x128xf32, #tpu.memory_space<hbm>> -> memref<10240x128xf32, #tpu.memory_space<hbm>>
      %dma_wait3A_219 = arith.constant 0 : i32
      %dma_wait3A_220 = tpu.memref_slice %dma_wait3A_218[%add3A_194, %dma_wait3A_219] : memref<10240x128xf32, #tpu.memory_space<hbm>> -> memref<128x128xf32, #tpu.memory_space<hbm>>
      %dma_wait3A_221 = arith.constant 0 : i32
      %dma_wait3A_222 = tpu.memref_slice %arg22[%add3A_192, %dma_wait3A_221] : memref<10240x128xf32, #tpu.memory_space<vmem_shared>> -> memref<128x128xf32, #tpu.memory_space<vmem_shared>>
      tpu.wait_dma2 semaphore(%run_scoped3A : memref<!tpu.dma_semaphore, #tpu.memory_space<semaphore_mem>>) src(%dma_wait3A_222 : memref<128x128xf32, #tpu.memory_space<vmem_shared>>) dst(%dma_wait3A_220 : memref<128x128xf32, #tpu.memory_space<hbm>>)
      tpu.yield
    }) : () -> ()
    %add3A_195 = arith.constant 256 : i32
    %add3A_196 = arith.addi %mul3A_4, %add3A_195 : i32
    %add3A_197 = arith.constant 256 : i32
    %add3A_198 = arith.addi %mul3A_4, %add3A_197 : i32
    "tpu.region"() ({
      %run_scoped3A = tpu.sem_alloc : memref<!tpu.dma_semaphore, #tpu.memory_space<semaphore_mem>>
      %dma_start3A_207 = arith.constant 0 : i32
      %dma_start3A_208 = arith.constant 0 : i32
      %dma_start3A_209 = tpu.memref_slice %arg6[%arg0, %dma_start3A_207, %dma_start3A_208] : memref<2x10240x128xf32, #tpu.memory_space<hbm>> -> memref<1x10240x128xf32, #tpu.memory_space<hbm>>
      %dma_start3A_210 = tpu.memref_squeeze %dma_start3A_209 : memref<1x10240x128xf32, #tpu.memory_space<hbm>> -> memref<10240x128xf32, #tpu.memory_space<hbm>>
      %dma_start3A_211 = arith.constant 0 : i32
      %dma_start3A_212 = tpu.memref_slice %dma_start3A_210[%add3A_198, %dma_start3A_211] : memref<10240x128xf32, #tpu.memory_space<hbm>> -> memref<128x128xf32, #tpu.memory_space<hbm>>
      %dma_start3A_213 = arith.constant 0 : i32
      %dma_start3A_214 = tpu.memref_slice %arg22[%add3A_196, %dma_start3A_213] : memref<10240x128xf32, #tpu.memory_space<vmem_shared>> -> memref<128x128xf32, #tpu.memory_space<vmem_shared>>
      tpu.enqueue_dma source(%dma_start3A_214 : memref<128x128xf32, #tpu.memory_space<vmem_shared>>) target(%dma_start3A_212 : memref<128x128xf32, #tpu.memory_space<hbm>>) target_semaphore(%run_scoped3A : memref<!tpu.dma_semaphore, #tpu.memory_space<semaphore_mem>>)
      %dma_wait3A_215 = arith.constant 0 : i32
      %dma_wait3A_216 = arith.constant 0 : i32
      %dma_wait3A_217 = tpu.memref_slice %arg6[%arg0, %dma_wait3A_215, %dma_wait3A_216] : memref<2x10240x128xf32, #tpu.memory_space<hbm>> -> memref<1x10240x128xf32, #tpu.memory_space<hbm>>
      %dma_wait3A_218 = tpu.memref_squeeze %dma_wait3A_217 : memref<1x10240x128xf32, #tpu.memory_space<hbm>> -> memref<10240x128xf32, #tpu.memory_space<hbm>>
      %dma_wait3A_219 = arith.constant 0 : i32
      %dma_wait3A_220 = tpu.memref_slice %dma_wait3A_218[%add3A_198, %dma_wait3A_219] : memref<10240x128xf32, #tpu.memory_space<hbm>> -> memref<128x128xf32, #tpu.memory_space<hbm>>
      %dma_wait3A_221 = arith.constant 0 : i32
      %dma_wait3A_222 = tpu.memref_slice %arg22[%add3A_196, %dma_wait3A_221] : memref<10240x128xf32, #tpu.memory_space<vmem_shared>> -> memref<128x128xf32, #tpu.memory_space<vmem_shared>>
      tpu.wait_dma2 semaphore(%run_scoped3A : memref<!tpu.dma_semaphore, #tpu.memory_space<semaphore_mem>>) src(%dma_wait3A_222 : memref<128x128xf32, #tpu.memory_space<vmem_shared>>) dst(%dma_wait3A_220 : memref<128x128xf32, #tpu.memory_space<hbm>>)
      tpu.yield
    }) : () -> ()
    %add3A_199 = arith.constant 384 : i32
    %add3A_200 = arith.addi %mul3A_4, %add3A_199 : i32
    %add3A_201 = arith.constant 384 : i32
    %add3A_202 = arith.addi %mul3A_4, %add3A_201 : i32
    "tpu.region"() ({
      %run_scoped3A = tpu.sem_alloc : memref<!tpu.dma_semaphore, #tpu.memory_space<semaphore_mem>>
      %dma_start3A_207 = arith.constant 0 : i32
      %dma_start3A_208 = arith.constant 0 : i32
      %dma_start3A_209 = tpu.memref_slice %arg6[%arg0, %dma_start3A_207, %dma_start3A_208] : memref<2x10240x128xf32, #tpu.memory_space<hbm>> -> memref<1x10240x128xf32, #tpu.memory_space<hbm>>
      %dma_start3A_210 = tpu.memref_squeeze %dma_start3A_209 : memref<1x10240x128xf32, #tpu.memory_space<hbm>> -> memref<10240x128xf32, #tpu.memory_space<hbm>>
      %dma_start3A_211 = arith.constant 0 : i32
      %dma_start3A_212 = tpu.memref_slice %dma_start3A_210[%add3A_202, %dma_start3A_211] : memref<10240x128xf32, #tpu.memory_space<hbm>> -> memref<128x128xf32, #tpu.memory_space<hbm>>
      %dma_start3A_213 = arith.constant 0 : i32
      %dma_start3A_214 = tpu.memref_slice %arg22[%add3A_200, %dma_start3A_213] : memref<10240x128xf32, #tpu.memory_space<vmem_shared>> -> memref<128x128xf32, #tpu.memory_space<vmem_shared>>
      tpu.enqueue_dma source(%dma_start3A_214 : memref<128x128xf32, #tpu.memory_space<vmem_shared>>) target(%dma_start3A_212 : memref<128x128xf32, #tpu.memory_space<hbm>>) target_semaphore(%run_scoped3A : memref<!tpu.dma_semaphore, #tpu.memory_space<semaphore_mem>>)
      %dma_wait3A_215 = arith.constant 0 : i32
      %dma_wait3A_216 = arith.constant 0 : i32
      %dma_wait3A_217 = tpu.memref_slice %arg6[%arg0, %dma_wait3A_215, %dma_wait3A_216] : memref<2x10240x128xf32, #tpu.memory_space<hbm>> -> memref<1x10240x128xf32, #tpu.memory_space<hbm>>
      %dma_wait3A_218 = tpu.memref_squeeze %dma_wait3A_217 : memref<1x10240x128xf32, #tpu.memory_space<hbm>> -> memref<10240x128xf32, #tpu.memory_space<hbm>>
      %dma_wait3A_219 = arith.constant 0 : i32
      %dma_wait3A_220 = tpu.memref_slice %dma_wait3A_218[%add3A_202, %dma_wait3A_219] : memref<10240x128xf32, #tpu.memory_space<hbm>> -> memref<128x128xf32, #tpu.memory_space<hbm>>
      %dma_wait3A_221 = arith.constant 0 : i32
      %dma_wait3A_222 = tpu.memref_slice %arg22[%add3A_200, %dma_wait3A_221] : memref<10240x128xf32, #tpu.memory_space<vmem_shared>> -> memref<128x128xf32, #tpu.memory_space<vmem_shared>>
      tpu.wait_dma2 semaphore(%run_scoped3A : memref<!tpu.dma_semaphore, #tpu.memory_space<semaphore_mem>>) src(%dma_wait3A_222 : memref<128x128xf32, #tpu.memory_space<vmem_shared>>) dst(%dma_wait3A_220 : memref<128x128xf32, #tpu.memory_space<hbm>>)
      tpu.yield
    }) : () -> ()
    %add3A_203 = arith.constant 512 : i32
    %add3A_204 = arith.addi %mul3A_4, %add3A_203 : i32
    %add3A_205 = arith.constant 512 : i32
    %add3A_206 = arith.addi %mul3A_4, %add3A_205 : i32
    "tpu.region"() ({
      %run_scoped3A = tpu.sem_alloc : memref<!tpu.dma_semaphore, #tpu.memory_space<semaphore_mem>>
      %dma_start3A_207 = arith.constant 0 : i32
      %dma_start3A_208 = arith.constant 0 : i32
      %dma_start3A_209 = tpu.memref_slice %arg6[%arg0, %dma_start3A_207, %dma_start3A_208] : memref<2x10240x128xf32, #tpu.memory_space<hbm>> -> memref<1x10240x128xf32, #tpu.memory_space<hbm>>
      %dma_start3A_210 = tpu.memref_squeeze %dma_start3A_209 : memref<1x10240x128xf32, #tpu.memory_space<hbm>> -> memref<10240x128xf32, #tpu.memory_space<hbm>>
      %dma_start3A_211 = arith.constant 0 : i32
      %dma_start3A_212 = tpu.memref_slice %dma_start3A_210[%add3A_206, %dma_start3A_211] : memref<10240x128xf32, #tpu.memory_space<hbm>> -> memref<128x128xf32, #tpu.memory_space<hbm>>
      %dma_start3A_213 = arith.constant 0 : i32
      %dma_start3A_214 = tpu.memref_slice %arg22[%add3A_204, %dma_start3A_213] : memref<10240x128xf32, #tpu.memory_space<vmem_shared>> -> memref<128x128xf32, #tpu.memory_space<vmem_shared>>
      tpu.enqueue_dma source(%dma_start3A_214 : memref<128x128xf32, #tpu.memory_space<vmem_shared>>) target(%dma_start3A_212 : memref<128x128xf32, #tpu.memory_space<hbm>>) target_semaphore(%run_scoped3A : memref<!tpu.dma_semaphore, #tpu.memory_space<semaphore_mem>>)
      %dma_wait3A_215 = arith.constant 0 : i32
      %dma_wait3A_216 = arith.constant 0 : i32
      %dma_wait3A_217 = tpu.memref_slice %arg6[%arg0, %dma_wait3A_215, %dma_wait3A_216] : memref<2x10240x128xf32, #tpu.memory_space<hbm>> -> memref<1x10240x128xf32, #tpu.memory_space<hbm>>
      %dma_wait3A_218 = tpu.memref_squeeze %dma_wait3A_217 : memref<1x10240x128xf32, #tpu.memory_space<hbm>> -> memref<10240x128xf32, #tpu.memory_space<hbm>>
      %dma_wait3A_219 = arith.constant 0 : i32
      %dma_wait3A_220 = tpu.memref_slice %dma_wait3A_218[%add3A_206, %dma_wait3A_219] : memref<10240x128xf32, #tpu.memory_space<hbm>> -> memref<128x128xf32, #tpu.memory_space<hbm>>
      %dma_wait3A_221 = arith.constant 0 : i32
      %dma_wait3A_222 = tpu.memref_slice %arg22[%add3A_204, %dma_wait3A_221] : memref<10240x128xf32, #tpu.memory_space<vmem_shared>> -> memref<128x128xf32, #tpu.memory_space<vmem_shared>>
      tpu.wait_dma2 semaphore(%run_scoped3A : memref<!tpu.dma_semaphore, #tpu.memory_space<semaphore_mem>>) src(%dma_wait3A_222 : memref<128x128xf32, #tpu.memory_space<vmem_shared>>) dst(%dma_wait3A_220 : memref<128x128xf32, #tpu.memory_space<hbm>>)
      tpu.yield
    }) : () -> ()
    return
  }
}

#map = affine_map<(d0, d1) -> (0)>
#map1 = affine_map<(d0, d1) -> (0, 0)>
#map2 = affine_map<(d0, d1) -> (0, 0, 0)>
module attributes {stable_mosaic.version = 14 : i64} {
  func.func @_sc_deg(%arg0: i32, %arg1: i32, %arg2: memref<344064xi32, #tpu.memory_space<hbm>>, %arg3: memref<112x128xf32, #tpu.memory_space<hbm>>, %arg4: memref<128x128xf32, #tpu.memory_space<hbm>>, %arg5: memref<2x10240x128xf32, #tpu.memory_space<hbm>>, %arg6: memref<112xi32, #tpu.memory_space<vmem>>, %arg7: memref<112xi32, #tpu.memory_space<vmem>>, %arg8: memref<112xi32, #tpu.memory_space<vmem>>, %arg9: memref<112xi32, #tpu.memory_space<vmem>>, %arg10: memref<112x128xf32, #tpu.memory_space<vmem>>, %arg11: memref<10240x128xf32, #tpu.memory_space<vmem_shared>>, %arg12: memref<!tpu.dma_semaphore, #tpu.memory_space<semaphore_mem>>, %arg13: memref<!tpu.dma_semaphore, #tpu.memory_space<semaphore_mem>>, %arg14: memref<!tpu.dma_semaphore, #tpu.memory_space<semaphore_mem>>, %arg15: memref<!tpu.dma_semaphore, #tpu.memory_space<semaphore_mem>>, %arg16: memref<!tpu.dma_semaphore, #tpu.memory_space<semaphore_mem>>, %arg17: memref<!tpu.dma_semaphore, #tpu.memory_space<semaphore_mem>>, %arg18: memref<!tpu.dma_semaphore, #tpu.memory_space<semaphore_mem>>, %arg19: memref<!tpu.dma_semaphore, #tpu.memory_space<semaphore_mem>>) attributes {dimension_semantics = [#tpu.dimension_semantics<core_parallel>, #tpu.dimension_semantics<subcore_parallel>], iteration_bounds = array<i64: 2, 16>, scalar_prefetch = 0 : i64, scratch_operands = 14 : i64, tpu.core_type = #tpu.core_type<sc_vector_subcore>, window_params = [{transform_indices = #map}, {transform_indices = #map1}, {transform_indices = #map1}, {transform_indices = #map2}]} {
    %mul3A = arith.constant 16 : i32
    %mul3A_0 = arith.muli %arg0, %mul3A : i32
    %add3A = arith.addi %mul3A_0, %arg1 : i32
    %mul3A_1 = arith.constant 10752 : i32
    %mul3A_2 = arith.muli %add3A, %mul3A_1 : i32
    "tpu.region"() ({
      %run_scoped3A = tpu.sem_alloc : memref<!tpu.dma_semaphore, #tpu.memory_space<semaphore_mem>>
      tpu.enqueue_dma source(%arg3 : memref<112x128xf32, #tpu.memory_space<hbm>>) target(%arg10 : memref<112x128xf32, #tpu.memory_space<vmem>>) target_semaphore(%run_scoped3A : memref<!tpu.dma_semaphore, #tpu.memory_space<semaphore_mem>>)
      tpu.wait_dma2 semaphore(%run_scoped3A : memref<!tpu.dma_semaphore, #tpu.memory_space<semaphore_mem>>) src(%arg3 : memref<112x128xf32, #tpu.memory_space<hbm>>) dst(%arg10 : memref<112x128xf32, #tpu.memory_space<vmem>>)
      tpu.yield
    }) : () -> ()
    %mul3A_3 = arith.constant 640 : i32
    %mul3A_4 = arith.muli %arg1, %mul3A_3 : i32
    %add3A_5 = arith.constant 0 : i32
    %add3A_6 = arith.addi %mul3A_4, %add3A_5 : i32
    "tpu.region"() ({
      %run_scoped3A = tpu.sem_alloc : memref<!tpu.dma_semaphore, #tpu.memory_space<semaphore_mem>>
      %dma_start3A_95 = arith.constant 0 : i32
      %dma_start3A_96 = tpu.memref_slice %arg11[%add3A_6, %dma_start3A_95] : memref<10240x128xf32, #tpu.memory_space<vmem_shared>> -> memref<128x128xf32, #tpu.memory_space<vmem_shared>>
      tpu.enqueue_dma source(%arg4 : memref<128x128xf32, #tpu.memory_space<hbm>>) target(%dma_start3A_96 : memref<128x128xf32, #tpu.memory_space<vmem_shared>>) target_semaphore(%run_scoped3A : memref<!tpu.dma_semaphore, #tpu.memory_space<semaphore_mem>>)
      %dma_wait3A_97 = arith.constant 0 : i32
      %dma_wait3A_98 = tpu.memref_slice %arg11[%add3A_6, %dma_wait3A_97] : memref<10240x128xf32, #tpu.memory_space<vmem_shared>> -> memref<128x128xf32, #tpu.memory_space<vmem_shared>>
      tpu.wait_dma2 semaphore(%run_scoped3A : memref<!tpu.dma_semaphore, #tpu.memory_space<semaphore_mem>>) src(%arg4 : memref<128x128xf32, #tpu.memory_space<hbm>>) dst(%dma_wait3A_98 : memref<128x128xf32, #tpu.memory_space<vmem_shared>>)
      tpu.yield
    }) : () -> ()
    %add3A_7 = arith.constant 128 : i32
    %add3A_8 = arith.addi %mul3A_4, %add3A_7 : i32
    "tpu.region"() ({
      %run_scoped3A = tpu.sem_alloc : memref<!tpu.dma_semaphore, #tpu.memory_space<semaphore_mem>>
      %dma_start3A_95 = arith.constant 0 : i32
      %dma_start3A_96 = tpu.memref_slice %arg11[%add3A_8, %dma_start3A_95] : memref<10240x128xf32, #tpu.memory_space<vmem_shared>> -> memref<128x128xf32, #tpu.memory_space<vmem_shared>>
      tpu.enqueue_dma source(%arg4 : memref<128x128xf32, #tpu.memory_space<hbm>>) target(%dma_start3A_96 : memref<128x128xf32, #tpu.memory_space<vmem_shared>>) target_semaphore(%run_scoped3A : memref<!tpu.dma_semaphore, #tpu.memory_space<semaphore_mem>>)
      %dma_wait3A_97 = arith.constant 0 : i32
      %dma_wait3A_98 = tpu.memref_slice %arg11[%add3A_8, %dma_wait3A_97] : memref<10240x128xf32, #tpu.memory_space<vmem_shared>> -> memref<128x128xf32, #tpu.memory_space<vmem_shared>>
      tpu.wait_dma2 semaphore(%run_scoped3A : memref<!tpu.dma_semaphore, #tpu.memory_space<semaphore_mem>>) src(%arg4 : memref<128x128xf32, #tpu.memory_space<hbm>>) dst(%dma_wait3A_98 : memref<128x128xf32, #tpu.memory_space<vmem_shared>>)
      tpu.yield
    }) : () -> ()
    %add3A_9 = arith.constant 256 : i32
    %add3A_10 = arith.addi %mul3A_4, %add3A_9 : i32
    "tpu.region"() ({
      %run_scoped3A = tpu.sem_alloc : memref<!tpu.dma_semaphore, #tpu.memory_space<semaphore_mem>>
      %dma_start3A_95 = arith.constant 0 : i32
      %dma_start3A_96 = tpu.memref_slice %arg11[%add3A_10, %dma_start3A_95] : memref<10240x128xf32, #tpu.memory_space<vmem_shared>> -> memref<128x128xf32, #tpu.memory_space<vmem_shared>>
      tpu.enqueue_dma source(%arg4 : memref<128x128xf32, #tpu.memory_space<hbm>>) target(%dma_start3A_96 : memref<128x128xf32, #tpu.memory_space<vmem_shared>>) target_semaphore(%run_scoped3A : memref<!tpu.dma_semaphore, #tpu.memory_space<semaphore_mem>>)
      %dma_wait3A_97 = arith.constant 0 : i32
      %dma_wait3A_98 = tpu.memref_slice %arg11[%add3A_10, %dma_wait3A_97] : memref<10240x128xf32, #tpu.memory_space<vmem_shared>> -> memref<128x128xf32, #tpu.memory_space<vmem_shared>>
      tpu.wait_dma2 semaphore(%run_scoped3A : memref<!tpu.dma_semaphore, #tpu.memory_space<semaphore_mem>>) src(%arg4 : memref<128x128xf32, #tpu.memory_space<hbm>>) dst(%dma_wait3A_98 : memref<128x128xf32, #tpu.memory_space<vmem_shared>>)
      tpu.yield
    }) : () -> ()
    %add3A_11 = arith.constant 384 : i32
    %add3A_12 = arith.addi %mul3A_4, %add3A_11 : i32
    "tpu.region"() ({
      %run_scoped3A = tpu.sem_alloc : memref<!tpu.dma_semaphore, #tpu.memory_space<semaphore_mem>>
      %dma_start3A_95 = arith.constant 0 : i32
      %dma_start3A_96 = tpu.memref_slice %arg11[%add3A_12, %dma_start3A_95] : memref<10240x128xf32, #tpu.memory_space<vmem_shared>> -> memref<128x128xf32, #tpu.memory_space<vmem_shared>>
      tpu.enqueue_dma source(%arg4 : memref<128x128xf32, #tpu.memory_space<hbm>>) target(%dma_start3A_96 : memref<128x128xf32, #tpu.memory_space<vmem_shared>>) target_semaphore(%run_scoped3A : memref<!tpu.dma_semaphore, #tpu.memory_space<semaphore_mem>>)
      %dma_wait3A_97 = arith.constant 0 : i32
      %dma_wait3A_98 = tpu.memref_slice %arg11[%add3A_12, %dma_wait3A_97] : memref<10240x128xf32, #tpu.memory_space<vmem_shared>> -> memref<128x128xf32, #tpu.memory_space<vmem_shared>>
      tpu.wait_dma2 semaphore(%run_scoped3A : memref<!tpu.dma_semaphore, #tpu.memory_space<semaphore_mem>>) src(%arg4 : memref<128x128xf32, #tpu.memory_space<hbm>>) dst(%dma_wait3A_98 : memref<128x128xf32, #tpu.memory_space<vmem_shared>>)
      tpu.yield
    }) : () -> ()
    %add3A_13 = arith.constant 512 : i32
    %add3A_14 = arith.addi %mul3A_4, %add3A_13 : i32
    "tpu.region"() ({
      %run_scoped3A = tpu.sem_alloc : memref<!tpu.dma_semaphore, #tpu.memory_space<semaphore_mem>>
      %dma_start3A_95 = arith.constant 0 : i32
      %dma_start3A_96 = tpu.memref_slice %arg11[%add3A_14, %dma_start3A_95] : memref<10240x128xf32, #tpu.memory_space<vmem_shared>> -> memref<128x128xf32, #tpu.memory_space<vmem_shared>>
      tpu.enqueue_dma source(%arg4 : memref<128x128xf32, #tpu.memory_space<hbm>>) target(%dma_start3A_96 : memref<128x128xf32, #tpu.memory_space<vmem_shared>>) target_semaphore(%run_scoped3A : memref<!tpu.dma_semaphore, #tpu.memory_space<semaphore_mem>>)
      %dma_wait3A_97 = arith.constant 0 : i32
      %dma_wait3A_98 = tpu.memref_slice %arg11[%add3A_14, %dma_wait3A_97] : memref<10240x128xf32, #tpu.memory_space<vmem_shared>> -> memref<128x128xf32, #tpu.memory_space<vmem_shared>>
      tpu.wait_dma2 semaphore(%run_scoped3A : memref<!tpu.dma_semaphore, #tpu.memory_space<semaphore_mem>>) src(%arg4 : memref<128x128xf32, #tpu.memory_space<hbm>>) dst(%dma_wait3A_98 : memref<128x128xf32, #tpu.memory_space<vmem_shared>>)
      tpu.yield
    }) : () -> ()
    %barrier3A = arith.constant 0 : index
    tpu.barrier barrier_id(%barrier3A)
    %add3A_15 = arith.constant 0 : i32
    %add3A_16 = arith.addi %mul3A_2, %add3A_15 : i32
    %dma_start3A = tpu.memref_slice %arg2[%add3A_16] : memref<344064xi32, #tpu.memory_space<hbm>> -> memref<112xi32, #tpu.memory_space<hbm>>
    %dma_start3A_17 = tpu.memref_slice %arg2[%add3A_16] : memref<344064xi32, #tpu.memory_space<hbm>> -> memref<112xi32, #tpu.memory_space<hbm>>
    tpu.enqueue_dma source(%dma_start3A_17 : memref<112xi32, #tpu.memory_space<hbm>>) target(%arg6 : memref<112xi32, #tpu.memory_space<vmem>>) target_semaphore(%arg12 : memref<!tpu.dma_semaphore, #tpu.memory_space<semaphore_mem>>)
    %add3A_18 = arith.constant 112 : i32
    %add3A_19 = arith.addi %mul3A_2, %add3A_18 : i32
    %dma_start3A_20 = tpu.memref_slice %arg2[%add3A_19] : memref<344064xi32, #tpu.memory_space<hbm>> -> memref<112xi32, #tpu.memory_space<hbm>>
    %dma_start3A_21 = tpu.memref_slice %arg2[%add3A_19] : memref<344064xi32, #tpu.memory_space<hbm>> -> memref<112xi32, #tpu.memory_space<hbm>>
    tpu.enqueue_dma source(%dma_start3A_21 : memref<112xi32, #tpu.memory_space<hbm>>) target(%arg7 : memref<112xi32, #tpu.memory_space<vmem>>) target_semaphore(%arg13 : memref<!tpu.dma_semaphore, #tpu.memory_space<semaphore_mem>>)
    %add3A_22 = arith.constant 224 : i32
    %add3A_23 = arith.addi %mul3A_2, %add3A_22 : i32
    %dma_start3A_24 = tpu.memref_slice %arg2[%add3A_23] : memref<344064xi32, #tpu.memory_space<hbm>> -> memref<112xi32, #tpu.memory_space<hbm>>
    %dma_start3A_25 = tpu.memref_slice %arg2[%add3A_23] : memref<344064xi32, #tpu.memory_space<hbm>> -> memref<112xi32, #tpu.memory_space<hbm>>
    tpu.enqueue_dma source(%dma_start3A_25 : memref<112xi32, #tpu.memory_space<hbm>>) target(%arg8 : memref<112xi32, #tpu.memory_space<vmem>>) target_semaphore(%arg14 : memref<!tpu.dma_semaphore, #tpu.memory_space<semaphore_mem>>)
    %add3A_26 = arith.constant 336 : i32
    %add3A_27 = arith.addi %mul3A_2, %add3A_26 : i32
    %dma_start3A_28 = tpu.memref_slice %arg2[%add3A_27] : memref<344064xi32, #tpu.memory_space<hbm>> -> memref<112xi32, #tpu.memory_space<hbm>>
    %dma_start3A_29 = tpu.memref_slice %arg2[%add3A_27] : memref<344064xi32, #tpu.memory_space<hbm>> -> memref<112xi32, #tpu.memory_space<hbm>>
    tpu.enqueue_dma source(%dma_start3A_29 : memref<112xi32, #tpu.memory_space<hbm>>) target(%arg9 : memref<112xi32, #tpu.memory_space<vmem>>) target_semaphore(%arg15 : memref<!tpu.dma_semaphore, #tpu.memory_space<semaphore_mem>>)
    %scan3A = arith.constant 0 : i32
    %scan3A_30 = arith.constant 0 : i32
    %scan3A_31 = arith.constant 23 : i32
    %scan3A_32 = arith.addi %scan3A_30, %scan3A_31 : i32
    %scan3A_33 = arith.constant 1 : i32
    scf.for %scan3A_95 = %scan3A_30 to %scan3A_32 step %scan3A_33  : i32 {
      %dma_wait3A_96 = arith.constant 0 : i32
      %dma_wait3A_97 = tpu.memref_slice %arg2[%dma_wait3A_96] : memref<344064xi32, #tpu.memory_space<hbm>> -> memref<112xi32, #tpu.memory_space<hbm>>
      %dma_wait3A_98 = arith.constant 0 : i32
      %dma_wait3A_99 = tpu.memref_slice %arg2[%dma_wait3A_98] : memref<344064xi32, #tpu.memory_space<hbm>> -> memref<112xi32, #tpu.memory_space<hbm>>
      tpu.wait_dma2 semaphore(%arg12 : memref<!tpu.dma_semaphore, #tpu.memory_space<semaphore_mem>>) src(%dma_wait3A_99 : memref<112xi32, #tpu.memory_space<hbm>>) dst(%arg6 : memref<112xi32, #tpu.memory_space<vmem>>)
      %dma_start3A_100 = arith.constant 0 : i32
      %dma_start3A_101 = arith.constant 0 : i32
      %dma_start3A_102 = tpu.memref_slice %arg11[%dma_start3A_100, %dma_start3A_101] : memref<10240x128xf32, #tpu.memory_space<vmem_shared>> -> memref<10240x128xf32, #tpu.memory_space<vmem_shared>>
      tpu.enqueue_indirect_dma source(%arg10 : memref<112x128xf32, #tpu.memory_space<vmem>>) target(%dma_start3A_102 : memref<10240x128xf32, #tpu.memory_space<vmem_shared>>) offsets(%arg6 : memref<112xi32, #tpu.memory_space<vmem>>) semaphore(%arg16 : memref<!tpu.dma_semaphore, #tpu.memory_space<semaphore_mem>>) {add = true}
      %dma_wait3A_103 = arith.constant 0 : i32
      %dma_wait3A_104 = tpu.memref_slice %arg2[%dma_wait3A_103] : memref<344064xi32, #tpu.memory_space<hbm>> -> memref<112xi32, #tpu.memory_space<hbm>>
      %dma_wait3A_105 = arith.constant 0 : i32
      %dma_wait3A_106 = tpu.memref_slice %arg2[%dma_wait3A_105] : memref<344064xi32, #tpu.memory_space<hbm>> -> memref<112xi32, #tpu.memory_space<hbm>>
      tpu.wait_dma2 semaphore(%arg13 : memref<!tpu.dma_semaphore, #tpu.memory_space<semaphore_mem>>) src(%dma_wait3A_106 : memref<112xi32, #tpu.memory_space<hbm>>) dst(%arg7 : memref<112xi32, #tpu.memory_space<vmem>>)
      %dma_start3A_107 = arith.constant 0 : i32
      %dma_start3A_108 = arith.constant 0 : i32
      %dma_start3A_109 = tpu.memref_slice %arg11[%dma_start3A_107, %dma_start3A_108] : memref<10240x128xf32, #tpu.memory_space<vmem_shared>> -> memref<10240x128xf32, #tpu.memory_space<vmem_shared>>
      tpu.enqueue_indirect_dma source(%arg10 : memref<112x128xf32, #tpu.memory_space<vmem>>) target(%dma_start3A_109 : memref<10240x128xf32, #tpu.memory_space<vmem_shared>>) offsets(%arg7 : memref<112xi32, #tpu.memory_space<vmem>>) semaphore(%arg17 : memref<!tpu.dma_semaphore, #tpu.memory_space<semaphore_mem>>) {add = true}
      %dma_wait3A_110 = arith.constant 0 : i32
      %dma_wait3A_111 = tpu.memref_slice %arg2[%dma_wait3A_110] : memref<344064xi32, #tpu.memory_space<hbm>> -> memref<112xi32, #tpu.memory_space<hbm>>
      %dma_wait3A_112 = arith.constant 0 : i32
      %dma_wait3A_113 = tpu.memref_slice %arg2[%dma_wait3A_112] : memref<344064xi32, #tpu.memory_space<hbm>> -> memref<112xi32, #tpu.memory_space<hbm>>
      tpu.wait_dma2 semaphore(%arg14 : memref<!tpu.dma_semaphore, #tpu.memory_space<semaphore_mem>>) src(%dma_wait3A_113 : memref<112xi32, #tpu.memory_space<hbm>>) dst(%arg8 : memref<112xi32, #tpu.memory_space<vmem>>)
      %dma_start3A_114 = arith.constant 0 : i32
      %dma_start3A_115 = arith.constant 0 : i32
      %dma_start3A_116 = tpu.memref_slice %arg11[%dma_start3A_114, %dma_start3A_115] : memref<10240x128xf32, #tpu.memory_space<vmem_shared>> -> memref<10240x128xf32, #tpu.memory_space<vmem_shared>>
      tpu.enqueue_indirect_dma source(%arg10 : memref<112x128xf32, #tpu.memory_space<vmem>>) target(%dma_start3A_116 : memref<10240x128xf32, #tpu.memory_space<vmem_shared>>) offsets(%arg8 : memref<112xi32, #tpu.memory_space<vmem>>) semaphore(%arg18 : memref<!tpu.dma_semaphore, #tpu.memory_space<semaphore_mem>>) {add = true}
      %dma_wait3A_117 = arith.constant 0 : i32
      %dma_wait3A_118 = tpu.memref_slice %arg2[%dma_wait3A_117] : memref<344064xi32, #tpu.memory_space<hbm>> -> memref<112xi32, #tpu.memory_space<hbm>>
      %dma_wait3A_119 = arith.constant 0 : i32
      %dma_wait3A_120 = tpu.memref_slice %arg2[%dma_wait3A_119] : memref<344064xi32, #tpu.memory_space<hbm>> -> memref<112xi32, #tpu.memory_space<hbm>>
      tpu.wait_dma2 semaphore(%arg15 : memref<!tpu.dma_semaphore, #tpu.memory_space<semaphore_mem>>) src(%dma_wait3A_120 : memref<112xi32, #tpu.memory_space<hbm>>) dst(%arg9 : memref<112xi32, #tpu.memory_space<vmem>>)
      %dma_start3A_121 = arith.constant 0 : i32
      %dma_start3A_122 = arith.constant 0 : i32
      %dma_start3A_123 = tpu.memref_slice %arg11[%dma_start3A_121, %dma_start3A_122] : memref<10240x128xf32, #tpu.memory_space<vmem_shared>> -> memref<10240x128xf32, #tpu.memory_space<vmem_shared>>
      tpu.enqueue_indirect_dma source(%arg10 : memref<112x128xf32, #tpu.memory_space<vmem>>) target(%dma_start3A_123 : memref<10240x128xf32, #tpu.memory_space<vmem_shared>>) offsets(%arg9 : memref<112xi32, #tpu.memory_space<vmem>>) semaphore(%arg19 : memref<!tpu.dma_semaphore, #tpu.memory_space<semaphore_mem>>) {add = true}
      %mul3A_124 = arith.constant 4 : i32
      %mul3A_125 = arith.muli %mul3A_124, %scan3A_95 : i32
      %add3A_126 = arith.constant 0 : i32
      %add3A_127 = arith.addi %mul3A_125, %add3A_126 : i32
      %dma_wait3A_128 = arith.constant 0 : i32
      %dma_wait3A_129 = arith.constant 0 : i32
      %dma_wait3A_130 = tpu.memref_slice %arg11[%dma_wait3A_128, %dma_wait3A_129] : memref<10240x128xf32, #tpu.memory_space<vmem_shared>> -> memref<10240x128xf32, #tpu.memory_space<vmem_shared>>
      tpu.wait_indirect_dma semaphore(%arg16 : memref<!tpu.dma_semaphore, #tpu.memory_space<semaphore_mem>>) src(%arg10 : memref<112x128xf32, #tpu.memory_space<vmem>>) dst(%dma_wait3A_130 : memref<10240x128xf32, #tpu.memory_space<vmem_shared>>)
      %add3A_131 = arith.constant 4 : i32
      %add3A_132 = arith.addi %add3A_127, %add3A_131 : i32
      %mul3A_133 = arith.constant 112 : i32
      %mul3A_134 = arith.muli %add3A_132, %mul3A_133 : i32
      %add3A_135 = arith.addi %mul3A_2, %mul3A_134 : i32
      %dma_start3A_136 = tpu.memref_slice %arg2[%add3A_135] : memref<344064xi32, #tpu.memory_space<hbm>> -> memref<112xi32, #tpu.memory_space<hbm>>
      %dma_start3A_137 = tpu.memref_slice %arg2[%add3A_135] : memref<344064xi32, #tpu.memory_space<hbm>> -> memref<112xi32, #tpu.memory_space<hbm>>
      tpu.enqueue_dma source(%dma_start3A_137 : memref<112xi32, #tpu.memory_space<hbm>>) target(%arg6 : memref<112xi32, #tpu.memory_space<vmem>>) target_semaphore(%arg12 : memref<!tpu.dma_semaphore, #tpu.memory_space<semaphore_mem>>)
      %mul3A_138 = arith.constant 4 : i32
      %mul3A_139 = arith.muli %mul3A_138, %scan3A_95 : i32
      %add3A_140 = arith.constant 1 : i32
      %add3A_141 = arith.addi %mul3A_139, %add3A_140 : i32
      %dma_wait3A_142 = arith.constant 0 : i32
      %dma_wait3A_143 = arith.constant 0 : i32
      %dma_wait3A_144 = tpu.memref_slice %arg11[%dma_wait3A_142, %dma_wait3A_143] : memref<10240x128xf32, #tpu.memory_space<vmem_shared>> -> memref<10240x128xf32, #tpu.memory_space<vmem_shared>>
      tpu.wait_indirect_dma semaphore(%arg17 : memref<!tpu.dma_semaphore, #tpu.memory_space<semaphore_mem>>) src(%arg10 : memref<112x128xf32, #tpu.memory_space<vmem>>) dst(%dma_wait3A_144 : memref<10240x128xf32, #tpu.memory_space<vmem_shared>>)
      %add3A_145 = arith.constant 4 : i32
      %add3A_146 = arith.addi %add3A_141, %add3A_145 : i32
      %mul3A_147 = arith.constant 112 : i32
      %mul3A_148 = arith.muli %add3A_146, %mul3A_147 : i32
      %add3A_149 = arith.addi %mul3A_2, %mul3A_148 : i32
      %dma_start3A_150 = tpu.memref_slice %arg2[%add3A_149] : memref<344064xi32, #tpu.memory_space<hbm>> -> memref<112xi32, #tpu.memory_space<hbm>>
      %dma_start3A_151 = tpu.memref_slice %arg2[%add3A_149] : memref<344064xi32, #tpu.memory_space<hbm>> -> memref<112xi32, #tpu.memory_space<hbm>>
      tpu.enqueue_dma source(%dma_start3A_151 : memref<112xi32, #tpu.memory_space<hbm>>) target(%arg7 : memref<112xi32, #tpu.memory_space<vmem>>) target_semaphore(%arg13 : memref<!tpu.dma_semaphore, #tpu.memory_space<semaphore_mem>>)
      %mul3A_152 = arith.constant 4 : i32
      %mul3A_153 = arith.muli %mul3A_152, %scan3A_95 : i32
      %add3A_154 = arith.constant 2 : i32
      %add3A_155 = arith.addi %mul3A_153, %add3A_154 : i32
      %dma_wait3A_156 = arith.constant 0 : i32
      %dma_wait3A_157 = arith.constant 0 : i32
      %dma_wait3A_158 = tpu.memref_slice %arg11[%dma_wait3A_156, %dma_wait3A_157] : memref<10240x128xf32, #tpu.memory_space<vmem_shared>> -> memref<10240x128xf32, #tpu.memory_space<vmem_shared>>
      tpu.wait_indirect_dma semaphore(%arg18 : memref<!tpu.dma_semaphore, #tpu.memory_space<semaphore_mem>>) src(%arg10 : memref<112x128xf32, #tpu.memory_space<vmem>>) dst(%dma_wait3A_158 : memref<10240x128xf32, #tpu.memory_space<vmem_shared>>)
      %add3A_159 = arith.constant 4 : i32
      %add3A_160 = arith.addi %add3A_155, %add3A_159 : i32
      %mul3A_161 = arith.constant 112 : i32
      %mul3A_162 = arith.muli %add3A_160, %mul3A_161 : i32
      %add3A_163 = arith.addi %mul3A_2, %mul3A_162 : i32
      %dma_start3A_164 = tpu.memref_slice %arg2[%add3A_163] : memref<344064xi32, #tpu.memory_space<hbm>> -> memref<112xi32, #tpu.memory_space<hbm>>
      %dma_start3A_165 = tpu.memref_slice %arg2[%add3A_163] : memref<344064xi32, #tpu.memory_space<hbm>> -> memref<112xi32, #tpu.memory_space<hbm>>
      tpu.enqueue_dma source(%dma_start3A_165 : memref<112xi32, #tpu.memory_space<hbm>>) target(%arg8 : memref<112xi32, #tpu.memory_space<vmem>>) target_semaphore(%arg14 : memref<!tpu.dma_semaphore, #tpu.memory_space<semaphore_mem>>)
      %mul3A_166 = arith.constant 4 : i32
      %mul3A_167 = arith.muli %mul3A_166, %scan3A_95 : i32
      %add3A_168 = arith.constant 3 : i32
      %add3A_169 = arith.addi %mul3A_167, %add3A_168 : i32
      %dma_wait3A_170 = arith.constant 0 : i32
      %dma_wait3A_171 = arith.constant 0 : i32
      %dma_wait3A_172 = tpu.memref_slice %arg11[%dma_wait3A_170, %dma_wait3A_171] : memref<10240x128xf32, #tpu.memory_space<vmem_shared>> -> memref<10240x128xf32, #tpu.memory_space<vmem_shared>>
      tpu.wait_indirect_dma semaphore(%arg19 : memref<!tpu.dma_semaphore, #tpu.memory_space<semaphore_mem>>) src(%arg10 : memref<112x128xf32, #tpu.memory_space<vmem>>) dst(%dma_wait3A_172 : memref<10240x128xf32, #tpu.memory_space<vmem_shared>>)
      %add3A_173 = arith.constant 4 : i32
      %add3A_174 = arith.addi %add3A_169, %add3A_173 : i32
      %mul3A_175 = arith.constant 112 : i32
      %mul3A_176 = arith.muli %add3A_174, %mul3A_175 : i32
      %add3A_177 = arith.addi %mul3A_2, %mul3A_176 : i32
      %dma_start3A_178 = tpu.memref_slice %arg2[%add3A_177] : memref<344064xi32, #tpu.memory_space<hbm>> -> memref<112xi32, #tpu.memory_space<hbm>>
      %dma_start3A_179 = tpu.memref_slice %arg2[%add3A_177] : memref<344064xi32, #tpu.memory_space<hbm>> -> memref<112xi32, #tpu.memory_space<hbm>>
      tpu.enqueue_dma source(%dma_start3A_179 : memref<112xi32, #tpu.memory_space<hbm>>) target(%arg9 : memref<112xi32, #tpu.memory_space<vmem>>) target_semaphore(%arg15 : memref<!tpu.dma_semaphore, #tpu.memory_space<semaphore_mem>>)
    }
    %scan3A_34 = arith.constant 23 : i32
    %dma_wait3A = arith.constant 0 : i32
    %dma_wait3A_35 = tpu.memref_slice %arg2[%dma_wait3A] : memref<344064xi32, #tpu.memory_space<hbm>> -> memref<112xi32, #tpu.memory_space<hbm>>
    %dma_wait3A_36 = arith.constant 0 : i32
    %dma_wait3A_37 = tpu.memref_slice %arg2[%dma_wait3A_36] : memref<344064xi32, #tpu.memory_space<hbm>> -> memref<112xi32, #tpu.memory_space<hbm>>
    tpu.wait_dma2 semaphore(%arg12 : memref<!tpu.dma_semaphore, #tpu.memory_space<semaphore_mem>>) src(%dma_wait3A_37 : memref<112xi32, #tpu.memory_space<hbm>>) dst(%arg6 : memref<112xi32, #tpu.memory_space<vmem>>)
    %dma_start3A_38 = arith.constant 0 : i32
    %dma_start3A_39 = arith.constant 0 : i32
    %dma_start3A_40 = tpu.memref_slice %arg11[%dma_start3A_38, %dma_start3A_39] : memref<10240x128xf32, #tpu.memory_space<vmem_shared>> -> memref<10240x128xf32, #tpu.memory_space<vmem_shared>>
    tpu.enqueue_indirect_dma source(%arg10 : memref<112x128xf32, #tpu.memory_space<vmem>>) target(%dma_start3A_40 : memref<10240x128xf32, #tpu.memory_space<vmem_shared>>) offsets(%arg6 : memref<112xi32, #tpu.memory_space<vmem>>) semaphore(%arg16 : memref<!tpu.dma_semaphore, #tpu.memory_space<semaphore_mem>>) {add = true}
    %dma_wait3A_41 = arith.constant 0 : i32
    %dma_wait3A_42 = tpu.memref_slice %arg2[%dma_wait3A_41] : memref<344064xi32, #tpu.memory_space<hbm>> -> memref<112xi32, #tpu.memory_space<hbm>>
    %dma_wait3A_43 = arith.constant 0 : i32
    %dma_wait3A_44 = tpu.memref_slice %arg2[%dma_wait3A_43] : memref<344064xi32, #tpu.memory_space<hbm>> -> memref<112xi32, #tpu.memory_space<hbm>>
    tpu.wait_dma2 semaphore(%arg13 : memref<!tpu.dma_semaphore, #tpu.memory_space<semaphore_mem>>) src(%dma_wait3A_44 : memref<112xi32, #tpu.memory_space<hbm>>) dst(%arg7 : memref<112xi32, #tpu.memory_space<vmem>>)
    %dma_start3A_45 = arith.constant 0 : i32
    %dma_start3A_46 = arith.constant 0 : i32
    %dma_start3A_47 = tpu.memref_slice %arg11[%dma_start3A_45, %dma_start3A_46] : memref<10240x128xf32, #tpu.memory_space<vmem_shared>> -> memref<10240x128xf32, #tpu.memory_space<vmem_shared>>
    tpu.enqueue_indirect_dma source(%arg10 : memref<112x128xf32, #tpu.memory_space<vmem>>) target(%dma_start3A_47 : memref<10240x128xf32, #tpu.memory_space<vmem_shared>>) offsets(%arg7 : memref<112xi32, #tpu.memory_space<vmem>>) semaphore(%arg17 : memref<!tpu.dma_semaphore, #tpu.memory_space<semaphore_mem>>) {add = true}
    %dma_wait3A_48 = arith.constant 0 : i32
    %dma_wait3A_49 = tpu.memref_slice %arg2[%dma_wait3A_48] : memref<344064xi32, #tpu.memory_space<hbm>> -> memref<112xi32, #tpu.memory_space<hbm>>
    %dma_wait3A_50 = arith.constant 0 : i32
    %dma_wait3A_51 = tpu.memref_slice %arg2[%dma_wait3A_50] : memref<344064xi32, #tpu.memory_space<hbm>> -> memref<112xi32, #tpu.memory_space<hbm>>
    tpu.wait_dma2 semaphore(%arg14 : memref<!tpu.dma_semaphore, #tpu.memory_space<semaphore_mem>>) src(%dma_wait3A_51 : memref<112xi32, #tpu.memory_space<hbm>>) dst(%arg8 : memref<112xi32, #tpu.memory_space<vmem>>)
    %dma_start3A_52 = arith.constant 0 : i32
    %dma_start3A_53 = arith.constant 0 : i32
    %dma_start3A_54 = tpu.memref_slice %arg11[%dma_start3A_52, %dma_start3A_53] : memref<10240x128xf32, #tpu.memory_space<vmem_shared>> -> memref<10240x128xf32, #tpu.memory_space<vmem_shared>>
    tpu.enqueue_indirect_dma source(%arg10 : memref<112x128xf32, #tpu.memory_space<vmem>>) target(%dma_start3A_54 : memref<10240x128xf32, #tpu.memory_space<vmem_shared>>) offsets(%arg8 : memref<112xi32, #tpu.memory_space<vmem>>) semaphore(%arg18 : memref<!tpu.dma_semaphore, #tpu.memory_space<semaphore_mem>>) {add = true}
    %dma_wait3A_55 = arith.constant 0 : i32
    %dma_wait3A_56 = tpu.memref_slice %arg2[%dma_wait3A_55] : memref<344064xi32, #tpu.memory_space<hbm>> -> memref<112xi32, #tpu.memory_space<hbm>>
    %dma_wait3A_57 = arith.constant 0 : i32
    %dma_wait3A_58 = tpu.memref_slice %arg2[%dma_wait3A_57] : memref<344064xi32, #tpu.memory_space<hbm>> -> memref<112xi32, #tpu.memory_space<hbm>>
    tpu.wait_dma2 semaphore(%arg15 : memref<!tpu.dma_semaphore, #tpu.memory_space<semaphore_mem>>) src(%dma_wait3A_58 : memref<112xi32, #tpu.memory_space<hbm>>) dst(%arg9 : memref<112xi32, #tpu.memory_space<vmem>>)
    %dma_start3A_59 = arith.constant 0 : i32
    %dma_start3A_60 = arith.constant 0 : i32
    %dma_start3A_61 = tpu.memref_slice %arg11[%dma_start3A_59, %dma_start3A_60] : memref<10240x128xf32, #tpu.memory_space<vmem_shared>> -> memref<10240x128xf32, #tpu.memory_space<vmem_shared>>
    tpu.enqueue_indirect_dma source(%arg10 : memref<112x128xf32, #tpu.memory_space<vmem>>) target(%dma_start3A_61 : memref<10240x128xf32, #tpu.memory_space<vmem_shared>>) offsets(%arg9 : memref<112xi32, #tpu.memory_space<vmem>>) semaphore(%arg19 : memref<!tpu.dma_semaphore, #tpu.memory_space<semaphore_mem>>) {add = true}
    %dma_wait3A_62 = arith.constant 0 : i32
    %dma_wait3A_63 = arith.constant 0 : i32
    %dma_wait3A_64 = tpu.memref_slice %arg11[%dma_wait3A_62, %dma_wait3A_63] : memref<10240x128xf32, #tpu.memory_space<vmem_shared>> -> memref<10240x128xf32, #tpu.memory_space<vmem_shared>>
    tpu.wait_indirect_dma semaphore(%arg16 : memref<!tpu.dma_semaphore, #tpu.memory_space<semaphore_mem>>) src(%arg10 : memref<112x128xf32, #tpu.memory_space<vmem>>) dst(%dma_wait3A_64 : memref<10240x128xf32, #tpu.memory_space<vmem_shared>>)
    %dma_wait3A_65 = arith.constant 0 : i32
    %dma_wait3A_66 = arith.constant 0 : i32
    %dma_wait3A_67 = tpu.memref_slice %arg11[%dma_wait3A_65, %dma_wait3A_66] : memref<10240x128xf32, #tpu.memory_space<vmem_shared>> -> memref<10240x128xf32, #tpu.memory_space<vmem_shared>>
    tpu.wait_indirect_dma semaphore(%arg17 : memref<!tpu.dma_semaphore, #tpu.memory_space<semaphore_mem>>) src(%arg10 : memref<112x128xf32, #tpu.memory_space<vmem>>) dst(%dma_wait3A_67 : memref<10240x128xf32, #tpu.memory_space<vmem_shared>>)
    %dma_wait3A_68 = arith.constant 0 : i32
    %dma_wait3A_69 = arith.constant 0 : i32
    %dma_wait3A_70 = tpu.memref_slice %arg11[%dma_wait3A_68, %dma_wait3A_69] : memref<10240x128xf32, #tpu.memory_space<vmem_shared>> -> memref<10240x128xf32, #tpu.memory_space<vmem_shared>>
    tpu.wait_indirect_dma semaphore(%arg18 : memref<!tpu.dma_semaphore, #tpu.memory_space<semaphore_mem>>) src(%arg10 : memref<112x128xf32, #tpu.memory_space<vmem>>) dst(%dma_wait3A_70 : memref<10240x128xf32, #tpu.memory_space<vmem_shared>>)
    %dma_wait3A_71 = arith.constant 0 : i32
    %dma_wait3A_72 = arith.constant 0 : i32
    %dma_wait3A_73 = tpu.memref_slice %arg11[%dma_wait3A_71, %dma_wait3A_72] : memref<10240x128xf32, #tpu.memory_space<vmem_shared>> -> memref<10240x128xf32, #tpu.memory_space<vmem_shared>>
    tpu.wait_indirect_dma semaphore(%arg19 : memref<!tpu.dma_semaphore, #tpu.memory_space<semaphore_mem>>) src(%arg10 : memref<112x128xf32, #tpu.memory_space<vmem>>) dst(%dma_wait3A_73 : memref<10240x128xf32, #tpu.memory_space<vmem_shared>>)
    %barrier3A_74 = arith.constant 0 : index
    tpu.barrier barrier_id(%barrier3A_74)
    %add3A_75 = arith.constant 0 : i32
    %add3A_76 = arith.addi %mul3A_4, %add3A_75 : i32
    %add3A_77 = arith.constant 0 : i32
    %add3A_78 = arith.addi %mul3A_4, %add3A_77 : i32
    "tpu.region"() ({
      %run_scoped3A = tpu.sem_alloc : memref<!tpu.dma_semaphore, #tpu.memory_space<semaphore_mem>>
      %dma_start3A_95 = arith.constant 0 : i32
      %dma_start3A_96 = arith.constant 0 : i32
      %dma_start3A_97 = tpu.memref_slice %arg5[%arg0, %dma_start3A_95, %dma_start3A_96] : memref<2x10240x128xf32, #tpu.memory_space<hbm>> -> memref<1x10240x128xf32, #tpu.memory_space<hbm>>
      %dma_start3A_98 = tpu.memref_squeeze %dma_start3A_97 : memref<1x10240x128xf32, #tpu.memory_space<hbm>> -> memref<10240x128xf32, #tpu.memory_space<hbm>>
      %dma_start3A_99 = arith.constant 0 : i32
      %dma_start3A_100 = tpu.memref_slice %dma_start3A_98[%add3A_78, %dma_start3A_99] : memref<10240x128xf32, #tpu.memory_space<hbm>> -> memref<128x128xf32, #tpu.memory_space<hbm>>
      %dma_start3A_101 = arith.constant 0 : i32
      %dma_start3A_102 = tpu.memref_slice %arg11[%add3A_76, %dma_start3A_101] : memref<10240x128xf32, #tpu.memory_space<vmem_shared>> -> memref<128x128xf32, #tpu.memory_space<vmem_shared>>
      tpu.enqueue_dma source(%dma_start3A_102 : memref<128x128xf32, #tpu.memory_space<vmem_shared>>) target(%dma_start3A_100 : memref<128x128xf32, #tpu.memory_space<hbm>>) target_semaphore(%run_scoped3A : memref<!tpu.dma_semaphore, #tpu.memory_space<semaphore_mem>>)
      %dma_wait3A_103 = arith.constant 0 : i32
      %dma_wait3A_104 = arith.constant 0 : i32
      %dma_wait3A_105 = tpu.memref_slice %arg5[%arg0, %dma_wait3A_103, %dma_wait3A_104] : memref<2x10240x128xf32, #tpu.memory_space<hbm>> -> memref<1x10240x128xf32, #tpu.memory_space<hbm>>
      %dma_wait3A_106 = tpu.memref_squeeze %dma_wait3A_105 : memref<1x10240x128xf32, #tpu.memory_space<hbm>> -> memref<10240x128xf32, #tpu.memory_space<hbm>>
      %dma_wait3A_107 = arith.constant 0 : i32
      %dma_wait3A_108 = tpu.memref_slice %dma_wait3A_106[%add3A_78, %dma_wait3A_107] : memref<10240x128xf32, #tpu.memory_space<hbm>> -> memref<128x128xf32, #tpu.memory_space<hbm>>
      %dma_wait3A_109 = arith.constant 0 : i32
      %dma_wait3A_110 = tpu.memref_slice %arg11[%add3A_76, %dma_wait3A_109] : memref<10240x128xf32, #tpu.memory_space<vmem_shared>> -> memref<128x128xf32, #tpu.memory_space<vmem_shared>>
      tpu.wait_dma2 semaphore(%run_scoped3A : memref<!tpu.dma_semaphore, #tpu.memory_space<semaphore_mem>>) src(%dma_wait3A_110 : memref<128x128xf32, #tpu.memory_space<vmem_shared>>) dst(%dma_wait3A_108 : memref<128x128xf32, #tpu.memory_space<hbm>>)
      tpu.yield
    }) : () -> ()
    %add3A_79 = arith.constant 128 : i32
    %add3A_80 = arith.addi %mul3A_4, %add3A_79 : i32
    %add3A_81 = arith.constant 128 : i32
    %add3A_82 = arith.addi %mul3A_4, %add3A_81 : i32
    "tpu.region"() ({
      %run_scoped3A = tpu.sem_alloc : memref<!tpu.dma_semaphore, #tpu.memory_space<semaphore_mem>>
      %dma_start3A_95 = arith.constant 0 : i32
      %dma_start3A_96 = arith.constant 0 : i32
      %dma_start3A_97 = tpu.memref_slice %arg5[%arg0, %dma_start3A_95, %dma_start3A_96] : memref<2x10240x128xf32, #tpu.memory_space<hbm>> -> memref<1x10240x128xf32, #tpu.memory_space<hbm>>
      %dma_start3A_98 = tpu.memref_squeeze %dma_start3A_97 : memref<1x10240x128xf32, #tpu.memory_space<hbm>> -> memref<10240x128xf32, #tpu.memory_space<hbm>>
      %dma_start3A_99 = arith.constant 0 : i32
      %dma_start3A_100 = tpu.memref_slice %dma_start3A_98[%add3A_82, %dma_start3A_99] : memref<10240x128xf32, #tpu.memory_space<hbm>> -> memref<128x128xf32, #tpu.memory_space<hbm>>
      %dma_start3A_101 = arith.constant 0 : i32
      %dma_start3A_102 = tpu.memref_slice %arg11[%add3A_80, %dma_start3A_101] : memref<10240x128xf32, #tpu.memory_space<vmem_shared>> -> memref<128x128xf32, #tpu.memory_space<vmem_shared>>
      tpu.enqueue_dma source(%dma_start3A_102 : memref<128x128xf32, #tpu.memory_space<vmem_shared>>) target(%dma_start3A_100 : memref<128x128xf32, #tpu.memory_space<hbm>>) target_semaphore(%run_scoped3A : memref<!tpu.dma_semaphore, #tpu.memory_space<semaphore_mem>>)
      %dma_wait3A_103 = arith.constant 0 : i32
      %dma_wait3A_104 = arith.constant 0 : i32
      %dma_wait3A_105 = tpu.memref_slice %arg5[%arg0, %dma_wait3A_103, %dma_wait3A_104] : memref<2x10240x128xf32, #tpu.memory_space<hbm>> -> memref<1x10240x128xf32, #tpu.memory_space<hbm>>
      %dma_wait3A_106 = tpu.memref_squeeze %dma_wait3A_105 : memref<1x10240x128xf32, #tpu.memory_space<hbm>> -> memref<10240x128xf32, #tpu.memory_space<hbm>>
      %dma_wait3A_107 = arith.constant 0 : i32
      %dma_wait3A_108 = tpu.memref_slice %dma_wait3A_106[%add3A_82, %dma_wait3A_107] : memref<10240x128xf32, #tpu.memory_space<hbm>> -> memref<128x128xf32, #tpu.memory_space<hbm>>
      %dma_wait3A_109 = arith.constant 0 : i32
      %dma_wait3A_110 = tpu.memref_slice %arg11[%add3A_80, %dma_wait3A_109] : memref<10240x128xf32, #tpu.memory_space<vmem_shared>> -> memref<128x128xf32, #tpu.memory_space<vmem_shared>>
      tpu.wait_dma2 semaphore(%run_scoped3A : memref<!tpu.dma_semaphore, #tpu.memory_space<semaphore_mem>>) src(%dma_wait3A_110 : memref<128x128xf32, #tpu.memory_space<vmem_shared>>) dst(%dma_wait3A_108 : memref<128x128xf32, #tpu.memory_space<hbm>>)
      tpu.yield
    }) : () -> ()
    %add3A_83 = arith.constant 256 : i32
    %add3A_84 = arith.addi %mul3A_4, %add3A_83 : i32
    %add3A_85 = arith.constant 256 : i32
    %add3A_86 = arith.addi %mul3A_4, %add3A_85 : i32
    "tpu.region"() ({
      %run_scoped3A = tpu.sem_alloc : memref<!tpu.dma_semaphore, #tpu.memory_space<semaphore_mem>>
      %dma_start3A_95 = arith.constant 0 : i32
      %dma_start3A_96 = arith.constant 0 : i32
      %dma_start3A_97 = tpu.memref_slice %arg5[%arg0, %dma_start3A_95, %dma_start3A_96] : memref<2x10240x128xf32, #tpu.memory_space<hbm>> -> memref<1x10240x128xf32, #tpu.memory_space<hbm>>
      %dma_start3A_98 = tpu.memref_squeeze %dma_start3A_97 : memref<1x10240x128xf32, #tpu.memory_space<hbm>> -> memref<10240x128xf32, #tpu.memory_space<hbm>>
      %dma_start3A_99 = arith.constant 0 : i32
      %dma_start3A_100 = tpu.memref_slice %dma_start3A_98[%add3A_86, %dma_start3A_99] : memref<10240x128xf32, #tpu.memory_space<hbm>> -> memref<128x128xf32, #tpu.memory_space<hbm>>
      %dma_start3A_101 = arith.constant 0 : i32
      %dma_start3A_102 = tpu.memref_slice %arg11[%add3A_84, %dma_start3A_101] : memref<10240x128xf32, #tpu.memory_space<vmem_shared>> -> memref<128x128xf32, #tpu.memory_space<vmem_shared>>
      tpu.enqueue_dma source(%dma_start3A_102 : memref<128x128xf32, #tpu.memory_space<vmem_shared>>) target(%dma_start3A_100 : memref<128x128xf32, #tpu.memory_space<hbm>>) target_semaphore(%run_scoped3A : memref<!tpu.dma_semaphore, #tpu.memory_space<semaphore_mem>>)
      %dma_wait3A_103 = arith.constant 0 : i32
      %dma_wait3A_104 = arith.constant 0 : i32
      %dma_wait3A_105 = tpu.memref_slice %arg5[%arg0, %dma_wait3A_103, %dma_wait3A_104] : memref<2x10240x128xf32, #tpu.memory_space<hbm>> -> memref<1x10240x128xf32, #tpu.memory_space<hbm>>
      %dma_wait3A_106 = tpu.memref_squeeze %dma_wait3A_105 : memref<1x10240x128xf32, #tpu.memory_space<hbm>> -> memref<10240x128xf32, #tpu.memory_space<hbm>>
      %dma_wait3A_107 = arith.constant 0 : i32
      %dma_wait3A_108 = tpu.memref_slice %dma_wait3A_106[%add3A_86, %dma_wait3A_107] : memref<10240x128xf32, #tpu.memory_space<hbm>> -> memref<128x128xf32, #tpu.memory_space<hbm>>
      %dma_wait3A_109 = arith.constant 0 : i32
      %dma_wait3A_110 = tpu.memref_slice %arg11[%add3A_84, %dma_wait3A_109] : memref<10240x128xf32, #tpu.memory_space<vmem_shared>> -> memref<128x128xf32, #tpu.memory_space<vmem_shared>>
      tpu.wait_dma2 semaphore(%run_scoped3A : memref<!tpu.dma_semaphore, #tpu.memory_space<semaphore_mem>>) src(%dma_wait3A_110 : memref<128x128xf32, #tpu.memory_space<vmem_shared>>) dst(%dma_wait3A_108 : memref<128x128xf32, #tpu.memory_space<hbm>>)
      tpu.yield
    }) : () -> ()
    %add3A_87 = arith.constant 384 : i32
    %add3A_88 = arith.addi %mul3A_4, %add3A_87 : i32
    %add3A_89 = arith.constant 384 : i32
    %add3A_90 = arith.addi %mul3A_4, %add3A_89 : i32
    "tpu.region"() ({
      %run_scoped3A = tpu.sem_alloc : memref<!tpu.dma_semaphore, #tpu.memory_space<semaphore_mem>>
      %dma_start3A_95 = arith.constant 0 : i32
      %dma_start3A_96 = arith.constant 0 : i32
      %dma_start3A_97 = tpu.memref_slice %arg5[%arg0, %dma_start3A_95, %dma_start3A_96] : memref<2x10240x128xf32, #tpu.memory_space<hbm>> -> memref<1x10240x128xf32, #tpu.memory_space<hbm>>
      %dma_start3A_98 = tpu.memref_squeeze %dma_start3A_97 : memref<1x10240x128xf32, #tpu.memory_space<hbm>> -> memref<10240x128xf32, #tpu.memory_space<hbm>>
      %dma_start3A_99 = arith.constant 0 : i32
      %dma_start3A_100 = tpu.memref_slice %dma_start3A_98[%add3A_90, %dma_start3A_99] : memref<10240x128xf32, #tpu.memory_space<hbm>> -> memref<128x128xf32, #tpu.memory_space<hbm>>
      %dma_start3A_101 = arith.constant 0 : i32
      %dma_start3A_102 = tpu.memref_slice %arg11[%add3A_88, %dma_start3A_101] : memref<10240x128xf32, #tpu.memory_space<vmem_shared>> -> memref<128x128xf32, #tpu.memory_space<vmem_shared>>
      tpu.enqueue_dma source(%dma_start3A_102 : memref<128x128xf32, #tpu.memory_space<vmem_shared>>) target(%dma_start3A_100 : memref<128x128xf32, #tpu.memory_space<hbm>>) target_semaphore(%run_scoped3A : memref<!tpu.dma_semaphore, #tpu.memory_space<semaphore_mem>>)
      %dma_wait3A_103 = arith.constant 0 : i32
      %dma_wait3A_104 = arith.constant 0 : i32
      %dma_wait3A_105 = tpu.memref_slice %arg5[%arg0, %dma_wait3A_103, %dma_wait3A_104] : memref<2x10240x128xf32, #tpu.memory_space<hbm>> -> memref<1x10240x128xf32, #tpu.memory_space<hbm>>
      %dma_wait3A_106 = tpu.memref_squeeze %dma_wait3A_105 : memref<1x10240x128xf32, #tpu.memory_space<hbm>> -> memref<10240x128xf32, #tpu.memory_space<hbm>>
      %dma_wait3A_107 = arith.constant 0 : i32
      %dma_wait3A_108 = tpu.memref_slice %dma_wait3A_106[%add3A_90, %dma_wait3A_107] : memref<10240x128xf32, #tpu.memory_space<hbm>> -> memref<128x128xf32, #tpu.memory_space<hbm>>
      %dma_wait3A_109 = arith.constant 0 : i32
      %dma_wait3A_110 = tpu.memref_slice %arg11[%add3A_88, %dma_wait3A_109] : memref<10240x128xf32, #tpu.memory_space<vmem_shared>> -> memref<128x128xf32, #tpu.memory_space<vmem_shared>>
      tpu.wait_dma2 semaphore(%run_scoped3A : memref<!tpu.dma_semaphore, #tpu.memory_space<semaphore_mem>>) src(%dma_wait3A_110 : memref<128x128xf32, #tpu.memory_space<vmem_shared>>) dst(%dma_wait3A_108 : memref<128x128xf32, #tpu.memory_space<hbm>>)
      tpu.yield
    }) : () -> ()
    %add3A_91 = arith.constant 512 : i32
    %add3A_92 = arith.addi %mul3A_4, %add3A_91 : i32
    %add3A_93 = arith.constant 512 : i32
    %add3A_94 = arith.addi %mul3A_4, %add3A_93 : i32
    "tpu.region"() ({
      %run_scoped3A = tpu.sem_alloc : memref<!tpu.dma_semaphore, #tpu.memory_space<semaphore_mem>>
      %dma_start3A_95 = arith.constant 0 : i32
      %dma_start3A_96 = arith.constant 0 : i32
      %dma_start3A_97 = tpu.memref_slice %arg5[%arg0, %dma_start3A_95, %dma_start3A_96] : memref<2x10240x128xf32, #tpu.memory_space<hbm>> -> memref<1x10240x128xf32, #tpu.memory_space<hbm>>
      %dma_start3A_98 = tpu.memref_squeeze %dma_start3A_97 : memref<1x10240x128xf32, #tpu.memory_space<hbm>> -> memref<10240x128xf32, #tpu.memory_space<hbm>>
      %dma_start3A_99 = arith.constant 0 : i32
      %dma_start3A_100 = tpu.memref_slice %dma_start3A_98[%add3A_94, %dma_start3A_99] : memref<10240x128xf32, #tpu.memory_space<hbm>> -> memref<128x128xf32, #tpu.memory_space<hbm>>
      %dma_start3A_101 = arith.constant 0 : i32
      %dma_start3A_102 = tpu.memref_slice %arg11[%add3A_92, %dma_start3A_101] : memref<10240x128xf32, #tpu.memory_space<vmem_shared>> -> memref<128x128xf32, #tpu.memory_space<vmem_shared>>
      tpu.enqueue_dma source(%dma_start3A_102 : memref<128x128xf32, #tpu.memory_space<vmem_shared>>) target(%dma_start3A_100 : memref<128x128xf32, #tpu.memory_space<hbm>>) target_semaphore(%run_scoped3A : memref<!tpu.dma_semaphore, #tpu.memory_space<semaphore_mem>>)
      %dma_wait3A_103 = arith.constant 0 : i32
      %dma_wait3A_104 = arith.constant 0 : i32
      %dma_wait3A_105 = tpu.memref_slice %arg5[%arg0, %dma_wait3A_103, %dma_wait3A_104] : memref<2x10240x128xf32, #tpu.memory_space<hbm>> -> memref<1x10240x128xf32, #tpu.memory_space<hbm>>
      %dma_wait3A_106 = tpu.memref_squeeze %dma_wait3A_105 : memref<1x10240x128xf32, #tpu.memory_space<hbm>> -> memref<10240x128xf32, #tpu.memory_space<hbm>>
      %dma_wait3A_107 = arith.constant 0 : i32
      %dma_wait3A_108 = tpu.memref_slice %dma_wait3A_106[%add3A_94, %dma_wait3A_107] : memref<10240x128xf32, #tpu.memory_space<hbm>> -> memref<128x128xf32, #tpu.memory_space<hbm>>
      %dma_wait3A_109 = arith.constant 0 : i32
      %dma_wait3A_110 = tpu.memref_slice %arg11[%add3A_92, %dma_wait3A_109] : memref<10240x128xf32, #tpu.memory_space<vmem_shared>> -> memref<128x128xf32, #tpu.memory_space<vmem_shared>>
      tpu.wait_dma2 semaphore(%run_scoped3A : memref<!tpu.dma_semaphore, #tpu.memory_space<semaphore_mem>>) src(%dma_wait3A_110 : memref<128x128xf32, #tpu.memory_space<vmem_shared>>) dst(%dma_wait3A_108 : memref<128x128xf32, #tpu.memory_space<hbm>>)
      tpu.yield
    }) : () -> ()
    return
  }
}

#map = affine_map<(d0, d1) -> (0, 0)>
#map1 = affine_map<(d0, d1) -> (0)>
#map2 = affine_map<(d0, d1) -> (0, 0, 0)>
module attributes {stable_mosaic.version = 14 : i64} {
  func.func @_sc_agg(%arg0: i32, %arg1: i32, %arg2: memref<10240x128xf32, #tpu.memory_space<hbm>>, %arg3: memref<344064xi32, #tpu.memory_space<hbm>>, %arg4: memref<344064xi32, #tpu.memory_space<hbm>>, %arg5: memref<128x128xf32, #tpu.memory_space<hbm>>, %arg6: memref<2x10240x128xf32, #tpu.memory_space<hbm>>, %arg7: memref<112xi32, #tpu.memory_space<vmem>>, %arg8: memref<112xi32, #tpu.memory_space<vmem>>, %arg9: memref<112xi32, #tpu.memory_space<vmem>>, %arg10: memref<112xi32, #tpu.memory_space<vmem>>, %arg11: memref<112xi32, #tpu.memory_space<vmem>>, %arg12: memref<112xi32, #tpu.memory_space<vmem>>, %arg13: memref<112xi32, #tpu.memory_space<vmem>>, %arg14: memref<112xi32, #tpu.memory_space<vmem>>, %arg15: memref<112xi32, #tpu.memory_space<vmem>>, %arg16: memref<112xi32, #tpu.memory_space<vmem>>, %arg17: memref<112xi32, #tpu.memory_space<vmem>>, %arg18: memref<112xi32, #tpu.memory_space<vmem>>, %arg19: memref<112x128xf32, #tpu.memory_space<vmem>>, %arg20: memref<112x128xf32, #tpu.memory_space<vmem>>, %arg21: memref<112x128xf32, #tpu.memory_space<vmem>>, %arg22: memref<10240x128xf32, #tpu.memory_space<vmem_shared>>, %arg23: memref<!tpu.dma_semaphore, #tpu.memory_space<semaphore_mem>>, %arg24: memref<!tpu.dma_semaphore, #tpu.memory_space<semaphore_mem>>, %arg25: memref<!tpu.dma_semaphore, #tpu.memory_space<semaphore_mem>>, %arg26: memref<!tpu.dma_semaphore, #tpu.memory_space<semaphore_mem>>, %arg27: memref<!tpu.dma_semaphore, #tpu.memory_space<semaphore_mem>>, %arg28: memref<!tpu.dma_semaphore, #tpu.memory_space<semaphore_mem>>, %arg29: memref<!tpu.dma_semaphore, #tpu.memory_space<semaphore_mem>>, %arg30: memref<!tpu.dma_semaphore, #tpu.memory_space<semaphore_mem>>, %arg31: memref<!tpu.dma_semaphore, #tpu.memory_space<semaphore_mem>>, %arg32: memref<!tpu.dma_semaphore, #tpu.memory_space<semaphore_mem>>, %arg33: memref<!tpu.dma_semaphore, #tpu.memory_space<semaphore_mem>>, %arg34: memref<!tpu.dma_semaphore, #tpu.memory_space<semaphore_mem>>, %arg35: memref<!tpu.dma_semaphore, #tpu.memory_space<semaphore_mem>>, %arg36: memref<!tpu.dma_semaphore, #tpu.memory_space<semaphore_mem>>, %arg37: memref<!tpu.dma_semaphore, #tpu.memory_space<semaphore_mem>>, %arg38: memref<!tpu.dma_semaphore, #tpu.memory_space<semaphore_mem>>, %arg39: memref<!tpu.dma_semaphore, #tpu.memory_space<semaphore_mem>>, %arg40: memref<!tpu.dma_semaphore, #tpu.memory_space<semaphore_mem>>) attributes {dimension_semantics = [#tpu.dimension_semantics<core_parallel>, #tpu.dimension_semantics<subcore_parallel>], iteration_bounds = array<i64: 2, 16>, scalar_prefetch = 0 : i64, scratch_operands = 34 : i64, tpu.core_type = #tpu.core_type<sc_vector_subcore>, window_params = [{transform_indices = #map}, {transform_indices = #map1}, {transform_indices = #map1}, {transform_indices = #map}, {transform_indices = #map2}]} {
    %mul3A = arith.constant 16 : i32
    %mul3A_0 = arith.muli %arg0, %mul3A : i32
    %add3A = arith.addi %mul3A_0, %arg1 : i32
    %mul3A_1 = arith.constant 10752 : i32
    %mul3A_2 = arith.muli %add3A, %mul3A_1 : i32
    %mul3A_3 = arith.constant 640 : i32
    %mul3A_4 = arith.muli %arg1, %mul3A_3 : i32
    %add3A_5 = arith.constant 0 : i32
    %add3A_6 = arith.addi %mul3A_4, %add3A_5 : i32
    "tpu.region"() ({
      %run_scoped3A = tpu.sem_alloc : memref<!tpu.dma_semaphore, #tpu.memory_space<semaphore_mem>>
      %dma_start3A_207 = arith.constant 0 : i32
      %dma_start3A_208 = tpu.memref_slice %arg22[%add3A_6, %dma_start3A_207] : memref<10240x128xf32, #tpu.memory_space<vmem_shared>> -> memref<128x128xf32, #tpu.memory_space<vmem_shared>>
      tpu.enqueue_dma source(%arg5 : memref<128x128xf32, #tpu.memory_space<hbm>>) target(%dma_start3A_208 : memref<128x128xf32, #tpu.memory_space<vmem_shared>>) target_semaphore(%run_scoped3A : memref<!tpu.dma_semaphore, #tpu.memory_space<semaphore_mem>>)
      %dma_wait3A_209 = arith.constant 0 : i32
      %dma_wait3A_210 = tpu.memref_slice %arg22[%add3A_6, %dma_wait3A_209] : memref<10240x128xf32, #tpu.memory_space<vmem_shared>> -> memref<128x128xf32, #tpu.memory_space<vmem_shared>>
      tpu.wait_dma2 semaphore(%run_scoped3A : memref<!tpu.dma_semaphore, #tpu.memory_space<semaphore_mem>>) src(%arg5 : memref<128x128xf32, #tpu.memory_space<hbm>>) dst(%dma_wait3A_210 : memref<128x128xf32, #tpu.memory_space<vmem_shared>>)
      tpu.yield
    }) : () -> ()
    %add3A_7 = arith.constant 128 : i32
    %add3A_8 = arith.addi %mul3A_4, %add3A_7 : i32
    "tpu.region"() ({
      %run_scoped3A = tpu.sem_alloc : memref<!tpu.dma_semaphore, #tpu.memory_space<semaphore_mem>>
      %dma_start3A_207 = arith.constant 0 : i32
      %dma_start3A_208 = tpu.memref_slice %arg22[%add3A_8, %dma_start3A_207] : memref<10240x128xf32, #tpu.memory_space<vmem_shared>> -> memref<128x128xf32, #tpu.memory_space<vmem_shared>>
      tpu.enqueue_dma source(%arg5 : memref<128x128xf32, #tpu.memory_space<hbm>>) target(%dma_start3A_208 : memref<128x128xf32, #tpu.memory_space<vmem_shared>>) target_semaphore(%run_scoped3A : memref<!tpu.dma_semaphore, #tpu.memory_space<semaphore_mem>>)
      %dma_wait3A_209 = arith.constant 0 : i32
      %dma_wait3A_210 = tpu.memref_slice %arg22[%add3A_8, %dma_wait3A_209] : memref<10240x128xf32, #tpu.memory_space<vmem_shared>> -> memref<128x128xf32, #tpu.memory_space<vmem_shared>>
      tpu.wait_dma2 semaphore(%run_scoped3A : memref<!tpu.dma_semaphore, #tpu.memory_space<semaphore_mem>>) src(%arg5 : memref<128x128xf32, #tpu.memory_space<hbm>>) dst(%dma_wait3A_210 : memref<128x128xf32, #tpu.memory_space<vmem_shared>>)
      tpu.yield
    }) : () -> ()
    %add3A_9 = arith.constant 256 : i32
    %add3A_10 = arith.addi %mul3A_4, %add3A_9 : i32
    "tpu.region"() ({
      %run_scoped3A = tpu.sem_alloc : memref<!tpu.dma_semaphore, #tpu.memory_space<semaphore_mem>>
      %dma_start3A_207 = arith.constant 0 : i32
      %dma_start3A_208 = tpu.memref_slice %arg22[%add3A_10, %dma_start3A_207] : memref<10240x128xf32, #tpu.memory_space<vmem_shared>> -> memref<128x128xf32, #tpu.memory_space<vmem_shared>>
      tpu.enqueue_dma source(%arg5 : memref<128x128xf32, #tpu.memory_space<hbm>>) target(%dma_start3A_208 : memref<128x128xf32, #tpu.memory_space<vmem_shared>>) target_semaphore(%run_scoped3A : memref<!tpu.dma_semaphore, #tpu.memory_space<semaphore_mem>>)
      %dma_wait3A_209 = arith.constant 0 : i32
      %dma_wait3A_210 = tpu.memref_slice %arg22[%add3A_10, %dma_wait3A_209] : memref<10240x128xf32, #tpu.memory_space<vmem_shared>> -> memref<128x128xf32, #tpu.memory_space<vmem_shared>>
      tpu.wait_dma2 semaphore(%run_scoped3A : memref<!tpu.dma_semaphore, #tpu.memory_space<semaphore_mem>>) src(%arg5 : memref<128x128xf32, #tpu.memory_space<hbm>>) dst(%dma_wait3A_210 : memref<128x128xf32, #tpu.memory_space<vmem_shared>>)
      tpu.yield
    }) : () -> ()
    %add3A_11 = arith.constant 384 : i32
    %add3A_12 = arith.addi %mul3A_4, %add3A_11 : i32
    "tpu.region"() ({
      %run_scoped3A = tpu.sem_alloc : memref<!tpu.dma_semaphore, #tpu.memory_space<semaphore_mem>>
      %dma_start3A_207 = arith.constant 0 : i32
      %dma_start3A_208 = tpu.memref_slice %arg22[%add3A_12, %dma_start3A_207] : memref<10240x128xf32, #tpu.memory_space<vmem_shared>> -> memref<128x128xf32, #tpu.memory_space<vmem_shared>>
      tpu.enqueue_dma source(%arg5 : memref<128x128xf32, #tpu.memory_space<hbm>>) target(%dma_start3A_208 : memref<128x128xf32, #tpu.memory_space<vmem_shared>>) target_semaphore(%run_scoped3A : memref<!tpu.dma_semaphore, #tpu.memory_space<semaphore_mem>>)
      %dma_wait3A_209 = arith.constant 0 : i32
      %dma_wait3A_210 = tpu.memref_slice %arg22[%add3A_12, %dma_wait3A_209] : memref<10240x128xf32, #tpu.memory_space<vmem_shared>> -> memref<128x128xf32, #tpu.memory_space<vmem_shared>>
      tpu.wait_dma2 semaphore(%run_scoped3A : memref<!tpu.dma_semaphore, #tpu.memory_space<semaphore_mem>>) src(%arg5 : memref<128x128xf32, #tpu.memory_space<hbm>>) dst(%dma_wait3A_210 : memref<128x128xf32, #tpu.memory_space<vmem_shared>>)
      tpu.yield
    }) : () -> ()
    %add3A_13 = arith.constant 512 : i32
    %add3A_14 = arith.addi %mul3A_4, %add3A_13 : i32
    "tpu.region"() ({
      %run_scoped3A = tpu.sem_alloc : memref<!tpu.dma_semaphore, #tpu.memory_space<semaphore_mem>>
      %dma_start3A_207 = arith.constant 0 : i32
      %dma_start3A_208 = tpu.memref_slice %arg22[%add3A_14, %dma_start3A_207] : memref<10240x128xf32, #tpu.memory_space<vmem_shared>> -> memref<128x128xf32, #tpu.memory_space<vmem_shared>>
      tpu.enqueue_dma source(%arg5 : memref<128x128xf32, #tpu.memory_space<hbm>>) target(%dma_start3A_208 : memref<128x128xf32, #tpu.memory_space<vmem_shared>>) target_semaphore(%run_scoped3A : memref<!tpu.dma_semaphore, #tpu.memory_space<semaphore_mem>>)
      %dma_wait3A_209 = arith.constant 0 : i32
      %dma_wait3A_210 = tpu.memref_slice %arg22[%add3A_14, %dma_wait3A_209] : memref<10240x128xf32, #tpu.memory_space<vmem_shared>> -> memref<128x128xf32, #tpu.memory_space<vmem_shared>>
      tpu.wait_dma2 semaphore(%run_scoped3A : memref<!tpu.dma_semaphore, #tpu.memory_space<semaphore_mem>>) src(%arg5 : memref<128x128xf32, #tpu.memory_space<hbm>>) dst(%dma_wait3A_210 : memref<128x128xf32, #tpu.memory_space<vmem_shared>>)
      tpu.yield
    }) : () -> ()
    %barrier3A = arith.constant 0 : index
    tpu.barrier barrier_id(%barrier3A)
    %add3A_15 = arith.constant 0 : i32
    %add3A_16 = arith.addi %mul3A_2, %add3A_15 : i32
    %dma_start3A = tpu.memref_slice %arg3[%add3A_16] : memref<344064xi32, #tpu.memory_space<hbm>> -> memref<112xi32, #tpu.memory_space<hbm>>
    %dma_start3A_17 = tpu.memref_slice %arg3[%add3A_16] : memref<344064xi32, #tpu.memory_space<hbm>> -> memref<112xi32, #tpu.memory_space<hbm>>
    tpu.enqueue_dma source(%dma_start3A_17 : memref<112xi32, #tpu.memory_space<hbm>>) target(%arg7 : memref<112xi32, #tpu.memory_space<vmem>>) target_semaphore(%arg23 : memref<!tpu.dma_semaphore, #tpu.memory_space<semaphore_mem>>)
    %add3A_18 = arith.constant 0 : i32
    %add3A_19 = arith.addi %mul3A_2, %add3A_18 : i32
    %dma_start3A_20 = tpu.memref_slice %arg4[%add3A_19] : memref<344064xi32, #tpu.memory_space<hbm>> -> memref<112xi32, #tpu.memory_space<hbm>>
    %dma_start3A_21 = tpu.memref_slice %arg4[%add3A_19] : memref<344064xi32, #tpu.memory_space<hbm>> -> memref<112xi32, #tpu.memory_space<hbm>>
    tpu.enqueue_dma source(%dma_start3A_21 : memref<112xi32, #tpu.memory_space<hbm>>) target(%arg13 : memref<112xi32, #tpu.memory_space<vmem>>) target_semaphore(%arg29 : memref<!tpu.dma_semaphore, #tpu.memory_space<semaphore_mem>>)
    %add3A_22 = arith.constant 112 : i32
    %add3A_23 = arith.addi %mul3A_2, %add3A_22 : i32
    %dma_start3A_24 = tpu.memref_slice %arg3[%add3A_23] : memref<344064xi32, #tpu.memory_space<hbm>> -> memref<112xi32, #tpu.memory_space<hbm>>
    %dma_start3A_25 = tpu.memref_slice %arg3[%add3A_23] : memref<344064xi32, #tpu.memory_space<hbm>> -> memref<112xi32, #tpu.memory_space<hbm>>
    tpu.enqueue_dma source(%dma_start3A_25 : memref<112xi32, #tpu.memory_space<hbm>>) target(%arg8 : memref<112xi32, #tpu.memory_space<vmem>>) target_semaphore(%arg24 : memref<!tpu.dma_semaphore, #tpu.memory_space<semaphore_mem>>)
    %add3A_26 = arith.constant 112 : i32
    %add3A_27 = arith.addi %mul3A_2, %add3A_26 : i32
    %dma_start3A_28 = tpu.memref_slice %arg4[%add3A_27] : memref<344064xi32, #tpu.memory_space<hbm>> -> memref<112xi32, #tpu.memory_space<hbm>>
    %dma_start3A_29 = tpu.memref_slice %arg4[%add3A_27] : memref<344064xi32, #tpu.memory_space<hbm>> -> memref<112xi32, #tpu.memory_space<hbm>>
    tpu.enqueue_dma source(%dma_start3A_29 : memref<112xi32, #tpu.memory_space<hbm>>) target(%arg14 : memref<112xi32, #tpu.memory_space<vmem>>) target_semaphore(%arg30 : memref<!tpu.dma_semaphore, #tpu.memory_space<semaphore_mem>>)
    %add3A_30 = arith.constant 224 : i32
    %add3A_31 = arith.addi %mul3A_2, %add3A_30 : i32
    %dma_start3A_32 = tpu.memref_slice %arg3[%add3A_31] : memref<344064xi32, #tpu.memory_space<hbm>> -> memref<112xi32, #tpu.memory_space<hbm>>
    %dma_start3A_33 = tpu.memref_slice %arg3[%add3A_31] : memref<344064xi32, #tpu.memory_space<hbm>> -> memref<112xi32, #tpu.memory_space<hbm>>
    tpu.enqueue_dma source(%dma_start3A_33 : memref<112xi32, #tpu.memory_space<hbm>>) target(%arg9 : memref<112xi32, #tpu.memory_space<vmem>>) target_semaphore(%arg25 : memref<!tpu.dma_semaphore, #tpu.memory_space<semaphore_mem>>)
    %add3A_34 = arith.constant 224 : i32
    %add3A_35 = arith.addi %mul3A_2, %add3A_34 : i32
    %dma_start3A_36 = tpu.memref_slice %arg4[%add3A_35] : memref<344064xi32, #tpu.memory_space<hbm>> -> memref<112xi32, #tpu.memory_space<hbm>>
    %dma_start3A_37 = tpu.memref_slice %arg4[%add3A_35] : memref<344064xi32, #tpu.memory_space<hbm>> -> memref<112xi32, #tpu.memory_space<hbm>>
    tpu.enqueue_dma source(%dma_start3A_37 : memref<112xi32, #tpu.memory_space<hbm>>) target(%arg15 : memref<112xi32, #tpu.memory_space<vmem>>) target_semaphore(%arg31 : memref<!tpu.dma_semaphore, #tpu.memory_space<semaphore_mem>>)
    %add3A_38 = arith.constant 336 : i32
    %add3A_39 = arith.addi %mul3A_2, %add3A_38 : i32
    %dma_start3A_40 = tpu.memref_slice %arg3[%add3A_39] : memref<344064xi32, #tpu.memory_space<hbm>> -> memref<112xi32, #tpu.memory_space<hbm>>
    %dma_start3A_41 = tpu.memref_slice %arg3[%add3A_39] : memref<344064xi32, #tpu.memory_space<hbm>> -> memref<112xi32, #tpu.memory_space<hbm>>
    tpu.enqueue_dma source(%dma_start3A_41 : memref<112xi32, #tpu.memory_space<hbm>>) target(%arg10 : memref<112xi32, #tpu.memory_space<vmem>>) target_semaphore(%arg26 : memref<!tpu.dma_semaphore, #tpu.memory_space<semaphore_mem>>)
    %add3A_42 = arith.constant 336 : i32
    %add3A_43 = arith.addi %mul3A_2, %add3A_42 : i32
    %dma_start3A_44 = tpu.memref_slice %arg4[%add3A_43] : memref<344064xi32, #tpu.memory_space<hbm>> -> memref<112xi32, #tpu.memory_space<hbm>>
    %dma_start3A_45 = tpu.memref_slice %arg4[%add3A_43] : memref<344064xi32, #tpu.memory_space<hbm>> -> memref<112xi32, #tpu.memory_space<hbm>>
    tpu.enqueue_dma source(%dma_start3A_45 : memref<112xi32, #tpu.memory_space<hbm>>) target(%arg16 : memref<112xi32, #tpu.memory_space<vmem>>) target_semaphore(%arg32 : memref<!tpu.dma_semaphore, #tpu.memory_space<semaphore_mem>>)
    %add3A_46 = arith.constant 448 : i32
    %add3A_47 = arith.addi %mul3A_2, %add3A_46 : i32
    %dma_start3A_48 = tpu.memref_slice %arg3[%add3A_47] : memref<344064xi32, #tpu.memory_space<hbm>> -> memref<112xi32, #tpu.memory_space<hbm>>
    %dma_start3A_49 = tpu.memref_slice %arg3[%add3A_47] : memref<344064xi32, #tpu.memory_space<hbm>> -> memref<112xi32, #tpu.memory_space<hbm>>
    tpu.enqueue_dma source(%dma_start3A_49 : memref<112xi32, #tpu.memory_space<hbm>>) target(%arg11 : memref<112xi32, #tpu.memory_space<vmem>>) target_semaphore(%arg27 : memref<!tpu.dma_semaphore, #tpu.memory_space<semaphore_mem>>)
    %add3A_50 = arith.constant 448 : i32
    %add3A_51 = arith.addi %mul3A_2, %add3A_50 : i32
    %dma_start3A_52 = tpu.memref_slice %arg4[%add3A_51] : memref<344064xi32, #tpu.memory_space<hbm>> -> memref<112xi32, #tpu.memory_space<hbm>>
    %dma_start3A_53 = tpu.memref_slice %arg4[%add3A_51] : memref<344064xi32, #tpu.memory_space<hbm>> -> memref<112xi32, #tpu.memory_space<hbm>>
    tpu.enqueue_dma source(%dma_start3A_53 : memref<112xi32, #tpu.memory_space<hbm>>) target(%arg17 : memref<112xi32, #tpu.memory_space<vmem>>) target_semaphore(%arg33 : memref<!tpu.dma_semaphore, #tpu.memory_space<semaphore_mem>>)
    %add3A_54 = arith.constant 560 : i32
    %add3A_55 = arith.addi %mul3A_2, %add3A_54 : i32
    %dma_start3A_56 = tpu.memref_slice %arg3[%add3A_55] : memref<344064xi32, #tpu.memory_space<hbm>> -> memref<112xi32, #tpu.memory_space<hbm>>
    %dma_start3A_57 = tpu.memref_slice %arg3[%add3A_55] : memref<344064xi32, #tpu.memory_space<hbm>> -> memref<112xi32, #tpu.memory_space<hbm>>
    tpu.enqueue_dma source(%dma_start3A_57 : memref<112xi32, #tpu.memory_space<hbm>>) target(%arg12 : memref<112xi32, #tpu.memory_space<vmem>>) target_semaphore(%arg28 : memref<!tpu.dma_semaphore, #tpu.memory_space<semaphore_mem>>)
    %add3A_58 = arith.constant 560 : i32
    %add3A_59 = arith.addi %mul3A_2, %add3A_58 : i32
    %dma_start3A_60 = tpu.memref_slice %arg4[%add3A_59] : memref<344064xi32, #tpu.memory_space<hbm>> -> memref<112xi32, #tpu.memory_space<hbm>>
    %dma_start3A_61 = tpu.memref_slice %arg4[%add3A_59] : memref<344064xi32, #tpu.memory_space<hbm>> -> memref<112xi32, #tpu.memory_space<hbm>>
    tpu.enqueue_dma source(%dma_start3A_61 : memref<112xi32, #tpu.memory_space<hbm>>) target(%arg18 : memref<112xi32, #tpu.memory_space<vmem>>) target_semaphore(%arg34 : memref<!tpu.dma_semaphore, #tpu.memory_space<semaphore_mem>>)
    %dma_wait3A = arith.constant 0 : i32
    %dma_wait3A_62 = tpu.memref_slice %arg3[%dma_wait3A] : memref<344064xi32, #tpu.memory_space<hbm>> -> memref<112xi32, #tpu.memory_space<hbm>>
    %dma_wait3A_63 = arith.constant 0 : i32
    %dma_wait3A_64 = tpu.memref_slice %arg3[%dma_wait3A_63] : memref<344064xi32, #tpu.memory_space<hbm>> -> memref<112xi32, #tpu.memory_space<hbm>>
    tpu.wait_dma2 semaphore(%arg23 : memref<!tpu.dma_semaphore, #tpu.memory_space<semaphore_mem>>) src(%dma_wait3A_64 : memref<112xi32, #tpu.memory_space<hbm>>) dst(%arg7 : memref<112xi32, #tpu.memory_space<vmem>>)
    %dma_start3A_65 = arith.constant 0 : i32
    %dma_start3A_66 = arith.constant 0 : i32
    %dma_start3A_67 = tpu.memref_slice %arg2[%dma_start3A_65, %dma_start3A_66] : memref<10240x128xf32, #tpu.memory_space<hbm>> -> memref<10240x128xf32, #tpu.memory_space<hbm>>
    tpu.enqueue_indirect_dma source(%dma_start3A_67 : memref<10240x128xf32, #tpu.memory_space<hbm>>) target(%arg19 : memref<112x128xf32, #tpu.memory_space<vmem>>) offsets(%arg7 : memref<112xi32, #tpu.memory_space<vmem>>) semaphore(%arg35 : memref<!tpu.dma_semaphore, #tpu.memory_space<semaphore_mem>>)
    %dma_wait3A_68 = arith.constant 0 : i32
    %dma_wait3A_69 = tpu.memref_slice %arg3[%dma_wait3A_68] : memref<344064xi32, #tpu.memory_space<hbm>> -> memref<112xi32, #tpu.memory_space<hbm>>
    %dma_wait3A_70 = arith.constant 0 : i32
    %dma_wait3A_71 = tpu.memref_slice %arg3[%dma_wait3A_70] : memref<344064xi32, #tpu.memory_space<hbm>> -> memref<112xi32, #tpu.memory_space<hbm>>
    tpu.wait_dma2 semaphore(%arg24 : memref<!tpu.dma_semaphore, #tpu.memory_space<semaphore_mem>>) src(%dma_wait3A_71 : memref<112xi32, #tpu.memory_space<hbm>>) dst(%arg8 : memref<112xi32, #tpu.memory_space<vmem>>)
    %dma_start3A_72 = arith.constant 0 : i32
    %dma_start3A_73 = arith.constant 0 : i32
    %dma_start3A_74 = tpu.memref_slice %arg2[%dma_start3A_72, %dma_start3A_73] : memref<10240x128xf32, #tpu.memory_space<hbm>> -> memref<10240x128xf32, #tpu.memory_space<hbm>>
    tpu.enqueue_indirect_dma source(%dma_start3A_74 : memref<10240x128xf32, #tpu.memory_space<hbm>>) target(%arg20 : memref<112x128xf32, #tpu.memory_space<vmem>>) offsets(%arg8 : memref<112xi32, #tpu.memory_space<vmem>>) semaphore(%arg36 : memref<!tpu.dma_semaphore, #tpu.memory_space<semaphore_mem>>)
    %dma_wait3A_75 = arith.constant 0 : i32
    %dma_wait3A_76 = tpu.memref_slice %arg3[%dma_wait3A_75] : memref<344064xi32, #tpu.memory_space<hbm>> -> memref<112xi32, #tpu.memory_space<hbm>>
    %dma_wait3A_77 = arith.constant 0 : i32
    %dma_wait3A_78 = tpu.memref_slice %arg3[%dma_wait3A_77] : memref<344064xi32, #tpu.memory_space<hbm>> -> memref<112xi32, #tpu.memory_space<hbm>>
    tpu.wait_dma2 semaphore(%arg25 : memref<!tpu.dma_semaphore, #tpu.memory_space<semaphore_mem>>) src(%dma_wait3A_78 : memref<112xi32, #tpu.memory_space<hbm>>) dst(%arg9 : memref<112xi32, #tpu.memory_space<vmem>>)
    %dma_start3A_79 = arith.constant 0 : i32
    %dma_start3A_80 = arith.constant 0 : i32
    %dma_start3A_81 = tpu.memref_slice %arg2[%dma_start3A_79, %dma_start3A_80] : memref<10240x128xf32, #tpu.memory_space<hbm>> -> memref<10240x128xf32, #tpu.memory_space<hbm>>
    tpu.enqueue_indirect_dma source(%dma_start3A_81 : memref<10240x128xf32, #tpu.memory_space<hbm>>) target(%arg21 : memref<112x128xf32, #tpu.memory_space<vmem>>) offsets(%arg9 : memref<112xi32, #tpu.memory_space<vmem>>) semaphore(%arg37 : memref<!tpu.dma_semaphore, #tpu.memory_space<semaphore_mem>>)
    %scan3A = arith.constant 0 : i32
    %scan3A_82 = arith.constant 0 : i32
    %scan3A_83 = arith.constant 15 : i32
    %scan3A_84 = arith.addi %scan3A_82, %scan3A_83 : i32
    %scan3A_85 = arith.constant 1 : i32
    scf.for %scan3A_207 = %scan3A_82 to %scan3A_84 step %scan3A_85  : i32 {
      %mul3A_208 = arith.constant 6 : i32
      %mul3A_209 = arith.muli %mul3A_208, %scan3A_207 : i32
      %add3A_210 = arith.constant 0 : i32
      %add3A_211 = arith.addi %mul3A_209, %add3A_210 : i32
      %dma_wait3A_212 = arith.constant 0 : i32
      %dma_wait3A_213 = arith.constant 0 : i32
      %dma_wait3A_214 = tpu.memref_slice %arg2[%dma_wait3A_212, %dma_wait3A_213] : memref<10240x128xf32, #tpu.memory_space<hbm>> -> memref<10240x128xf32, #tpu.memory_space<hbm>>
      tpu.wait_indirect_dma semaphore(%arg35 : memref<!tpu.dma_semaphore, #tpu.memory_space<semaphore_mem>>) src(%dma_wait3A_214 : memref<10240x128xf32, #tpu.memory_space<hbm>>) dst(%arg19 : memref<112x128xf32, #tpu.memory_space<vmem>>)
      %dma_wait3A_215 = arith.constant 0 : i32
      %dma_wait3A_216 = tpu.memref_slice %arg4[%dma_wait3A_215] : memref<344064xi32, #tpu.memory_space<hbm>> -> memref<112xi32, #tpu.memory_space<hbm>>
      %dma_wait3A_217 = arith.constant 0 : i32
      %dma_wait3A_218 = tpu.memref_slice %arg4[%dma_wait3A_217] : memref<344064xi32, #tpu.memory_space<hbm>> -> memref<112xi32, #tpu.memory_space<hbm>>
      tpu.wait_dma2 semaphore(%arg29 : memref<!tpu.dma_semaphore, #tpu.memory_space<semaphore_mem>>) src(%dma_wait3A_218 : memref<112xi32, #tpu.memory_space<hbm>>) dst(%arg13 : memref<112xi32, #tpu.memory_space<vmem>>)
      %dma_start3A_219 = arith.constant 0 : i32
      %dma_start3A_220 = arith.constant 0 : i32
      %dma_start3A_221 = tpu.memref_slice %arg22[%dma_start3A_219, %dma_start3A_220] : memref<10240x128xf32, #tpu.memory_space<vmem_shared>> -> memref<10240x128xf32, #tpu.memory_space<vmem_shared>>
      tpu.enqueue_indirect_dma source(%arg19 : memref<112x128xf32, #tpu.memory_space<vmem>>) target(%dma_start3A_221 : memref<10240x128xf32, #tpu.memory_space<vmem_shared>>) offsets(%arg13 : memref<112xi32, #tpu.memory_space<vmem>>) semaphore(%arg38 : memref<!tpu.dma_semaphore, #tpu.memory_space<semaphore_mem>>) {add = true}
      %dma_wait3A_222 = arith.constant 0 : i32
      %dma_wait3A_223 = arith.constant 0 : i32
      %dma_wait3A_224 = tpu.memref_slice %arg22[%dma_wait3A_222, %dma_wait3A_223] : memref<10240x128xf32, #tpu.memory_space<vmem_shared>> -> memref<10240x128xf32, #tpu.memory_space<vmem_shared>>
      tpu.wait_indirect_dma semaphore(%arg38 : memref<!tpu.dma_semaphore, #tpu.memory_space<semaphore_mem>>) src(%arg19 : memref<112x128xf32, #tpu.memory_space<vmem>>) dst(%dma_wait3A_224 : memref<10240x128xf32, #tpu.memory_space<vmem_shared>>)
      %add3A_225 = arith.constant 6 : i32
      %add3A_226 = arith.addi %add3A_211, %add3A_225 : i32
      %mul3A_227 = arith.constant 112 : i32
      %mul3A_228 = arith.muli %add3A_226, %mul3A_227 : i32
      %add3A_229 = arith.addi %mul3A_2, %mul3A_228 : i32
      %dma_start3A_230 = tpu.memref_slice %arg3[%add3A_229] : memref<344064xi32, #tpu.memory_space<hbm>> -> memref<112xi32, #tpu.memory_space<hbm>>
      %dma_start3A_231 = tpu.memref_slice %arg3[%add3A_229] : memref<344064xi32, #tpu.memory_space<hbm>> -> memref<112xi32, #tpu.memory_space<hbm>>
      tpu.enqueue_dma source(%dma_start3A_231 : memref<112xi32, #tpu.memory_space<hbm>>) target(%arg7 : memref<112xi32, #tpu.memory_space<vmem>>) target_semaphore(%arg23 : memref<!tpu.dma_semaphore, #tpu.memory_space<semaphore_mem>>)
      %mul3A_232 = arith.constant 112 : i32
      %mul3A_233 = arith.muli %add3A_226, %mul3A_232 : i32
      %add3A_234 = arith.addi %mul3A_2, %mul3A_233 : i32
      %dma_start3A_235 = tpu.memref_slice %arg4[%add3A_234] : memref<344064xi32, #tpu.memory_space<hbm>> -> memref<112xi32, #tpu.memory_space<hbm>>
      %dma_start3A_236 = tpu.memref_slice %arg4[%add3A_234] : memref<344064xi32, #tpu.memory_space<hbm>> -> memref<112xi32, #tpu.memory_space<hbm>>
      tpu.enqueue_dma source(%dma_start3A_236 : memref<112xi32, #tpu.memory_space<hbm>>) target(%arg13 : memref<112xi32, #tpu.memory_space<vmem>>) target_semaphore(%arg29 : memref<!tpu.dma_semaphore, #tpu.memory_space<semaphore_mem>>)
      %dma_wait3A_237 = arith.constant 0 : i32
      %dma_wait3A_238 = tpu.memref_slice %arg3[%dma_wait3A_237] : memref<344064xi32, #tpu.memory_space<hbm>> -> memref<112xi32, #tpu.memory_space<hbm>>
      %dma_wait3A_239 = arith.constant 0 : i32
      %dma_wait3A_240 = tpu.memref_slice %arg3[%dma_wait3A_239] : memref<344064xi32, #tpu.memory_space<hbm>> -> memref<112xi32, #tpu.memory_space<hbm>>
      tpu.wait_dma2 semaphore(%arg26 : memref<!tpu.dma_semaphore, #tpu.memory_space<semaphore_mem>>) src(%dma_wait3A_240 : memref<112xi32, #tpu.memory_space<hbm>>) dst(%arg10 : memref<112xi32, #tpu.memory_space<vmem>>)
      %dma_start3A_241 = arith.constant 0 : i32
      %dma_start3A_242 = arith.constant 0 : i32
      %dma_start3A_243 = tpu.memref_slice %arg2[%dma_start3A_241, %dma_start3A_242] : memref<10240x128xf32, #tpu.memory_space<hbm>> -> memref<10240x128xf32, #tpu.memory_space<hbm>>
      tpu.enqueue_indirect_dma source(%dma_start3A_243 : memref<10240x128xf32, #tpu.memory_space<hbm>>) target(%arg19 : memref<112x128xf32, #tpu.memory_space<vmem>>) offsets(%arg10 : memref<112xi32, #tpu.memory_space<vmem>>) semaphore(%arg35 : memref<!tpu.dma_semaphore, #tpu.memory_space<semaphore_mem>>)
      %mul3A_244 = arith.constant 6 : i32
      %mul3A_245 = arith.muli %mul3A_244, %scan3A_207 : i32
      %add3A_246 = arith.constant 1 : i32
      %add3A_247 = arith.addi %mul3A_245, %add3A_246 : i32
      %dma_wait3A_248 = arith.constant 0 : i32
      %dma_wait3A_249 = arith.constant 0 : i32
      %dma_wait3A_250 = tpu.memref_slice %arg2[%dma_wait3A_248, %dma_wait3A_249] : memref<10240x128xf32, #tpu.memory_space<hbm>> -> memref<10240x128xf32, #tpu.memory_space<hbm>>
      tpu.wait_indirect_dma semaphore(%arg36 : memref<!tpu.dma_semaphore, #tpu.memory_space<semaphore_mem>>) src(%dma_wait3A_250 : memref<10240x128xf32, #tpu.memory_space<hbm>>) dst(%arg20 : memref<112x128xf32, #tpu.memory_space<vmem>>)
      %dma_wait3A_251 = arith.constant 0 : i32
      %dma_wait3A_252 = tpu.memref_slice %arg4[%dma_wait3A_251] : memref<344064xi32, #tpu.memory_space<hbm>> -> memref<112xi32, #tpu.memory_space<hbm>>
      %dma_wait3A_253 = arith.constant 0 : i32
      %dma_wait3A_254 = tpu.memref_slice %arg4[%dma_wait3A_253] : memref<344064xi32, #tpu.memory_space<hbm>> -> memref<112xi32, #tpu.memory_space<hbm>>
      tpu.wait_dma2 semaphore(%arg30 : memref<!tpu.dma_semaphore, #tpu.memory_space<semaphore_mem>>) src(%dma_wait3A_254 : memref<112xi32, #tpu.memory_space<hbm>>) dst(%arg14 : memref<112xi32, #tpu.memory_space<vmem>>)
      %dma_start3A_255 = arith.constant 0 : i32
      %dma_start3A_256 = arith.constant 0 : i32
      %dma_start3A_257 = tpu.memref_slice %arg22[%dma_start3A_255, %dma_start3A_256] : memref<10240x128xf32, #tpu.memory_space<vmem_shared>> -> memref<10240x128xf32, #tpu.memory_space<vmem_shared>>
      tpu.enqueue_indirect_dma source(%arg20 : memref<112x128xf32, #tpu.memory_space<vmem>>) target(%dma_start3A_257 : memref<10240x128xf32, #tpu.memory_space<vmem_shared>>) offsets(%arg14 : memref<112xi32, #tpu.memory_space<vmem>>) semaphore(%arg39 : memref<!tpu.dma_semaphore, #tpu.memory_space<semaphore_mem>>) {add = true}
      %dma_wait3A_258 = arith.constant 0 : i32
      %dma_wait3A_259 = arith.constant 0 : i32
      %dma_wait3A_260 = tpu.memref_slice %arg22[%dma_wait3A_258, %dma_wait3A_259] : memref<10240x128xf32, #tpu.memory_space<vmem_shared>> -> memref<10240x128xf32, #tpu.memory_space<vmem_shared>>
      tpu.wait_indirect_dma semaphore(%arg39 : memref<!tpu.dma_semaphore, #tpu.memory_space<semaphore_mem>>) src(%arg20 : memref<112x128xf32, #tpu.memory_space<vmem>>) dst(%dma_wait3A_260 : memref<10240x128xf32, #tpu.memory_space<vmem_shared>>)
      %add3A_261 = arith.constant 6 : i32
      %add3A_262 = arith.addi %add3A_247, %add3A_261 : i32
      %mul3A_263 = arith.constant 112 : i32
      %mul3A_264 = arith.muli %add3A_262, %mul3A_263 : i32
      %add3A_265 = arith.addi %mul3A_2, %mul3A_264 : i32
      %dma_start3A_266 = tpu.memref_slice %arg3[%add3A_265] : memref<344064xi32, #tpu.memory_space<hbm>> -> memref<112xi32, #tpu.memory_space<hbm>>
      %dma_start3A_267 = tpu.memref_slice %arg3[%add3A_265] : memref<344064xi32, #tpu.memory_space<hbm>> -> memref<112xi32, #tpu.memory_space<hbm>>
      tpu.enqueue_dma source(%dma_start3A_267 : memref<112xi32, #tpu.memory_space<hbm>>) target(%arg8 : memref<112xi32, #tpu.memory_space<vmem>>) target_semaphore(%arg24 : memref<!tpu.dma_semaphore, #tpu.memory_space<semaphore_mem>>)
      %mul3A_268 = arith.constant 112 : i32
      %mul3A_269 = arith.muli %add3A_262, %mul3A_268 : i32
      %add3A_270 = arith.addi %mul3A_2, %mul3A_269 : i32
      %dma_start3A_271 = tpu.memref_slice %arg4[%add3A_270] : memref<344064xi32, #tpu.memory_space<hbm>> -> memref<112xi32, #tpu.memory_space<hbm>>
      %dma_start3A_272 = tpu.memref_slice %arg4[%add3A_270] : memref<344064xi32, #tpu.memory_space<hbm>> -> memref<112xi32, #tpu.memory_space<hbm>>
      tpu.enqueue_dma source(%dma_start3A_272 : memref<112xi32, #tpu.memory_space<hbm>>) target(%arg14 : memref<112xi32, #tpu.memory_space<vmem>>) target_semaphore(%arg30 : memref<!tpu.dma_semaphore, #tpu.memory_space<semaphore_mem>>)
      %dma_wait3A_273 = arith.constant 0 : i32
      %dma_wait3A_274 = tpu.memref_slice %arg3[%dma_wait3A_273] : memref<344064xi32, #tpu.memory_space<hbm>> -> memref<112xi32, #tpu.memory_space<hbm>>
      %dma_wait3A_275 = arith.constant 0 : i32
      %dma_wait3A_276 = tpu.memref_slice %arg3[%dma_wait3A_275] : memref<344064xi32, #tpu.memory_space<hbm>> -> memref<112xi32, #tpu.memory_space<hbm>>
      tpu.wait_dma2 semaphore(%arg27 : memref<!tpu.dma_semaphore, #tpu.memory_space<semaphore_mem>>) src(%dma_wait3A_276 : memref<112xi32, #tpu.memory_space<hbm>>) dst(%arg11 : memref<112xi32, #tpu.memory_space<vmem>>)
      %dma_start3A_277 = arith.constant 0 : i32
      %dma_start3A_278 = arith.constant 0 : i32
      %dma_start3A_279 = tpu.memref_slice %arg2[%dma_start3A_277, %dma_start3A_278] : memref<10240x128xf32, #tpu.memory_space<hbm>> -> memref<10240x128xf32, #tpu.memory_space<hbm>>
      tpu.enqueue_indirect_dma source(%dma_start3A_279 : memref<10240x128xf32, #tpu.memory_space<hbm>>) target(%arg20 : memref<112x128xf32, #tpu.memory_space<vmem>>) offsets(%arg11 : memref<112xi32, #tpu.memory_space<vmem>>) semaphore(%arg36 : memref<!tpu.dma_semaphore, #tpu.memory_space<semaphore_mem>>)
      %mul3A_280 = arith.constant 6 : i32
      %mul3A_281 = arith.muli %mul3A_280, %scan3A_207 : i32
      %add3A_282 = arith.constant 2 : i32
      %add3A_283 = arith.addi %mul3A_281, %add3A_282 : i32
      %dma_wait3A_284 = arith.constant 0 : i32
      %dma_wait3A_285 = arith.constant 0 : i32
      %dma_wait3A_286 = tpu.memref_slice %arg2[%dma_wait3A_284, %dma_wait3A_285] : memref<10240x128xf32, #tpu.memory_space<hbm>> -> memref<10240x128xf32, #tpu.memory_space<hbm>>
      tpu.wait_indirect_dma semaphore(%arg37 : memref<!tpu.dma_semaphore, #tpu.memory_space<semaphore_mem>>) src(%dma_wait3A_286 : memref<10240x128xf32, #tpu.memory_space<hbm>>) dst(%arg21 : memref<112x128xf32, #tpu.memory_space<vmem>>)
      %dma_wait3A_287 = arith.constant 0 : i32
      %dma_wait3A_288 = tpu.memref_slice %arg4[%dma_wait3A_287] : memref<344064xi32, #tpu.memory_space<hbm>> -> memref<112xi32, #tpu.memory_space<hbm>>
      %dma_wait3A_289 = arith.constant 0 : i32
      %dma_wait3A_290 = tpu.memref_slice %arg4[%dma_wait3A_289] : memref<344064xi32, #tpu.memory_space<hbm>> -> memref<112xi32, #tpu.memory_space<hbm>>
      tpu.wait_dma2 semaphore(%arg31 : memref<!tpu.dma_semaphore, #tpu.memory_space<semaphore_mem>>) src(%dma_wait3A_290 : memref<112xi32, #tpu.memory_space<hbm>>) dst(%arg15 : memref<112xi32, #tpu.memory_space<vmem>>)
      %dma_start3A_291 = arith.constant 0 : i32
      %dma_start3A_292 = arith.constant 0 : i32
      %dma_start3A_293 = tpu.memref_slice %arg22[%dma_start3A_291, %dma_start3A_292] : memref<10240x128xf32, #tpu.memory_space<vmem_shared>> -> memref<10240x128xf32, #tpu.memory_space<vmem_shared>>
      tpu.enqueue_indirect_dma source(%arg21 : memref<112x128xf32, #tpu.memory_space<vmem>>) target(%dma_start3A_293 : memref<10240x128xf32, #tpu.memory_space<vmem_shared>>) offsets(%arg15 : memref<112xi32, #tpu.memory_space<vmem>>) semaphore(%arg40 : memref<!tpu.dma_semaphore, #tpu.memory_space<semaphore_mem>>) {add = true}
      %dma_wait3A_294 = arith.constant 0 : i32
      %dma_wait3A_295 = arith.constant 0 : i32
      %dma_wait3A_296 = tpu.memref_slice %arg22[%dma_wait3A_294, %dma_wait3A_295] : memref<10240x128xf32, #tpu.memory_space<vmem_shared>> -> memref<10240x128xf32, #tpu.memory_space<vmem_shared>>
      tpu.wait_indirect_dma semaphore(%arg40 : memref<!tpu.dma_semaphore, #tpu.memory_space<semaphore_mem>>) src(%arg21 : memref<112x128xf32, #tpu.memory_space<vmem>>) dst(%dma_wait3A_296 : memref<10240x128xf32, #tpu.memory_space<vmem_shared>>)
      %add3A_297 = arith.constant 6 : i32
      %add3A_298 = arith.addi %add3A_283, %add3A_297 : i32
      %mul3A_299 = arith.constant 112 : i32
      %mul3A_300 = arith.muli %add3A_298, %mul3A_299 : i32
      %add3A_301 = arith.addi %mul3A_2, %mul3A_300 : i32
      %dma_start3A_302 = tpu.memref_slice %arg3[%add3A_301] : memref<344064xi32, #tpu.memory_space<hbm>> -> memref<112xi32, #tpu.memory_space<hbm>>
      %dma_start3A_303 = tpu.memref_slice %arg3[%add3A_301] : memref<344064xi32, #tpu.memory_space<hbm>> -> memref<112xi32, #tpu.memory_space<hbm>>
      tpu.enqueue_dma source(%dma_start3A_303 : memref<112xi32, #tpu.memory_space<hbm>>) target(%arg9 : memref<112xi32, #tpu.memory_space<vmem>>) target_semaphore(%arg25 : memref<!tpu.dma_semaphore, #tpu.memory_space<semaphore_mem>>)
      %mul3A_304 = arith.constant 112 : i32
      %mul3A_305 = arith.muli %add3A_298, %mul3A_304 : i32
      %add3A_306 = arith.addi %mul3A_2, %mul3A_305 : i32
      %dma_start3A_307 = tpu.memref_slice %arg4[%add3A_306] : memref<344064xi32, #tpu.memory_space<hbm>> -> memref<112xi32, #tpu.memory_space<hbm>>
      %dma_start3A_308 = tpu.memref_slice %arg4[%add3A_306] : memref<344064xi32, #tpu.memory_space<hbm>> -> memref<112xi32, #tpu.memory_space<hbm>>
      tpu.enqueue_dma source(%dma_start3A_308 : memref<112xi32, #tpu.memory_space<hbm>>) target(%arg15 : memref<112xi32, #tpu.memory_space<vmem>>) target_semaphore(%arg31 : memref<!tpu.dma_semaphore, #tpu.memory_space<semaphore_mem>>)
      %dma_wait3A_309 = arith.constant 0 : i32
      %dma_wait3A_310 = tpu.memref_slice %arg3[%dma_wait3A_309] : memref<344064xi32, #tpu.memory_space<hbm>> -> memref<112xi32, #tpu.memory_space<hbm>>
      %dma_wait3A_311 = arith.constant 0 : i32
      %dma_wait3A_312 = tpu.memref_slice %arg3[%dma_wait3A_311] : memref<344064xi32, #tpu.memory_space<hbm>> -> memref<112xi32, #tpu.memory_space<hbm>>
      tpu.wait_dma2 semaphore(%arg28 : memref<!tpu.dma_semaphore, #tpu.memory_space<semaphore_mem>>) src(%dma_wait3A_312 : memref<112xi32, #tpu.memory_space<hbm>>) dst(%arg12 : memref<112xi32, #tpu.memory_space<vmem>>)
      %dma_start3A_313 = arith.constant 0 : i32
      %dma_start3A_314 = arith.constant 0 : i32
      %dma_start3A_315 = tpu.memref_slice %arg2[%dma_start3A_313, %dma_start3A_314] : memref<10240x128xf32, #tpu.memory_space<hbm>> -> memref<10240x128xf32, #tpu.memory_space<hbm>>
      tpu.enqueue_indirect_dma source(%dma_start3A_315 : memref<10240x128xf32, #tpu.memory_space<hbm>>) target(%arg21 : memref<112x128xf32, #tpu.memory_space<vmem>>) offsets(%arg12 : memref<112xi32, #tpu.memory_space<vmem>>) semaphore(%arg37 : memref<!tpu.dma_semaphore, #tpu.memory_space<semaphore_mem>>)
      %mul3A_316 = arith.constant 6 : i32
      %mul3A_317 = arith.muli %mul3A_316, %scan3A_207 : i32
      %add3A_318 = arith.constant 3 : i32
      %add3A_319 = arith.addi %mul3A_317, %add3A_318 : i32
      %dma_wait3A_320 = arith.constant 0 : i32
      %dma_wait3A_321 = arith.constant 0 : i32
      %dma_wait3A_322 = tpu.memref_slice %arg2[%dma_wait3A_320, %dma_wait3A_321] : memref<10240x128xf32, #tpu.memory_space<hbm>> -> memref<10240x128xf32, #tpu.memory_space<hbm>>
      tpu.wait_indirect_dma semaphore(%arg35 : memref<!tpu.dma_semaphore, #tpu.memory_space<semaphore_mem>>) src(%dma_wait3A_322 : memref<10240x128xf32, #tpu.memory_space<hbm>>) dst(%arg19 : memref<112x128xf32, #tpu.memory_space<vmem>>)
      %dma_wait3A_323 = arith.constant 0 : i32
      %dma_wait3A_324 = tpu.memref_slice %arg4[%dma_wait3A_323] : memref<344064xi32, #tpu.memory_space<hbm>> -> memref<112xi32, #tpu.memory_space<hbm>>
      %dma_wait3A_325 = arith.constant 0 : i32
      %dma_wait3A_326 = tpu.memref_slice %arg4[%dma_wait3A_325] : memref<344064xi32, #tpu.memory_space<hbm>> -> memref<112xi32, #tpu.memory_space<hbm>>
      tpu.wait_dma2 semaphore(%arg32 : memref<!tpu.dma_semaphore, #tpu.memory_space<semaphore_mem>>) src(%dma_wait3A_326 : memref<112xi32, #tpu.memory_space<hbm>>) dst(%arg16 : memref<112xi32, #tpu.memory_space<vmem>>)
      %dma_start3A_327 = arith.constant 0 : i32
      %dma_start3A_328 = arith.constant 0 : i32
      %dma_start3A_329 = tpu.memref_slice %arg22[%dma_start3A_327, %dma_start3A_328] : memref<10240x128xf32, #tpu.memory_space<vmem_shared>> -> memref<10240x128xf32, #tpu.memory_space<vmem_shared>>
      tpu.enqueue_indirect_dma source(%arg19 : memref<112x128xf32, #tpu.memory_space<vmem>>) target(%dma_start3A_329 : memref<10240x128xf32, #tpu.memory_space<vmem_shared>>) offsets(%arg16 : memref<112xi32, #tpu.memory_space<vmem>>) semaphore(%arg38 : memref<!tpu.dma_semaphore, #tpu.memory_space<semaphore_mem>>) {add = true}
      %dma_wait3A_330 = arith.constant 0 : i32
      %dma_wait3A_331 = arith.constant 0 : i32
      %dma_wait3A_332 = tpu.memref_slice %arg22[%dma_wait3A_330, %dma_wait3A_331] : memref<10240x128xf32, #tpu.memory_space<vmem_shared>> -> memref<10240x128xf32, #tpu.memory_space<vmem_shared>>
      tpu.wait_indirect_dma semaphore(%arg38 : memref<!tpu.dma_semaphore, #tpu.memory_space<semaphore_mem>>) src(%arg19 : memref<112x128xf32, #tpu.memory_space<vmem>>) dst(%dma_wait3A_332 : memref<10240x128xf32, #tpu.memory_space<vmem_shared>>)
      %add3A_333 = arith.constant 6 : i32
      %add3A_334 = arith.addi %add3A_319, %add3A_333 : i32
      %mul3A_335 = arith.constant 112 : i32
      %mul3A_336 = arith.muli %add3A_334, %mul3A_335 : i32
      %add3A_337 = arith.addi %mul3A_2, %mul3A_336 : i32
      %dma_start3A_338 = tpu.memref_slice %arg3[%add3A_337] : memref<344064xi32, #tpu.memory_space<hbm>> -> memref<112xi32, #tpu.memory_space<hbm>>
      %dma_start3A_339 = tpu.memref_slice %arg3[%add3A_337] : memref<344064xi32, #tpu.memory_space<hbm>> -> memref<112xi32, #tpu.memory_space<hbm>>
      tpu.enqueue_dma source(%dma_start3A_339 : memref<112xi32, #tpu.memory_space<hbm>>) target(%arg10 : memref<112xi32, #tpu.memory_space<vmem>>) target_semaphore(%arg26 : memref<!tpu.dma_semaphore, #tpu.memory_space<semaphore_mem>>)
      %mul3A_340 = arith.constant 112 : i32
      %mul3A_341 = arith.muli %add3A_334, %mul3A_340 : i32
      %add3A_342 = arith.addi %mul3A_2, %mul3A_341 : i32
      %dma_start3A_343 = tpu.memref_slice %arg4[%add3A_342] : memref<344064xi32, #tpu.memory_space<hbm>> -> memref<112xi32, #tpu.memory_space<hbm>>
      %dma_start3A_344 = tpu.memref_slice %arg4[%add3A_342] : memref<344064xi32, #tpu.memory_space<hbm>> -> memref<112xi32, #tpu.memory_space<hbm>>
      tpu.enqueue_dma source(%dma_start3A_344 : memref<112xi32, #tpu.memory_space<hbm>>) target(%arg16 : memref<112xi32, #tpu.memory_space<vmem>>) target_semaphore(%arg32 : memref<!tpu.dma_semaphore, #tpu.memory_space<semaphore_mem>>)
      %dma_wait3A_345 = arith.constant 0 : i32
      %dma_wait3A_346 = tpu.memref_slice %arg3[%dma_wait3A_345] : memref<344064xi32, #tpu.memory_space<hbm>> -> memref<112xi32, #tpu.memory_space<hbm>>
      %dma_wait3A_347 = arith.constant 0 : i32
      %dma_wait3A_348 = tpu.memref_slice %arg3[%dma_wait3A_347] : memref<344064xi32, #tpu.memory_space<hbm>> -> memref<112xi32, #tpu.memory_space<hbm>>
      tpu.wait_dma2 semaphore(%arg23 : memref<!tpu.dma_semaphore, #tpu.memory_space<semaphore_mem>>) src(%dma_wait3A_348 : memref<112xi32, #tpu.memory_space<hbm>>) dst(%arg7 : memref<112xi32, #tpu.memory_space<vmem>>)
      %dma_start3A_349 = arith.constant 0 : i32
      %dma_start3A_350 = arith.constant 0 : i32
      %dma_start3A_351 = tpu.memref_slice %arg2[%dma_start3A_349, %dma_start3A_350] : memref<10240x128xf32, #tpu.memory_space<hbm>> -> memref<10240x128xf32, #tpu.memory_space<hbm>>
      tpu.enqueue_indirect_dma source(%dma_start3A_351 : memref<10240x128xf32, #tpu.memory_space<hbm>>) target(%arg19 : memref<112x128xf32, #tpu.memory_space<vmem>>) offsets(%arg7 : memref<112xi32, #tpu.memory_space<vmem>>) semaphore(%arg35 : memref<!tpu.dma_semaphore, #tpu.memory_space<semaphore_mem>>)
      %mul3A_352 = arith.constant 6 : i32
      %mul3A_353 = arith.muli %mul3A_352, %scan3A_207 : i32
      %add3A_354 = arith.constant 4 : i32
      %add3A_355 = arith.addi %mul3A_353, %add3A_354 : i32
      %dma_wait3A_356 = arith.constant 0 : i32
      %dma_wait3A_357 = arith.constant 0 : i32
      %dma_wait3A_358 = tpu.memref_slice %arg2[%dma_wait3A_356, %dma_wait3A_357] : memref<10240x128xf32, #tpu.memory_space<hbm>> -> memref<10240x128xf32, #tpu.memory_space<hbm>>
      tpu.wait_indirect_dma semaphore(%arg36 : memref<!tpu.dma_semaphore, #tpu.memory_space<semaphore_mem>>) src(%dma_wait3A_358 : memref<10240x128xf32, #tpu.memory_space<hbm>>) dst(%arg20 : memref<112x128xf32, #tpu.memory_space<vmem>>)
      %dma_wait3A_359 = arith.constant 0 : i32
      %dma_wait3A_360 = tpu.memref_slice %arg4[%dma_wait3A_359] : memref<344064xi32, #tpu.memory_space<hbm>> -> memref<112xi32, #tpu.memory_space<hbm>>
      %dma_wait3A_361 = arith.constant 0 : i32
      %dma_wait3A_362 = tpu.memref_slice %arg4[%dma_wait3A_361] : memref<344064xi32, #tpu.memory_space<hbm>> -> memref<112xi32, #tpu.memory_space<hbm>>
      tpu.wait_dma2 semaphore(%arg33 : memref<!tpu.dma_semaphore, #tpu.memory_space<semaphore_mem>>) src(%dma_wait3A_362 : memref<112xi32, #tpu.memory_space<hbm>>) dst(%arg17 : memref<112xi32, #tpu.memory_space<vmem>>)
      %dma_start3A_363 = arith.constant 0 : i32
      %dma_start3A_364 = arith.constant 0 : i32
      %dma_start3A_365 = tpu.memref_slice %arg22[%dma_start3A_363, %dma_start3A_364] : memref<10240x128xf32, #tpu.memory_space<vmem_shared>> -> memref<10240x128xf32, #tpu.memory_space<vmem_shared>>
      tpu.enqueue_indirect_dma source(%arg20 : memref<112x128xf32, #tpu.memory_space<vmem>>) target(%dma_start3A_365 : memref<10240x128xf32, #tpu.memory_space<vmem_shared>>) offsets(%arg17 : memref<112xi32, #tpu.memory_space<vmem>>) semaphore(%arg39 : memref<!tpu.dma_semaphore, #tpu.memory_space<semaphore_mem>>) {add = true}
      %dma_wait3A_366 = arith.constant 0 : i32
      %dma_wait3A_367 = arith.constant 0 : i32
      %dma_wait3A_368 = tpu.memref_slice %arg22[%dma_wait3A_366, %dma_wait3A_367] : memref<10240x128xf32, #tpu.memory_space<vmem_shared>> -> memref<10240x128xf32, #tpu.memory_space<vmem_shared>>
      tpu.wait_indirect_dma semaphore(%arg39 : memref<!tpu.dma_semaphore, #tpu.memory_space<semaphore_mem>>) src(%arg20 : memref<112x128xf32, #tpu.memory_space<vmem>>) dst(%dma_wait3A_368 : memref<10240x128xf32, #tpu.memory_space<vmem_shared>>)
      %add3A_369 = arith.constant 6 : i32
      %add3A_370 = arith.addi %add3A_355, %add3A_369 : i32
      %mul3A_371 = arith.constant 112 : i32
      %mul3A_372 = arith.muli %add3A_370, %mul3A_371 : i32
      %add3A_373 = arith.addi %mul3A_2, %mul3A_372 : i32
      %dma_start3A_374 = tpu.memref_slice %arg3[%add3A_373] : memref<344064xi32, #tpu.memory_space<hbm>> -> memref<112xi32, #tpu.memory_space<hbm>>
      %dma_start3A_375 = tpu.memref_slice %arg3[%add3A_373] : memref<344064xi32, #tpu.memory_space<hbm>> -> memref<112xi32, #tpu.memory_space<hbm>>
      tpu.enqueue_dma source(%dma_start3A_375 : memref<112xi32, #tpu.memory_space<hbm>>) target(%arg11 : memref<112xi32, #tpu.memory_space<vmem>>) target_semaphore(%arg27 : memref<!tpu.dma_semaphore, #tpu.memory_space<semaphore_mem>>)
      %mul3A_376 = arith.constant 112 : i32
      %mul3A_377 = arith.muli %add3A_370, %mul3A_376 : i32
      %add3A_378 = arith.addi %mul3A_2, %mul3A_377 : i32
      %dma_start3A_379 = tpu.memref_slice %arg4[%add3A_378] : memref<344064xi32, #tpu.memory_space<hbm>> -> memref<112xi32, #tpu.memory_space<hbm>>
      %dma_start3A_380 = tpu.memref_slice %arg4[%add3A_378] : memref<344064xi32, #tpu.memory_space<hbm>> -> memref<112xi32, #tpu.memory_space<hbm>>
      tpu.enqueue_dma source(%dma_start3A_380 : memref<112xi32, #tpu.memory_space<hbm>>) target(%arg17 : memref<112xi32, #tpu.memory_space<vmem>>) target_semaphore(%arg33 : memref<!tpu.dma_semaphore, #tpu.memory_space<semaphore_mem>>)
      %dma_wait3A_381 = arith.constant 0 : i32
      %dma_wait3A_382 = tpu.memref_slice %arg3[%dma_wait3A_381] : memref<344064xi32, #tpu.memory_space<hbm>> -> memref<112xi32, #tpu.memory_space<hbm>>
      %dma_wait3A_383 = arith.constant 0 : i32
      %dma_wait3A_384 = tpu.memref_slice %arg3[%dma_wait3A_383] : memref<344064xi32, #tpu.memory_space<hbm>> -> memref<112xi32, #tpu.memory_space<hbm>>
      tpu.wait_dma2 semaphore(%arg24 : memref<!tpu.dma_semaphore, #tpu.memory_space<semaphore_mem>>) src(%dma_wait3A_384 : memref<112xi32, #tpu.memory_space<hbm>>) dst(%arg8 : memref<112xi32, #tpu.memory_space<vmem>>)
      %dma_start3A_385 = arith.constant 0 : i32
      %dma_start3A_386 = arith.constant 0 : i32
      %dma_start3A_387 = tpu.memref_slice %arg2[%dma_start3A_385, %dma_start3A_386] : memref<10240x128xf32, #tpu.memory_space<hbm>> -> memref<10240x128xf32, #tpu.memory_space<hbm>>
      tpu.enqueue_indirect_dma source(%dma_start3A_387 : memref<10240x128xf32, #tpu.memory_space<hbm>>) target(%arg20 : memref<112x128xf32, #tpu.memory_space<vmem>>) offsets(%arg8 : memref<112xi32, #tpu.memory_space<vmem>>) semaphore(%arg36 : memref<!tpu.dma_semaphore, #tpu.memory_space<semaphore_mem>>)
      %mul3A_388 = arith.constant 6 : i32
      %mul3A_389 = arith.muli %mul3A_388, %scan3A_207 : i32
      %add3A_390 = arith.constant 5 : i32
      %add3A_391 = arith.addi %mul3A_389, %add3A_390 : i32
      %dma_wait3A_392 = arith.constant 0 : i32
      %dma_wait3A_393 = arith.constant 0 : i32
      %dma_wait3A_394 = tpu.memref_slice %arg2[%dma_wait3A_392, %dma_wait3A_393] : memref<10240x128xf32, #tpu.memory_space<hbm>> -> memref<10240x128xf32, #tpu.memory_space<hbm>>
      tpu.wait_indirect_dma semaphore(%arg37 : memref<!tpu.dma_semaphore, #tpu.memory_space<semaphore_mem>>) src(%dma_wait3A_394 : memref<10240x128xf32, #tpu.memory_space<hbm>>) dst(%arg21 : memref<112x128xf32, #tpu.memory_space<vmem>>)
      %dma_wait3A_395 = arith.constant 0 : i32
      %dma_wait3A_396 = tpu.memref_slice %arg4[%dma_wait3A_395] : memref<344064xi32, #tpu.memory_space<hbm>> -> memref<112xi32, #tpu.memory_space<hbm>>
      %dma_wait3A_397 = arith.constant 0 : i32
      %dma_wait3A_398 = tpu.memref_slice %arg4[%dma_wait3A_397] : memref<344064xi32, #tpu.memory_space<hbm>> -> memref<112xi32, #tpu.memory_space<hbm>>
      tpu.wait_dma2 semaphore(%arg34 : memref<!tpu.dma_semaphore, #tpu.memory_space<semaphore_mem>>) src(%dma_wait3A_398 : memref<112xi32, #tpu.memory_space<hbm>>) dst(%arg18 : memref<112xi32, #tpu.memory_space<vmem>>)
      %dma_start3A_399 = arith.constant 0 : i32
      %dma_start3A_400 = arith.constant 0 : i32
      %dma_start3A_401 = tpu.memref_slice %arg22[%dma_start3A_399, %dma_start3A_400] : memref<10240x128xf32, #tpu.memory_space<vmem_shared>> -> memref<10240x128xf32, #tpu.memory_space<vmem_shared>>
      tpu.enqueue_indirect_dma source(%arg21 : memref<112x128xf32, #tpu.memory_space<vmem>>) target(%dma_start3A_401 : memref<10240x128xf32, #tpu.memory_space<vmem_shared>>) offsets(%arg18 : memref<112xi32, #tpu.memory_space<vmem>>) semaphore(%arg40 : memref<!tpu.dma_semaphore, #tpu.memory_space<semaphore_mem>>) {add = true}
      %dma_wait3A_402 = arith.constant 0 : i32
      %dma_wait3A_403 = arith.constant 0 : i32
      %dma_wait3A_404 = tpu.memref_slice %arg22[%dma_wait3A_402, %dma_wait3A_403] : memref<10240x128xf32, #tpu.memory_space<vmem_shared>> -> memref<10240x128xf32, #tpu.memory_space<vmem_shared>>
      tpu.wait_indirect_dma semaphore(%arg40 : memref<!tpu.dma_semaphore, #tpu.memory_space<semaphore_mem>>) src(%arg21 : memref<112x128xf32, #tpu.memory_space<vmem>>) dst(%dma_wait3A_404 : memref<10240x128xf32, #tpu.memory_space<vmem_shared>>)
      %add3A_405 = arith.constant 6 : i32
      %add3A_406 = arith.addi %add3A_391, %add3A_405 : i32
      %mul3A_407 = arith.constant 112 : i32
      %mul3A_408 = arith.muli %add3A_406, %mul3A_407 : i32
      %add3A_409 = arith.addi %mul3A_2, %mul3A_408 : i32
      %dma_start3A_410 = tpu.memref_slice %arg3[%add3A_409] : memref<344064xi32, #tpu.memory_space<hbm>> -> memref<112xi32, #tpu.memory_space<hbm>>
      %dma_start3A_411 = tpu.memref_slice %arg3[%add3A_409] : memref<344064xi32, #tpu.memory_space<hbm>> -> memref<112xi32, #tpu.memory_space<hbm>>
      tpu.enqueue_dma source(%dma_start3A_411 : memref<112xi32, #tpu.memory_space<hbm>>) target(%arg12 : memref<112xi32, #tpu.memory_space<vmem>>) target_semaphore(%arg28 : memref<!tpu.dma_semaphore, #tpu.memory_space<semaphore_mem>>)
      %mul3A_412 = arith.constant 112 : i32
      %mul3A_413 = arith.muli %add3A_406, %mul3A_412 : i32
      %add3A_414 = arith.addi %mul3A_2, %mul3A_413 : i32
      %dma_start3A_415 = tpu.memref_slice %arg4[%add3A_414] : memref<344064xi32, #tpu.memory_space<hbm>> -> memref<112xi32, #tpu.memory_space<hbm>>
      %dma_start3A_416 = tpu.memref_slice %arg4[%add3A_414] : memref<344064xi32, #tpu.memory_space<hbm>> -> memref<112xi32, #tpu.memory_space<hbm>>
      tpu.enqueue_dma source(%dma_start3A_416 : memref<112xi32, #tpu.memory_space<hbm>>) target(%arg18 : memref<112xi32, #tpu.memory_space<vmem>>) target_semaphore(%arg34 : memref<!tpu.dma_semaphore, #tpu.memory_space<semaphore_mem>>)
      %dma_wait3A_417 = arith.constant 0 : i32
      %dma_wait3A_418 = tpu.memref_slice %arg3[%dma_wait3A_417] : memref<344064xi32, #tpu.memory_space<hbm>> -> memref<112xi32, #tpu.memory_space<hbm>>
      %dma_wait3A_419 = arith.constant 0 : i32
      %dma_wait3A_420 = tpu.memref_slice %arg3[%dma_wait3A_419] : memref<344064xi32, #tpu.memory_space<hbm>> -> memref<112xi32, #tpu.memory_space<hbm>>
      tpu.wait_dma2 semaphore(%arg25 : memref<!tpu.dma_semaphore, #tpu.memory_space<semaphore_mem>>) src(%dma_wait3A_420 : memref<112xi32, #tpu.memory_space<hbm>>) dst(%arg9 : memref<112xi32, #tpu.memory_space<vmem>>)
      %dma_start3A_421 = arith.constant 0 : i32
      %dma_start3A_422 = arith.constant 0 : i32
      %dma_start3A_423 = tpu.memref_slice %arg2[%dma_start3A_421, %dma_start3A_422] : memref<10240x128xf32, #tpu.memory_space<hbm>> -> memref<10240x128xf32, #tpu.memory_space<hbm>>
      tpu.enqueue_indirect_dma source(%dma_start3A_423 : memref<10240x128xf32, #tpu.memory_space<hbm>>) target(%arg21 : memref<112x128xf32, #tpu.memory_space<vmem>>) offsets(%arg9 : memref<112xi32, #tpu.memory_space<vmem>>) semaphore(%arg37 : memref<!tpu.dma_semaphore, #tpu.memory_space<semaphore_mem>>)
    }
    %scan3A_86 = arith.constant 15 : i32
    %dma_wait3A_87 = arith.constant 0 : i32
    %dma_wait3A_88 = arith.constant 0 : i32
    %dma_wait3A_89 = tpu.memref_slice %arg2[%dma_wait3A_87, %dma_wait3A_88] : memref<10240x128xf32, #tpu.memory_space<hbm>> -> memref<10240x128xf32, #tpu.memory_space<hbm>>
    tpu.wait_indirect_dma semaphore(%arg35 : memref<!tpu.dma_semaphore, #tpu.memory_space<semaphore_mem>>) src(%dma_wait3A_89 : memref<10240x128xf32, #tpu.memory_space<hbm>>) dst(%arg19 : memref<112x128xf32, #tpu.memory_space<vmem>>)
    %dma_wait3A_90 = arith.constant 0 : i32
    %dma_wait3A_91 = tpu.memref_slice %arg4[%dma_wait3A_90] : memref<344064xi32, #tpu.memory_space<hbm>> -> memref<112xi32, #tpu.memory_space<hbm>>
    %dma_wait3A_92 = arith.constant 0 : i32
    %dma_wait3A_93 = tpu.memref_slice %arg4[%dma_wait3A_92] : memref<344064xi32, #tpu.memory_space<hbm>> -> memref<112xi32, #tpu.memory_space<hbm>>
    tpu.wait_dma2 semaphore(%arg29 : memref<!tpu.dma_semaphore, #tpu.memory_space<semaphore_mem>>) src(%dma_wait3A_93 : memref<112xi32, #tpu.memory_space<hbm>>) dst(%arg13 : memref<112xi32, #tpu.memory_space<vmem>>)
    %dma_start3A_94 = arith.constant 0 : i32
    %dma_start3A_95 = arith.constant 0 : i32
    %dma_start3A_96 = tpu.memref_slice %arg22[%dma_start3A_94, %dma_start3A_95] : memref<10240x128xf32, #tpu.memory_space<vmem_shared>> -> memref<10240x128xf32, #tpu.memory_space<vmem_shared>>
    tpu.enqueue_indirect_dma source(%arg19 : memref<112x128xf32, #tpu.memory_space<vmem>>) target(%dma_start3A_96 : memref<10240x128xf32, #tpu.memory_space<vmem_shared>>) offsets(%arg13 : memref<112xi32, #tpu.memory_space<vmem>>) semaphore(%arg38 : memref<!tpu.dma_semaphore, #tpu.memory_space<semaphore_mem>>) {add = true}
    %dma_wait3A_97 = arith.constant 0 : i32
    %dma_wait3A_98 = arith.constant 0 : i32
    %dma_wait3A_99 = tpu.memref_slice %arg22[%dma_wait3A_97, %dma_wait3A_98] : memref<10240x128xf32, #tpu.memory_space<vmem_shared>> -> memref<10240x128xf32, #tpu.memory_space<vmem_shared>>
    tpu.wait_indirect_dma semaphore(%arg38 : memref<!tpu.dma_semaphore, #tpu.memory_space<semaphore_mem>>) src(%arg19 : memref<112x128xf32, #tpu.memory_space<vmem>>) dst(%dma_wait3A_99 : memref<10240x128xf32, #tpu.memory_space<vmem_shared>>)
    %dma_wait3A_100 = arith.constant 0 : i32
    %dma_wait3A_101 = tpu.memref_slice %arg3[%dma_wait3A_100] : memref<344064xi32, #tpu.memory_space<hbm>> -> memref<112xi32, #tpu.memory_space<hbm>>
    %dma_wait3A_102 = arith.constant 0 : i32
    %dma_wait3A_103 = tpu.memref_slice %arg3[%dma_wait3A_102] : memref<344064xi32, #tpu.memory_space<hbm>> -> memref<112xi32, #tpu.memory_space<hbm>>
    tpu.wait_dma2 semaphore(%arg26 : memref<!tpu.dma_semaphore, #tpu.memory_space<semaphore_mem>>) src(%dma_wait3A_103 : memref<112xi32, #tpu.memory_space<hbm>>) dst(%arg10 : memref<112xi32, #tpu.memory_space<vmem>>)
    %dma_start3A_104 = arith.constant 0 : i32
    %dma_start3A_105 = arith.constant 0 : i32
    %dma_start3A_106 = tpu.memref_slice %arg2[%dma_start3A_104, %dma_start3A_105] : memref<10240x128xf32, #tpu.memory_space<hbm>> -> memref<10240x128xf32, #tpu.memory_space<hbm>>
    tpu.enqueue_indirect_dma source(%dma_start3A_106 : memref<10240x128xf32, #tpu.memory_space<hbm>>) target(%arg19 : memref<112x128xf32, #tpu.memory_space<vmem>>) offsets(%arg10 : memref<112xi32, #tpu.memory_space<vmem>>) semaphore(%arg35 : memref<!tpu.dma_semaphore, #tpu.memory_space<semaphore_mem>>)
    %dma_wait3A_107 = arith.constant 0 : i32
    %dma_wait3A_108 = arith.constant 0 : i32
    %dma_wait3A_109 = tpu.memref_slice %arg2[%dma_wait3A_107, %dma_wait3A_108] : memref<10240x128xf32, #tpu.memory_space<hbm>> -> memref<10240x128xf32, #tpu.memory_space<hbm>>
    tpu.wait_indirect_dma semaphore(%arg36 : memref<!tpu.dma_semaphore, #tpu.memory_space<semaphore_mem>>) src(%dma_wait3A_109 : memref<10240x128xf32, #tpu.memory_space<hbm>>) dst(%arg20 : memref<112x128xf32, #tpu.memory_space<vmem>>)
    %dma_wait3A_110 = arith.constant 0 : i32
    %dma_wait3A_111 = tpu.memref_slice %arg4[%dma_wait3A_110] : memref<344064xi32, #tpu.memory_space<hbm>> -> memref<112xi32, #tpu.memory_space<hbm>>
    %dma_wait3A_112 = arith.constant 0 : i32
    %dma_wait3A_113 = tpu.memref_slice %arg4[%dma_wait3A_112] : memref<344064xi32, #tpu.memory_space<hbm>> -> memref<112xi32, #tpu.memory_space<hbm>>
    tpu.wait_dma2 semaphore(%arg30 : memref<!tpu.dma_semaphore, #tpu.memory_space<semaphore_mem>>) src(%dma_wait3A_113 : memref<112xi32, #tpu.memory_space<hbm>>) dst(%arg14 : memref<112xi32, #tpu.memory_space<vmem>>)
    %dma_start3A_114 = arith.constant 0 : i32
    %dma_start3A_115 = arith.constant 0 : i32
    %dma_start3A_116 = tpu.memref_slice %arg22[%dma_start3A_114, %dma_start3A_115] : memref<10240x128xf32, #tpu.memory_space<vmem_shared>> -> memref<10240x128xf32, #tpu.memory_space<vmem_shared>>
    tpu.enqueue_indirect_dma source(%arg20 : memref<112x128xf32, #tpu.memory_space<vmem>>) target(%dma_start3A_116 : memref<10240x128xf32, #tpu.memory_space<vmem_shared>>) offsets(%arg14 : memref<112xi32, #tpu.memory_space<vmem>>) semaphore(%arg39 : memref<!tpu.dma_semaphore, #tpu.memory_space<semaphore_mem>>) {add = true}
    %dma_wait3A_117 = arith.constant 0 : i32
    %dma_wait3A_118 = arith.constant 0 : i32
    %dma_wait3A_119 = tpu.memref_slice %arg22[%dma_wait3A_117, %dma_wait3A_118] : memref<10240x128xf32, #tpu.memory_space<vmem_shared>> -> memref<10240x128xf32, #tpu.memory_space<vmem_shared>>
    tpu.wait_indirect_dma semaphore(%arg39 : memref<!tpu.dma_semaphore, #tpu.memory_space<semaphore_mem>>) src(%arg20 : memref<112x128xf32, #tpu.memory_space<vmem>>) dst(%dma_wait3A_119 : memref<10240x128xf32, #tpu.memory_space<vmem_shared>>)
    %dma_wait3A_120 = arith.constant 0 : i32
    %dma_wait3A_121 = tpu.memref_slice %arg3[%dma_wait3A_120] : memref<344064xi32, #tpu.memory_space<hbm>> -> memref<112xi32, #tpu.memory_space<hbm>>
    %dma_wait3A_122 = arith.constant 0 : i32
    %dma_wait3A_123 = tpu.memref_slice %arg3[%dma_wait3A_122] : memref<344064xi32, #tpu.memory_space<hbm>> -> memref<112xi32, #tpu.memory_space<hbm>>
    tpu.wait_dma2 semaphore(%arg27 : memref<!tpu.dma_semaphore, #tpu.memory_space<semaphore_mem>>) src(%dma_wait3A_123 : memref<112xi32, #tpu.memory_space<hbm>>) dst(%arg11 : memref<112xi32, #tpu.memory_space<vmem>>)
    %dma_start3A_124 = arith.constant 0 : i32
    %dma_start3A_125 = arith.constant 0 : i32
    %dma_start3A_126 = tpu.memref_slice %arg2[%dma_start3A_124, %dma_start3A_125] : memref<10240x128xf32, #tpu.memory_space<hbm>> -> memref<10240x128xf32, #tpu.memory_space<hbm>>
    tpu.enqueue_indirect_dma source(%dma_start3A_126 : memref<10240x128xf32, #tpu.memory_space<hbm>>) target(%arg20 : memref<112x128xf32, #tpu.memory_space<vmem>>) offsets(%arg11 : memref<112xi32, #tpu.memory_space<vmem>>) semaphore(%arg36 : memref<!tpu.dma_semaphore, #tpu.memory_space<semaphore_mem>>)
    %dma_wait3A_127 = arith.constant 0 : i32
    %dma_wait3A_128 = arith.constant 0 : i32
    %dma_wait3A_129 = tpu.memref_slice %arg2[%dma_wait3A_127, %dma_wait3A_128] : memref<10240x128xf32, #tpu.memory_space<hbm>> -> memref<10240x128xf32, #tpu.memory_space<hbm>>
    tpu.wait_indirect_dma semaphore(%arg37 : memref<!tpu.dma_semaphore, #tpu.memory_space<semaphore_mem>>) src(%dma_wait3A_129 : memref<10240x128xf32, #tpu.memory_space<hbm>>) dst(%arg21 : memref<112x128xf32, #tpu.memory_space<vmem>>)
    %dma_wait3A_130 = arith.constant 0 : i32
    %dma_wait3A_131 = tpu.memref_slice %arg4[%dma_wait3A_130] : memref<344064xi32, #tpu.memory_space<hbm>> -> memref<112xi32, #tpu.memory_space<hbm>>
    %dma_wait3A_132 = arith.constant 0 : i32
    %dma_wait3A_133 = tpu.memref_slice %arg4[%dma_wait3A_132] : memref<344064xi32, #tpu.memory_space<hbm>> -> memref<112xi32, #tpu.memory_space<hbm>>
    tpu.wait_dma2 semaphore(%arg31 : memref<!tpu.dma_semaphore, #tpu.memory_space<semaphore_mem>>) src(%dma_wait3A_133 : memref<112xi32, #tpu.memory_space<hbm>>) dst(%arg15 : memref<112xi32, #tpu.memory_space<vmem>>)
    %dma_start3A_134 = arith.constant 0 : i32
    %dma_start3A_135 = arith.constant 0 : i32
    %dma_start3A_136 = tpu.memref_slice %arg22[%dma_start3A_134, %dma_start3A_135] : memref<10240x128xf32, #tpu.memory_space<vmem_shared>> -> memref<10240x128xf32, #tpu.memory_space<vmem_shared>>
    tpu.enqueue_indirect_dma source(%arg21 : memref<112x128xf32, #tpu.memory_space<vmem>>) target(%dma_start3A_136 : memref<10240x128xf32, #tpu.memory_space<vmem_shared>>) offsets(%arg15 : memref<112xi32, #tpu.memory_space<vmem>>) semaphore(%arg40 : memref<!tpu.dma_semaphore, #tpu.memory_space<semaphore_mem>>) {add = true}
    %dma_wait3A_137 = arith.constant 0 : i32
    %dma_wait3A_138 = arith.constant 0 : i32
    %dma_wait3A_139 = tpu.memref_slice %arg22[%dma_wait3A_137, %dma_wait3A_138] : memref<10240x128xf32, #tpu.memory_space<vmem_shared>> -> memref<10240x128xf32, #tpu.memory_space<vmem_shared>>
    tpu.wait_indirect_dma semaphore(%arg40 : memref<!tpu.dma_semaphore, #tpu.memory_space<semaphore_mem>>) src(%arg21 : memref<112x128xf32, #tpu.memory_space<vmem>>) dst(%dma_wait3A_139 : memref<10240x128xf32, #tpu.memory_space<vmem_shared>>)
    %dma_wait3A_140 = arith.constant 0 : i32
    %dma_wait3A_141 = tpu.memref_slice %arg3[%dma_wait3A_140] : memref<344064xi32, #tpu.memory_space<hbm>> -> memref<112xi32, #tpu.memory_space<hbm>>
    %dma_wait3A_142 = arith.constant 0 : i32
    %dma_wait3A_143 = tpu.memref_slice %arg3[%dma_wait3A_142] : memref<344064xi32, #tpu.memory_space<hbm>> -> memref<112xi32, #tpu.memory_space<hbm>>
    tpu.wait_dma2 semaphore(%arg28 : memref<!tpu.dma_semaphore, #tpu.memory_space<semaphore_mem>>) src(%dma_wait3A_143 : memref<112xi32, #tpu.memory_space<hbm>>) dst(%arg12 : memref<112xi32, #tpu.memory_space<vmem>>)
    %dma_start3A_144 = arith.constant 0 : i32
    %dma_start3A_145 = arith.constant 0 : i32
    %dma_start3A_146 = tpu.memref_slice %arg2[%dma_start3A_144, %dma_start3A_145] : memref<10240x128xf32, #tpu.memory_space<hbm>> -> memref<10240x128xf32, #tpu.memory_space<hbm>>
    tpu.enqueue_indirect_dma source(%dma_start3A_146 : memref<10240x128xf32, #tpu.memory_space<hbm>>) target(%arg21 : memref<112x128xf32, #tpu.memory_space<vmem>>) offsets(%arg12 : memref<112xi32, #tpu.memory_space<vmem>>) semaphore(%arg37 : memref<!tpu.dma_semaphore, #tpu.memory_space<semaphore_mem>>)
    %dma_wait3A_147 = arith.constant 0 : i32
    %dma_wait3A_148 = arith.constant 0 : i32
    %dma_wait3A_149 = tpu.memref_slice %arg2[%dma_wait3A_147, %dma_wait3A_148] : memref<10240x128xf32, #tpu.memory_space<hbm>> -> memref<10240x128xf32, #tpu.memory_space<hbm>>
    tpu.wait_indirect_dma semaphore(%arg35 : memref<!tpu.dma_semaphore, #tpu.memory_space<semaphore_mem>>) src(%dma_wait3A_149 : memref<10240x128xf32, #tpu.memory_space<hbm>>) dst(%arg19 : memref<112x128xf32, #tpu.memory_space<vmem>>)
    %dma_wait3A_150 = arith.constant 0 : i32
    %dma_wait3A_151 = tpu.memref_slice %arg4[%dma_wait3A_150] : memref<344064xi32, #tpu.memory_space<hbm>> -> memref<112xi32, #tpu.memory_space<hbm>>
    %dma_wait3A_152 = arith.constant 0 : i32
    %dma_wait3A_153 = tpu.memref_slice %arg4[%dma_wait3A_152] : memref<344064xi32, #tpu.memory_space<hbm>> -> memref<112xi32, #tpu.memory_space<hbm>>
    tpu.wait_dma2 semaphore(%arg32 : memref<!tpu.dma_semaphore, #tpu.memory_space<semaphore_mem>>) src(%dma_wait3A_153 : memref<112xi32, #tpu.memory_space<hbm>>) dst(%arg16 : memref<112xi32, #tpu.memory_space<vmem>>)
    %dma_start3A_154 = arith.constant 0 : i32
    %dma_start3A_155 = arith.constant 0 : i32
    %dma_start3A_156 = tpu.memref_slice %arg22[%dma_start3A_154, %dma_start3A_155] : memref<10240x128xf32, #tpu.memory_space<vmem_shared>> -> memref<10240x128xf32, #tpu.memory_space<vmem_shared>>
    tpu.enqueue_indirect_dma source(%arg19 : memref<112x128xf32, #tpu.memory_space<vmem>>) target(%dma_start3A_156 : memref<10240x128xf32, #tpu.memory_space<vmem_shared>>) offsets(%arg16 : memref<112xi32, #tpu.memory_space<vmem>>) semaphore(%arg38 : memref<!tpu.dma_semaphore, #tpu.memory_space<semaphore_mem>>) {add = true}
    %dma_wait3A_157 = arith.constant 0 : i32
    %dma_wait3A_158 = arith.constant 0 : i32
    %dma_wait3A_159 = tpu.memref_slice %arg2[%dma_wait3A_157, %dma_wait3A_158] : memref<10240x128xf32, #tpu.memory_space<hbm>> -> memref<10240x128xf32, #tpu.memory_space<hbm>>
    tpu.wait_indirect_dma semaphore(%arg36 : memref<!tpu.dma_semaphore, #tpu.memory_space<semaphore_mem>>) src(%dma_wait3A_159 : memref<10240x128xf32, #tpu.memory_space<hbm>>) dst(%arg20 : memref<112x128xf32, #tpu.memory_space<vmem>>)
    %dma_wait3A_160 = arith.constant 0 : i32
    %dma_wait3A_161 = tpu.memref_slice %arg4[%dma_wait3A_160] : memref<344064xi32, #tpu.memory_space<hbm>> -> memref<112xi32, #tpu.memory_space<hbm>>
    %dma_wait3A_162 = arith.constant 0 : i32
    %dma_wait3A_163 = tpu.memref_slice %arg4[%dma_wait3A_162] : memref<344064xi32, #tpu.memory_space<hbm>> -> memref<112xi32, #tpu.memory_space<hbm>>
    tpu.wait_dma2 semaphore(%arg33 : memref<!tpu.dma_semaphore, #tpu.memory_space<semaphore_mem>>) src(%dma_wait3A_163 : memref<112xi32, #tpu.memory_space<hbm>>) dst(%arg17 : memref<112xi32, #tpu.memory_space<vmem>>)
    %dma_start3A_164 = arith.constant 0 : i32
    %dma_start3A_165 = arith.constant 0 : i32
    %dma_start3A_166 = tpu.memref_slice %arg22[%dma_start3A_164, %dma_start3A_165] : memref<10240x128xf32, #tpu.memory_space<vmem_shared>> -> memref<10240x128xf32, #tpu.memory_space<vmem_shared>>
    tpu.enqueue_indirect_dma source(%arg20 : memref<112x128xf32, #tpu.memory_space<vmem>>) target(%dma_start3A_166 : memref<10240x128xf32, #tpu.memory_space<vmem_shared>>) offsets(%arg17 : memref<112xi32, #tpu.memory_space<vmem>>) semaphore(%arg39 : memref<!tpu.dma_semaphore, #tpu.memory_space<semaphore_mem>>) {add = true}
    %dma_wait3A_167 = arith.constant 0 : i32
    %dma_wait3A_168 = arith.constant 0 : i32
    %dma_wait3A_169 = tpu.memref_slice %arg2[%dma_wait3A_167, %dma_wait3A_168] : memref<10240x128xf32, #tpu.memory_space<hbm>> -> memref<10240x128xf32, #tpu.memory_space<hbm>>
    tpu.wait_indirect_dma semaphore(%arg37 : memref<!tpu.dma_semaphore, #tpu.memory_space<semaphore_mem>>) src(%dma_wait3A_169 : memref<10240x128xf32, #tpu.memory_space<hbm>>) dst(%arg21 : memref<112x128xf32, #tpu.memory_space<vmem>>)
    %dma_wait3A_170 = arith.constant 0 : i32
    %dma_wait3A_171 = tpu.memref_slice %arg4[%dma_wait3A_170] : memref<344064xi32, #tpu.memory_space<hbm>> -> memref<112xi32, #tpu.memory_space<hbm>>
    %dma_wait3A_172 = arith.constant 0 : i32
    %dma_wait3A_173 = tpu.memref_slice %arg4[%dma_wait3A_172] : memref<344064xi32, #tpu.memory_space<hbm>> -> memref<112xi32, #tpu.memory_space<hbm>>
    tpu.wait_dma2 semaphore(%arg34 : memref<!tpu.dma_semaphore, #tpu.memory_space<semaphore_mem>>) src(%dma_wait3A_173 : memref<112xi32, #tpu.memory_space<hbm>>) dst(%arg18 : memref<112xi32, #tpu.memory_space<vmem>>)
    %dma_start3A_174 = arith.constant 0 : i32
    %dma_start3A_175 = arith.constant 0 : i32
    %dma_start3A_176 = tpu.memref_slice %arg22[%dma_start3A_174, %dma_start3A_175] : memref<10240x128xf32, #tpu.memory_space<vmem_shared>> -> memref<10240x128xf32, #tpu.memory_space<vmem_shared>>
    tpu.enqueue_indirect_dma source(%arg21 : memref<112x128xf32, #tpu.memory_space<vmem>>) target(%dma_start3A_176 : memref<10240x128xf32, #tpu.memory_space<vmem_shared>>) offsets(%arg18 : memref<112xi32, #tpu.memory_space<vmem>>) semaphore(%arg40 : memref<!tpu.dma_semaphore, #tpu.memory_space<semaphore_mem>>) {add = true}
    %dma_wait3A_177 = arith.constant 0 : i32
    %dma_wait3A_178 = arith.constant 0 : i32
    %dma_wait3A_179 = tpu.memref_slice %arg22[%dma_wait3A_177, %dma_wait3A_178] : memref<10240x128xf32, #tpu.memory_space<vmem_shared>> -> memref<10240x128xf32, #tpu.memory_space<vmem_shared>>
    tpu.wait_indirect_dma semaphore(%arg38 : memref<!tpu.dma_semaphore, #tpu.memory_space<semaphore_mem>>) src(%arg19 : memref<112x128xf32, #tpu.memory_space<vmem>>) dst(%dma_wait3A_179 : memref<10240x128xf32, #tpu.memory_space<vmem_shared>>)
    %dma_wait3A_180 = arith.constant 0 : i32
    %dma_wait3A_181 = arith.constant 0 : i32
    %dma_wait3A_182 = tpu.memref_slice %arg22[%dma_wait3A_180, %dma_wait3A_181] : memref<10240x128xf32, #tpu.memory_space<vmem_shared>> -> memref<10240x128xf32, #tpu.memory_space<vmem_shared>>
    tpu.wait_indirect_dma semaphore(%arg39 : memref<!tpu.dma_semaphore, #tpu.memory_space<semaphore_mem>>) src(%arg20 : memref<112x128xf32, #tpu.memory_space<vmem>>) dst(%dma_wait3A_182 : memref<10240x128xf32, #tpu.memory_space<vmem_shared>>)
    %dma_wait3A_183 = arith.constant 0 : i32
    %dma_wait3A_184 = arith.constant 0 : i32
    %dma_wait3A_185 = tpu.memref_slice %arg22[%dma_wait3A_183, %dma_wait3A_184] : memref<10240x128xf32, #tpu.memory_space<vmem_shared>> -> memref<10240x128xf32, #tpu.memory_space<vmem_shared>>
    tpu.wait_indirect_dma semaphore(%arg40 : memref<!tpu.dma_semaphore, #tpu.memory_space<semaphore_mem>>) src(%arg21 : memref<112x128xf32, #tpu.memory_space<vmem>>) dst(%dma_wait3A_185 : memref<10240x128xf32, #tpu.memory_space<vmem_shared>>)
    %barrier3A_186 = arith.constant 0 : index
    tpu.barrier barrier_id(%barrier3A_186)
    %add3A_187 = arith.constant 0 : i32
    %add3A_188 = arith.addi %mul3A_4, %add3A_187 : i32
    %add3A_189 = arith.constant 0 : i32
    %add3A_190 = arith.addi %mul3A_4, %add3A_189 : i32
    "tpu.region"() ({
      %run_scoped3A = tpu.sem_alloc : memref<!tpu.dma_semaphore, #tpu.memory_space<semaphore_mem>>
      %dma_start3A_207 = arith.constant 0 : i32
      %dma_start3A_208 = arith.constant 0 : i32
      %dma_start3A_209 = tpu.memref_slice %arg6[%arg0, %dma_start3A_207, %dma_start3A_208] : memref<2x10240x128xf32, #tpu.memory_space<hbm>> -> memref<1x10240x128xf32, #tpu.memory_space<hbm>>
      %dma_start3A_210 = tpu.memref_squeeze %dma_start3A_209 : memref<1x10240x128xf32, #tpu.memory_space<hbm>> -> memref<10240x128xf32, #tpu.memory_space<hbm>>
      %dma_start3A_211 = arith.constant 0 : i32
      %dma_start3A_212 = tpu.memref_slice %dma_start3A_210[%add3A_190, %dma_start3A_211] : memref<10240x128xf32, #tpu.memory_space<hbm>> -> memref<128x128xf32, #tpu.memory_space<hbm>>
      %dma_start3A_213 = arith.constant 0 : i32
      %dma_start3A_214 = tpu.memref_slice %arg22[%add3A_188, %dma_start3A_213] : memref<10240x128xf32, #tpu.memory_space<vmem_shared>> -> memref<128x128xf32, #tpu.memory_space<vmem_shared>>
      tpu.enqueue_dma source(%dma_start3A_214 : memref<128x128xf32, #tpu.memory_space<vmem_shared>>) target(%dma_start3A_212 : memref<128x128xf32, #tpu.memory_space<hbm>>) target_semaphore(%run_scoped3A : memref<!tpu.dma_semaphore, #tpu.memory_space<semaphore_mem>>)
      %dma_wait3A_215 = arith.constant 0 : i32
      %dma_wait3A_216 = arith.constant 0 : i32
      %dma_wait3A_217 = tpu.memref_slice %arg6[%arg0, %dma_wait3A_215, %dma_wait3A_216] : memref<2x10240x128xf32, #tpu.memory_space<hbm>> -> memref<1x10240x128xf32, #tpu.memory_space<hbm>>
      %dma_wait3A_218 = tpu.memref_squeeze %dma_wait3A_217 : memref<1x10240x128xf32, #tpu.memory_space<hbm>> -> memref<10240x128xf32, #tpu.memory_space<hbm>>
      %dma_wait3A_219 = arith.constant 0 : i32
      %dma_wait3A_220 = tpu.memref_slice %dma_wait3A_218[%add3A_190, %dma_wait3A_219] : memref<10240x128xf32, #tpu.memory_space<hbm>> -> memref<128x128xf32, #tpu.memory_space<hbm>>
      %dma_wait3A_221 = arith.constant 0 : i32
      %dma_wait3A_222 = tpu.memref_slice %arg22[%add3A_188, %dma_wait3A_221] : memref<10240x128xf32, #tpu.memory_space<vmem_shared>> -> memref<128x128xf32, #tpu.memory_space<vmem_shared>>
      tpu.wait_dma2 semaphore(%run_scoped3A : memref<!tpu.dma_semaphore, #tpu.memory_space<semaphore_mem>>) src(%dma_wait3A_222 : memref<128x128xf32, #tpu.memory_space<vmem_shared>>) dst(%dma_wait3A_220 : memref<128x128xf32, #tpu.memory_space<hbm>>)
      tpu.yield
    }) : () -> ()
    %add3A_191 = arith.constant 128 : i32
    %add3A_192 = arith.addi %mul3A_4, %add3A_191 : i32
    %add3A_193 = arith.constant 128 : i32
    %add3A_194 = arith.addi %mul3A_4, %add3A_193 : i32
    "tpu.region"() ({
      %run_scoped3A = tpu.sem_alloc : memref<!tpu.dma_semaphore, #tpu.memory_space<semaphore_mem>>
      %dma_start3A_207 = arith.constant 0 : i32
      %dma_start3A_208 = arith.constant 0 : i32
      %dma_start3A_209 = tpu.memref_slice %arg6[%arg0, %dma_start3A_207, %dma_start3A_208] : memref<2x10240x128xf32, #tpu.memory_space<hbm>> -> memref<1x10240x128xf32, #tpu.memory_space<hbm>>
      %dma_start3A_210 = tpu.memref_squeeze %dma_start3A_209 : memref<1x10240x128xf32, #tpu.memory_space<hbm>> -> memref<10240x128xf32, #tpu.memory_space<hbm>>
      %dma_start3A_211 = arith.constant 0 : i32
      %dma_start3A_212 = tpu.memref_slice %dma_start3A_210[%add3A_194, %dma_start3A_211] : memref<10240x128xf32, #tpu.memory_space<hbm>> -> memref<128x128xf32, #tpu.memory_space<hbm>>
      %dma_start3A_213 = arith.constant 0 : i32
      %dma_start3A_214 = tpu.memref_slice %arg22[%add3A_192, %dma_start3A_213] : memref<10240x128xf32, #tpu.memory_space<vmem_shared>> -> memref<128x128xf32, #tpu.memory_space<vmem_shared>>
      tpu.enqueue_dma source(%dma_start3A_214 : memref<128x128xf32, #tpu.memory_space<vmem_shared>>) target(%dma_start3A_212 : memref<128x128xf32, #tpu.memory_space<hbm>>) target_semaphore(%run_scoped3A : memref<!tpu.dma_semaphore, #tpu.memory_space<semaphore_mem>>)
      %dma_wait3A_215 = arith.constant 0 : i32
      %dma_wait3A_216 = arith.constant 0 : i32
      %dma_wait3A_217 = tpu.memref_slice %arg6[%arg0, %dma_wait3A_215, %dma_wait3A_216] : memref<2x10240x128xf32, #tpu.memory_space<hbm>> -> memref<1x10240x128xf32, #tpu.memory_space<hbm>>
      %dma_wait3A_218 = tpu.memref_squeeze %dma_wait3A_217 : memref<1x10240x128xf32, #tpu.memory_space<hbm>> -> memref<10240x128xf32, #tpu.memory_space<hbm>>
      %dma_wait3A_219 = arith.constant 0 : i32
      %dma_wait3A_220 = tpu.memref_slice %dma_wait3A_218[%add3A_194, %dma_wait3A_219] : memref<10240x128xf32, #tpu.memory_space<hbm>> -> memref<128x128xf32, #tpu.memory_space<hbm>>
      %dma_wait3A_221 = arith.constant 0 : i32
      %dma_wait3A_222 = tpu.memref_slice %arg22[%add3A_192, %dma_wait3A_221] : memref<10240x128xf32, #tpu.memory_space<vmem_shared>> -> memref<128x128xf32, #tpu.memory_space<vmem_shared>>
      tpu.wait_dma2 semaphore(%run_scoped3A : memref<!tpu.dma_semaphore, #tpu.memory_space<semaphore_mem>>) src(%dma_wait3A_222 : memref<128x128xf32, #tpu.memory_space<vmem_shared>>) dst(%dma_wait3A_220 : memref<128x128xf32, #tpu.memory_space<hbm>>)
      tpu.yield
    }) : () -> ()
    %add3A_195 = arith.constant 256 : i32
    %add3A_196 = arith.addi %mul3A_4, %add3A_195 : i32
    %add3A_197 = arith.constant 256 : i32
    %add3A_198 = arith.addi %mul3A_4, %add3A_197 : i32
    "tpu.region"() ({
      %run_scoped3A = tpu.sem_alloc : memref<!tpu.dma_semaphore, #tpu.memory_space<semaphore_mem>>
      %dma_start3A_207 = arith.constant 0 : i32
      %dma_start3A_208 = arith.constant 0 : i32
      %dma_start3A_209 = tpu.memref_slice %arg6[%arg0, %dma_start3A_207, %dma_start3A_208] : memref<2x10240x128xf32, #tpu.memory_space<hbm>> -> memref<1x10240x128xf32, #tpu.memory_space<hbm>>
      %dma_start3A_210 = tpu.memref_squeeze %dma_start3A_209 : memref<1x10240x128xf32, #tpu.memory_space<hbm>> -> memref<10240x128xf32, #tpu.memory_space<hbm>>
      %dma_start3A_211 = arith.constant 0 : i32
      %dma_start3A_212 = tpu.memref_slice %dma_start3A_210[%add3A_198, %dma_start3A_211] : memref<10240x128xf32, #tpu.memory_space<hbm>> -> memref<128x128xf32, #tpu.memory_space<hbm>>
      %dma_start3A_213 = arith.constant 0 : i32
      %dma_start3A_214 = tpu.memref_slice %arg22[%add3A_196, %dma_start3A_213] : memref<10240x128xf32, #tpu.memory_space<vmem_shared>> -> memref<128x128xf32, #tpu.memory_space<vmem_shared>>
      tpu.enqueue_dma source(%dma_start3A_214 : memref<128x128xf32, #tpu.memory_space<vmem_shared>>) target(%dma_start3A_212 : memref<128x128xf32, #tpu.memory_space<hbm>>) target_semaphore(%run_scoped3A : memref<!tpu.dma_semaphore, #tpu.memory_space<semaphore_mem>>)
      %dma_wait3A_215 = arith.constant 0 : i32
      %dma_wait3A_216 = arith.constant 0 : i32
      %dma_wait3A_217 = tpu.memref_slice %arg6[%arg0, %dma_wait3A_215, %dma_wait3A_216] : memref<2x10240x128xf32, #tpu.memory_space<hbm>> -> memref<1x10240x128xf32, #tpu.memory_space<hbm>>
      %dma_wait3A_218 = tpu.memref_squeeze %dma_wait3A_217 : memref<1x10240x128xf32, #tpu.memory_space<hbm>> -> memref<10240x128xf32, #tpu.memory_space<hbm>>
      %dma_wait3A_219 = arith.constant 0 : i32
      %dma_wait3A_220 = tpu.memref_slice %dma_wait3A_218[%add3A_198, %dma_wait3A_219] : memref<10240x128xf32, #tpu.memory_space<hbm>> -> memref<128x128xf32, #tpu.memory_space<hbm>>
      %dma_wait3A_221 = arith.constant 0 : i32
      %dma_wait3A_222 = tpu.memref_slice %arg22[%add3A_196, %dma_wait3A_221] : memref<10240x128xf32, #tpu.memory_space<vmem_shared>> -> memref<128x128xf32, #tpu.memory_space<vmem_shared>>
      tpu.wait_dma2 semaphore(%run_scoped3A : memref<!tpu.dma_semaphore, #tpu.memory_space<semaphore_mem>>) src(%dma_wait3A_222 : memref<128x128xf32, #tpu.memory_space<vmem_shared>>) dst(%dma_wait3A_220 : memref<128x128xf32, #tpu.memory_space<hbm>>)
      tpu.yield
    }) : () -> ()
    %add3A_199 = arith.constant 384 : i32
    %add3A_200 = arith.addi %mul3A_4, %add3A_199 : i32
    %add3A_201 = arith.constant 384 : i32
    %add3A_202 = arith.addi %mul3A_4, %add3A_201 : i32
    "tpu.region"() ({
      %run_scoped3A = tpu.sem_alloc : memref<!tpu.dma_semaphore, #tpu.memory_space<semaphore_mem>>
      %dma_start3A_207 = arith.constant 0 : i32
      %dma_start3A_208 = arith.constant 0 : i32
      %dma_start3A_209 = tpu.memref_slice %arg6[%arg0, %dma_start3A_207, %dma_start3A_208] : memref<2x10240x128xf32, #tpu.memory_space<hbm>> -> memref<1x10240x128xf32, #tpu.memory_space<hbm>>
      %dma_start3A_210 = tpu.memref_squeeze %dma_start3A_209 : memref<1x10240x128xf32, #tpu.memory_space<hbm>> -> memref<10240x128xf32, #tpu.memory_space<hbm>>
      %dma_start3A_211 = arith.constant 0 : i32
      %dma_start3A_212 = tpu.memref_slice %dma_start3A_210[%add3A_202, %dma_start3A_211] : memref<10240x128xf32, #tpu.memory_space<hbm>> -> memref<128x128xf32, #tpu.memory_space<hbm>>
      %dma_start3A_213 = arith.constant 0 : i32
      %dma_start3A_214 = tpu.memref_slice %arg22[%add3A_200, %dma_start3A_213] : memref<10240x128xf32, #tpu.memory_space<vmem_shared>> -> memref<128x128xf32, #tpu.memory_space<vmem_shared>>
      tpu.enqueue_dma source(%dma_start3A_214 : memref<128x128xf32, #tpu.memory_space<vmem_shared>>) target(%dma_start3A_212 : memref<128x128xf32, #tpu.memory_space<hbm>>) target_semaphore(%run_scoped3A : memref<!tpu.dma_semaphore, #tpu.memory_space<semaphore_mem>>)
      %dma_wait3A_215 = arith.constant 0 : i32
      %dma_wait3A_216 = arith.constant 0 : i32
      %dma_wait3A_217 = tpu.memref_slice %arg6[%arg0, %dma_wait3A_215, %dma_wait3A_216] : memref<2x10240x128xf32, #tpu.memory_space<hbm>> -> memref<1x10240x128xf32, #tpu.memory_space<hbm>>
      %dma_wait3A_218 = tpu.memref_squeeze %dma_wait3A_217 : memref<1x10240x128xf32, #tpu.memory_space<hbm>> -> memref<10240x128xf32, #tpu.memory_space<hbm>>
      %dma_wait3A_219 = arith.constant 0 : i32
      %dma_wait3A_220 = tpu.memref_slice %dma_wait3A_218[%add3A_202, %dma_wait3A_219] : memref<10240x128xf32, #tpu.memory_space<hbm>> -> memref<128x128xf32, #tpu.memory_space<hbm>>
      %dma_wait3A_221 = arith.constant 0 : i32
      %dma_wait3A_222 = tpu.memref_slice %arg22[%add3A_200, %dma_wait3A_221] : memref<10240x128xf32, #tpu.memory_space<vmem_shared>> -> memref<128x128xf32, #tpu.memory_space<vmem_shared>>
      tpu.wait_dma2 semaphore(%run_scoped3A : memref<!tpu.dma_semaphore, #tpu.memory_space<semaphore_mem>>) src(%dma_wait3A_222 : memref<128x128xf32, #tpu.memory_space<vmem_shared>>) dst(%dma_wait3A_220 : memref<128x128xf32, #tpu.memory_space<hbm>>)
      tpu.yield
    }) : () -> ()
    %add3A_203 = arith.constant 512 : i32
    %add3A_204 = arith.addi %mul3A_4, %add3A_203 : i32
    %add3A_205 = arith.constant 512 : i32
    %add3A_206 = arith.addi %mul3A_4, %add3A_205 : i32
    "tpu.region"() ({
      %run_scoped3A = tpu.sem_alloc : memref<!tpu.dma_semaphore, #tpu.memory_space<semaphore_mem>>
      %dma_start3A_207 = arith.constant 0 : i32
      %dma_start3A_208 = arith.constant 0 : i32
      %dma_start3A_209 = tpu.memref_slice %arg6[%arg0, %dma_start3A_207, %dma_start3A_208] : memref<2x10240x128xf32, #tpu.memory_space<hbm>> -> memref<1x10240x128xf32, #tpu.memory_space<hbm>>
      %dma_start3A_210 = tpu.memref_squeeze %dma_start3A_209 : memref<1x10240x128xf32, #tpu.memory_space<hbm>> -> memref<10240x128xf32, #tpu.memory_space<hbm>>
      %dma_start3A_211 = arith.constant 0 : i32
      %dma_start3A_212 = tpu.memref_slice %dma_start3A_210[%add3A_206, %dma_start3A_211] : memref<10240x128xf32, #tpu.memory_space<hbm>> -> memref<128x128xf32, #tpu.memory_space<hbm>>
      %dma_start3A_213 = arith.constant 0 : i32
      %dma_start3A_214 = tpu.memref_slice %arg22[%add3A_204, %dma_start3A_213] : memref<10240x128xf32, #tpu.memory_space<vmem_shared>> -> memref<128x128xf32, #tpu.memory_space<vmem_shared>>
      tpu.enqueue_dma source(%dma_start3A_214 : memref<128x128xf32, #tpu.memory_space<vmem_shared>>) target(%dma_start3A_212 : memref<128x128xf32, #tpu.memory_space<hbm>>) target_semaphore(%run_scoped3A : memref<!tpu.dma_semaphore, #tpu.memory_space<semaphore_mem>>)
      %dma_wait3A_215 = arith.constant 0 : i32
      %dma_wait3A_216 = arith.constant 0 : i32
      %dma_wait3A_217 = tpu.memref_slice %arg6[%arg0, %dma_wait3A_215, %dma_wait3A_216] : memref<2x10240x128xf32, #tpu.memory_space<hbm>> -> memref<1x10240x128xf32, #tpu.memory_space<hbm>>
      %dma_wait3A_218 = tpu.memref_squeeze %dma_wait3A_217 : memref<1x10240x128xf32, #tpu.memory_space<hbm>> -> memref<10240x128xf32, #tpu.memory_space<hbm>>
      %dma_wait3A_219 = arith.constant 0 : i32
      %dma_wait3A_220 = tpu.memref_slice %dma_wait3A_218[%add3A_206, %dma_wait3A_219] : memref<10240x128xf32, #tpu.memory_space<hbm>> -> memref<128x128xf32, #tpu.memory_space<hbm>>
      %dma_wait3A_221 = arith.constant 0 : i32
      %dma_wait3A_222 = tpu.memref_slice %arg22[%add3A_204, %dma_wait3A_221] : memref<10240x128xf32, #tpu.memory_space<vmem_shared>> -> memref<128x128xf32, #tpu.memory_space<vmem_shared>>
      tpu.wait_dma2 semaphore(%run_scoped3A : memref<!tpu.dma_semaphore, #tpu.memory_space<semaphore_mem>>) src(%dma_wait3A_222 : memref<128x128xf32, #tpu.memory_space<vmem_shared>>) dst(%dma_wait3A_220 : memref<128x128xf32, #tpu.memory_space<hbm>>)
      tpu.yield
    }) : () -> ()
    return
  }
}

module attributes {stable_mosaic.version = 14 : i64} {
  func.func @_tc_a_body(%arg0: i32, %arg1: memref<256x128xf32, #tpu.memory_space<vmem>>, %arg2: memref<128x128xf32, #tpu.memory_space<vmem>>, %arg3: memref<2x256x128xf32, #tpu.memory_space<vmem>>, %arg4: memref<256x128xf32, #tpu.memory_space<vmem>>, %arg5: memref<256x16xf32, #tpu.memory_space<vmem>>) attributes {dimension_semantics = [#tpu.dimension_semantics<arbitrary>], iteration_bounds = array<i64: 40>, scalar_prefetch = 0 : i64, scratch_operands = 0 : i64, tpu.core_type = #tpu.core_type<tc>, window_params = [{transform_indices = @transform_0, window_bounds = array<i64: 256, 128>}, {pipeline_mode = #tpu.pipeline_mode<synchronous>, transform_indices = @transform_1, window_bounds = array<i64: 128, 128>}, {transform_indices = @transform_2, window_bounds = array<i64: 2, 256, 128>}, {transform_indices = @transform_3, window_bounds = array<i64: 256, 128>}, {transform_indices = @transform_4, window_bounds = array<i64: 256, 16>}]} {
    %get3A = arith.constant 0 : index
    %get3A_0 = arith.constant 0 : index
    %get3A_1 = arith.constant 0 : index
    %get3A_2 = vector.load %arg3[%get3A, %get3A_0, %get3A_1] : memref<2x256x128xf32, #tpu.memory_space<vmem>>, vector<1x256x128xf32>
    %get3A_3 = vector.shape_cast %get3A_2 : vector<1x256x128xf32> to vector<256x128xf32>
    %get3A_4 = arith.constant 1 : index
    %get3A_5 = arith.constant 0 : index
    %get3A_6 = arith.constant 0 : index
    %get3A_7 = vector.load %arg3[%get3A_4, %get3A_5, %get3A_6] : memref<2x256x128xf32, #tpu.memory_space<vmem>>, vector<1x256x128xf32>
    %get3A_8 = vector.shape_cast %get3A_7 : vector<1x256x128xf32> to vector<256x128xf32>
    %add3A = arith.addf %get3A_3, %get3A_8 : vector<256x128xf32>
    %add3A_9 = arith.constant 1.000000e+00 : f32
    %add3A_10 = vector.broadcast %add3A_9 : f32 to vector<256x128xf32>
    %add3A_11 = arith.addf %add3A, %add3A_10 : vector<256x128xf32>
    %slice3A = vector.extract_strided_slice %add3A_11 {offsets = [0, 0], sizes = [256, 16], strides = [1, 1]} : vector<256x128xf32> to vector<256x16xf32>
    %rsqrt3A = math.rsqrt %slice3A : vector<256x16xf32>
    %slice3A_12 = vector.extract_strided_slice %rsqrt3A {offsets = [0, 0], sizes = [256, 1], strides = [1, 1]} : vector<256x16xf32> to vector<256x1xf32>
    %get3A_13 = arith.constant 0 : index
    %get3A_14 = arith.constant 0 : index
    %get3A_15 = vector.load %arg1[%get3A_13, %get3A_14] : memref<256x128xf32, #tpu.memory_space<vmem>>, vector<256x128xf32>
    %get3A_16 = arith.constant 0 : index
    %get3A_17 = arith.constant 0 : index
    %get3A_18 = vector.load %arg2[%get3A_16, %get3A_17] : memref<128x128xf32, #tpu.memory_space<vmem>>, vector<128x128xf32>
    %dot_general3A = arith.constant dense<0.000000e+00> : vector<256x128xf32>
    %dot_general3A_19 = tpu.matmul %get3A_15, %get3A_18, %dot_general3A {dimension_numbers = #tpu.dot_dimension_numbers<[1], [0], [0], [1], [0, 0, 1, 1], [], []>, precision = #tpu.contract_precision<fp32>, transpose_lhs_hint = false} : vector<256x128xf32>, vector<128x128xf32>, vector<256x128xf32> -> vector<256x128xf32>
    %mul3A = vector.broadcast %slice3A_12 : vector<256x1xf32> to vector<256x128xf32>
    %mul3A_20 = arith.mulf %dot_general3A_19, %mul3A : vector<256x128xf32>
    %swap3A = arith.constant 0 : index
    %swap3A_21 = arith.constant 0 : index
    %swap3A_22 = vector.load %arg4[%swap3A, %swap3A_21] : memref<256x128xf32, #tpu.memory_space<vmem>>, vector<256x128xf32>
    tpu.vector_store %arg4[%swap3A, %swap3A_21], %mul3A_20 {strides = array<i32>} : memref<256x128xf32, #tpu.memory_space<vmem>>, vector<256x128xf32>,
    %swap3A_23 = arith.constant 0 : index
    %swap3A_24 = arith.constant 0 : index
    %swap3A_25 = vector.load %arg5[%swap3A_23, %swap3A_24] : memref<256x16xf32, #tpu.memory_space<vmem>>, vector<256x16xf32>
    tpu.vector_store %arg5[%swap3A_23, %swap3A_24], %rsqrt3A {strides = array<i32>} : memref<256x16xf32, #tpu.memory_space<vmem>>, vector<256x16xf32>,
    return
  }
  func.func @transform_0(%arg0: i32) -> (i32, i32) {
    %c0_i32 = arith.constant 0 : i32
    %c0_i32_0 = arith.constant 0 : i32
    return %arg0, %c0_i32 : i32, i32
  }
  func.func @transform_1(%arg0: i32) -> (i32, i32) {
    %c0_i32 = arith.constant 0 : i32
    %c0_i32_0 = arith.constant 0 : i32
    %c0_i32_1 = arith.constant 0 : i32
    return %c0_i32, %c0_i32_0 : i32, i32
  }
  func.func @transform_2(%arg0: i32) -> (i32, i32, i32) {
    %c0_i32 = arith.constant 0 : i32
    %c0_i32_0 = arith.constant 0 : i32
    %c0_i32_1 = arith.constant 0 : i32
    return %c0_i32, %arg0, %c0_i32_0 : i32, i32, i32
  }
  func.func @transform_3(%arg0: i32) -> (i32, i32) {
    %c0_i32 = arith.constant 0 : i32
    %c0_i32_0 = arith.constant 0 : i32
    return %arg0, %c0_i32 : i32, i32
  }
  func.func @transform_4(%arg0: i32) -> (i32, i32) {
    %c0_i32 = arith.constant 0 : i32
    %c0_i32_0 = arith.constant 0 : i32
    return %arg0, %c0_i32 : i32, i32
  }
}

module attributes {stable_mosaic.version = 14 : i64} {
  func.func @_tc_final_body(%arg0: i32, %arg1: memref<2x256x128xf32, #tpu.memory_space<vmem>>, %arg2: memref<256x128xf32, #tpu.memory_space<vmem>>, %arg3: memref<256x16xf32, #tpu.memory_space<vmem>>, %arg4: memref<1x128xf32, #tpu.memory_space<vmem>>, %arg5: memref<256x128xf32, #tpu.memory_space<vmem>>) attributes {dimension_semantics = [#tpu.dimension_semantics<arbitrary>], iteration_bounds = array<i64: 40>, scalar_prefetch = 0 : i64, scratch_operands = 0 : i64, tpu.core_type = #tpu.core_type<tc>, window_params = [{transform_indices = @transform_0, window_bounds = array<i64: 2, 256, 128>}, {transform_indices = @transform_1, window_bounds = array<i64: 256, 128>}, {transform_indices = @transform_2, window_bounds = array<i64: 256, 16>}, {pipeline_mode = #tpu.pipeline_mode<synchronous>, transform_indices = @transform_3, window_bounds = array<i64: 1, 128>}, {transform_indices = @transform_4, window_bounds = array<i64: 256, 128>}]} {
    %get3A = arith.constant 0 : index
    %get3A_0 = arith.constant 0 : index
    %get3A_1 = vector.load %arg3[%get3A, %get3A_0] : memref<256x16xf32, #tpu.memory_space<vmem>>, vector<256x1xf32>
    %get3A_2 = arith.constant 0 : index
    %get3A_3 = arith.constant 0 : index
    %get3A_4 = arith.constant 0 : index
    %get3A_5 = vector.load %arg1[%get3A_2, %get3A_3, %get3A_4] : memref<2x256x128xf32, #tpu.memory_space<vmem>>, vector<1x256x128xf32>
    %get3A_6 = vector.shape_cast %get3A_5 : vector<1x256x128xf32> to vector<256x128xf32>
    %get3A_7 = arith.constant 1 : index
    %get3A_8 = arith.constant 0 : index
    %get3A_9 = arith.constant 0 : index
    %get3A_10 = vector.load %arg1[%get3A_7, %get3A_8, %get3A_9] : memref<2x256x128xf32, #tpu.memory_space<vmem>>, vector<1x256x128xf32>
    %get3A_11 = vector.shape_cast %get3A_10 : vector<1x256x128xf32> to vector<256x128xf32>
    %add3A = arith.addf %get3A_6, %get3A_11 : vector<256x128xf32>
    %get3A_12 = arith.constant 0 : index
    %get3A_13 = arith.constant 0 : index
    %get3A_14 = vector.load %arg2[%get3A_12, %get3A_13] : memref<256x128xf32, #tpu.memory_space<vmem>>, vector<256x128xf32>
    %add3A_15 = arith.addf %add3A, %get3A_14 : vector<256x128xf32>
    %mul3A = vector.broadcast %get3A_1 : vector<256x1xf32> to vector<256x128xf32>
    %mul3A_16 = arith.mulf %add3A_15, %mul3A : vector<256x128xf32>
    %get3A_17 = arith.constant 0 : index
    %get3A_18 = arith.constant 0 : index
    %get3A_19 = vector.load %arg4[%get3A_17, %get3A_18] : memref<1x128xf32, #tpu.memory_space<vmem>>, vector<1x128xf32>
    %add3A_20 = vector.broadcast %get3A_19 : vector<1x128xf32> to vector<256x128xf32>
    %add3A_21 = arith.addf %mul3A_16, %add3A_20 : vector<256x128xf32>
    %swap3A = arith.constant 0 : index
    %swap3A_22 = arith.constant 0 : index
    %swap3A_23 = vector.load %arg5[%swap3A, %swap3A_22] : memref<256x128xf32, #tpu.memory_space<vmem>>, vector<256x128xf32>
    tpu.vector_store %arg5[%swap3A, %swap3A_22], %add3A_21 {strides = array<i32>} : memref<256x128xf32, #tpu.memory_space<vmem>>, vector<256x128xf32>,
    return
  }
  func.func @transform_0(%arg0: i32) -> (i32, i32, i32) {
    %c0_i32 = arith.constant 0 : i32
    %c0_i32_0 = arith.constant 0 : i32
    %c0_i32_1 = arith.constant 0 : i32
    return %c0_i32, %arg0, %c0_i32_0 : i32, i32, i32
  }
  func.func @transform_1(%arg0: i32) -> (i32, i32) {
    %c0_i32 = arith.constant 0 : i32
    %c0_i32_0 = arith.constant 0 : i32
    return %arg0, %c0_i32 : i32, i32
  }
  func.func @transform_2(%arg0: i32) -> (i32, i32) {
    %c0_i32 = arith.constant 0 : i32
    %c0_i32_0 = arith.constant 0 : i32
    return %arg0, %c0_i32 : i32, i32
  }
  func.func @transform_3(%arg0: i32) -> (i32, i32) {
    %c0_i32 = arith.constant 0 : i32
    %c0_i32_0 = arith.constant 0 : i32
    %c0_i32_1 = arith.constant 0 : i32
    return %c0_i32, %c0_i32_0 : i32, i32
  }
  func.func @transform_4(%arg0: i32) -> (i32, i32) {
    %c0_i32 = arith.constant 0 : i32
    %c0_i32_0 = arith.constant 0 : i32
    return %arg0, %c0_i32 : i32, i32
  }
}

module attributes {stable_mosaic.version = 14 : i64} {
  func.func @_tc_mid_body(%arg0: i32, %arg1: memref<2x256x128xf32, #tpu.memory_space<vmem>>, %arg2: memref<256x128xf32, #tpu.memory_space<vmem>>, %arg3: memref<256x16xf32, #tpu.memory_space<vmem>>, %arg4: memref<128x128xf32, #tpu.memory_space<vmem>>, %arg5: memref<1x128xf32, #tpu.memory_space<vmem>>, %arg6: memref<1x128xf32, #tpu.memory_space<vmem>>, %arg7: memref<1x128xf32, #tpu.memory_space<vmem>>, %arg8: memref<256x128xf32, #tpu.memory_space<vmem>>) attributes {dimension_semantics = [#tpu.dimension_semantics<arbitrary>], iteration_bounds = array<i64: 40>, scalar_prefetch = 0 : i64, scratch_operands = 0 : i64, tpu.core_type = #tpu.core_type<tc>, window_params = [{transform_indices = @transform_0, window_bounds = array<i64: 2, 256, 128>}, {transform_indices = @transform_1, window_bounds = array<i64: 256, 128>}, {transform_indices = @transform_2, window_bounds = array<i64: 256, 16>}, {pipeline_mode = #tpu.pipeline_mode<synchronous>, transform_indices = @transform_3, window_bounds = array<i64: 128, 128>}, {pipeline_mode = #tpu.pipeline_mode<synchronous>, transform_indices = @transform_4, window_bounds = array<i64: 1, 128>}, {pipeline_mode = #tpu.pipeline_mode<synchronous>, transform_indices = @transform_5, window_bounds = array<i64: 1, 128>}, {pipeline_mode = #tpu.pipeline_mode<synchronous>, transform_indices = @transform_6, window_bounds = array<i64: 1, 128>}, {transform_indices = @transform_7, window_bounds = array<i64: 256, 128>}]} {
    %get3A = arith.constant 0 : index
    %get3A_0 = arith.constant 0 : index
    %get3A_1 = vector.load %arg3[%get3A, %get3A_0] : memref<256x16xf32, #tpu.memory_space<vmem>>, vector<256x1xf32>
    %get3A_2 = arith.constant 0 : index
    %get3A_3 = arith.constant 0 : index
    %get3A_4 = arith.constant 0 : index
    %get3A_5 = vector.load %arg1[%get3A_2, %get3A_3, %get3A_4] : memref<2x256x128xf32, #tpu.memory_space<vmem>>, vector<1x256x128xf32>
    %get3A_6 = vector.shape_cast %get3A_5 : vector<1x256x128xf32> to vector<256x128xf32>
    %get3A_7 = arith.constant 1 : index
    %get3A_8 = arith.constant 0 : index
    %get3A_9 = arith.constant 0 : index
    %get3A_10 = vector.load %arg1[%get3A_7, %get3A_8, %get3A_9] : memref<2x256x128xf32, #tpu.memory_space<vmem>>, vector<1x256x128xf32>
    %get3A_11 = vector.shape_cast %get3A_10 : vector<1x256x128xf32> to vector<256x128xf32>
    %add3A = arith.addf %get3A_6, %get3A_11 : vector<256x128xf32>
    %get3A_12 = arith.constant 0 : index
    %get3A_13 = arith.constant 0 : index
    %get3A_14 = vector.load %arg2[%get3A_12, %get3A_13] : memref<256x128xf32, #tpu.memory_space<vmem>>, vector<256x128xf32>
    %add3A_15 = arith.addf %add3A, %get3A_14 : vector<256x128xf32>
    %mul3A = vector.broadcast %get3A_1 : vector<256x1xf32> to vector<256x128xf32>
    %mul3A_16 = arith.mulf %add3A_15, %mul3A : vector<256x128xf32>
    %get3A_17 = arith.constant 0 : index
    %get3A_18 = arith.constant 0 : index
    %get3A_19 = vector.load %arg5[%get3A_17, %get3A_18] : memref<1x128xf32, #tpu.memory_space<vmem>>, vector<1x128xf32>
    %add3A_20 = vector.broadcast %get3A_19 : vector<1x128xf32> to vector<256x128xf32>
    %add3A_21 = arith.addf %mul3A_16, %add3A_20 : vector<256x128xf32>
    %get3A_22 = arith.constant 0 : index
    %get3A_23 = arith.constant 0 : index
    %get3A_24 = vector.load %arg6[%get3A_22, %get3A_23] : memref<1x128xf32, #tpu.memory_space<vmem>>, vector<1x128xf32>
    %mul3A_25 = arith.constant 0.999994993 : f32
    %mul3A_26 = vector.broadcast %mul3A_25 : f32 to vector<1x128xf32>
    %mul3A_27 = arith.mulf %mul3A_26, %get3A_24 : vector<1x128xf32>
    %mul3A_28 = vector.broadcast %mul3A_27 : vector<1x128xf32> to vector<256x128xf32>
    %mul3A_29 = arith.mulf %add3A_21, %mul3A_28 : vector<256x128xf32>
    %get3A_30 = arith.constant 0 : index
    %get3A_31 = arith.constant 0 : index
    %get3A_32 = vector.load %arg7[%get3A_30, %get3A_31] : memref<1x128xf32, #tpu.memory_space<vmem>>, vector<1x128xf32>
    %add3A_33 = vector.broadcast %get3A_32 : vector<1x128xf32> to vector<256x128xf32>
    %add3A_34 = arith.addf %mul3A_29, %add3A_33 : vector<256x128xf32>
    %max3A = arith.constant 0.000000e+00 : f32
    %max3A_35 = vector.broadcast %max3A : f32 to vector<256x128xf32>
    %max3A_36 = arith.maximumf %add3A_34, %max3A_35 : vector<256x128xf32>
    %get3A_37 = arith.constant 0 : index
    %get3A_38 = arith.constant 0 : index
    %get3A_39 = vector.load %arg4[%get3A_37, %get3A_38] : memref<128x128xf32, #tpu.memory_space<vmem>>, vector<128x128xf32>
    %dot_general3A = arith.constant dense<0.000000e+00> : vector<256x128xf32>
    %dot_general3A_40 = tpu.matmul %max3A_36, %get3A_39, %dot_general3A {dimension_numbers = #tpu.dot_dimension_numbers<[1], [0], [0], [1], [0, 0, 1, 1], [], []>, precision = #tpu.contract_precision<fp32>, transpose_lhs_hint = false} : vector<256x128xf32>, vector<128x128xf32>, vector<256x128xf32> -> vector<256x128xf32>
    %mul3A_41 = vector.broadcast %get3A_1 : vector<256x1xf32> to vector<256x128xf32>
    %mul3A_42 = arith.mulf %dot_general3A_40, %mul3A_41 : vector<256x128xf32>
    %swap3A = arith.constant 0 : index
    %swap3A_43 = arith.constant 0 : index
    %swap3A_44 = vector.load %arg8[%swap3A, %swap3A_43] : memref<256x128xf32, #tpu.memory_space<vmem>>, vector<256x128xf32>
    tpu.vector_store %arg8[%swap3A, %swap3A_43], %mul3A_42 {strides = array<i32>} : memref<256x128xf32, #tpu.memory_space<vmem>>, vector<256x128xf32>,
    return
  }
  func.func @transform_0(%arg0: i32) -> (i32, i32, i32) {
    %c0_i32 = arith.constant 0 : i32
    %c0_i32_0 = arith.constant 0 : i32
    %c0_i32_1 = arith.constant 0 : i32
    return %c0_i32, %arg0, %c0_i32_0 : i32, i32, i32
  }
  func.func @transform_1(%arg0: i32) -> (i32, i32) {
    %c0_i32 = arith.constant 0 : i32
    %c0_i32_0 = arith.constant 0 : i32
    return %arg0, %c0_i32 : i32, i32
  }
  func.func @transform_2(%arg0: i32) -> (i32, i32) {
    %c0_i32 = arith.constant 0 : i32
    %c0_i32_0 = arith.constant 0 : i32
    return %arg0, %c0_i32 : i32, i32
  }
  func.func @transform_3(%arg0: i32) -> (i32, i32) {
    %c0_i32 = arith.constant 0 : i32
    %c0_i32_0 = arith.constant 0 : i32
    %c0_i32_1 = arith.constant 0 : i32
    return %c0_i32, %c0_i32_0 : i32, i32
  }
  func.func @transform_4(%arg0: i32) -> (i32, i32) {
    %c0_i32 = arith.constant 0 : i32
    %c0_i32_0 = arith.constant 0 : i32
    %c0_i32_1 = arith.constant 0 : i32
    return %c0_i32, %c0_i32_0 : i32, i32
  }
  func.func @transform_5(%arg0: i32) -> (i32, i32) {
    %c0_i32 = arith.constant 0 : i32
    %c0_i32_0 = arith.constant 0 : i32
    %c0_i32_1 = arith.constant 0 : i32
    return %c0_i32, %c0_i32_0 : i32, i32
  }
  func.func @transform_6(%arg0: i32) -> (i32, i32) {
    %c0_i32 = arith.constant 0 : i32
    %c0_i32_0 = arith.constant 0 : i32
    %c0_i32_1 = arith.constant 0 : i32
    return %c0_i32, %c0_i32_0 : i32, i32
  }
  func.func @transform_7(%arg0: i32) -> (i32, i32) {
    %c0_i32 = arith.constant 0 : i32
    %c0_i32_0 = arith.constant 0 : i32
    return %arg0, %c0_i32 : i32, i32
  }
}

</mosaic_0001>

<sc_bundles>
// kernel: kernel.10.cloned.1.call-start
scs
__scs_entry_jumppad:
0x0: {  	(pc) =	sbr.rel $0x88, $3  }
0x1: {  	(tag) =	ssettag $0x0;
	lr =	simm.s32 $0x1  }
0x2: {  	[smem:$0x3F95] =	sst lr;
	_ =	strace $0xD0000000  }
0x3: {  	_ = 	snop  }
0x4: {  	_ = 	snop  }
0x5: {  	_ = 	snop  }
0x6: {  	_ = 	snop  }
0x7: {  	_ = 	snop  }
__scs_overlays_trampoline_lowered:
0x8: {  	[smem:$0x3FA4] =	sst s0  }
0x9: {  	[smem:$0x3FA5] =	sst s1  }
0xa: {  	[smem:$0x3FA6] =	sst s2  }
0xb: {  	[smem:$0x3FA7] =	sst s3  }
0xc: {  	[smem:$0x3FA8] =	sst s4  }
0xd: {  	[smem:$0x3FA9] =	sst s5  }
0xe: {  	[smem:$0x3FAA] =	sst s6  }
0xf: {  	[smem:$0x3FAB] =	sst s7  }
0x10: {  	[smem:$0x3FAC] =	sst s8  }
0x11: {  	[smem:$0x3FAD] =	sst s9;
	s0 =	simm.s32 @!p0 $0x0  }
0x12: {  	s1 =	sld [smem:$0x3F93];
	s0 =	simm.s32 @p0 $0x1  }
0x13: {  	[smem:$0x3FAE] =	sst s0;
	s0 =	simm.s32 @!p1 $0x0  }
0x14: {  	s2 =	sld [smem:$0x3F92];
	s0 =	simm.s32 @p1 $0x1  }
0x15: {  	[smem:$0x3FAF] =	sst s0;
	s0 =	simm.s32 @!p2 $0x0  }
0x16: {  	s3 =	sld [smem:$0x3FDB];
	s0 =	simm.s32 @p2 $0x1  }
0x17: {  	s4 =	simm.s32 $0x1BF5;
	[smem:$0x3FB1] =	sst s0  }
0x18: {  	s0 =	sld [smem:$0x3F94];
	_ =	swait.ge [sflag:s4], $0x0  }
0x19: {  	s7 =	sld [smem:$0x3F95]  }
0x1a: {  	s8 =	sadd.s32 $0xFFFFE003, lr  }
0x1b: {  	s9 =	sadd.s32 $0xFFFFFEF7, lr;
	s5 =	simm.s32 $0xFFFFFFFF;
	p2 =	slt.u32 s8, $0xFFFFF086  }
0x1c: {  	p1 =	slt.u32 s9, $0xF7A;
	s5 =	simm.s32 @!p2 $0x0  }
0x1d: {  	s5 =	simm.s32 @p1 $0x1;
	p0 =	seq.s32 s7, s2  }
0x1e: {  	s7 =	smul.u32 @!p0 $0xF7A, s2;
	p2 =	seq.s32 @!p0 s5, $0x0  }
0x1f: {  	s9 =	smul.u32 $0xF7A, s1;
	s8 =	simm.s32 @!p0 $0x1BF5;
	p2 =	por !p2, p0  }
0x20: {  	[sflag:s8] =	ssyncset.s32 @!p0 $0xFFFFF086;
	s6 =	sadd.s32 @!p0 s3, s7;
	s7 =	simm.s32 @!p0 $0x108  }
0x21: {  	s3 =	sadd.s32 s3, s9;
	s6 =	sadd.s32 @!p0 $0x88, s6;
	s7 =	simm.s32 @p2 $0x1082  }
0x22: {  	[simem:s7], [sflag:s8] =	dma.local @!p0 [hbm:s6], $0xF7A  }
0x23: {  	s9 =	sor.u32 $0xD0000000, s2;
	s6 =	simm.s32 $0x108;
	_ =	swait.ge @!p0 [sflag:s8], $0x0  }
0x24: {  	s3 =	sadd.s32 $0x88, s3;
	s6 =	simm.s32 @!p1 $0x1082;
	[sflag:s4] =	ssyncset.s32 $0xFFFFF086  }
0x25: {  	[simem:s6], [sflag:s4] =	dma.local [hbm:s3], $0xF7A  }
0x26: {  	[smem:$0x3F95] =	sst s1;
	(tag) =	ssettag s2;
	_ =	strace s9  }
0x27: {  	s1 =	sld [smem:$0x3FA5]  }
0x28: {  	s2 =	sld [smem:$0x3FA6]  }
0x29: {  	s4 =	sld [smem:$0x3FA8]  }
0x2a: {  	p0 =	seq.s32 s5, $0x0;
	s5 =	sld [smem:$0x3FA9]  }
0x2b: {  	s6 =	sld [smem:$0x3FAA]  }
0x2c: {  	s7 =	sld [smem:$0x3FAB]  }
0x2d: {  	s3 =	simm.s32 $0x108;
	s8 =	sld [smem:$0x3FAC]  }
0x2e: {  	s3 =	simm.s32 @!p0 $0x1082;
	s9 =	sld [smem:$0x3FAD]  }
0x2f: {  	lr =	sadd.s32 s0, s3;
	s0 =	sld [smem:$0x3FA4]  }
0x30: {  	s3 =	sld [smem:$0x3FA7]  }
0x31: {  	[smem:$0x3FB0] =	sst s10  }
0x32: {  	s10 =	sld [smem:$0x3FAE];
	_ =	sdelay $0x3  }
0x33: {  	p0 =	seq.s32 s10, $0x1;
	s10 =	sld [smem:$0x3FB0];
	_ =	sdelay $0x3  }
0x34: {  	[smem:$0x3FB0] =	sst s10  }
0x35: {  	s10 =	sld [smem:$0x3FAF];
	_ =	sdelay $0x3  }
0x36: {  	p1 =	seq.s32 s10, $0x1;
	s10 =	sld [smem:$0x3FB0];
	_ =	sdelay $0x3  }
0x37: {  	[smem:$0x3FB0] =	sst s10  }
0x38: {  	s10 =	sld [smem:$0x3FB1]  }
0x39: {  	_ = 	snop;
	(pc) =	sbr.ind lr, $3  }
0x3a: {  	_ = 	snop  }
0x3b: {  	_ = 	snop  }
0x3c: {  	p2 =	seq.s32 s10, $0x1;
	s10 =	sld [smem:$0x3FB0]  }
0x3d: {  	_ =	shalt  }
0x3e: {  	_ =	shalt  }
0x3f: {  	_ =	shalt  }
0x40: {  	_ =	shalt  }
0x41: {  	_ =	shalt  }
0x42: {  	_ =	shalt  }
0x43: {  	_ =	shalt  }
0x44: {  	_ =	shalt  }
0x45: {  	_ =	shalt  }
0x46: {  	_ =	shalt  }
0x47: {  	_ =	shalt  }
0x48: {  	_ =	shalt  }
0x49: {  	_ =	shalt  }
0x4a: {  	_ =	shalt  }
0x4b: {  	_ =	shalt  }
0x4c: {  	_ =	shalt  }
0x4d: {  	_ =	shalt  }
0x4e: {  	_ =	shalt  }
0x4f: {  	_ =	shalt  }
0x50: {  	_ =	shalt  }
0x51: {  	_ =	shalt  }
0x52: {  	_ =	shalt  }
0x53: {  	_ =	shalt  }
0x54: {  	_ =	shalt  }
0x55: {  	_ =	shalt  }
0x56: {  	_ =	shalt  }
0x57: {  	_ =	shalt  }
0x58: {  	_ =	shalt  }
0x59: {  	_ =	shalt  }
0x5a: {  	_ =	shalt  }
0x5b: {  	_ =	shalt  }
0x5c: {  	_ =	shalt  }
0x5d: {  	_ =	shalt  }
0x5e: {  	_ =	shalt  }
0x5f: {  	_ =	shalt  }
0x60: {  	_ =	shalt  }
0x61: {  	_ =	shalt  }
0x62: {  	_ =	shalt  }
0x63: {  	_ =	shalt  }
0x64: {  	_ =	shalt  }
0x65: {  	_ =	shalt  }
0x66: {  	_ =	shalt  }
0x67: {  	_ =	shalt  }
0x68: {  	_ =	shalt  }
0x69: {  	_ =	shalt  }
0x6a: {  	_ =	shalt  }
0x6b: {  	_ =	shalt  }
0x6c: {  	_ =	shalt  }
0x6d: {  	_ =	shalt  }
0x6e: {  	_ =	shalt  }
0x6f: {  	_ =	shalt  }
0x70: {  	_ =	shalt  }
0x71: {  	_ =	shalt  }
0x72: {  	_ =	shalt  }
0x73: {  	_ =	shalt  }
0x74: {  	_ =	shalt  }
0x75: {  	_ =	shalt  }
0x76: {  	_ =	shalt  }
0x77: {  	_ =	shalt  }
0x78: {  	_ =	shalt  }
0x79: {  	_ =	shalt  }
0x7a: {  	_ =	shalt  }
0x7b: {  	_ =	shalt  }
0x7c: {  	_ =	shalt  }
0x7d: {  	_ =	shalt  }
0x7e: {  	_ =	shalt  }
0x7f: {  	_ =	shalt  }
0x80: {  	_ =	shalt  }
0x81: {  	_ =	shalt  }
0x82: {  	_ =	shalt  }
0x83: {  	_ =	shalt  }
0x84: {  	_ =	shalt  }
0x85: {  	_ =	shalt  }
0x86: {  	_ =	shalt  }
0x87: {  	_ =	shalt  }
.Lfunc_end0:
.L_simem_size_0:
called_computation_lowered:
.L_overlay_start_0:
0x88: {  	s2 =	sld [smem:$0x3FD9]  }
0x89: {  	s3 =	sld [smem:$0x3FFE];
	_ =	sdelay $0x1  }
0x8a: {  	s1 =	srdreg.scid  }
0x8b: {  	s0 =	sand.u32 $0x1, s1  }
0x8c: {  	s16 =	sshll.u32 s0, $0xA;
	s2 =	sadd.s32 s3, s2  }
0x8d: {  	s2 =	sadd.s32 s2, s16  }
0x8e: {  	[smem:$0x3FBC] =	sst s2  }
0x8f: {  	_ = 	snop  }
0x90: {  	(tm) =	ssettm $0x1  }
0x91: {  	s17 =	sld [smem:$0x3FFB];
	_ =	sdelay $0x3  }
0x92: {  	_ =	strace s17  }
0x93: {  	s2 =	sld [smem:$0x3FFC];
	_ =	sdelay $0x3  }
0x94: {  	_ =	strace s2  }
0x95: {  	s2 =	sld [smem:$0x3FFD];
	_ =	sdelay $0x3  }
0x96: {  	_ =	strace s2  }
0x97: {  	_ =	strace $0x8FFFFFFF  }
0x98: {  	s18 =	sld [smem:$0x3FDB];
	_ =	sdelay $0x1  }
0x99: {  	s19 =	simm.s32 $_scs_section_size  }
0x9a: {  	s4 =	simm.s32 $_size__tile_overlayer_lowered;
	s5 =	simm.s32 $_tile_overlayer_lowered  }
0x9b: {  	s22 =	simm.s32 $0x1BFF;
	s21 =	sshll.u32 s5, $0x1;
	s2 =	sadd.s32 s19, s18  }
0x9c: {  	s6 =	simm.s32 $0x0;
	s20 =	sshll.u32 s4, $0x1;
	s4 =	sadd.s32 s21, s2  }
0x9d: {  	[timem:s6], [sflag:s22] =	dma.local [hbm:s4], s20  }
0x9e: {  	_ =	swait.ge [sflag:s22], s20  }
0x9f: {  	s3 =	ssub.s32 $0x0, s20;
	[sflag:s22] =	ssyncset.done $0x0  }
0xa0: {  	[sflag:s22] =	ssyncadd.s32 s3;
	_ =	sdelay $0x1  }
0xa1: {  	s23 =	simm.s32 $0x1B8B  }
0xa2: {  	_ =	swait.ge [sflag:s23], $0x1  }
0xa3: {  	[sflag:s23] =	ssyncset.done $0x0  }
0xa4: {  	s25 =	simm.s32 $0x1B8E;
	s24 =	sld [smem:$0x3FFE];
	[sflag:s23] =	ssyncadd.s32 $0xFFFFFFFF  }
0xa5: {  	s26 =	simm.s32 $execute0_lowered;
	[smem:$0x3FD2] =	sst s25  }
0xa6: {  	s4 =	sshll.u32 s26, $0x1;
	_ =	strace $0x80000046;
	[dreg:$0x1] =	wrdreg $0xFFFFFFFF  }
0xa7: {  	s28 =	simm.s32 $_size_execute0_lowered;
	s2 =	sadd.s32 s2, s4;
	[dreg:$0x0] =	wrdreg $0x0  }
0xa8: {  	s4 =	sshll.u32 s28, $0x1;
	[dreg:$0x2] =	wrdreg s2  }
0xa9: {  	[dreg:$0x3] =	wrdreg s4  }
0xaa: {  	[dreg:$0x4] =	wrdreg $0xC0  }
0xab: {  	_ =	task [dreg:s6], $0x5FFFF  }
0xac: {  	[dreg:$0x1] =	wrdreg $0xFFFFFFFF  }
0xad: {  	[dreg:$0x0] =	wrdreg $0x60  }
0xae: {  	[dreg:$0x2] =	wrdreg s24  }
0xaf: {  	[dreg:$0x3] =	wrdreg $0x3A000  }
0xb0: {  	[dreg:$0x4] =	wrdreg $0x9  }
0xb1: {  	_ =	task.clear_ibuf [dreg:s6], $0x5FFFF;
	_ =	strace $0x90000046  }
0xb2: {  	s29 =	simm.s32 $0x9;
	_ =	strace $0x80000048  }
0xb3: {  	_ =	swait.ge [sflag:s29], $0x1  }
0xb4: {  	[sflag:s29] =	ssyncadd.s32 $0xFFFFFFFF  }
0xb5: {  	_ =	strace $0x90000048  }
0xb6: {  	_ =	sfence  }
0xb7: {  	s30 =	sld [smem:$0x0];
	_ =	sdelay $0x2  }
0xb8: {  	s31 =	sshll.u32 s1, $0xD;
	s1 =	sshrl.u32 s1, $0x2  }
0xb9: {  	s3 =	sand.u32 $0x4000, s31;
	s1 =	sadd.s32 s1, s30  }
0xba: {  	s0 =	sor.u32 s3, s0;
	s1 =	sshll.u32 s1, $0x11  }
0xbb: {  	s0 =	sor.u32 s1, s0  }
0xbc: {  	s0 =	sadd.s32 $0x8F2B, s0  }
0xbd: {  	[sflag:s0] =	ssyncadd.remote.s32 $0x1  }
0xbe: {  	_ =	sfence.sel $0xFFFF  }
0xbf: {  	[dreg:$0x0] =	wrdreg $0xFFFFFFFF;
	(pc) =	sbr.abs _section_cstart, $3  }
0xc0: {  	[dreg:$0x1] =	wrdreg $0xFFFFFFFF  }
0xc1: {  	_ =	task.clear_ibuf [dreg:s6], $0x2FFFF;
	_ =	strace $0x9FFFFFFF  }
0xc2: {  	(tm) =	ssettm $0x7FFFFFFF  }
0xc3: {  	_ =	shalt  }
tec
execute0_lowered:
.L_overlay_start_1:
0x0: {  	(tag) =	ssettag $0x1  }
0x1: {  	s0 =	rddreg [dreg:$0x0]  }
0x2: {  	s1 =	rddreg [dreg:$0x1]  }
0x3: {  	s3 =	srdreg.scid;
	s2 =	simm.s32 $0x0;
	s14 =	stileid.u32  }
0x4: {  	s28 =	simm.s32 $0x80;
	s29 =	simm.s32 $0x100;
	s8 =	smul.u32 $0x280, s14  }
0x5: {  	s30 =	simm.s32 $0x180;
	s31 =	simm.s32 $0x1;
	s10 =	smul.u32 $0x50000, s14  }
0x6: {  	s3 =	sand.u32 $0x1, s3;
	[smem:$0x7FF] =	sst s2;
	s13 =	smul.u32 $0x2A00, s14  }
0x7: {  	s6 =	sadd.s32 $0x3A00, s0;
	s5 =	sadd.s32 $0xE200, s0;
	s4 =	smul.u32 $0x28000, s3  }
0x8: {  	_ =	strace $0x80000047;
	[dreg:$0x3] =	wrdreg s5;
	s5 =	sadd.s32 $0xEA00, s0  }
0x9: {  	s20 =	ssub.s32 $0x2, s3;
	s7 =	sshll.u32 s3, $0x4;
	s3 =	smul.u32 $0x2A000, s3  }
0xa: {  	s9 =	sshrl.u32 s20, $0x1;
	s7 =	sor.u32 s14, s7;
	s21 =	sadd.s32 $0x80, s8  }
0xb: {  	s10 =	sshrl.u32 s10, $0x2;
	s12 =	sadd.s32 $0x100, s8;
	s24 =	sadd.s32 $0x180, s8  }
0xc: {  	s8 =	sadd.s32 $0x200, s8;
	s0 =	sadd.s32 s4, s0;
	s4 =	ssub.s32 s20, s9  }
0xd: {  	s7 =	smul.u32 $0x2A00, s7;
	s11 =	sshll.u32 s21, $0x7;
	s10 =	sadd.s32 s10, s1  }
0xe: {  	s23 =	sshll.u32 s12, $0x7;
	s25 =	sshll.u32 s24, $0x7;
	s26 =	sshll.u32 s8, $0x7  }
0xf: {  	s3 =	sadd.s32 s13, s3;
	s20 =	smul.u32 $0x2800, s14;
	s21 =	sshll.u32 s21, $0x4  }
0x10: {  	s8 =	sshll.u32 s8, $0x4;
	s9 =	simm.s32 $0x7;
	[dreg:$0x4] =	wrdreg s10  }
0x11: {  	s22 =	sadd.s32 s11, s1;
	s10 =	sadd.s32 s23, s1;
	s11 =	sadd.s32 s25, s1  }
0x12: {  	s17 =	sadd.s32 $0x310, s3;
	s0 =	sadd.s32 $0xF200, s0;
	[dreg:$0x5] =	wrdreg s22  }
0x13: {  	s18 =	sadd.s32 $0x2A0, s3;
	s19 =	sadd.s32 $0x230, s3;
	[dreg:$0x6] =	wrdreg s10  }
0x14: {  	s3 =	sor.u32 $0x1C0, s3;
	s4 =	smax.u32 s4, $0x1;
	[dreg:$0x7] =	wrdreg s11  }
0x15: {  	s23 =	sshll.u32 s24, $0x4;
	s11 =	sadd.s32 s26, s1;
	[dreg:$0xd] =	wrdreg s4  }
0x16: {  	s7 =	sshrl.u32 s7, $0x3;
	s24 =	sadd.s32 s21, s0;
	[dreg:$0x8] =	wrdreg s11  }
0x17: {  	s3 =	sshrl.u32 s3, $0x3;
	s26 =	sadd.s32 s23, s0;
	[dreg:$0xf] =	wrdreg s24  }
0x18: {  	s22 =	sshll.u32 s12, $0x4;
	s15 =	sadd.s32 s6, s7;
	[dreg:$0x11] =	wrdreg s26  }
0x19: {  	s4 =	simm.s32 $0x3;
	s25 =	sadd.s32 s22, s0;
	[dreg:$0x9] =	wrdreg s15  }
0x1a: {  	s10 =	simm.s32 $0x8;
	s7 =	sadd.s32 $0xE, s15;
	[dreg:$0x10] =	wrdreg s25  }
0x1b: {  	s12 =	simm.s32 $0x0;
	s16 =	sadd.s32 $0x1C, s15;
	[dreg:$0xa] =	wrdreg s7  }
0x1c: {  	s26 =	simm.s32 $0x9;
	s11 =	sadd.s32 $0x2A, s15;
	[dreg:$0xb] =	wrdreg s16  }
0x1d: {  	s25 =	simm.s32 $0x200;
	[dreg:$0xc] =	wrdreg s11;
	s7 =	sshrl.u32 s17, $0x3  }
0x1e: {  	s11 =	sshrl.u32 s19, $0x3;
	s15 =	sadd.s32 s7, s6;
	s7 =	sshrl.u32 s18, $0x3  }
0x1f: {  	s17 =	sadd.s32 s11, s6;
	s18 =	sadd.s32 s3, s6;
	s3 =	sadd.s32 s20, s0  }
0x20: {  	s0 =	sadd.s32 s8, s0;
	s8 =	simm.s32 $0x6;
	[dreg:$0xe] =	wrdreg s3  }
0x21: {  	s16 =	sadd.s32 s7, s6;
	[dreg:$0x12] =	wrdreg s0;
	s0 =	simm.s32 $0x70  }
0x22: {  	s3 =	simm.s32 $0x2;
	s6 =	simm.s32 $0x4;
	s7 =	simm.s32 $0x5  }
.LBB2_1:
0x23: {  	s11 =	rddreg [dreg:$0x3]  }
0x24: {  	[tilespmem:s25], [sflag:$0x9] =	stream.linear.gather [hbm4b:s11+s2], $0x3800, $0x38;
	[tilespmem:$0x17A00] =	vst v63  }
0x25: {  	s20 =	stileid.u32;
	_ =	swait.ge [sflag:s26], $0x3800  }
0x26: {  	s11 =	sshll.u32 s20, $0x6;
	[sflag:s26] =	ssyncset.done $0x0;
	s21 =	rddreg [dreg:$0x4]  }
0x27: {  	s13 =	sor.u32 $0x1C09, s11;
	[sflag:s26] =	ssyncadd.s32 $0xFFFFC800;
	s14 =	sshrl.u32 s21, $0x3  }
0x28: {  	[spmem:s14], [sflag:s13] =	dma.local [hbm:s5], $0x800  }
0x29: {  	_ =	swait.ge [sflag:s26], $0x800  }
0x2a: {  	[sflag:s26] =	ssyncset.done $0x0;
	s22 =	rddreg [dreg:$0x5]  }
0x2b: {  	[sflag:s26] =	ssyncadd.s32 $0xFFFFF800;
	s11 =	sshrl.u32 s22, $0x3  }
0x2c: {  	[spmem:s11], [sflag:s13] =	dma.local [hbm:s5], $0x800  }
0x2d: {  	_ =	swait.ge [sflag:s26], $0x800  }
0x2e: {  	[sflag:s26] =	ssyncset.done $0x0;
	s19 =	rddreg [dreg:$0x6]  }
0x2f: {  	[sflag:s26] =	ssyncadd.s32 $0xFFFFF800;
	s19 =	sshrl.u32 s19, $0x3  }
0x30: {  	[spmem:s19], [sflag:s13] =	dma.local [hbm:s5], $0x800  }
0x31: {  	_ =	swait.ge [sflag:s26], $0x800  }
0x32: {  	[sflag:s26] =	ssyncset.done $0x0;
	s20 =	rddreg [dreg:$0x7]  }
0x33: {  	[sflag:s26] =	ssyncadd.s32 $0xFFFFF800;
	s20 =	sshrl.u32 s20, $0x3  }
0x34: {  	[spmem:s20], [sflag:s13] =	dma.local [hbm:s5], $0x800  }
0x35: {  	_ =	swait.ge [sflag:s26], $0x800  }
0x36: {  	[sflag:s26] =	ssyncset.done $0x0;
	s21 =	rddreg [dreg:$0x8]  }
0x37: {  	[sflag:s26] =	ssyncadd.s32 $0xFFFFF800;
	s21 =	sshrl.u32 s21, $0x3  }
0x38: {  	[spmem:s21], [sflag:s13] =	dma.local [hbm:s5], $0x800  }
0x39: {  	_ =	swait.ge [sflag:s26], $0x800  }
0x3a: {  	[sflag:s26] =	ssyncset.done $0x0  }
0x3b: {  	[sflag:s26] =	ssyncadd.s32 $0xFFFFF800  }
0x3c: {  	[bflag:$0x0] =	sbarrier.arrive $0xFFFF  }
0x3d: {  	s22 =	rddreg [dreg:$0x9]  }
0x3e: {  	[tilespmem:s2], [sflag:$0x1] =	stream.linear.gather [hbm4b:s22+s2], $0x70, $0x38;
	[tilespmem:$0x17A00] =	vst v63  }
0x3f: {  	s23 =	rddreg [dreg:$0xa]  }
0x40: {  	[tilespmem:s28], [sflag:$0x2] =	stream.linear.gather [hbm4b:s23+s2], $0x70, $0x38;
	[tilespmem:$0x17A00] =	vst v63  }
0x41: {  	s24 =	rddreg [dreg:$0xb]  }
0x42: {  	[tilespmem:s29], [sflag:$0x3] =	stream.linear.gather [hbm4b:s24+s2], $0x70, $0x38;
	[tilespmem:$0x17A00] =	vst v63  }
0x43: {  	s23 =	rddreg [dreg:$0xc]  }
0x44: {  	[tilespmem:s30], [sflag:$0x4] =	stream.linear.gather [hbm4b:s23+s2], $0x70, $0x38;
	[tilespmem:$0x17A00] =	vst v63  }
0x45: {  	_ =	swait.ge [sflag:s31], $0x70  }
0x46: {  	[sflag:s31] =	ssyncset.done $0x0  }
0x47: {  	[sflag:s31] =	ssyncadd.s32 $0xFFFFFF90  }
0x48: {  	[spmem:s1] =	stream.indirect.scatter.add.f32 [tilespmem:s25], [sflag:$0x5], $0x80, s2, s0, $0xb8;
	[tilespmem:$0x17A00] =	vst v63  }
0x49: {  	_ =	swait.ge [sflag:s3], $0x70  }
0x4a: {  	[sflag:s3] =	ssyncset.done $0x0  }
0x4b: {  	[sflag:s3] =	ssyncadd.s32 $0xFFFFFF90  }
0x4c: {  	[spmem:s1] =	stream.indirect.scatter.add.f32 [tilespmem:s25], [sflag:$0x6], $0x80, s28, s0, $0xb8;
	[tilespmem:$0x17A00] =	vst v63  }
0x4d: {  	_ =	swait.ge [sflag:s4], $0x70  }
0x4e: {  	[sflag:s4] =	ssyncset.done $0x0  }
0x4f: {  	[sflag:s4] =	ssyncadd.s32 $0xFFFFFF90  }
0x50: {  	[spmem:s1] =	stream.indirect.scatter.add.f32 [tilespmem:s25], [sflag:$0x7], $0x80, s29, s0, $0xb8;
	[tilespmem:$0x17A00] =	vst v63  }
0x51: {  	_ =	swait.ge [sflag:s6], $0x70  }
0x52: {  	[sflag:s6] =	ssyncset.done $0x0  }
0x53: {  	[sflag:s6] =	ssyncadd.s32 $0xFFFFFF90  }
0x54: {  	[spmem:s1] =	stream.indirect.scatter.add.f32 [tilespmem:s25], [sflag:$0x8], $0x80, s30, s0, $0xb8;
	[tilespmem:$0x17A00] =	vst v63  }
0x55: {  	_ =	swait.ge [sflag:s7], $0x3800  }
0x56: {  	[sflag:s7] =	ssyncset.done $0x0  }
0x57: {  	s24 =	sadd.s32 $0x0, s18;
	[sflag:s7] =	ssyncadd.s32 $0xFFFFC800  }
0x58: {  	[tilespmem:s2], [sflag:$0x1] =	stream.linear.gather [hbm4b:s24+s2], $0x70, $0x38;
	[tilespmem:$0x17A00] =	vst v63  }
0x59: {  	_ =	swait.ge [sflag:s8], $0x3800  }
0x5a: {  	[sflag:s8] =	ssyncset.done $0x0  }
0x5b: {  	s23 =	sadd.s32 $0x0, s17;
	[sflag:s8] =	ssyncadd.s32 $0xFFFFC800  }
0x5c: {  	[tilespmem:s28], [sflag:$0x2] =	stream.linear.gather [hbm4b:s23+s2], $0x70, $0x38;
	[tilespmem:$0x17A00] =	vst v63  }
0x5d: {  	_ =	swait.ge [sflag:s9], $0x3800  }
0x5e: {  	[sflag:s9] =	ssyncset.done $0x0  }
0x5f: {  	s24 =	sadd.s32 $0x0, s16;
	[sflag:s9] =	ssyncadd.s32 $0xFFFFC800  }
0x60: {  	[tilespmem:s29], [sflag:$0x3] =	stream.linear.gather [hbm4b:s24+s2], $0x70, $0x38;
	[tilespmem:$0x17A00] =	vst v63  }
0x61: {  	_ =	swait.ge [sflag:s10], $0x3800  }
0x62: {  	[sflag:s10] =	ssyncset.done $0x0  }
0x63: {  	s22 =	simm.s32 $0x38;
	s23 =	sadd.s32 $0x0, s15;
	[sflag:s10] =	ssyncadd.s32 $0xFFFFC800  }
.LBB2_2:
0x64: {  	[tilespmem:s30], [sflag:$0x4] =	stream.linear.gather [hbm4b:s23+s2], $0x70, $0x38;
	[tilespmem:$0x17A00] =	vst v63  }
0x65: {  	s23 =	smov.u32 s22  }
0x66: {  	p0 =	sne.s32 s22, $0x4D0;
	s22 =	sadd.s32 $0x38, s22;
	_ =	swait.ge [sflag:s31], $0x70  }
0x67: {  	[sflag:s31] =	ssyncset.done $0x0  }
0x68: {  	[sflag:s31] =	ssyncadd.s32 $0xFFFFFF90  }
0x69: {  	[spmem:s1] =	stream.indirect.scatter.add.f32 [tilespmem:s25], [sflag:$0x5], $0x80, s2, s0, $0xb8;
	[tilespmem:$0x17A00] =	vst v63  }
0x6a: {  	_ =	swait.ge [sflag:s3], $0x70  }
0x6b: {  	[sflag:s3] =	ssyncset.done $0x0  }
0x6c: {  	[sflag:s3] =	ssyncadd.s32 $0xFFFFFF90  }
0x6d: {  	[spmem:s1] =	stream.indirect.scatter.add.f32 [tilespmem:s25], [sflag:$0x6], $0x80, s28, s0, $0xb8;
	[tilespmem:$0x17A00] =	vst v63  }
0x6e: {  	_ =	swait.ge [sflag:s4], $0x70  }
0x6f: {  	[sflag:s4] =	ssyncset.done $0x0  }
0x70: {  	[sflag:s4] =	ssyncadd.s32 $0xFFFFFF90  }
0x71: {  	[spmem:s1] =	stream.indirect.scatter.add.f32 [tilespmem:s25], [sflag:$0x7], $0x80, s29, s0, $0xb8;
	[tilespmem:$0x17A00] =	vst v63  }
0x72: {  	_ =	swait.ge [sflag:s6], $0x70  }
0x73: {  	[sflag:s6] =	ssyncset.done $0x0  }
0x74: {  	[sflag:s6] =	ssyncadd.s32 $0xFFFFFF90  }
0x75: {  	[spmem:s1] =	stream.indirect.scatter.add.f32 [tilespmem:s25], [sflag:$0x8], $0x80, s30, s0, $0xb8;
	[tilespmem:$0x17A00] =	vst v63  }
0x76: {  	_ =	swait.ge [sflag:s7], $0x3800  }
0x77: {  	[sflag:s7] =	ssyncset.done $0x0  }
0x78: {  	s24 =	sadd.s32 s23, s18;
	[sflag:s7] =	ssyncadd.s32 $0xFFFFC800  }
0x79: {  	[tilespmem:s2], [sflag:$0x1] =	stream.linear.gather [hbm4b:s24+s2], $0x70, $0x38;
	[tilespmem:$0x17A00] =	vst v63  }
0x7a: {  	_ =	swait.ge [sflag:s8], $0x3800  }
0x7b: {  	[sflag:s8] =	ssyncset.done $0x0  }
0x7c: {  	s24 =	sadd.s32 s23, s17;
	[sflag:s8] =	ssyncadd.s32 $0xFFFFC800  }
0x7d: {  	[tilespmem:s28], [sflag:$0x2] =	stream.linear.gather [hbm4b:s24+s2], $0x70, $0x38;
	[tilespmem:$0x17A00] =	vst v63  }
0x7e: {  	_ =	swait.ge [sflag:s9], $0x3800  }
0x7f: {  	[sflag:s9] =	ssyncset.done $0x0  }
.Ltmp0:
0x80: {  	s24 =	sadd.s32 s23, s16;
	[sflag:s9] =	ssyncadd.s32 $0xFFFFC800;
	(pc) =	sbr.rel @p0 .LBB2_2-.Ltmp0, $4  }
0x81: {  	[tilespmem:s29], [sflag:$0x3] =	stream.linear.gather [hbm4b:s24+s2], $0x70, $0x38;
	[tilespmem:$0x17A00] =	vst v63  }
0x82: {  	_ =	swait.ge [sflag:s10], $0x3800  }
0x83: {  	[sflag:s10] =	ssyncset.done $0x0  }
0x84: {  	s23 =	sadd.s32 s23, s15;
	[sflag:s10] =	ssyncadd.s32 $0xFFFFC800  }
0x85: {  	[tilespmem:s30], [sflag:$0x4] =	stream.linear.gather [hbm4b:s23+s2], $0x70, $0x38;
	[tilespmem:$0x17A00] =	vst v63  }
0x86: {  	_ =	swait.ge [sflag:s31], $0x70  }
0x87: {  	[sflag:s31] =	ssyncset.done $0x0  }
0x88: {  	[sflag:s31] =	ssyncadd.s32 $0xFFFFFF90  }
0x89: {  	[spmem:s1] =	stream.indirect.scatter.add.f32 [tilespmem:s25], [sflag:$0x5], $0x80, s2, s0, $0xb8;
	[tilespmem:$0x17A00] =	vst v63  }
0x8a: {  	_ =	swait.ge [sflag:s3], $0x70  }
0x8b: {  	[sflag:s3] =	ssyncset.done $0x0  }
0x8c: {  	[sflag:s3] =	ssyncadd.s32 $0xFFFFFF90  }
0x8d: {  	[spmem:s1] =	stream.indirect.scatter.add.f32 [tilespmem:s25], [sflag:$0x6], $0x80, s28, s0, $0xb8;
	[tilespmem:$0x17A00] =	vst v63  }
0x8e: {  	_ =	swait.ge [sflag:s4], $0x70  }
0x8f: {  	[sflag:s4] =	ssyncset.done $0x0  }
0x90: {  	[sflag:s4] =	ssyncadd.s32 $0xFFFFFF90  }
0x91: {  	[spmem:s1] =	stream.indirect.scatter.add.f32 [tilespmem:s25], [sflag:$0x7], $0x80, s29, s0, $0xb8;
	[tilespmem:$0x17A00] =	vst v63  }
0x92: {  	_ =	swait.ge [sflag:s6], $0x70  }
0x93: {  	[sflag:s6] =	ssyncset.done $0x0  }
0x94: {  	[sflag:s6] =	ssyncadd.s32 $0xFFFFFF90  }
0x95: {  	[spmem:s1] =	stream.indirect.scatter.add.f32 [tilespmem:s25], [sflag:$0x8], $0x80, s30, s0, $0xb8;
	[tilespmem:$0x17A00] =	vst v63  }
0x96: {  	_ =	swait.ge [sflag:s7], $0x3800  }
0x97: {  	[sflag:s7] =	ssyncset.done $0x0  }
0x98: {  	[sflag:s7] =	ssyncadd.s32 $0xFFFFC800  }
0x99: {  	_ =	swait.ge [sflag:s8], $0x3800  }
0x9a: {  	[sflag:s8] =	ssyncset.done $0x0  }
0x9b: {  	[sflag:s8] =	ssyncadd.s32 $0xFFFFC800  }
0x9c: {  	_ =	swait.ge [sflag:s9], $0x3800  }
0x9d: {  	[sflag:s9] =	ssyncset.done $0x0  }
0x9e: {  	[sflag:s9] =	ssyncadd.s32 $0xFFFFC800  }
0x9f: {  	_ =	swait.ge [sflag:s10], $0x3800  }
0xa0: {  	[sflag:s10] =	ssyncset.done $0x0  }
0xa1: {  	[sflag:s10] =	ssyncadd.s32 $0xFFFFC800  }
0xa2: {  	[bflag:$0x0] =	sbarrier.arrive $0xFFFF  }
0xa3: {  	s22 =	rddreg [dreg:$0xe]  }
0xa4: {  	[hbm:s22], [sflag:s13] =	dma.local [spmem:s14], $0x800  }
0xa5: {  	_ =	swait.ge [sflag:s26], $0x800  }
0xa6: {  	[sflag:s26] =	ssyncset.done $0x0  }
0xa7: {  	s24 =	rddreg [dreg:$0xf];
	[sflag:s26] =	ssyncadd.s32 $0xFFFFF800  }
0xa8: {  	[hbm:s24], [sflag:s13] =	dma.local [spmem:s11], $0x800  }
0xa9: {  	_ =	swait.ge [sflag:s26], $0x800  }
0xaa: {  	[sflag:s26] =	ssyncset.done $0x0  }
0xab: {  	s14 =	rddreg [dreg:$0x10];
	[sflag:s26] =	ssyncadd.s32 $0xFFFFF800  }
0xac: {  	[hbm:s14], [sflag:s13] =	dma.local [spmem:s19], $0x800  }
0xad: {  	_ =	swait.ge [sflag:s26], $0x800  }
0xae: {  	[sflag:s26] =	ssyncset.done $0x0  }
0xaf: {  	s22 =	rddreg [dreg:$0x11];
	[sflag:s26] =	ssyncadd.s32 $0xFFFFF800  }
0xb0: {  	[hbm:s22], [sflag:s13] =	dma.local [spmem:s20], $0x800  }
0xb1: {  	_ =	swait.ge [sflag:s26], $0x800  }
0xb2: {  	[sflag:s26] =	ssyncset.done $0x0  }
0xb3: {  	s23 =	rddreg [dreg:$0x12];
	[sflag:s26] =	ssyncadd.s32 $0xFFFFF800  }
0xb4: {  	[hbm:s23], [sflag:s13] =	dma.local [spmem:s21], $0x800  }
0xb5: {  	_ =	swait.ge [sflag:s26], $0x800  }
0xb6: {  	s12 =	sadd.s32 $0x1, s12;
	s24 =	rddreg [dreg:$0xd]  }
0xb7: {  	p0 =	sne.s32 s12, s24  }
.Ltmp1:
0xb8: {  	_ = 	snop;
	(pc) =	sbr.rel @p0 .LBB2_1-.Ltmp1, $3  }
0xb9: {  	_ =	sdelay $0x1  }
0xba: {  	[sflag:s26] =	ssyncset.done $0x0  }
0xbb: {  	[sflag:s26] =	ssyncadd.s32 $0xFFFFF800  }
0xbc: {  	_ =	sfence.sel $0x180000  }
0xbd: {  	[bflag:$0x0] =	sbarrier.arrive $0xFFFF  }
0xbe: {  	_ =	strace $0x90000047  }
0xbf: {  	s0 =	stileid.u32;
	[bflag:$0x2] =	sbarrier.arrive $0xFFFF  }
0xc0: {  	p0 =	sne.s32 s0, $0x0;
	s0 =	rddreg [dreg:$0x2]  }
0xc1: {  	s0 =	sadd.s32 @!p0 $0x100000, s0  }
0xc2: {  	[sflag:s0] =	ssyncadd.tile.s32 @!p0 $0x1;
	_ =	shalt  }
.Lfunc_end2:
_tile_overlayer_lowered:
.L_overlay_start_2:
0xc3: {  	(tag) =	ssettag $0x2  }
0xc4: {  	s0 =	rddreg [dreg:$0x0];
	s2 =	stileid.u32  }
0xc5: {  	s1 =	rddreg [dreg:$0x1];
	p0 =	sne.s32 s2, $0x0  }
0xc6: {  	s3 =	rddreg [dreg:$0x2];
	[bflag:$0x3] =	sbarrier.arrive $0xFFFF;
	s2 =	simm.s32 @!p0 $0x1C09  }
0xc7: {  	[timem:s3], [sflag:s2] =	dma.local @!p0 [hbm:s0], s1  }
0xc8: {  	s0 =	simm.s32 @!p0 $0x9  }
0xc9: {  	_ =	swait.ge @!p0 [sflag:s0], s1  }
0xca: {  	s1 =	ssub.s32 @!p0 $0x0, s1;
	[sflag:s0] =	ssyncset.done @!p0 $0x0  }
0xcb: {  	[sflag:s0] =	ssyncadd.s32 @!p0 s1  }
0xcc: {  	[bflag:$0x3] =	sbarrier.arrive $0xFFFF  }
0xcd: {  	_ =	shalt  }

// kernel: kernel.13.cloned.1.call-start
scs
__scs_entry_jumppad:
0x0: {  	(pc) =	sbr.rel $0x88, $3  }
0x1: {  	(tag) =	ssettag $0x0;
	lr =	simm.s32 $0x1  }
0x2: {  	[smem:$0x3F95] =	sst lr;
	_ =	strace $0xD0000000  }
0x3: {  	_ = 	snop  }
0x4: {  	_ = 	snop  }
0x5: {  	_ = 	snop  }
0x6: {  	_ = 	snop  }
0x7: {  	_ = 	snop  }
__scs_overlays_trampoline_lowered:
0x8: {  	[smem:$0x3FA4] =	sst s0  }
0x9: {  	[smem:$0x3FA5] =	sst s1  }
0xa: {  	[smem:$0x3FA6] =	sst s2  }
0xb: {  	[smem:$0x3FA7] =	sst s3  }
0xc: {  	[smem:$0x3FA8] =	sst s4  }
0xd: {  	[smem:$0x3FA9] =	sst s5  }
0xe: {  	[smem:$0x3FAA] =	sst s6  }
0xf: {  	[smem:$0x3FAB] =	sst s7  }
0x10: {  	[smem:$0x3FAC] =	sst s8  }
0x11: {  	[smem:$0x3FAD] =	sst s9;
	s0 =	simm.s32 @!p0 $0x0  }
0x12: {  	s1 =	sld [smem:$0x3F93];
	s0 =	simm.s32 @p0 $0x1  }
0x13: {  	[smem:$0x3FAE] =	sst s0;
	s0 =	simm.s32 @!p1 $0x0  }
0x14: {  	s2 =	sld [smem:$0x3F92];
	s0 =	simm.s32 @p1 $0x1  }
0x15: {  	[smem:$0x3FAF] =	sst s0;
	s0 =	simm.s32 @!p2 $0x0  }
0x16: {  	s3 =	sld [smem:$0x3FDB];
	s0 =	simm.s32 @p2 $0x1  }
0x17: {  	s4 =	simm.s32 $0x1BF5;
	[smem:$0x3FB1] =	sst s0  }
0x18: {  	s0 =	sld [smem:$0x3F94];
	_ =	swait.ge [sflag:s4], $0x0  }
0x19: {  	s7 =	sld [smem:$0x3F95]  }
0x1a: {  	s8 =	sadd.s32 $0xFFFFE003, lr  }
0x1b: {  	s9 =	sadd.s32 $0xFFFFFEF7, lr;
	s5 =	simm.s32 $0xFFFFFFFF;
	p2 =	slt.u32 s8, $0xFFFFF086  }
0x1c: {  	p1 =	slt.u32 s9, $0xF7A;
	s5 =	simm.s32 @!p2 $0x0  }
0x1d: {  	s5 =	simm.s32 @p1 $0x1;
	p0 =	seq.s32 s7, s2  }
0x1e: {  	s7 =	smul.u32 @!p0 $0xF7A, s2;
	p2 =	seq.s32 @!p0 s5, $0x0  }
0x1f: {  	s9 =	smul.u32 $0xF7A, s1;
	s8 =	simm.s32 @!p0 $0x1BF5;
	p2 =	por !p2, p0  }
0x20: {  	[sflag:s8] =	ssyncset.s32 @!p0 $0xFFFFF086;
	s6 =	sadd.s32 @!p0 s3, s7;
	s7 =	simm.s32 @!p0 $0x108  }
0x21: {  	s3 =	sadd.s32 s3, s9;
	s6 =	sadd.s32 @!p0 $0x88, s6;
	s7 =	simm.s32 @p2 $0x1082  }
0x22: {  	[simem:s7], [sflag:s8] =	dma.local @!p0 [hbm:s6], $0xF7A  }
0x23: {  	s9 =	sor.u32 $0xD0000000, s2;
	s6 =	simm.s32 $0x108;
	_ =	swait.ge @!p0 [sflag:s8], $0x0  }
0x24: {  	s3 =	sadd.s32 $0x88, s3;
	s6 =	simm.s32 @!p1 $0x1082;
	[sflag:s4] =	ssyncset.s32 $0xFFFFF086  }
0x25: {  	[simem:s6], [sflag:s4] =	dma.local [hbm:s3], $0xF7A  }
0x26: {  	[smem:$0x3F95] =	sst s1;
	(tag) =	ssettag s2;
	_ =	strace s9  }
0x27: {  	s1 =	sld [smem:$0x3FA5]  }
0x28: {  	s2 =	sld [smem:$0x3FA6]  }
0x29: {  	s4 =	sld [smem:$0x3FA8]  }
0x2a: {  	p0 =	seq.s32 s5, $0x0;
	s5 =	sld [smem:$0x3FA9]  }
0x2b: {  	s6 =	sld [smem:$0x3FAA]  }
0x2c: {  	s7 =	sld [smem:$0x3FAB]  }
0x2d: {  	s3 =	simm.s32 $0x108;
	s8 =	sld [smem:$0x3FAC]  }
0x2e: {  	s3 =	simm.s32 @!p0 $0x1082;
	s9 =	sld [smem:$0x3FAD]  }
0x2f: {  	lr =	sadd.s32 s0, s3;
	s0 =	sld [smem:$0x3FA4]  }
0x30: {  	s3 =	sld [smem:$0x3FA7]  }
0x31: {  	[smem:$0x3FB0] =	sst s10  }
0x32: {  	s10 =	sld [smem:$0x3FAE];
	_ =	sdelay $0x3  }
0x33: {  	p0 =	seq.s32 s10, $0x1;
	s10 =	sld [smem:$0x3FB0];
	_ =	sdelay $0x3  }
0x34: {  	[smem:$0x3FB0] =	sst s10  }
0x35: {  	s10 =	sld [smem:$0x3FAF];
	_ =	sdelay $0x3  }
0x36: {  	p1 =	seq.s32 s10, $0x1;
	s10 =	sld [smem:$0x3FB0];
	_ =	sdelay $0x3  }
0x37: {  	[smem:$0x3FB0] =	sst s10  }
0x38: {  	s10 =	sld [smem:$0x3FB1]  }
0x39: {  	_ = 	snop;
	(pc) =	sbr.ind lr, $3  }
0x3a: {  	_ = 	snop  }
0x3b: {  	_ = 	snop  }
0x3c: {  	p2 =	seq.s32 s10, $0x1;
	s10 =	sld [smem:$0x3FB0]  }
0x3d: {  	_ =	shalt  }
0x3e: {  	_ =	shalt  }
0x3f: {  	_ =	shalt  }
0x40: {  	_ =	shalt  }
0x41: {  	_ =	shalt  }
0x42: {  	_ =	shalt  }
0x43: {  	_ =	shalt  }
0x44: {  	_ =	shalt  }
0x45: {  	_ =	shalt  }
0x46: {  	_ =	shalt  }
0x47: {  	_ =	shalt  }
0x48: {  	_ =	shalt  }
0x49: {  	_ =	shalt  }
0x4a: {  	_ =	shalt  }
0x4b: {  	_ =	shalt  }
0x4c: {  	_ =	shalt  }
0x4d: {  	_ =	shalt  }
0x4e: {  	_ =	shalt  }
0x4f: {  	_ =	shalt  }
0x50: {  	_ =	shalt  }
0x51: {  	_ =	shalt  }
0x52: {  	_ =	shalt  }
0x53: {  	_ =	shalt  }
0x54: {  	_ =	shalt  }
0x55: {  	_ =	shalt  }
0x56: {  	_ =	shalt  }
0x57: {  	_ =	shalt  }
0x58: {  	_ =	shalt  }
0x59: {  	_ =	shalt  }
0x5a: {  	_ =	shalt  }
0x5b: {  	_ =	shalt  }
0x5c: {  	_ =	shalt  }
0x5d: {  	_ =	shalt  }
0x5e: {  	_ =	shalt  }
0x5f: {  	_ =	shalt  }
0x60: {  	_ =	shalt  }
0x61: {  	_ =	shalt  }
0x62: {  	_ =	shalt  }
0x63: {  	_ =	shalt  }
0x64: {  	_ =	shalt  }
0x65: {  	_ =	shalt  }
0x66: {  	_ =	shalt  }
0x67: {  	_ =	shalt  }
0x68: {  	_ =	shalt  }
0x69: {  	_ =	shalt  }
0x6a: {  	_ =	shalt  }
0x6b: {  	_ =	shalt  }
0x6c: {  	_ =	shalt  }
0x6d: {  	_ =	shalt  }
0x6e: {  	_ =	shalt  }
0x6f: {  	_ =	shalt  }
0x70: {  	_ =	shalt  }
0x71: {  	_ =	shalt  }
0x72: {  	_ =	shalt  }
0x73: {  	_ =	shalt  }
0x74: {  	_ =	shalt  }
0x75: {  	_ =	shalt  }
0x76: {  	_ =	shalt  }
0x77: {  	_ =	shalt  }
0x78: {  	_ =	shalt  }
0x79: {  	_ =	shalt  }
0x7a: {  	_ =	shalt  }
0x7b: {  	_ =	shalt  }
0x7c: {  	_ =	shalt  }
0x7d: {  	_ =	shalt  }
0x7e: {  	_ =	shalt  }
0x7f: {  	_ =	shalt  }
0x80: {  	_ =	shalt  }
0x81: {  	_ =	shalt  }
0x82: {  	_ =	shalt  }
0x83: {  	_ =	shalt  }
0x84: {  	_ =	shalt  }
0x85: {  	_ =	shalt  }
0x86: {  	_ =	shalt  }
0x87: {  	_ =	shalt  }
.Lfunc_end0:
.L_simem_size_0:
called_computation.1_lowered:
.L_overlay_start_0:
0x88: {  	s2 =	sld [smem:$0x3FD9]  }
0x89: {  	s3 =	sld [smem:$0x3FFE];
	_ =	sdelay $0x1  }
0x8a: {  	s1 =	srdreg.scid  }
0x8b: {  	s0 =	sand.u32 $0x1, s1  }
0x8c: {  	s17 =	sshll.u32 s0, $0xA;
	s2 =	sadd.s32 s3, s2  }
0x8d: {  	s2 =	sadd.s32 s2, s17  }
0x8e: {  	[smem:$0x3FBC] =	sst s2  }
0x8f: {  	_ = 	snop  }
0x90: {  	s2 =	sld [smem:$0x3FD0];
	(tm) =	ssettm $0x1  }
0x91: {  	s18 =	sld [smem:$0x3FFB];
	_ =	sdelay $0x3  }
0x92: {  	_ =	strace s18  }
0x93: {  	s3 =	sld [smem:$0x3FFC];
	_ =	sdelay $0x3  }
0x94: {  	_ =	strace s3  }
0x95: {  	s3 =	sld [smem:$0x3FFD];
	_ =	sdelay $0x3  }
0x96: {  	_ =	strace s3  }
0x97: {  	_ =	strace $0x8FFFFFFF  }
0x98: {  	s19 =	sld [smem:$0x3FDB];
	_ =	sdelay $0x1  }
0x99: {  	s4 =	simm.s32 $_scs_section_size  }
0x9a: {  	s5 =	simm.s32 $_size__tile_overlayer_lowered;
	s6 =	simm.s32 $_tile_overlayer_lowered  }
0x9b: {  	s22 =	simm.s32 $0x1BFF;
	s21 =	sshll.u32 s6, $0x1;
	s3 =	sadd.s32 s4, s19  }
0x9c: {  	s7 =	simm.s32 $0x0;
	s20 =	sshll.u32 s5, $0x1;
	s5 =	sadd.s32 s21, s3  }
0x9d: {  	[timem:s7], [sflag:s22] =	dma.local [hbm:s5], s20  }
0x9e: {  	_ =	swait.ge [sflag:s22], s20  }
0x9f: {  	s4 =	ssub.s32 $0x0, s20;
	[sflag:s22] =	ssyncset.done $0x0  }
0xa0: {  	[sflag:s22] =	ssyncadd.s32 s4;
	_ =	sdelay $0x1  }
0xa1: {  	s23 =	simm.s32 $0x1B8B  }
0xa2: {  	_ =	swait.ge [sflag:s23], $0x1  }
0xa3: {  	[sflag:s23] =	ssyncset.done $0x0  }
0xa4: {  	s25 =	simm.s32 $0x1B8E;
	s24 =	sld [smem:$0x3FFE];
	[sflag:s23] =	ssyncadd.s32 $0xFFFFFFFF  }
0xa5: {  	s26 =	simm.s32 $execute0_lowered;
	[smem:$0x3FD2] =	sst s25  }
0xa6: {  	s5 =	sshll.u32 s26, $0x1;
	_ =	strace $0x80000049;
	[dreg:$0x1] =	wrdreg $0xFFFFFFFF  }
0xa7: {  	s28 =	simm.s32 $_size_execute0_lowered;
	s3 =	sadd.s32 s3, s5;
	[dreg:$0x0] =	wrdreg $0x0  }
0xa8: {  	s5 =	sshll.u32 s28, $0x1;
	[dreg:$0x2] =	wrdreg s3  }
0xa9: {  	[dreg:$0x3] =	wrdreg s5  }
0xaa: {  	[dreg:$0x4] =	wrdreg $0xC0  }
0xab: {  	_ =	task [dreg:s7], $0x5FFFF  }
0xac: {  	[dreg:$0x1] =	wrdreg $0xFFFFFFFF  }
0xad: {  	[dreg:$0x0] =	wrdreg $0x60  }
0xae: {  	[dreg:$0x2] =	wrdreg s24  }
0xaf: {  	[dreg:$0x3] =	wrdreg s2  }
0xb0: {  	[dreg:$0x4] =	wrdreg $0xAE000  }
0xb1: {  	[dreg:$0x5] =	wrdreg $0x9  }
0xb2: {  	_ =	task.clear_ibuf [dreg:s7], $0x6FFFF;
	_ =	strace $0x90000049  }
0xb3: {  	s29 =	simm.s32 $0x9;
	_ =	strace $0x8000004B  }
0xb4: {  	_ =	swait.ge [sflag:s29], $0x1  }
0xb5: {  	[sflag:s29] =	ssyncadd.s32 $0xFFFFFFFF  }
0xb6: {  	_ =	strace $0x9000004B  }
0xb7: {  	_ =	sfence  }
0xb8: {  	s30 =	sld [smem:$0x0];
	_ =	sdelay $0x2  }
0xb9: {  	s31 =	sshll.u32 s1, $0xD;
	s1 =	sshrl.u32 s1, $0x2  }
0xba: {  	s3 =	sand.u32 $0x4000, s31;
	s1 =	sadd.s32 s1, s30  }
0xbb: {  	s0 =	sor.u32 s3, s0;
	s1 =	sshll.u32 s1, $0x11  }
0xbc: {  	s0 =	sor.u32 s1, s0  }
0xbd: {  	s0 =	sadd.s32 $0x8F2B, s0  }
0xbe: {  	[sflag:s0] =	ssyncadd.remote.s32 $0x1  }
0xbf: {  	_ =	sfence.sel $0xFFFF  }
0xc0: {  	[dreg:$0x0] =	wrdreg $0xFFFFFFFF;
	(pc) =	sbr.abs _section_cstart, $3  }
0xc1: {  	[dreg:$0x1] =	wrdreg $0xFFFFFFFF  }
0xc2: {  	_ =	task.clear_ibuf [dreg:s7], $0x2FFFF;
	_ =	strace $0x9FFFFFFF  }
0xc3: {  	(tm) =	ssettm $0x7FFFFFFF  }
tec
execute0_lowered:
.L_overlay_start_1:
0x0: {  	(tag) =	ssettag $0x1  }
0x1: {  	s0 =	rddreg [dreg:$0x0]  }
0x2: {  	s19 =	rddreg [dreg:$0x1]  }
0x3: {  	s2 =	rddreg [dreg:$0x2];
	s3 =	simm.s32 $0x0;
	s1 =	srdreg.scid  }
0x4: {  	s15 =	stileid.u32;
	[smem:$0x7FF] =	sst s3;
	s4 =	sadd.s32 $0xF200, s0  }
0x5: {  	s13 =	sadd.s32 $0x3A00, s0;
	s5 =	sadd.s32 $0xEA00, s0;
	s9 =	smul.u32 $0x50000, s15  }
0x6: {  	s1 =	sand.u32 $0x1, s1;
	s30 =	smul.u32 $0x280, s15;
	s16 =	sshll.u32 s15, $0x6  }
0x7: {  	s12 =	smul.u32 $0x2A00, s15;
	_ =	strace $0x8000004A;
	[dreg:$0xf] =	wrdreg s5  }
0x8: {  	s26 =	smul.u32 $0x28000, s1;
	s6 =	ssub.s32 $0x2, s1;
	s8 =	sshll.u32 s1, $0x4  }
0x9: {  	s16 =	sor.u32 $0x1C13, s16;
	s1 =	smul.u32 $0x2A000, s1;
	[dreg:$0xe] =	wrdreg s13  }
0xa: {  	s7 =	sshrl.u32 s6, $0x1;
	s28 =	sor.u32 s15, s8;
	s14 =	sshrl.u32 s9, $0x2  }
0xb: {  	s9 =	sadd.s32 $0x100, s30;
	[dreg:$0x11] =	wrdreg s16;
	s5 =	sadd.s32 s26, s0  }
0xc: {  	s0 =	ssub.s32 s6, s7;
	s6 =	smul.u32 $0x2A00, s28;
	s8 =	sadd.s32 s14, s2  }
0xd: {  	s11 =	sshll.u32 s9, $0x7;
	s7 =	sadd.s32 $0x200, s30;
	s1 =	sadd.s32 s12, s1  }
0xe: {  	s9 =	sshll.u32 s9, $0x4;
	[dreg:$0x10] =	wrdreg s8;
	s8 =	sadd.s32 $0x80, s30  }
0xf: {  	s17 =	sadd.s32 s11, s2;
	s20 =	sshll.u32 s7, $0x7;
	s12 =	sadd.s32 $0x4D0, s1  }
0x10: {  	s14 =	sadd.s32 $0x460, s1;
	s24 =	sadd.s32 $0x3F0, s1;
	s5 =	sadd.s32 $0x37200, s5  }
0x11: {  	s0 =	smax.u32 s0, $0x1;
	s10 =	sshll.u32 s8, $0x7;
	[dreg:$0x13] =	wrdreg s17  }
0x12: {  	s22 =	sshrl.u32 s14, $0x3;
	s14 =	sadd.s32 s9, s5;
	[smem:$0x7FC] =	sst s0  }
0x13: {  	s21 =	sshrl.u32 s12, $0x3;
	s10 =	sadd.s32 s10, s2;
	[dreg:$0x1a] =	wrdreg s14  }
0x14: {  	s6 =	sshrl.u32 s6, $0x3;
	s17 =	sadd.s32 s21, s13;
	[dreg:$0x12] =	wrdreg s10  }
0x15: {  	s26 =	sshrl.u32 s24, $0x3;
	s23 =	sadd.s32 s22, s13;
	[dreg:$0x4] =	wrdreg s17  }
0x16: {  	s8 =	sshll.u32 s8, $0x4;
	s25 =	sadd.s32 s22, s19;
	[dreg:$0x6] =	wrdreg s23  }
0x17: {  	s12 =	sor.u32 $0xE, s6;
	s28 =	sadd.s32 s26, s13;
	[dreg:$0x7] =	wrdreg s25  }
0x18: {  	s8 =	sadd.s32 s8, s5;
	s10 =	sadd.s32 $0x180, s30;
	[dreg:$0x8] =	wrdreg s28  }
0x19: {  	s30 =	sadd.s32 $0x380, s1;
	s17 =	sadd.s32 s26, s19;
	[dreg:$0x19] =	wrdreg s8  }
0x1a: {  	s24 =	sadd.s32 s19, s12;
	s12 =	sadd.s32 s13, s12;
	[dreg:$0x9] =	wrdreg s17  }
0x1b: {  	s28 =	sor.u32 $0x1C, s6;
	s18 =	sshll.u32 s10, $0x7;
	[dreg:$0x16] =	wrdreg s24  }
0x1c: {  	[dreg:$0x17] =	wrdreg s12;
	s10 =	sshll.u32 s10, $0x4;
	s17 =	sadd.s32 s19, s28  }
0x1d: {  	s11 =	sadd.s32 s18, s2;
	s18 =	sshrl.u32 s30, $0x3;
	[dreg:$0x1d] =	wrdreg s17  }
0x1e: {  	s30 =	smul.u32 $0x2800, s15;
	s15 =	sadd.s32 s10, s5;
	[dreg:$0x14] =	wrdreg s11  }
0x1f: {  	s11 =	sadd.s32 s20, s2;
	[dreg:$0x1b] =	wrdreg s15  }
0x20: {  	s20 =	sadd.s32 s18, s13;
	[dreg:$0x15] =	wrdreg s11  }
0x21: {  	s22 =	sadd.s32 s18, s19;
	[dreg:$0xa] =	wrdreg s20  }
0x22: {  	s7 =	sshll.u32 s7, $0x4;
	s11 =	sadd.s32 s21, s19;
	[dreg:$0xb] =	wrdreg s22  }
0x23: {  	s18 =	sor.u32 $0x2A, s6;
	s20 =	sadd.s32 s13, s28;
	[dreg:$0x5] =	wrdreg s11  }
0x24: {  	s21 =	sadd.s32 $0x310, s1;
	s11 =	sadd.s32 s30, s5;
	[dreg:$0x1e] =	wrdreg s20  }
0x25: {  	s22 =	sor.u32 $0x38, s6;
	s5 =	sadd.s32 s7, s5;
	[dreg:$0x18] =	wrdreg s11  }
0x26: {  	s23 =	sshrl.u32 s21, $0x3;
	s21 =	sadd.s32 s19, s18;
	[dreg:$0x1c] =	wrdreg s5  }
0x27: {  	s24 =	sadd.s32 s13, s22;
	[dreg:$0x1f] =	wrdreg s21  }
0x28: {  	s30 =	sadd.s32 $0x2A0, s1;
	[smem:$0x7F7] =	sst s24  }
0x29: {  	s29 =	simm.s32 $0xD;
	s25 =	sadd.s32 s23, s13;
	[smem:$0x7FD] =	sst s30  }
0x2a: {  	s31 =	simm.s32 $0x10;
	s26 =	sadd.s32 s23, s19;
	[dreg:$0xc] =	wrdreg s25  }
0x2b: {  	s9 =	simm.s32 $0x11;
	s5 =	sadd.s32 s13, s18;
	[dreg:$0xd] =	wrdreg s26  }
0x2c: {  	s0 =	simm.s32 $0x0;
	s23 =	sadd.s32 s19, s22;
	[smem:$0x7F5] =	sst s5  }
0x2d: {  	s10 =	simm.s32 $0x12;
	[smem:$0x7F6] =	sst s23;
	s25 =	sadd.s32 s19, s6  }
0x2e: {  	s28 =	sadd.s32 $0x46, s6;
	s26 =	sadd.s32 s13, s6;
	[smem:$0x7F8] =	sst s25  }
0x2f: {  	s1 =	simm.s32 $0xF;
	s6 =	sadd.s32 s19, s28;
	[smem:$0x7F9] =	sst s26  }
0x30: {  	s18 =	simm.s32 $0x13;
	s5 =	sadd.s32 s13, s28;
	[smem:$0x7FA] =	sst s6  }
0x31: {  	s21 =	simm.s32 $0x1;
	s22 =	simm.s32 $0x70;
	[smem:$0x7FB] =	sst s5  }
0x32: {  	s26 =	simm.s32 $0x80;
	s25 =	simm.s32 $0x2;
	s5 =	simm.s32 $0xE  }
.LBB2_1:
0x33: {  	[smem:$0x7EF] =	sst s0  }
0x34: {  	s15 =	rddreg [dreg:$0x10]  }
0x35: {  	s11 =	rddreg [dreg:$0xf];
	s8 =	sshrl.u32 s15, $0x3  }
0x36: {  	[smem:$0x7F0] =	sst s8  }
0x37: {  	[spmem:s8], [sflag:s16] =	dma.local [hbm:s11], $0x800  }
0x38: {  	_ =	swait.ge [sflag:s18], $0x800  }
0x39: {  	s17 =	rddreg [dreg:$0x12]  }
0x3a: {  	[sflag:s18] =	ssyncset.done $0x0;
	s12 =	sshrl.u32 s17, $0x3  }
0x3b: {  	[sflag:s18] =	ssyncadd.s32 $0xFFFFF800;
	[smem:$0x7F1] =	sst s12  }
0x3c: {  	[spmem:s12], [sflag:s16] =	dma.local [hbm:s11], $0x800  }
0x3d: {  	_ =	swait.ge [sflag:s18], $0x800  }
0x3e: {  	s14 =	rddreg [dreg:$0x13]  }
0x3f: {  	[sflag:s18] =	ssyncset.done $0x0;
	s20 =	sshrl.u32 s14, $0x3  }
0x40: {  	[sflag:s18] =	ssyncadd.s32 $0xFFFFF800;
	[smem:$0x7F2] =	sst s20  }
0x41: {  	[spmem:s20], [sflag:s16] =	dma.local [hbm:s11], $0x800  }
0x42: {  	_ =	swait.ge [sflag:s18], $0x800  }
0x43: {  	s23 =	rddreg [dreg:$0x14]  }
0x44: {  	[sflag:s18] =	ssyncset.done $0x0;
	s24 =	sshrl.u32 s23, $0x3  }
0x45: {  	[sflag:s18] =	ssyncadd.s32 $0xFFFFF800;
	[smem:$0x7F3] =	sst s24  }
0x46: {  	[spmem:s24], [sflag:s16] =	dma.local [hbm:s11], $0x800  }
0x47: {  	_ =	swait.ge [sflag:s18], $0x800  }
0x48: {  	s28 =	rddreg [dreg:$0x15]  }
0x49: {  	[sflag:s18] =	ssyncset.done $0x0;
	s30 =	sshrl.u32 s28, $0x3  }
0x4a: {  	[sflag:s18] =	ssyncadd.s32 $0xFFFFF800;
	[smem:$0x7F4] =	sst s30  }
0x4b: {  	[spmem:s30], [sflag:s16] =	dma.local [hbm:s11], $0x800  }
0x4c: {  	_ =	swait.ge [sflag:s18], $0x800  }
0x4d: {  	[sflag:s18] =	ssyncset.done $0x0  }
0x4e: {  	[sflag:s18] =	ssyncadd.s32 $0xFFFFF800  }
0x4f: {  	[bflag:$0x0] =	sbarrier.arrive $0xFFFF  }
0x50: {  	s0 =	sld [smem:$0x7F8];
	_ =	sdelay $0x1  }
0x51: {  	s6 =	sld [smem:$0x7F9]  }
0x52: {  	[tilespmem:s3], [sflag:$0x1] =	stream.linear.gather [hbm4b:s0+s3], $0x70, $0x38;
	[tilespmem:$0x1EE00] =	vst v63  }
0x53: {  	s18 =	simm.s32 $0x300;
	s7 =	rddreg [dreg:$0x16]  }
0x54: {  	[tilespmem:s18], [sflag:$0x7] =	stream.linear.gather [hbm4b:s6+s3], $0x70, $0x38;
	[tilespmem:$0x1EE00] =	vst v63  }
0x55: {  	s8 =	rddreg [dreg:$0x17]  }
0x56: {  	[tilespmem:s26], [sflag:$0x2] =	stream.linear.gather [hbm4b:s7+s3], $0x70, $0x38;
	[tilespmem:$0x1EE00] =	vst v63  }
0x57: {  	s20 =	simm.s32 $0x380;
	s11 =	rddreg [dreg:$0x1d]  }
0x58: {  	[tilespmem:s20], [sflag:$0x8] =	stream.linear.gather [hbm4b:s8+s3], $0x70, $0x38;
	[tilespmem:$0x1EE00] =	vst v63  }
0x59: {  	s12 =	rddreg [dreg:$0x1e];
	s0 =	simm.s32 $0x100  }
0x5a: {  	[tilespmem:s0], [sflag:$0x3] =	stream.linear.gather [hbm4b:s11+s3], $0x70, $0x38;
	[tilespmem:$0x1EE00] =	vst v63  }
0x5b: {  	s14 =	rddreg [dreg:$0x1f];
	s7 =	simm.s32 $0x400  }
0x5c: {  	[tilespmem:s7], [sflag:$0x9] =	stream.linear.gather [hbm4b:s12+s3], $0x70, $0x38;
	[tilespmem:$0x1EE00] =	vst v63  }
0x5d: {  	s16 =	sld [smem:$0x7F5];
	s6 =	simm.s32 $0x180  }
0x5e: {  	[tilespmem:s6], [sflag:$0x4] =	stream.linear.gather [hbm4b:s14+s3], $0x70, $0x38;
	[tilespmem:$0x1EE00] =	vst v63  }
0x5f: {  	s17 =	sld [smem:$0x7F6];
	s8 =	simm.s32 $0x480  }
0x60: {  	[tilespmem:s8], [sflag:$0xA] =	stream.linear.gather [hbm4b:s16+s3], $0x70, $0x38;
	[tilespmem:$0x1EE00] =	vst v63  }
0x61: {  	s23 =	sld [smem:$0x7F7];
	s11 =	simm.s32 $0x200  }
0x62: {  	[tilespmem:s11], [sflag:$0x5] =	stream.linear.gather [hbm4b:s17+s3], $0x70, $0x38;
	[tilespmem:$0x1EE00] =	vst v63  }
0x63: {  	s24 =	sld [smem:$0x7FA];
	s12 =	simm.s32 $0x500  }
0x64: {  	[tilespmem:s12], [sflag:$0xB] =	stream.linear.gather [hbm4b:s23+s3], $0x70, $0x38;
	[tilespmem:$0x1EE00] =	vst v63  }
0x65: {  	s28 =	sld [smem:$0x7FB];
	s14 =	simm.s32 $0x280  }
0x66: {  	[tilespmem:s14], [sflag:$0x6] =	stream.linear.gather [hbm4b:s24+s3], $0x70, $0x38;
	[tilespmem:$0x1EE00] =	vst v63  }
0x67: {  	s30 =	simm.s32 $0x580  }
0x68: {  	[tilespmem:s30], [sflag:$0xC] =	stream.linear.gather [hbm4b:s28+s3], $0x70, $0x38;
	[tilespmem:$0x1EE00] =	vst v63  }
0x69: {  	_ =	swait.ge [sflag:s21], $0x70  }
0x6a: {  	[sflag:s21] =	ssyncset.done $0x0  }
0x6b: {  	s24 =	simm.s32 $0x600;
	[sflag:s21] =	ssyncadd.s32 $0xFFFFFF90  }
0x6c: {  	[tilespmem:s24], [sflag:$0xD] =	stream.indirect.gather [hbm4b:s4+s22], $0x80, s3, s22, $0xb8;
	[tilespmem:$0x1EE00] =	vst v63  }
0x6d: {  	_ =	swait.ge [sflag:s25], $0x70  }
0x6e: {  	[sflag:s25] =	ssyncset.done $0x0  }
0x6f: {  	s23 =	simm.s32 $0x3;
	s30 =	simm.s32 $0x3E00;
	[sflag:s25] =	ssyncadd.s32 $0xFFFFFF90  }
0x70: {  	[tilespmem:s30], [sflag:$0xE] =	stream.indirect.gather [hbm4b:s4+s22], $0x80, s26, s22, $0xb8;
	[tilespmem:$0x1EE00] =	vst v63  }
0x71: {  	_ =	swait.ge [sflag:s23], $0x70  }
0x72: {  	[sflag:s23] =	ssyncset.done $0x0  }
0x73: {  	s28 =	simm.s32 $0x7600;
	[sflag:s23] =	ssyncadd.s32 $0xFFFFFF90  }
0x74: {  	[tilespmem:s28], [sflag:$0xF] =	stream.indirect.gather [hbm4b:s4+s22], $0x80, s0, s22, $0xb8;
	[tilespmem:$0x1EE00] =	vst v63  }
0x75: {  	_ =	swait.ge [sflag:s29], $0x3800  }
0x76: {  	[sflag:s29] =	ssyncset.done $0x0  }
0x77: {  	s17 =	simm.s32 $0x7;
	[sflag:s29] =	ssyncadd.s32 $0xFFFFC800  }
0x78: {  	_ =	swait.ge [sflag:s17], $0x70  }
0x79: {  	[sflag:s17] =	ssyncset.done $0x0  }
0x7a: {  	[sflag:s17] =	ssyncadd.s32 $0xFFFFFF90  }
0x7b: {  	[spmem:s2] =	stream.indirect.scatter.add.f32 [tilespmem:s24], [sflag:$0x10], $0x80, s18, s22, $0xb8;
	[tilespmem:$0x1EE00] =	vst v63  }
0x7c: {  	_ =	swait.ge [sflag:s31], $0x3800  }
0x7d: {  	s17 =	sld [smem:$0x7FD];
	_ =	sdelay $0x2  }
0x7e: {  	[sflag:s31] =	ssyncset.done $0x0;
	s15 =	sshrl.u32 s17, $0x3  }
0x7f: {  	[sflag:s31] =	ssyncadd.s32 $0xFFFFC800;
	s16 =	sadd.s32 s19, s15  }
0x80: {  	[tilespmem:s3], [sflag:$0x1] =	stream.linear.gather [hbm4b:s16+s3], $0x70, $0x38;
	[tilespmem:$0x1EE00] =	vst v63  }
0x81: {  	s15 =	sadd.s32 s13, s15  }
0x82: {  	[tilespmem:s18], [sflag:$0x7] =	stream.linear.gather [hbm4b:s15+s3], $0x70, $0x38;
	[tilespmem:$0x1EE00] =	vst v63  }
0x83: {  	s18 =	simm.s32 $0x4  }
0x84: {  	_ =	swait.ge [sflag:s18], $0x70  }
0x85: {  	[sflag:s18] =	ssyncset.done $0x0  }
0x86: {  	[sflag:s18] =	ssyncadd.s32 $0xFFFFFF90  }
0x87: {  	[tilespmem:s24], [sflag:$0xD] =	stream.indirect.gather [hbm4b:s4+s22], $0x80, s6, s22, $0xb8;
	[tilespmem:$0x1EE00] =	vst v63  }
0x88: {  	_ =	swait.ge [sflag:s5], $0x3800  }
0x89: {  	[sflag:s5] =	ssyncset.done $0x0  }
0x8a: {  	s13 =	simm.s32 $0x8;
	[sflag:s5] =	ssyncadd.s32 $0xFFFFC800  }
0x8b: {  	_ =	swait.ge [sflag:s13], $0x70  }
0x8c: {  	[sflag:s13] =	ssyncset.done $0x0  }
0x8d: {  	[sflag:s13] =	ssyncadd.s32 $0xFFFFFF90  }
0x8e: {  	[spmem:s2] =	stream.indirect.scatter.add.f32 [tilespmem:s30], [sflag:$0x11], $0x80, s20, s22, $0xb8;
	[tilespmem:$0x1EE00] =	vst v63  }
0x8f: {  	_ =	swait.ge [sflag:s9], $0x3800  }
0x90: {  	s16 =	rddreg [dreg:$0xd];
	[sflag:s9] =	ssyncset.done $0x0  }
0x91: {  	s18 =	rddreg [dreg:$0xc];
	[sflag:s9] =	ssyncadd.s32 $0xFFFFC800;
	s15 =	sadd.s32 $0x0, s16  }
0x92: {  	[tilespmem:s26], [sflag:$0x2] =	stream.linear.gather [hbm4b:s15+s3], $0x70, $0x38;
	[tilespmem:$0x1EE00] =	vst v63  }
0x93: {  	s13 =	sadd.s32 $0x0, s18;
	s16 =	simm.s32 $0x5  }
0x94: {  	[tilespmem:s20], [sflag:$0x8] =	stream.linear.gather [hbm4b:s13+s3], $0x70, $0x38;
	[tilespmem:$0x1EE00] =	vst v63  }
0x95: {  	_ =	swait.ge [sflag:s16], $0x70  }
0x96: {  	[sflag:s16] =	ssyncset.done $0x0  }
0x97: {  	[sflag:s16] =	ssyncadd.s32 $0xFFFFFF90  }
0x98: {  	[tilespmem:s30], [sflag:$0xE] =	stream.indirect.gather [hbm4b:s4+s22], $0x80, s11, s22, $0xb8;
	[tilespmem:$0x1EE00] =	vst v63  }
0x99: {  	_ =	swait.ge [sflag:s1], $0x3800  }
0x9a: {  	[sflag:s1] =	ssyncset.done $0x0  }
0x9b: {  	s18 =	simm.s32 $0x9;
	[sflag:s1] =	ssyncadd.s32 $0xFFFFC800  }
0x9c: {  	_ =	swait.ge [sflag:s18], $0x70  }
0x9d: {  	[sflag:s18] =	ssyncset.done $0x0  }
0x9e: {  	[sflag:s18] =	ssyncadd.s32 $0xFFFFFF90  }
0x9f: {  	[spmem:s2] =	stream.indirect.scatter.add.f32 [tilespmem:s28], [sflag:$0x12], $0x80, s7, s22, $0xb8;
	[tilespmem:$0x1EE00] =	vst v63  }
0xa0: {  	_ =	swait.ge [sflag:s10], $0x3800  }
0xa1: {  	s20 =	rddreg [dreg:$0xb];
	[sflag:s10] =	ssyncset.done $0x0  }
0xa2: {  	s13 =	rddreg [dreg:$0xa];
	[sflag:s10] =	ssyncadd.s32 $0xFFFFC800;
	s15 =	sadd.s32 $0x0, s20  }
0xa3: {  	[tilespmem:s0], [sflag:$0x3] =	stream.linear.gather [hbm4b:s15+s3], $0x70, $0x38;
	[tilespmem:$0x1EE00] =	vst v63  }
0xa4: {  	s18 =	simm.s32 $0x6;
	s16 =	sadd.s32 $0x0, s13  }
0xa5: {  	[tilespmem:s7], [sflag:$0x9] =	stream.linear.gather [hbm4b:s16+s3], $0x70, $0x38;
	[tilespmem:$0x1EE00] =	vst v63  }
0xa6: {  	_ =	swait.ge [sflag:s18], $0x70  }
0xa7: {  	[sflag:s18] =	ssyncset.done $0x0  }
0xa8: {  	[sflag:s18] =	ssyncadd.s32 $0xFFFFFF90  }
0xa9: {  	[tilespmem:s28], [sflag:$0xF] =	stream.indirect.gather [hbm4b:s4+s22], $0x80, s14, s22, $0xb8;
	[tilespmem:$0x1EE00] =	vst v63  }
0xaa: {  	_ =	swait.ge [sflag:s29], $0x3800  }
0xab: {  	[sflag:s29] =	ssyncset.done $0x0  }
0xac: {  	s20 =	simm.s32 $0xA;
	[sflag:s29] =	ssyncadd.s32 $0xFFFFC800  }
0xad: {  	_ =	swait.ge [sflag:s20], $0x70  }
0xae: {  	[sflag:s20] =	ssyncset.done $0x0  }
0xaf: {  	[sflag:s20] =	ssyncadd.s32 $0xFFFFFF90  }
0xb0: {  	[spmem:s2] =	stream.indirect.scatter.add.f32 [tilespmem:s24], [sflag:$0x10], $0x80, s8, s22, $0xb8;
	[tilespmem:$0x1EE00] =	vst v63  }
0xb1: {  	_ =	swait.ge [sflag:s31], $0x3800  }
0xb2: {  	s0 =	rddreg [dreg:$0x9];
	[sflag:s31] =	ssyncset.done $0x0  }
0xb3: {  	s7 =	rddreg [dreg:$0x8];
	[sflag:s31] =	ssyncadd.s32 $0xFFFFC800;
	s15 =	sadd.s32 $0x0, s0  }
0xb4: {  	[tilespmem:s6], [sflag:$0x4] =	stream.linear.gather [hbm4b:s15+s3], $0x70, $0x38;
	[tilespmem:$0x1EE00] =	vst v63  }
0xb5: {  	s13 =	sadd.s32 $0x0, s7  }
0xb6: {  	[tilespmem:s8], [sflag:$0xA] =	stream.linear.gather [hbm4b:s13+s3], $0x70, $0x38;
	[tilespmem:$0x1EE00] =	vst v63  }
0xb7: {  	_ =	swait.ge [sflag:s21], $0x70  }
0xb8: {  	[sflag:s21] =	ssyncset.done $0x0  }
0xb9: {  	[sflag:s21] =	ssyncadd.s32 $0xFFFFFF90  }
0xba: {  	[tilespmem:s24], [sflag:$0xD] =	stream.indirect.gather [hbm4b:s4+s22], $0x80, s3, s22, $0xb8;
	[tilespmem:$0x1EE00] =	vst v63  }
0xbb: {  	_ =	swait.ge [sflag:s5], $0x3800  }
0xbc: {  	[sflag:s5] =	ssyncset.done $0x0  }
0xbd: {  	s16 =	simm.s32 $0xB;
	[sflag:s5] =	ssyncadd.s32 $0xFFFFC800  }
0xbe: {  	_ =	swait.ge [sflag:s16], $0x70  }
0xbf: {  	[sflag:s16] =	ssyncset.done $0x0  }
0xc0: {  	[sflag:s16] =	ssyncadd.s32 $0xFFFFFF90  }
0xc1: {  	[spmem:s2] =	stream.indirect.scatter.add.f32 [tilespmem:s30], [sflag:$0x11], $0x80, s12, s22, $0xb8;
	[tilespmem:$0x1EE00] =	vst v63  }
0xc2: {  	_ =	swait.ge [sflag:s9], $0x3800  }
0xc3: {  	s18 =	rddreg [dreg:$0x7];
	[sflag:s9] =	ssyncset.done $0x0  }
0xc4: {  	s20 =	rddreg [dreg:$0x6];
	[sflag:s9] =	ssyncadd.s32 $0xFFFFC800;
	s15 =	sadd.s32 $0x0, s18  }
0xc5: {  	[tilespmem:s11], [sflag:$0x5] =	stream.linear.gather [hbm4b:s15+s3], $0x70, $0x38;
	[tilespmem:$0x1EE00] =	vst v63  }
0xc6: {  	s21 =	sadd.s32 $0x0, s20  }
0xc7: {  	[tilespmem:s12], [sflag:$0xB] =	stream.linear.gather [hbm4b:s21+s3], $0x70, $0x38;
	[tilespmem:$0x1EE00] =	vst v63  }
0xc8: {  	_ =	swait.ge [sflag:s25], $0x70  }
0xc9: {  	[sflag:s25] =	ssyncset.done $0x0  }
0xca: {  	[sflag:s25] =	ssyncadd.s32 $0xFFFFFF90  }
0xcb: {  	[tilespmem:s30], [sflag:$0xE] =	stream.indirect.gather [hbm4b:s4+s22], $0x80, s26, s22, $0xb8;
	[tilespmem:$0x1EE00] =	vst v63  }
0xcc: {  	_ =	swait.ge [sflag:s1], $0x3800  }
0xcd: {  	[sflag:s1] =	ssyncset.done $0x0  }
0xce: {  	s24 =	simm.s32 $0xC;
	[sflag:s1] =	ssyncadd.s32 $0xFFFFC800  }
0xcf: {  	_ =	swait.ge [sflag:s24], $0x70  }
0xd0: {  	[sflag:s24] =	ssyncset.done $0x0  }
0xd1: {  	s25 =	simm.s32 $0x580;
	[sflag:s24] =	ssyncadd.s32 $0xFFFFFF90  }
0xd2: {  	[spmem:s2] =	stream.indirect.scatter.add.f32 [tilespmem:s28], [sflag:$0x12], $0x80, s25, s22, $0xb8;
	[tilespmem:$0x1EE00] =	vst v63  }
0xd3: {  	_ =	swait.ge [sflag:s10], $0x3800  }
0xd4: {  	s26 =	rddreg [dreg:$0x5];
	[sflag:s10] =	ssyncset.done $0x0  }
0xd5: {  	s28 =	rddreg [dreg:$0x4];
	[sflag:s10] =	ssyncadd.s32 $0xFFFFC800;
	s15 =	sadd.s32 $0x0, s26  }
0xd6: {  	[tilespmem:s14], [sflag:$0x6] =	stream.linear.gather [hbm4b:s15+s3], $0x70, $0x38;
	[tilespmem:$0x1EE00] =	vst v63  }
0xd7: {  	s30 =	sadd.s32 $0x0, s28  }
0xd8: {  	[tilespmem:s25], [sflag:$0xC] =	stream.linear.gather [hbm4b:s30+s3], $0x70, $0x38;
	[tilespmem:$0x1EE00] =	vst v63  }
0xd9: {  	_ =	swait.ge [sflag:s23], $0x70  }
0xda: {  	s16 =	sadd.s32 $0x2A0, s17;
	s21 =	simm.s32 $0x1;
	[sflag:s23] =	ssyncset.done $0x0  }
0xdb: {  	s15 =	simm.s32 $0x54;
	s25 =	simm.s32 $0x2;
	[sflag:s23] =	ssyncadd.s32 $0xFFFFFF90  }
.LBB2_2:
0xdc: {  	s7 =	simm.s32 $0x100;
	s28 =	simm.s32 $0x7600  }
0xdd: {  	[tilespmem:s28], [sflag:$0xF] =	stream.indirect.gather [hbm4b:s4+s22], $0x80, s7, s22, $0xb8;
	[tilespmem:$0x1EE00] =	vst v63  }
0xde: {  	_ =	swait.ge [sflag:s29], $0x3800  }
0xdf: {  	[sflag:s29] =	ssyncset.done $0x0  }
0xe0: {  	s0 =	simm.s32 $0x7;
	[sflag:s29] =	ssyncadd.s32 $0xFFFFC800  }
0xe1: {  	_ =	swait.ge [sflag:s0], $0x70  }
0xe2: {  	[sflag:s0] =	ssyncset.done $0x0  }
0xe3: {  	s26 =	simm.s32 $0x300;
	s13 =	simm.s32 $0x600;
	[sflag:s0] =	ssyncadd.s32 $0xFFFFFF90  }
0xe4: {  	[spmem:s2] =	stream.indirect.scatter.add.f32 [tilespmem:s13], [sflag:$0x10], $0x80, s26, s22, $0xb8;
	[tilespmem:$0x1EE00] =	vst v63  }
0xe5: {  	_ =	swait.ge [sflag:s31], $0x3800  }
0xe6: {  	s18 =	sshrl.u32 s16, $0x3;
	[sflag:s31] =	ssyncset.done $0x0  }
0xe7: {  	s12 =	sadd.s32 s19, s18;
	s14 =	rddreg [dreg:$0xe];
	[sflag:s31] =	ssyncadd.s32 $0xFFFFC800  }
0xe8: {  	[tilespmem:s3], [sflag:$0x1] =	stream.linear.gather [hbm4b:s12+s3], $0x70, $0x38;
	[tilespmem:$0x1EE00] =	vst v63  }
0xe9: {  	s20 =	smov.u32 s19;
	s19 =	simm.s32 $0x4;
	s18 =	sadd.s32 s14, s18  }
0xea: {  	[tilespmem:s26], [sflag:$0x7] =	stream.linear.gather [hbm4b:s18+s3], $0x70, $0x38;
	[tilespmem:$0x1EE00] =	vst v63  }
0xeb: {  	_ =	swait.ge [sflag:s19], $0x70  }
0xec: {  	[sflag:s19] =	ssyncset.done $0x0  }
0xed: {  	s6 =	simm.s32 $0x180;
	[sflag:s19] =	ssyncadd.s32 $0xFFFFFF90  }
0xee: {  	[tilespmem:s13], [sflag:$0xD] =	stream.indirect.gather [hbm4b:s4+s22], $0x80, s6, s22, $0xb8;
	[tilespmem:$0x1EE00] =	vst v63  }
0xef: {  	_ =	swait.ge [sflag:s5], $0x3800  }
0xf0: {  	[sflag:s5] =	ssyncset.done $0x0  }
0xf1: {  	s23 =	simm.s32 $0x8;
	[sflag:s5] =	ssyncadd.s32 $0xFFFFC800  }
0xf2: {  	_ =	swait.ge [sflag:s23], $0x70  }
0xf3: {  	[sflag:s23] =	ssyncset.done $0x0  }
0xf4: {  	s8 =	simm.s32 $0x380;
	[sflag:s23] =	ssyncadd.s32 $0xFFFFFF90;
	s23 =	simm.s32 $0x3E00  }
0xf5: {  	[spmem:s2] =	stream.indirect.scatter.add.f32 [tilespmem:s23], [sflag:$0x11], $0x80, s8, s22, $0xb8;
	[tilespmem:$0x1EE00] =	vst v63  }
0xf6: {  	s17 =	smov.u32 s15;
	_ =	swait.ge [sflag:s9], $0x3800  }
0xf7: {  	s26 =	simm.s32 $0x80;
	s11 =	rddreg [dreg:$0xd];
	[sflag:s9] =	ssyncset.done $0x0  }
0xf8: {  	s12 =	rddreg [dreg:$0xc];
	[sflag:s9] =	ssyncadd.s32 $0xFFFFC800;
	s18 =	sadd.s32 s17, s11  }
0xf9: {  	[tilespmem:s26], [sflag:$0x2] =	stream.linear.gather [hbm4b:s18+s3], $0x70, $0x38;
	[tilespmem:$0x1EE00] =	vst v63  }
0xfa: {  	s14 =	sadd.s32 s17, s12;
	s18 =	simm.s32 $0x5  }
0xfb: {  	[tilespmem:s8], [sflag:$0x8] =	stream.linear.gather [hbm4b:s14+s3], $0x70, $0x38;
	[tilespmem:$0x1EE00] =	vst v63  }
0xfc: {  	_ =	swait.ge [sflag:s18], $0x70  }
0xfd: {  	[sflag:s18] =	ssyncset.done $0x0  }
0xfe: {  	s12 =	simm.s32 $0x200;
	[sflag:s18] =	ssyncadd.s32 $0xFFFFFF90  }
0xff: {  	[tilespmem:s23], [sflag:$0xE] =	stream.indirect.gather [hbm4b:s4+s22], $0x80, s12, s22, $0xb8;
	[tilespmem:$0x1EE00] =	vst v63  }
0x100: {  	_ =	swait.ge [sflag:s1], $0x3800  }
0x101: {  	[sflag:s1] =	ssyncset.done $0x0  }
0x102: {  	s19 =	simm.s32 $0x9;
	[sflag:s1] =	ssyncadd.s32 $0xFFFFC800  }
0x103: {  	_ =	swait.ge [sflag:s19], $0x70  }
0x104: {  	[sflag:s19] =	ssyncset.done $0x0  }
0x105: {  	s8 =	simm.s32 $0x400;
	[sflag:s19] =	ssyncadd.s32 $0xFFFFFF90  }
0x106: {  	[spmem:s2] =	stream.indirect.scatter.add.f32 [tilespmem:s28], [sflag:$0x12], $0x80, s8, s22, $0xb8;
	[tilespmem:$0x1EE00] =	vst v63  }
0x107: {  	_ =	swait.ge [sflag:s10], $0x3800  }
0x108: {  	s0 =	rddreg [dreg:$0xb];
	[sflag:s10] =	ssyncset.done $0x0  }
0x109: {  	s11 =	rddreg [dreg:$0xa];
	[sflag:s10] =	ssyncadd.s32 $0xFFFFC800;
	s18 =	sadd.s32 s17, s0  }
0x10a: {  	[tilespmem:s7], [sflag:$0x3] =	stream.linear.gather [hbm4b:s18+s3], $0x70, $0x38;
	[tilespmem:$0x1EE00] =	vst v63  }
0x10b: {  	s14 =	sadd.s32 s17, s11;
	s18 =	simm.s32 $0x6  }
0x10c: {  	[tilespmem:s8], [sflag:$0x9] =	stream.linear.gather [hbm4b:s14+s3], $0x70, $0x38;
	[tilespmem:$0x1EE00] =	vst v63  }
0x10d: {  	_ =	swait.ge [sflag:s18], $0x70  }
0x10e: {  	[sflag:s18] =	ssyncset.done $0x0  }
0x10f: {  	s14 =	simm.s32 $0x280;
	[sflag:s18] =	ssyncadd.s32 $0xFFFFFF90  }
0x110: {  	[tilespmem:s28], [sflag:$0xF] =	stream.indirect.gather [hbm4b:s4+s22], $0x80, s14, s22, $0xb8;
	[tilespmem:$0x1EE00] =	vst v63  }
0x111: {  	_ =	swait.ge [sflag:s29], $0x3800  }
0x112: {  	[sflag:s29] =	ssyncset.done $0x0  }
0x113: {  	s19 =	simm.s32 $0xA;
	[sflag:s29] =	ssyncadd.s32 $0xFFFFC800  }
0x114: {  	_ =	swait.ge [sflag:s19], $0x70  }
0x115: {  	[sflag:s19] =	ssyncset.done $0x0  }
0x116: {  	s11 =	simm.s32 $0x480;
	[sflag:s19] =	ssyncadd.s32 $0xFFFFFF90  }
0x117: {  	[spmem:s2] =	stream.indirect.scatter.add.f32 [tilespmem:s13], [sflag:$0x10], $0x80, s11, s22, $0xb8;
	[tilespmem:$0x1EE00] =	vst v63  }
0x118: {  	_ =	swait.ge [sflag:s31], $0x3800  }
0x119: {  	s8 =	rddreg [dreg:$0x9];
	[sflag:s31] =	ssyncset.done $0x0  }
0x11a: {  	s19 =	rddreg [dreg:$0x8];
	[sflag:s31] =	ssyncadd.s32 $0xFFFFC800;
	s18 =	sadd.s32 s17, s8  }
0x11b: {  	[tilespmem:s6], [sflag:$0x4] =	stream.linear.gather [hbm4b:s18+s3], $0x70, $0x38;
	[tilespmem:$0x1EE00] =	vst v63  }
0x11c: {  	s19 =	sadd.s32 s17, s19  }
0x11d: {  	[tilespmem:s11], [sflag:$0xA] =	stream.linear.gather [hbm4b:s19+s3], $0x70, $0x38;
	[tilespmem:$0x1EE00] =	vst v63  }
0x11e: {  	_ =	swait.ge [sflag:s21], $0x70  }
0x11f: {  	[sflag:s21] =	ssyncset.done $0x0  }
0x120: {  	[sflag:s21] =	ssyncadd.s32 $0xFFFFFF90  }
0x121: {  	[tilespmem:s13], [sflag:$0xD] =	stream.indirect.gather [hbm4b:s4+s22], $0x80, s3, s22, $0xb8;
	[tilespmem:$0x1EE00] =	vst v63  }
0x122: {  	_ =	swait.ge [sflag:s5], $0x3800  }
0x123: {  	[sflag:s5] =	ssyncset.done $0x0  }
0x124: {  	s19 =	simm.s32 $0xB;
	[sflag:s5] =	ssyncadd.s32 $0xFFFFC800  }
0x125: {  	_ =	swait.ge [sflag:s19], $0x70  }
0x126: {  	[sflag:s19] =	ssyncset.done $0x0  }
0x127: {  	s13 =	simm.s32 $0x500;
	[sflag:s19] =	ssyncadd.s32 $0xFFFFFF90  }
0x128: {  	[spmem:s2] =	stream.indirect.scatter.add.f32 [tilespmem:s23], [sflag:$0x11], $0x80, s13, s22, $0xb8;
	[tilespmem:$0x1EE00] =	vst v63  }
0x129: {  	_ =	swait.ge [sflag:s9], $0x3800  }
0x12a: {  	s11 =	rddreg [dreg:$0x7];
	[sflag:s9] =	ssyncset.done $0x0  }
0x12b: {  	s19 =	rddreg [dreg:$0x6];
	[sflag:s9] =	ssyncadd.s32 $0xFFFFC800;
	s18 =	sadd.s32 s17, s11  }
0x12c: {  	[tilespmem:s12], [sflag:$0x5] =	stream.linear.gather [hbm4b:s18+s3], $0x70, $0x38;
	[tilespmem:$0x1EE00] =	vst v63  }
0x12d: {  	s19 =	sadd.s32 s17, s19  }
0x12e: {  	[tilespmem:s13], [sflag:$0xB] =	stream.linear.gather [hbm4b:s19+s3], $0x70, $0x38;
	[tilespmem:$0x1EE00] =	vst v63  }
0x12f: {  	_ =	swait.ge [sflag:s25], $0x70  }
0x130: {  	[sflag:s25] =	ssyncset.done $0x0  }
0x131: {  	[sflag:s25] =	ssyncadd.s32 $0xFFFFFF90  }
0x132: {  	[tilespmem:s23], [sflag:$0xE] =	stream.indirect.gather [hbm4b:s4+s22], $0x80, s26, s22, $0xb8;
	[tilespmem:$0x1EE00] =	vst v63  }
0x133: {  	_ =	swait.ge [sflag:s1], $0x3800  }
0x134: {  	[sflag:s1] =	ssyncset.done $0x0  }
0x135: {  	s18 =	simm.s32 $0xC;
	[sflag:s1] =	ssyncadd.s32 $0xFFFFC800  }
0x136: {  	p0 =	sne.s32 s15, $0x498;
	s15 =	sadd.s32 $0x54, s15;
	_ =	swait.ge [sflag:s18], $0x70  }
0x137: {  	s24 =	simm.s32 $0x300;
	s30 =	simm.s32 $0x380;
	[sflag:s18] =	ssyncset.done $0x0  }
0x138: {  	s16 =	sadd.s32 $0x2A0, s16;
	s23 =	simm.s32 $0x580;
	[sflag:s18] =	ssyncadd.s32 $0xFFFFFF90  }
0x139: {  	[spmem:s2] =	stream.indirect.scatter.add.f32 [tilespmem:s28], [sflag:$0x12], $0x80, s23, s22, $0xb8;
	[tilespmem:$0x1EE00] =	vst v63  }
0x13a: {  	s0 =	simm.s32 $0x100;
	s7 =	simm.s32 $0x400;
	_ =	swait.ge [sflag:s10], $0x3800  }
0x13b: {  	s8 =	simm.s32 $0x180;
	s19 =	rddreg [dreg:$0x5];
	[sflag:s10] =	ssyncset.done $0x0  }
0x13c: {  	s28 =	rddreg [dreg:$0x4];
	[sflag:s10] =	ssyncadd.s32 $0xFFFFC800;
	s18 =	sadd.s32 s17, s19  }
0x13d: {  	[tilespmem:s14], [sflag:$0x6] =	stream.linear.gather [hbm4b:s18+s3], $0x70, $0x38;
	[tilespmem:$0x1EE00] =	vst v63  }
.Ltmp0:
0x13e: {  	s17 =	sadd.s32 s17, s28;
	s28 =	simm.s32 $0x3;
	(pc) =	sbr.rel @p0 .LBB2_2-.Ltmp0, $4  }
0x13f: {  	[tilespmem:s23], [sflag:$0xC] =	stream.linear.gather [hbm4b:s17+s3], $0x70, $0x38;
	[tilespmem:$0x1EE00] =	vst v63  }
0x140: {  	s6 =	simm.s32 $0x480;
	s11 =	simm.s32 $0x200;
	_ =	swait.ge [sflag:s28], $0x70  }
0x141: {  	s12 =	simm.s32 $0x500;
	s13 =	simm.s32 $0x280;
	[sflag:s28] =	ssyncset.done $0x0  }
0x142: {  	s19 =	smov.u32 s20;
	s14 =	simm.s32 $0x580;
	[sflag:s28] =	ssyncadd.s32 $0xFFFFFF90  }
0x143: {  	s15 =	simm.s32 $0x7600  }
0x144: {  	[tilespmem:s15], [sflag:$0xF] =	stream.indirect.gather [hbm4b:s4+s22], $0x80, s0, s22, $0xb8;
	[tilespmem:$0x1EE00] =	vst v63  }
0x145: {  	_ =	swait.ge [sflag:s29], $0x3800  }
0x146: {  	[sflag:s29] =	ssyncset.done $0x0  }
0x147: {  	s18 =	simm.s32 $0x7;
	[sflag:s29] =	ssyncadd.s32 $0xFFFFC800  }
0x148: {  	_ =	swait.ge [sflag:s18], $0x70  }
0x149: {  	[sflag:s18] =	ssyncset.done $0x0  }
0x14a: {  	s20 =	simm.s32 $0x600;
	[sflag:s18] =	ssyncadd.s32 $0xFFFFFF90  }
0x14b: {  	[spmem:s2] =	stream.indirect.scatter.add.f32 [tilespmem:s20], [sflag:$0x10], $0x80, s24, s22, $0xb8;
	[tilespmem:$0x1EE00] =	vst v63  }
0x14c: {  	_ =	swait.ge [sflag:s31], $0x3800  }
0x14d: {  	[sflag:s31] =	ssyncset.done $0x0  }
0x14e: {  	s16 =	simm.s32 $0x4;
	[sflag:s31] =	ssyncadd.s32 $0xFFFFC800  }
0x14f: {  	_ =	swait.ge [sflag:s16], $0x70  }
0x150: {  	[sflag:s16] =	ssyncset.done $0x0  }
0x151: {  	[sflag:s16] =	ssyncadd.s32 $0xFFFFFF90  }
0x152: {  	[tilespmem:s20], [sflag:$0xD] =	stream.indirect.gather [hbm4b:s4+s22], $0x80, s8, s22, $0xb8;
	[tilespmem:$0x1EE00] =	vst v63  }
0x153: {  	_ =	swait.ge [sflag:s5], $0x3800  }
0x154: {  	[sflag:s5] =	ssyncset.done $0x0  }
0x155: {  	s21 =	simm.s32 $0x8;
	[sflag:s5] =	ssyncadd.s32 $0xFFFFC800  }
0x156: {  	_ =	swait.ge [sflag:s21], $0x70  }
0x157: {  	[sflag:s21] =	ssyncset.done $0x0  }
0x158: {  	s23 =	simm.s32 $0x3E00;
	[sflag:s21] =	ssyncadd.s32 $0xFFFFFF90  }
0x159: {  	[spmem:s2] =	stream.indirect.scatter.add.f32 [tilespmem:s23], [sflag:$0x11], $0x80, s30, s22, $0xb8;
	[tilespmem:$0x1EE00] =	vst v63  }
0x15a: {  	_ =	swait.ge [sflag:s9], $0x3800  }
0x15b: {  	[sflag:s9] =	ssyncset.done $0x0  }
0x15c: {  	s24 =	simm.s32 $0x5;
	[sflag:s9] =	ssyncadd.s32 $0xFFFFC800  }
0x15d: {  	_ =	swait.ge [sflag:s24], $0x70  }
0x15e: {  	[sflag:s24] =	ssyncset.done $0x0  }
0x15f: {  	[sflag:s24] =	ssyncadd.s32 $0xFFFFFF90  }
0x160: {  	[tilespmem:s23], [sflag:$0xE] =	stream.indirect.gather [hbm4b:s4+s22], $0x80, s11, s22, $0xb8;
	[tilespmem:$0x1EE00] =	vst v63  }
0x161: {  	_ =	swait.ge [sflag:s1], $0x3800  }
0x162: {  	[sflag:s1] =	ssyncset.done $0x0  }
0x163: {  	s25 =	simm.s32 $0x9;
	[sflag:s1] =	ssyncadd.s32 $0xFFFFC800  }
0x164: {  	_ =	swait.ge [sflag:s25], $0x70  }
0x165: {  	[sflag:s25] =	ssyncset.done $0x0  }
0x166: {  	[sflag:s25] =	ssyncadd.s32 $0xFFFFFF90  }
0x167: {  	[spmem:s2] =	stream.indirect.scatter.add.f32 [tilespmem:s15], [sflag:$0x12], $0x80, s7, s22, $0xb8;
	[tilespmem:$0x1EE00] =	vst v63  }
0x168: {  	_ =	swait.ge [sflag:s10], $0x3800  }
0x169: {  	[sflag:s10] =	ssyncset.done $0x0  }
0x16a: {  	s28 =	simm.s32 $0x6;
	[sflag:s10] =	ssyncadd.s32 $0xFFFFC800  }
0x16b: {  	_ =	swait.ge [sflag:s28], $0x70  }
0x16c: {  	[sflag:s28] =	ssyncset.done $0x0  }
0x16d: {  	[sflag:s28] =	ssyncadd.s32 $0xFFFFFF90  }
0x16e: {  	[tilespmem:s15], [sflag:$0xF] =	stream.indirect.gather [hbm4b:s4+s22], $0x80, s13, s22, $0xb8;
	[tilespmem:$0x1EE00] =	vst v63  }
0x16f: {  	_ =	swait.ge [sflag:s29], $0x3800  }
0x170: {  	[sflag:s29] =	ssyncset.done $0x0  }
0x171: {  	s30 =	simm.s32 $0xA;
	[sflag:s29] =	ssyncadd.s32 $0xFFFFC800  }
0x172: {  	_ =	swait.ge [sflag:s30], $0x70  }
0x173: {  	[sflag:s30] =	ssyncset.done $0x0  }
0x174: {  	[sflag:s30] =	ssyncadd.s32 $0xFFFFFF90  }
0x175: {  	[spmem:s2] =	stream.indirect.scatter.add.f32 [tilespmem:s20], [sflag:$0x10], $0x80, s6, s22, $0xb8;
	[tilespmem:$0x1EE00] =	vst v63  }
0x176: {  	_ =	swait.ge [sflag:s5], $0x3800  }
0x177: {  	[sflag:s5] =	ssyncset.done $0x0  }
0x178: {  	s7 =	simm.s32 $0xB;
	[sflag:s5] =	ssyncadd.s32 $0xFFFFC800  }
0x179: {  	_ =	swait.ge [sflag:s7], $0x70  }
0x17a: {  	[sflag:s7] =	ssyncset.done $0x0  }
0x17b: {  	[sflag:s7] =	ssyncadd.s32 $0xFFFFFF90  }
0x17c: {  	[spmem:s2] =	stream.indirect.scatter.add.f32 [tilespmem:s23], [sflag:$0x11], $0x80, s12, s22, $0xb8;
	[tilespmem:$0x1EE00] =	vst v63  }
0x17d: {  	_ =	swait.ge [sflag:s1], $0x3800  }
0x17e: {  	[sflag:s1] =	ssyncset.done $0x0  }
0x17f: {  	s8 =	simm.s32 $0xC;
	[sflag:s1] =	ssyncadd.s32 $0xFFFFC800  }
0x180: {  	_ =	swait.ge [sflag:s8], $0x70  }
0x181: {  	[sflag:s8] =	ssyncset.done $0x0  }
0x182: {  	[sflag:s8] =	ssyncadd.s32 $0xFFFFFF90  }
0x183: {  	[spmem:s2] =	stream.indirect.scatter.add.f32 [tilespmem:s15], [sflag:$0x12], $0x80, s14, s22, $0xb8;
	[tilespmem:$0x1EE00] =	vst v63  }
0x184: {  	_ =	swait.ge [sflag:s31], $0x3800  }
0x185: {  	[sflag:s31] =	ssyncset.done $0x0  }
0x186: {  	[sflag:s31] =	ssyncadd.s32 $0xFFFFC800  }
0x187: {  	_ =	swait.ge [sflag:s9], $0x3800  }
0x188: {  	[sflag:s9] =	ssyncset.done $0x0  }
0x189: {  	[sflag:s9] =	ssyncadd.s32 $0xFFFFC800  }
0x18a: {  	_ =	swait.ge [sflag:s10], $0x3800  }
0x18b: {  	[sflag:s10] =	ssyncset.done $0x0  }
0x18c: {  	[sflag:s10] =	ssyncadd.s32 $0xFFFFC800  }
0x18d: {  	[bflag:$0x0] =	sbarrier.arrive $0xFFFF  }
0x18e: {  	s12 =	sld [smem:$0x7F0]  }
0x18f: {  	s16 =	rddreg [dreg:$0x11]  }
0x190: {  	s18 =	simm.s32 $0x13;
	s11 =	rddreg [dreg:$0x18]  }
0x191: {  	[hbm:s11], [sflag:s16] =	dma.local [spmem:s12], $0x800  }
0x192: {  	_ =	swait.ge [sflag:s18], $0x800  }
0x193: {  	s14 =	sld [smem:$0x7F1]  }
0x194: {  	[sflag:s18] =	ssyncset.done $0x0  }
0x195: {  	s13 =	rddreg [dreg:$0x19];
	[sflag:s18] =	ssyncadd.s32 $0xFFFFF800  }
0x196: {  	[hbm:s13], [sflag:s16] =	dma.local [spmem:s14], $0x800  }
0x197: {  	_ =	swait.ge [sflag:s18], $0x800  }
0x198: {  	s20 =	sld [smem:$0x7F2]  }
0x199: {  	[sflag:s18] =	ssyncset.done $0x0  }
0x19a: {  	s17 =	rddreg [dreg:$0x1a];
	[sflag:s18] =	ssyncadd.s32 $0xFFFFF800  }
0x19b: {  	[hbm:s17], [sflag:s16] =	dma.local [spmem:s20], $0x800  }
0x19c: {  	_ =	swait.ge [sflag:s18], $0x800  }
0x19d: {  	s23 =	sld [smem:$0x7F3]  }
0x19e: {  	[sflag:s18] =	ssyncset.done $0x0  }
0x19f: {  	s21 =	rddreg [dreg:$0x1b];
	[sflag:s18] =	ssyncadd.s32 $0xFFFFF800  }
0x1a0: {  	[hbm:s21], [sflag:s16] =	dma.local [spmem:s23], $0x800  }
0x1a1: {  	_ =	swait.ge [sflag:s18], $0x800  }
0x1a2: {  	s25 =	sld [smem:$0x7F4]  }
0x1a3: {  	[sflag:s18] =	ssyncset.done $0x0  }
0x1a4: {  	s24 =	rddreg [dreg:$0x1c];
	[sflag:s18] =	ssyncadd.s32 $0xFFFFF800  }
0x1a5: {  	[hbm:s24], [sflag:s16] =	dma.local [spmem:s25], $0x800  }
0x1a6: {  	_ =	swait.ge [sflag:s18], $0x800  }
0x1a7: {  	s28 =	sld [smem:$0x7EF]  }
0x1a8: {  	s30 =	sld [smem:$0x7FC];
	_ =	sdelay $0x1  }
0x1a9: {  	s0 =	sadd.s32 $0x1, s28  }
0x1aa: {  	p0 =	sne.s32 s0, s30  }
.Ltmp1:
0x1ab: {  	_ = 	snop;
	(pc) =	sbr.rel @p0 .LBB2_1-.Ltmp1, $3  }
0x1ac: {  	_ =	sdelay $0x1  }
0x1ad: {  	s21 =	simm.s32 $0x1;
	[sflag:s18] =	ssyncset.done $0x0  }
0x1ae: {  	s25 =	simm.s32 $0x2;
	s13 =	rddreg [dreg:$0xe];
	[sflag:s18] =	ssyncadd.s32 $0xFFFFF800  }
0x1af: {  	_ =	sfence.sel $0x180000  }
0x1b0: {  	[bflag:$0x0] =	sbarrier.arrive $0xFFFF  }
0x1b1: {  	_ =	strace $0x9000004A  }
0x1b2: {  	s0 =	stileid.u32;
	[bflag:$0x2] =	sbarrier.arrive $0xFFFF  }
0x1b3: {  	p0 =	sne.s32 s0, $0x0;
	s0 =	rddreg [dreg:$0x3]  }
0x1b4: {  	s0 =	sadd.s32 @!p0 $0x100000, s0  }
0x1b5: {  	[sflag:s0] =	ssyncadd.tile.s32 @!p0 $0x1;
	_ =	shalt  }
.Lfunc_end2:
_tile_overlayer_lowered:
.L_overlay_start_2:
0x1b6: {  	(tag) =	ssettag $0x2  }
0x1b7: {  	s0 =	rddreg [dreg:$0x0];
	s2 =	stileid.u32  }
0x1b8: {  	s1 =	rddreg [dreg:$0x1];
	p0 =	sne.s32 s2, $0x0  }
0x1b9: {  	s3 =	rddreg [dreg:$0x2];
	[bflag:$0x3] =	sbarrier.arrive $0xFFFF;
	s2 =	simm.s32 @!p0 $0x1C13  }
0x1ba: {  	[timem:s3], [sflag:s2] =	dma.local @!p0 [hbm:s0], s1  }
0x1bb: {  	s0 =	simm.s32 @!p0 $0x13  }
0x1bc: {  	_ =	swait.ge @!p0 [sflag:s0], s1  }
0x1bd: {  	s1 =	ssub.s32 @!p0 $0x0, s1;
	[sflag:s0] =	ssyncset.done @!p0 $0x0  }
0x1be: {  	[sflag:s0] =	ssyncadd.s32 @!p0 s1  }
0x1bf: {  	[bflag:$0x3] =	sbarrier.arrive $0xFFFF  }
0x1c0: {  	_ =	shalt  }

// kernel: kernel.16.cloned.1.call-start
scs
__scs_entry_jumppad:
0x0: {  	(pc) =	sbr.rel $0x88, $3  }
0x1: {  	(tag) =	ssettag $0x0;
	lr =	simm.s32 $0x1  }
0x2: {  	[smem:$0x3F95] =	sst lr;
	_ =	strace $0xD0000000  }
0x3: {  	_ = 	snop  }
0x4: {  	_ = 	snop  }
0x5: {  	_ = 	snop  }
0x6: {  	_ = 	snop  }
0x7: {  	_ = 	snop  }
__scs_overlays_trampoline_lowered:
0x8: {  	[smem:$0x3FA4] =	sst s0  }
0x9: {  	[smem:$0x3FA5] =	sst s1  }
0xa: {  	[smem:$0x3FA6] =	sst s2  }
0xb: {  	[smem:$0x3FA7] =	sst s3  }
0xc: {  	[smem:$0x3FA8] =	sst s4  }
0xd: {  	[smem:$0x3FA9] =	sst s5  }
0xe: {  	[smem:$0x3FAA] =	sst s6  }
0xf: {  	[smem:$0x3FAB] =	sst s7  }
0x10: {  	[smem:$0x3FAC] =	sst s8  }
0x11: {  	[smem:$0x3FAD] =	sst s9;
	s0 =	simm.s32 @!p0 $0x0  }
0x12: {  	s1 =	sld [smem:$0x3F93];
	s0 =	simm.s32 @p0 $0x1  }
0x13: {  	[smem:$0x3FAE] =	sst s0;
	s0 =	simm.s32 @!p1 $0x0  }
0x14: {  	s2 =	sld [smem:$0x3F92];
	s0 =	simm.s32 @p1 $0x1  }
0x15: {  	[smem:$0x3FAF] =	sst s0;
	s0 =	simm.s32 @!p2 $0x0  }
0x16: {  	s3 =	sld [smem:$0x3FDB];
	s0 =	simm.s32 @p2 $0x1  }
0x17: {  	s4 =	simm.s32 $0x1BF5;
	[smem:$0x3FB1] =	sst s0  }
0x18: {  	s0 =	sld [smem:$0x3F94];
	_ =	swait.ge [sflag:s4], $0x0  }
0x19: {  	s7 =	sld [smem:$0x3F95]  }
0x1a: {  	s8 =	sadd.s32 $0xFFFFE003, lr  }
0x1b: {  	s9 =	sadd.s32 $0xFFFFFEF7, lr;
	s5 =	simm.s32 $0xFFFFFFFF;
	p2 =	slt.u32 s8, $0xFFFFF086  }
0x1c: {  	p1 =	slt.u32 s9, $0xF7A;
	s5 =	simm.s32 @!p2 $0x0  }
0x1d: {  	s5 =	simm.s32 @p1 $0x1;
	p0 =	seq.s32 s7, s2  }
0x1e: {  	s7 =	smul.u32 @!p0 $0xF7A, s2;
	p2 =	seq.s32 @!p0 s5, $0x0  }
0x1f: {  	s9 =	smul.u32 $0xF7A, s1;
	s8 =	simm.s32 @!p0 $0x1BF5;
	p2 =	por !p2, p0  }
0x20: {  	[sflag:s8] =	ssyncset.s32 @!p0 $0xFFFFF086;
	s6 =	sadd.s32 @!p0 s3, s7;
	s7 =	simm.s32 @!p0 $0x108  }
0x21: {  	s3 =	sadd.s32 s3, s9;
	s6 =	sadd.s32 @!p0 $0x88, s6;
	s7 =	simm.s32 @p2 $0x1082  }
0x22: {  	[simem:s7], [sflag:s8] =	dma.local @!p0 [hbm:s6], $0xF7A  }
0x23: {  	s9 =	sor.u32 $0xD0000000, s2;
	s6 =	simm.s32 $0x108;
	_ =	swait.ge @!p0 [sflag:s8], $0x0  }
0x24: {  	s3 =	sadd.s32 $0x88, s3;
	s6 =	simm.s32 @!p1 $0x1082;
	[sflag:s4] =	ssyncset.s32 $0xFFFFF086  }
0x25: {  	[simem:s6], [sflag:s4] =	dma.local [hbm:s3], $0xF7A  }
0x26: {  	[smem:$0x3F95] =	sst s1;
	(tag) =	ssettag s2;
	_ =	strace s9  }
0x27: {  	s1 =	sld [smem:$0x3FA5]  }
0x28: {  	s2 =	sld [smem:$0x3FA6]  }
0x29: {  	s4 =	sld [smem:$0x3FA8]  }
0x2a: {  	p0 =	seq.s32 s5, $0x0;
	s5 =	sld [smem:$0x3FA9]  }
0x2b: {  	s6 =	sld [smem:$0x3FAA]  }
0x2c: {  	s7 =	sld [smem:$0x3FAB]  }
0x2d: {  	s3 =	simm.s32 $0x108;
	s8 =	sld [smem:$0x3FAC]  }
0x2e: {  	s3 =	simm.s32 @!p0 $0x1082;
	s9 =	sld [smem:$0x3FAD]  }
0x2f: {  	lr =	sadd.s32 s0, s3;
	s0 =	sld [smem:$0x3FA4]  }
0x30: {  	s3 =	sld [smem:$0x3FA7]  }
0x31: {  	[smem:$0x3FB0] =	sst s10  }
0x32: {  	s10 =	sld [smem:$0x3FAE];
	_ =	sdelay $0x3  }
0x33: {  	p0 =	seq.s32 s10, $0x1;
	s10 =	sld [smem:$0x3FB0];
	_ =	sdelay $0x3  }
0x34: {  	[smem:$0x3FB0] =	sst s10  }
0x35: {  	s10 =	sld [smem:$0x3FAF];
	_ =	sdelay $0x3  }
0x36: {  	p1 =	seq.s32 s10, $0x1;
	s10 =	sld [smem:$0x3FB0];
	_ =	sdelay $0x3  }
0x37: {  	[smem:$0x3FB0] =	sst s10  }
0x38: {  	s10 =	sld [smem:$0x3FB1]  }
0x39: {  	_ = 	snop;
	(pc) =	sbr.ind lr, $3  }
0x3a: {  	_ = 	snop  }
0x3b: {  	_ = 	snop  }
0x3c: {  	p2 =	seq.s32 s10, $0x1;
	s10 =	sld [smem:$0x3FB0]  }
0x3d: {  	_ =	shalt  }
0x3e: {  	_ =	shalt  }
0x3f: {  	_ =	shalt  }
0x40: {  	_ =	shalt  }
0x41: {  	_ =	shalt  }
0x42: {  	_ =	shalt  }
0x43: {  	_ =	shalt  }
0x44: {  	_ =	shalt  }
0x45: {  	_ =	shalt  }
0x46: {  	_ =	shalt  }
0x47: {  	_ =	shalt  }
0x48: {  	_ =	shalt  }
0x49: {  	_ =	shalt  }
0x4a: {  	_ =	shalt  }
0x4b: {  	_ =	shalt  }
0x4c: {  	_ =	shalt  }
0x4d: {  	_ =	shalt  }
0x4e: {  	_ =	shalt  }
0x4f: {  	_ =	shalt  }
0x50: {  	_ =	shalt  }
0x51: {  	_ =	shalt  }
0x52: {  	_ =	shalt  }
0x53: {  	_ =	shalt  }
0x54: {  	_ =	shalt  }
0x55: {  	_ =	shalt  }
0x56: {  	_ =	shalt  }
0x57: {  	_ =	shalt  }
0x58: {  	_ =	shalt  }
0x59: {  	_ =	shalt  }
0x5a: {  	_ =	shalt  }
0x5b: {  	_ =	shalt  }
0x5c: {  	_ =	shalt  }
0x5d: {  	_ =	shalt  }
0x5e: {  	_ =	shalt  }
0x5f: {  	_ =	shalt  }
0x60: {  	_ =	shalt  }
0x61: {  	_ =	shalt  }
0x62: {  	_ =	shalt  }
0x63: {  	_ =	shalt  }
0x64: {  	_ =	shalt  }
0x65: {  	_ =	shalt  }
0x66: {  	_ =	shalt  }
0x67: {  	_ =	shalt  }
0x68: {  	_ =	shalt  }
0x69: {  	_ =	shalt  }
0x6a: {  	_ =	shalt  }
0x6b: {  	_ =	shalt  }
0x6c: {  	_ =	shalt  }
0x6d: {  	_ =	shalt  }
0x6e: {  	_ =	shalt  }
0x6f: {  	_ =	shalt  }
0x70: {  	_ =	shalt  }
0x71: {  	_ =	shalt  }
0x72: {  	_ =	shalt  }
0x73: {  	_ =	shalt  }
0x74: {  	_ =	shalt  }
0x75: {  	_ =	shalt  }
0x76: {  	_ =	shalt  }
0x77: {  	_ =	shalt  }
0x78: {  	_ =	shalt  }
0x79: {  	_ =	shalt  }
0x7a: {  	_ =	shalt  }
0x7b: {  	_ =	shalt  }
0x7c: {  	_ =	shalt  }
0x7d: {  	_ =	shalt  }
0x7e: {  	_ =	shalt  }
0x7f: {  	_ =	shalt  }
0x80: {  	_ =	shalt  }
0x81: {  	_ =	shalt  }
0x82: {  	_ =	shalt  }
0x83: {  	_ =	shalt  }
0x84: {  	_ =	shalt  }
0x85: {  	_ =	shalt  }
0x86: {  	_ =	shalt  }
0x87: {  	_ =	shalt  }
.Lfunc_end0:
.L_simem_size_0:
called_computation.2_lowered:
.L_overlay_start_0:
0x88: {  	s2 =	sld [smem:$0x3FD9]  }
0x89: {  	s3 =	sld [smem:$0x3FFE];
	_ =	sdelay $0x1  }
0x8a: {  	s1 =	srdreg.scid  }
0x8b: {  	s0 =	sand.u32 $0x1, s1  }
0x8c: {  	s17 =	sshll.u32 s0, $0xA;
	s2 =	sadd.s32 s3, s2  }
0x8d: {  	s2 =	sadd.s32 s2, s17  }
0x8e: {  	[smem:$0x3FBC] =	sst s2  }
0x8f: {  	_ = 	snop  }
0x90: {  	s2 =	sld [smem:$0x3FD0];
	(tm) =	ssettm $0x1  }
0x91: {  	s18 =	sld [smem:$0x3FFB];
	_ =	sdelay $0x3  }
0x92: {  	_ =	strace s18  }
0x93: {  	s3 =	sld [smem:$0x3FFC];
	_ =	sdelay $0x3  }
0x94: {  	_ =	strace s3  }
0x95: {  	s3 =	sld [smem:$0x3FFD];
	_ =	sdelay $0x3  }
0x96: {  	_ =	strace s3  }
0x97: {  	_ =	strace $0x8FFFFFFF  }
0x98: {  	s19 =	sld [smem:$0x3FDB];
	_ =	sdelay $0x1  }
0x99: {  	s4 =	simm.s32 $_scs_section_size  }
0x9a: {  	s5 =	simm.s32 $_size__tile_overlayer_lowered;
	s6 =	simm.s32 $_tile_overlayer_lowered  }
0x9b: {  	s22 =	simm.s32 $0x1BFF;
	s21 =	sshll.u32 s6, $0x1;
	s3 =	sadd.s32 s4, s19  }
0x9c: {  	s7 =	simm.s32 $0x0;
	s20 =	sshll.u32 s5, $0x1;
	s5 =	sadd.s32 s21, s3  }
0x9d: {  	[timem:s7], [sflag:s22] =	dma.local [hbm:s5], s20  }
0x9e: {  	_ =	swait.ge [sflag:s22], s20  }
0x9f: {  	s4 =	ssub.s32 $0x0, s20;
	[sflag:s22] =	ssyncset.done $0x0  }
0xa0: {  	[sflag:s22] =	ssyncadd.s32 s4;
	_ =	sdelay $0x1  }
0xa1: {  	s23 =	simm.s32 $0x1B8B  }
0xa2: {  	_ =	swait.ge [sflag:s23], $0x1  }
0xa3: {  	[sflag:s23] =	ssyncset.done $0x0  }
0xa4: {  	s25 =	simm.s32 $0x1B8E;
	s24 =	sld [smem:$0x3FFE];
	[sflag:s23] =	ssyncadd.s32 $0xFFFFFFFF  }
0xa5: {  	s26 =	simm.s32 $execute0_lowered;
	[smem:$0x3FD2] =	sst s25  }
0xa6: {  	s5 =	sshll.u32 s26, $0x1;
	_ =	strace $0x8000004C;
	[dreg:$0x1] =	wrdreg $0xFFFFFFFF  }
0xa7: {  	s28 =	simm.s32 $_size_execute0_lowered;
	s3 =	sadd.s32 s3, s5;
	[dreg:$0x0] =	wrdreg $0x0  }
0xa8: {  	s5 =	sshll.u32 s28, $0x1;
	[dreg:$0x2] =	wrdreg s3  }
0xa9: {  	[dreg:$0x3] =	wrdreg s5  }
0xaa: {  	[dreg:$0x4] =	wrdreg $0xC0  }
0xab: {  	_ =	task [dreg:s7], $0x5FFFF  }
0xac: {  	[dreg:$0x1] =	wrdreg $0xFFFFFFFF  }
0xad: {  	[dreg:$0x0] =	wrdreg $0x60  }
0xae: {  	[dreg:$0x2] =	wrdreg s24  }
0xaf: {  	[dreg:$0x3] =	wrdreg s2  }
0xb0: {  	[dreg:$0x4] =	wrdreg $0xAE000  }
0xb1: {  	[dreg:$0x5] =	wrdreg $0x9  }
0xb2: {  	_ =	task.clear_ibuf [dreg:s7], $0x6FFFF;
	_ =	strace $0x9000004C  }
0xb3: {  	s29 =	simm.s32 $0x9;
	_ =	strace $0x8000004E  }
0xb4: {  	_ =	swait.ge [sflag:s29], $0x1  }
0xb5: {  	[sflag:s29] =	ssyncadd.s32 $0xFFFFFFFF  }
0xb6: {  	_ =	strace $0x9000004E  }
0xb7: {  	_ =	sfence  }
0xb8: {  	s30 =	sld [smem:$0x0];
	_ =	sdelay $0x2  }
0xb9: {  	s31 =	sshll.u32 s1, $0xD;
	s1 =	sshrl.u32 s1, $0x2  }
0xba: {  	s3 =	sand.u32 $0x4000, s31;
	s1 =	sadd.s32 s1, s30  }
0xbb: {  	s0 =	sor.u32 s3, s0;
	s1 =	sshll.u32 s1, $0x11  }
0xbc: {  	s0 =	sor.u32 s1, s0  }
0xbd: {  	s0 =	sadd.s32 $0x8F2B, s0  }
0xbe: {  	[sflag:s0] =	ssyncadd.remote.s32 $0x1  }
0xbf: {  	_ =	sfence.sel $0xFFFF  }
0xc0: {  	[dreg:$0x0] =	wrdreg $0xFFFFFFFF;
	(pc) =	sbr.abs _section_cstart, $3  }
0xc1: {  	[dreg:$0x1] =	wrdreg $0xFFFFFFFF  }
0xc2: {  	_ =	task.clear_ibuf [dreg:s7], $0x2FFFF;
	_ =	strace $0x9FFFFFFF  }
0xc3: {  	(tm) =	ssettm $0x7FFFFFFF  }
tec
execute0_lowered:
.L_overlay_start_1:
0x0: {  	(tag) =	ssettag $0x1  }
0x1: {  	s0 =	rddreg [dreg:$0x0]  }
0x2: {  	s19 =	rddreg [dreg:$0x1]  }
0x3: {  	s2 =	rddreg [dreg:$0x2];
	s3 =	simm.s32 $0x0;
	s1 =	srdreg.scid  }
0x4: {  	s15 =	stileid.u32;
	[smem:$0x7FF] =	sst s3;
	s4 =	sadd.s32 $0xF200, s0  }
0x5: {  	s13 =	sadd.s32 $0x3A00, s0;
	s5 =	sadd.s32 $0xEA00, s0;
	s9 =	smul.u32 $0x50000, s15  }
0x6: {  	s1 =	sand.u32 $0x1, s1;
	s30 =	smul.u32 $0x280, s15;
	s16 =	sshll.u32 s15, $0x6  }
0x7: {  	s12 =	smul.u32 $0x2A00, s15;
	_ =	strace $0x8000004D;
	[dreg:$0xf] =	wrdreg s5  }
0x8: {  	s26 =	smul.u32 $0x28000, s1;
	s6 =	ssub.s32 $0x2, s1;
	s8 =	sshll.u32 s1, $0x4  }
0x9: {  	s16 =	sor.u32 $0x1C13, s16;
	s1 =	smul.u32 $0x2A000, s1;
	[dreg:$0xe] =	wrdreg s13  }
0xa: {  	s7 =	sshrl.u32 s6, $0x1;
	s28 =	sor.u32 s15, s8;
	s14 =	sshrl.u32 s9, $0x2  }
0xb: {  	s9 =	sadd.s32 $0x100, s30;
	[dreg:$0x11] =	wrdreg s16;
	s5 =	sadd.s32 s26, s0  }
0xc: {  	s0 =	ssub.s32 s6, s7;
	s6 =	smul.u32 $0x2A00, s28;
	s8 =	sadd.s32 s14, s2  }
0xd: {  	s11 =	sshll.u32 s9, $0x7;
	s7 =	sadd.s32 $0x200, s30;
	s1 =	sadd.s32 s12, s1  }
0xe: {  	s9 =	sshll.u32 s9, $0x4;
	[dreg:$0x10] =	wrdreg s8;
	s8 =	sadd.s32 $0x80, s30  }
0xf: {  	s17 =	sadd.s32 s11, s2;
	s20 =	sshll.u32 s7, $0x7;
	s12 =	sadd.s32 $0x4D0, s1  }
0x10: {  	s14 =	sadd.s32 $0x460, s1;
	s24 =	sadd.s32 $0x3F0, s1;
	s5 =	sadd.s32 $0x37200, s5  }
0x11: {  	s0 =	smax.u32 s0, $0x1;
	s10 =	sshll.u32 s8, $0x7;
	[dreg:$0x13] =	wrdreg s17  }
0x12: {  	s22 =	sshrl.u32 s14, $0x3;
	s14 =	sadd.s32 s9, s5;
	[smem:$0x7FC] =	sst s0  }
0x13: {  	s21 =	sshrl.u32 s12, $0x3;
	s10 =	sadd.s32 s10, s2;
	[dreg:$0x1a] =	wrdreg s14  }
0x14: {  	s6 =	sshrl.u32 s6, $0x3;
	s17 =	sadd.s32 s21, s13;
	[dreg:$0x12] =	wrdreg s10  }
0x15: {  	s26 =	sshrl.u32 s24, $0x3;
	s23 =	sadd.s32 s22, s13;
	[dreg:$0x4] =	wrdreg s17  }
0x16: {  	s8 =	sshll.u32 s8, $0x4;
	s25 =	sadd.s32 s22, s19;
	[dreg:$0x6] =	wrdreg s23  }
0x17: {  	s12 =	sor.u32 $0xE, s6;
	s28 =	sadd.s32 s26, s13;
	[dreg:$0x7] =	wrdreg s25  }
0x18: {  	s8 =	sadd.s32 s8, s5;
	s10 =	sadd.s32 $0x180, s30;
	[dreg:$0x8] =	wrdreg s28  }
0x19: {  	s30 =	sadd.s32 $0x380, s1;
	s17 =	sadd.s32 s26, s19;
	[dreg:$0x19] =	wrdreg s8  }
0x1a: {  	s24 =	sadd.s32 s19, s12;
	s12 =	sadd.s32 s13, s12;
	[dreg:$0x9] =	wrdreg s17  }
0x1b: {  	s28 =	sor.u32 $0x1C, s6;
	s18 =	sshll.u32 s10, $0x7;
	[dreg:$0x16] =	wrdreg s24  }
0x1c: {  	[dreg:$0x17] =	wrdreg s12;
	s10 =	sshll.u32 s10, $0x4;
	s17 =	sadd.s32 s19, s28  }
0x1d: {  	s11 =	sadd.s32 s18, s2;
	s18 =	sshrl.u32 s30, $0x3;
	[dreg:$0x1d] =	wrdreg s17  }
0x1e: {  	s30 =	smul.u32 $0x2800, s15;
	s15 =	sadd.s32 s10, s5;
	[dreg:$0x14] =	wrdreg s11  }
0x1f: {  	s11 =	sadd.s32 s20, s2;
	[dreg:$0x1b] =	wrdreg s15  }
0x20: {  	s20 =	sadd.s32 s18, s13;
	[dreg:$0x15] =	wrdreg s11  }
0x21: {  	s22 =	sadd.s32 s18, s19;
	[dreg:$0xa] =	wrdreg s20  }
0x22: {  	s7 =	sshll.u32 s7, $0x4;
	s11 =	sadd.s32 s21, s19;
	[dreg:$0xb] =	wrdreg s22  }
0x23: {  	s18 =	sor.u32 $0x2A, s6;
	s20 =	sadd.s32 s13, s28;
	[dreg:$0x5] =	wrdreg s11  }
0x24: {  	s21 =	sadd.s32 $0x310, s1;
	s11 =	sadd.s32 s30, s5;
	[dreg:$0x1e] =	wrdreg s20  }
0x25: {  	s22 =	sor.u32 $0x38, s6;
	s5 =	sadd.s32 s7, s5;
	[dreg:$0x18] =	wrdreg s11  }
0x26: {  	s23 =	sshrl.u32 s21, $0x3;
	s21 =	sadd.s32 s19, s18;
	[dreg:$0x1c] =	wrdreg s5  }
0x27: {  	s24 =	sadd.s32 s13, s22;
	[dreg:$0x1f] =	wrdreg s21  }
0x28: {  	s30 =	sadd.s32 $0x2A0, s1;
	[smem:$0x7F7] =	sst s24  }
0x29: {  	s29 =	simm.s32 $0xD;
	s25 =	sadd.s32 s23, s13;
	[smem:$0x7FD] =	sst s30  }
0x2a: {  	s31 =	simm.s32 $0x10;
	s26 =	sadd.s32 s23, s19;
	[dreg:$0xc] =	wrdreg s25  }
0x2b: {  	s9 =	simm.s32 $0x11;
	s5 =	sadd.s32 s13, s18;
	[dreg:$0xd] =	wrdreg s26  }
0x2c: {  	s0 =	simm.s32 $0x0;
	s23 =	sadd.s32 s19, s22;
	[smem:$0x7F5] =	sst s5  }
0x2d: {  	s10 =	simm.s32 $0x12;
	[smem:$0x7F6] =	sst s23;
	s25 =	sadd.s32 s19, s6  }
0x2e: {  	s28 =	sadd.s32 $0x46, s6;
	s26 =	sadd.s32 s13, s6;
	[smem:$0x7F8] =	sst s25  }
0x2f: {  	s1 =	simm.s32 $0xF;
	s6 =	sadd.s32 s19, s28;
	[smem:$0x7F9] =	sst s26  }
0x30: {  	s18 =	simm.s32 $0x13;
	s5 =	sadd.s32 s13, s28;
	[smem:$0x7FA] =	sst s6  }
0x31: {  	s21 =	simm.s32 $0x1;
	s22 =	simm.s32 $0x70;
	[smem:$0x7FB] =	sst s5  }
0x32: {  	s26 =	simm.s32 $0x80;
	s25 =	simm.s32 $0x2;
	s5 =	simm.s32 $0xE  }
.LBB2_1:
0x33: {  	[smem:$0x7EF] =	sst s0  }
0x34: {  	s15 =	rddreg [dreg:$0x10]  }
0x35: {  	s11 =	rddreg [dreg:$0xf];
	s8 =	sshrl.u32 s15, $0x3  }
0x36: {  	[smem:$0x7F0] =	sst s8  }
0x37: {  	[spmem:s8], [sflag:s16] =	dma.local [hbm:s11], $0x800  }
0x38: {  	_ =	swait.ge [sflag:s18], $0x800  }
0x39: {  	s17 =	rddreg [dreg:$0x12]  }
0x3a: {  	[sflag:s18] =	ssyncset.done $0x0;
	s12 =	sshrl.u32 s17, $0x3  }
0x3b: {  	[sflag:s18] =	ssyncadd.s32 $0xFFFFF800;
	[smem:$0x7F1] =	sst s12  }
0x3c: {  	[spmem:s12], [sflag:s16] =	dma.local [hbm:s11], $0x800  }
0x3d: {  	_ =	swait.ge [sflag:s18], $0x800  }
0x3e: {  	s14 =	rddreg [dreg:$0x13]  }
0x3f: {  	[sflag:s18] =	ssyncset.done $0x0;
	s20 =	sshrl.u32 s14, $0x3  }
0x40: {  	[sflag:s18] =	ssyncadd.s32 $0xFFFFF800;
	[smem:$0x7F2] =	sst s20  }
0x41: {  	[spmem:s20], [sflag:s16] =	dma.local [hbm:s11], $0x800  }
0x42: {  	_ =	swait.ge [sflag:s18], $0x800  }
0x43: {  	s23 =	rddreg [dreg:$0x14]  }
0x44: {  	[sflag:s18] =	ssyncset.done $0x0;
	s24 =	sshrl.u32 s23, $0x3  }
0x45: {  	[sflag:s18] =	ssyncadd.s32 $0xFFFFF800;
	[smem:$0x7F3] =	sst s24  }
0x46: {  	[spmem:s24], [sflag:s16] =	dma.local [hbm:s11], $0x800  }
0x47: {  	_ =	swait.ge [sflag:s18], $0x800  }
0x48: {  	s28 =	rddreg [dreg:$0x15]  }
0x49: {  	[sflag:s18] =	ssyncset.done $0x0;
	s30 =	sshrl.u32 s28, $0x3  }
0x4a: {  	[sflag:s18] =	ssyncadd.s32 $0xFFFFF800;
	[smem:$0x7F4] =	sst s30  }
0x4b: {  	[spmem:s30], [sflag:s16] =	dma.local [hbm:s11], $0x800  }
0x4c: {  	_ =	swait.ge [sflag:s18], $0x800  }
0x4d: {  	[sflag:s18] =	ssyncset.done $0x0  }
0x4e: {  	[sflag:s18] =	ssyncadd.s32 $0xFFFFF800  }
0x4f: {  	[bflag:$0x0] =	sbarrier.arrive $0xFFFF  }
0x50: {  	s0 =	sld [smem:$0x7F8];
	_ =	sdelay $0x1  }
0x51: {  	s6 =	sld [smem:$0x7F9]  }
0x52: {  	[tilespmem:s3], [sflag:$0x1] =	stream.linear.gather [hbm4b:s0+s3], $0x70, $0x38;
	[tilespmem:$0x1EE00] =	vst v63  }
0x53: {  	s18 =	simm.s32 $0x300;
	s7 =	rddreg [dreg:$0x16]  }
0x54: {  	[tilespmem:s18], [sflag:$0x7] =	stream.linear.gather [hbm4b:s6+s3], $0x70, $0x38;
	[tilespmem:$0x1EE00] =	vst v63  }
0x55: {  	s8 =	rddreg [dreg:$0x17]  }
0x56: {  	[tilespmem:s26], [sflag:$0x2] =	stream.linear.gather [hbm4b:s7+s3], $0x70, $0x38;
	[tilespmem:$0x1EE00] =	vst v63  }
0x57: {  	s20 =	simm.s32 $0x380;
	s11 =	rddreg [dreg:$0x1d]  }
0x58: {  	[tilespmem:s20], [sflag:$0x8] =	stream.linear.gather [hbm4b:s8+s3], $0x70, $0x38;
	[tilespmem:$0x1EE00] =	vst v63  }
0x59: {  	s12 =	rddreg [dreg:$0x1e];
	s0 =	simm.s32 $0x100  }
0x5a: {  	[tilespmem:s0], [sflag:$0x3] =	stream.linear.gather [hbm4b:s11+s3], $0x70, $0x38;
	[tilespmem:$0x1EE00] =	vst v63  }
0x5b: {  	s14 =	rddreg [dreg:$0x1f];
	s7 =	simm.s32 $0x400  }
0x5c: {  	[tilespmem:s7], [sflag:$0x9] =	stream.linear.gather [hbm4b:s12+s3], $0x70, $0x38;
	[tilespmem:$0x1EE00] =	vst v63  }
0x5d: {  	s16 =	sld [smem:$0x7F5];
	s6 =	simm.s32 $0x180  }
0x5e: {  	[tilespmem:s6], [sflag:$0x4] =	stream.linear.gather [hbm4b:s14+s3], $0x70, $0x38;
	[tilespmem:$0x1EE00] =	vst v63  }
0x5f: {  	s17 =	sld [smem:$0x7F6];
	s8 =	simm.s32 $0x480  }
0x60: {  	[tilespmem:s8], [sflag:$0xA] =	stream.linear.gather [hbm4b:s16+s3], $0x70, $0x38;
	[tilespmem:$0x1EE00] =	vst v63  }
0x61: {  	s23 =	sld [smem:$0x7F7];
	s11 =	simm.s32 $0x200  }
0x62: {  	[tilespmem:s11], [sflag:$0x5] =	stream.linear.gather [hbm4b:s17+s3], $0x70, $0x38;
	[tilespmem:$0x1EE00] =	vst v63  }
0x63: {  	s24 =	sld [smem:$0x7FA];
	s12 =	simm.s32 $0x500  }
0x64: {  	[tilespmem:s12], [sflag:$0xB] =	stream.linear.gather [hbm4b:s23+s3], $0x70, $0x38;
	[tilespmem:$0x1EE00] =	vst v63  }
0x65: {  	s28 =	sld [smem:$0x7FB];
	s14 =	simm.s32 $0x280  }
0x66: {  	[tilespmem:s14], [sflag:$0x6] =	stream.linear.gather [hbm4b:s24+s3], $0x70, $0x38;
	[tilespmem:$0x1EE00] =	vst v63  }
0x67: {  	s30 =	simm.s32 $0x580  }
0x68: {  	[tilespmem:s30], [sflag:$0xC] =	stream.linear.gather [hbm4b:s28+s3], $0x70, $0x38;
	[tilespmem:$0x1EE00] =	vst v63  }
0x69: {  	_ =	swait.ge [sflag:s21], $0x70  }
0x6a: {  	[sflag:s21] =	ssyncset.done $0x0  }
0x6b: {  	s24 =	simm.s32 $0x600;
	[sflag:s21] =	ssyncadd.s32 $0xFFFFFF90  }
0x6c: {  	[tilespmem:s24], [sflag:$0xD] =	stream.indirect.gather [hbm4b:s4+s22], $0x80, s3, s22, $0xb8;
	[tilespmem:$0x1EE00] =	vst v63  }
0x6d: {  	_ =	swait.ge [sflag:s25], $0x70  }
0x6e: {  	[sflag:s25] =	ssyncset.done $0x0  }
0x6f: {  	s23 =	simm.s32 $0x3;
	s30 =	simm.s32 $0x3E00;
	[sflag:s25] =	ssyncadd.s32 $0xFFFFFF90  }
0x70: {  	[tilespmem:s30], [sflag:$0xE] =	stream.indirect.gather [hbm4b:s4+s22], $0x80, s26, s22, $0xb8;
	[tilespmem:$0x1EE00] =	vst v63  }
0x71: {  	_ =	swait.ge [sflag:s23], $0x70  }
0x72: {  	[sflag:s23] =	ssyncset.done $0x0  }
0x73: {  	s28 =	simm.s32 $0x7600;
	[sflag:s23] =	ssyncadd.s32 $0xFFFFFF90  }
0x74: {  	[tilespmem:s28], [sflag:$0xF] =	stream.indirect.gather [hbm4b:s4+s22], $0x80, s0, s22, $0xb8;
	[tilespmem:$0x1EE00] =	vst v63  }
0x75: {  	_ =	swait.ge [sflag:s29], $0x3800  }
0x76: {  	[sflag:s29] =	ssyncset.done $0x0  }
0x77: {  	s17 =	simm.s32 $0x7;
	[sflag:s29] =	ssyncadd.s32 $0xFFFFC800  }
0x78: {  	_ =	swait.ge [sflag:s17], $0x70  }
0x79: {  	[sflag:s17] =	ssyncset.done $0x0  }
0x7a: {  	[sflag:s17] =	ssyncadd.s32 $0xFFFFFF90  }
0x7b: {  	[spmem:s2] =	stream.indirect.scatter.add.f32 [tilespmem:s24], [sflag:$0x10], $0x80, s18, s22, $0xb8;
	[tilespmem:$0x1EE00] =	vst v63  }
0x7c: {  	_ =	swait.ge [sflag:s31], $0x3800  }
0x7d: {  	s17 =	sld [smem:$0x7FD];
	_ =	sdelay $0x2  }
0x7e: {  	[sflag:s31] =	ssyncset.done $0x0;
	s15 =	sshrl.u32 s17, $0x3  }
0x7f: {  	[sflag:s31] =	ssyncadd.s32 $0xFFFFC800;
	s16 =	sadd.s32 s19, s15  }
0x80: {  	[tilespmem:s3], [sflag:$0x1] =	stream.linear.gather [hbm4b:s16+s3], $0x70, $0x38;
	[tilespmem:$0x1EE00] =	vst v63  }
0x81: {  	s15 =	sadd.s32 s13, s15  }
0x82: {  	[tilespmem:s18], [sflag:$0x7] =	stream.linear.gather [hbm4b:s15+s3], $0x70, $0x38;
	[tilespmem:$0x1EE00] =	vst v63  }
0x83: {  	s18 =	simm.s32 $0x4  }
0x84: {  	_ =	swait.ge [sflag:s18], $0x70  }
0x85: {  	[sflag:s18] =	ssyncset.done $0x0  }
0x86: {  	[sflag:s18] =	ssyncadd.s32 $0xFFFFFF90  }
0x87: {  	[tilespmem:s24], [sflag:$0xD] =	stream.indirect.gather [hbm4b:s4+s22], $0x80, s6, s22, $0xb8;
	[tilespmem:$0x1EE00] =	vst v63  }
0x88: {  	_ =	swait.ge [sflag:s5], $0x3800  }
0x89: {  	[sflag:s5] =	ssyncset.done $0x0  }
0x8a: {  	s13 =	simm.s32 $0x8;
	[sflag:s5] =	ssyncadd.s32 $0xFFFFC800  }
0x8b: {  	_ =	swait.ge [sflag:s13], $0x70  }
0x8c: {  	[sflag:s13] =	ssyncset.done $0x0  }
0x8d: {  	[sflag:s13] =	ssyncadd.s32 $0xFFFFFF90  }
0x8e: {  	[spmem:s2] =	stream.indirect.scatter.add.f32 [tilespmem:s30], [sflag:$0x11], $0x80, s20, s22, $0xb8;
	[tilespmem:$0x1EE00] =	vst v63  }
0x8f: {  	_ =	swait.ge [sflag:s9], $0x3800  }
0x90: {  	s16 =	rddreg [dreg:$0xd];
	[sflag:s9] =	ssyncset.done $0x0  }
0x91: {  	s18 =	rddreg [dreg:$0xc];
	[sflag:s9] =	ssyncadd.s32 $0xFFFFC800;
	s15 =	sadd.s32 $0x0, s16  }
0x92: {  	[tilespmem:s26], [sflag:$0x2] =	stream.linear.gather [hbm4b:s15+s3], $0x70, $0x38;
	[tilespmem:$0x1EE00] =	vst v63  }
0x93: {  	s13 =	sadd.s32 $0x0, s18;
	s16 =	simm.s32 $0x5  }
0x94: {  	[tilespmem:s20], [sflag:$0x8] =	stream.linear.gather [hbm4b:s13+s3], $0x70, $0x38;
	[tilespmem:$0x1EE00] =	vst v63  }
0x95: {  	_ =	swait.ge [sflag:s16], $0x70  }
0x96: {  	[sflag:s16] =	ssyncset.done $0x0  }
0x97: {  	[sflag:s16] =	ssyncadd.s32 $0xFFFFFF90  }
0x98: {  	[tilespmem:s30], [sflag:$0xE] =	stream.indirect.gather [hbm4b:s4+s22], $0x80, s11, s22, $0xb8;
	[tilespmem:$0x1EE00] =	vst v63  }
0x99: {  	_ =	swait.ge [sflag:s1], $0x3800  }
0x9a: {  	[sflag:s1] =	ssyncset.done $0x0  }
0x9b: {  	s18 =	simm.s32 $0x9;
	[sflag:s1] =	ssyncadd.s32 $0xFFFFC800  }
0x9c: {  	_ =	swait.ge [sflag:s18], $0x70  }
0x9d: {  	[sflag:s18] =	ssyncset.done $0x0  }
0x9e: {  	[sflag:s18] =	ssyncadd.s32 $0xFFFFFF90  }
0x9f: {  	[spmem:s2] =	stream.indirect.scatter.add.f32 [tilespmem:s28], [sflag:$0x12], $0x80, s7, s22, $0xb8;
	[tilespmem:$0x1EE00] =	vst v63  }
0xa0: {  	_ =	swait.ge [sflag:s10], $0x3800  }
0xa1: {  	s20 =	rddreg [dreg:$0xb];
	[sflag:s10] =	ssyncset.done $0x0  }
0xa2: {  	s13 =	rddreg [dreg:$0xa];
	[sflag:s10] =	ssyncadd.s32 $0xFFFFC800;
	s15 =	sadd.s32 $0x0, s20  }
0xa3: {  	[tilespmem:s0], [sflag:$0x3] =	stream.linear.gather [hbm4b:s15+s3], $0x70, $0x38;
	[tilespmem:$0x1EE00] =	vst v63  }
0xa4: {  	s18 =	simm.s32 $0x6;
	s16 =	sadd.s32 $0x0, s13  }
0xa5: {  	[tilespmem:s7], [sflag:$0x9] =	stream.linear.gather [hbm4b:s16+s3], $0x70, $0x38;
	[tilespmem:$0x1EE00] =	vst v63  }
0xa6: {  	_ =	swait.ge [sflag:s18], $0x70  }
0xa7: {  	[sflag:s18] =	ssyncset.done $0x0  }
0xa8: {  	[sflag:s18] =	ssyncadd.s32 $0xFFFFFF90  }
0xa9: {  	[tilespmem:s28], [sflag:$0xF] =	stream.indirect.gather [hbm4b:s4+s22], $0x80, s14, s22, $0xb8;
	[tilespmem:$0x1EE00] =	vst v63  }
0xaa: {  	_ =	swait.ge [sflag:s29], $0x3800  }
0xab: {  	[sflag:s29] =	ssyncset.done $0x0  }
0xac: {  	s20 =	simm.s32 $0xA;
	[sflag:s29] =	ssyncadd.s32 $0xFFFFC800  }
0xad: {  	_ =	swait.ge [sflag:s20], $0x70  }
0xae: {  	[sflag:s20] =	ssyncset.done $0x0  }
0xaf: {  	[sflag:s20] =	ssyncadd.s32 $0xFFFFFF90  }
0xb0: {  	[spmem:s2] =	stream.indirect.scatter.add.f32 [tilespmem:s24], [sflag:$0x10], $0x80, s8, s22, $0xb8;
	[tilespmem:$0x1EE00] =	vst v63  }
0xb1: {  	_ =	swait.ge [sflag:s31], $0x3800  }
0xb2: {  	s0 =	rddreg [dreg:$0x9];
	[sflag:s31] =	ssyncset.done $0x0  }
0xb3: {  	s7 =	rddreg [dreg:$0x8];
	[sflag:s31] =	ssyncadd.s32 $0xFFFFC800;
	s15 =	sadd.s32 $0x0, s0  }
0xb4: {  	[tilespmem:s6], [sflag:$0x4] =	stream.linear.gather [hbm4b:s15+s3], $0x70, $0x38;
	[tilespmem:$0x1EE00] =	vst v63  }
0xb5: {  	s13 =	sadd.s32 $0x0, s7  }
0xb6: {  	[tilespmem:s8], [sflag:$0xA] =	stream.linear.gather [hbm4b:s13+s3], $0x70, $0x38;
	[tilespmem:$0x1EE00] =	vst v63  }
0xb7: {  	_ =	swait.ge [sflag:s21], $0x70  }
0xb8: {  	[sflag:s21] =	ssyncset.done $0x0  }
0xb9: {  	[sflag:s21] =	ssyncadd.s32 $0xFFFFFF90  }
0xba: {  	[tilespmem:s24], [sflag:$0xD] =	stream.indirect.gather [hbm4b:s4+s22], $0x80, s3, s22, $0xb8;
	[tilespmem:$0x1EE00] =	vst v63  }
0xbb: {  	_ =	swait.ge [sflag:s5], $0x3800  }
0xbc: {  	[sflag:s5] =	ssyncset.done $0x0  }
0xbd: {  	s16 =	simm.s32 $0xB;
	[sflag:s5] =	ssyncadd.s32 $0xFFFFC800  }
0xbe: {  	_ =	swait.ge [sflag:s16], $0x70  }
0xbf: {  	[sflag:s16] =	ssyncset.done $0x0  }
0xc0: {  	[sflag:s16] =	ssyncadd.s32 $0xFFFFFF90  }
0xc1: {  	[spmem:s2] =	stream.indirect.scatter.add.f32 [tilespmem:s30], [sflag:$0x11], $0x80, s12, s22, $0xb8;
	[tilespmem:$0x1EE00] =	vst v63  }
0xc2: {  	_ =	swait.ge [sflag:s9], $0x3800  }
0xc3: {  	s18 =	rddreg [dreg:$0x7];
	[sflag:s9] =	ssyncset.done $0x0  }
0xc4: {  	s20 =	rddreg [dreg:$0x6];
	[sflag:s9] =	ssyncadd.s32 $0xFFFFC800;
	s15 =	sadd.s32 $0x0, s18  }
0xc5: {  	[tilespmem:s11], [sflag:$0x5] =	stream.linear.gather [hbm4b:s15+s3], $0x70, $0x38;
	[tilespmem:$0x1EE00] =	vst v63  }
0xc6: {  	s21 =	sadd.s32 $0x0, s20  }
0xc7: {  	[tilespmem:s12], [sflag:$0xB] =	stream.linear.gather [hbm4b:s21+s3], $0x70, $0x38;
	[tilespmem:$0x1EE00] =	vst v63  }
0xc8: {  	_ =	swait.ge [sflag:s25], $0x70  }
0xc9: {  	[sflag:s25] =	ssyncset.done $0x0  }
0xca: {  	[sflag:s25] =	ssyncadd.s32 $0xFFFFFF90  }
0xcb: {  	[tilespmem:s30], [sflag:$0xE] =	stream.indirect.gather [hbm4b:s4+s22], $0x80, s26, s22, $0xb8;
	[tilespmem:$0x1EE00] =	vst v63  }
0xcc: {  	_ =	swait.ge [sflag:s1], $0x3800  }
0xcd: {  	[sflag:s1] =	ssyncset.done $0x0  }
0xce: {  	s24 =	simm.s32 $0xC;
	[sflag:s1] =	ssyncadd.s32 $0xFFFFC800  }
0xcf: {  	_ =	swait.ge [sflag:s24], $0x70  }
0xd0: {  	[sflag:s24] =	ssyncset.done $0x0  }
0xd1: {  	s25 =	simm.s32 $0x580;
	[sflag:s24] =	ssyncadd.s32 $0xFFFFFF90  }
0xd2: {  	[spmem:s2] =	stream.indirect.scatter.add.f32 [tilespmem:s28], [sflag:$0x12], $0x80, s25, s22, $0xb8;
	[tilespmem:$0x1EE00] =	vst v63  }
0xd3: {  	_ =	swait.ge [sflag:s10], $0x3800  }
0xd4: {  	s26 =	rddreg [dreg:$0x5];
	[sflag:s10] =	ssyncset.done $0x0  }
0xd5: {  	s28 =	rddreg [dreg:$0x4];
	[sflag:s10] =	ssyncadd.s32 $0xFFFFC800;
	s15 =	sadd.s32 $0x0, s26  }
0xd6: {  	[tilespmem:s14], [sflag:$0x6] =	stream.linear.gather [hbm4b:s15+s3], $0x70, $0x38;
	[tilespmem:$0x1EE00] =	vst v63  }
0xd7: {  	s30 =	sadd.s32 $0x0, s28  }
0xd8: {  	[tilespmem:s25], [sflag:$0xC] =	stream.linear.gather [hbm4b:s30+s3], $0x70, $0x38;
	[tilespmem:$0x1EE00] =	vst v63  }
0xd9: {  	_ =	swait.ge [sflag:s23], $0x70  }
0xda: {  	s16 =	sadd.s32 $0x2A0, s17;
	s21 =	simm.s32 $0x1;
	[sflag:s23] =	ssyncset.done $0x0  }
0xdb: {  	s15 =	simm.s32 $0x54;
	s25 =	simm.s32 $0x2;
	[sflag:s23] =	ssyncadd.s32 $0xFFFFFF90  }
.LBB2_2:
0xdc: {  	s7 =	simm.s32 $0x100;
	s28 =	simm.s32 $0x7600  }
0xdd: {  	[tilespmem:s28], [sflag:$0xF] =	stream.indirect.gather [hbm4b:s4+s22], $0x80, s7, s22, $0xb8;
	[tilespmem:$0x1EE00] =	vst v63  }
0xde: {  	_ =	swait.ge [sflag:s29], $0x3800  }
0xdf: {  	[sflag:s29] =	ssyncset.done $0x0  }
0xe0: {  	s0 =	simm.s32 $0x7;
	[sflag:s29] =	ssyncadd.s32 $0xFFFFC800  }
0xe1: {  	_ =	swait.ge [sflag:s0], $0x70  }
0xe2: {  	[sflag:s0] =	ssyncset.done $0x0  }
0xe3: {  	s26 =	simm.s32 $0x300;
	s13 =	simm.s32 $0x600;
	[sflag:s0] =	ssyncadd.s32 $0xFFFFFF90  }
0xe4: {  	[spmem:s2] =	stream.indirect.scatter.add.f32 [tilespmem:s13], [sflag:$0x10], $0x80, s26, s22, $0xb8;
	[tilespmem:$0x1EE00] =	vst v63  }
0xe5: {  	_ =	swait.ge [sflag:s31], $0x3800  }
0xe6: {  	s18 =	sshrl.u32 s16, $0x3;
	[sflag:s31] =	ssyncset.done $0x0  }
0xe7: {  	s12 =	sadd.s32 s19, s18;
	s14 =	rddreg [dreg:$0xe];
	[sflag:s31] =	ssyncadd.s32 $0xFFFFC800  }
0xe8: {  	[tilespmem:s3], [sflag:$0x1] =	stream.linear.gather [hbm4b:s12+s3], $0x70, $0x38;
	[tilespmem:$0x1EE00] =	vst v63  }
0xe9: {  	s20 =	smov.u32 s19;
	s19 =	simm.s32 $0x4;
	s18 =	sadd.s32 s14, s18  }
0xea: {  	[tilespmem:s26], [sflag:$0x7] =	stream.linear.gather [hbm4b:s18+s3], $0x70, $0x38;
	[tilespmem:$0x1EE00] =	vst v63  }
0xeb: {  	_ =	swait.ge [sflag:s19], $0x70  }
0xec: {  	[sflag:s19] =	ssyncset.done $0x0  }
0xed: {  	s6 =	simm.s32 $0x180;
	[sflag:s19] =	ssyncadd.s32 $0xFFFFFF90  }
0xee: {  	[tilespmem:s13], [sflag:$0xD] =	stream.indirect.gather [hbm4b:s4+s22], $0x80, s6, s22, $0xb8;
	[tilespmem:$0x1EE00] =	vst v63  }
0xef: {  	_ =	swait.ge [sflag:s5], $0x3800  }
0xf0: {  	[sflag:s5] =	ssyncset.done $0x0  }
0xf1: {  	s23 =	simm.s32 $0x8;
	[sflag:s5] =	ssyncadd.s32 $0xFFFFC800  }
0xf2: {  	_ =	swait.ge [sflag:s23], $0x70  }
0xf3: {  	[sflag:s23] =	ssyncset.done $0x0  }
0xf4: {  	s8 =	simm.s32 $0x380;
	[sflag:s23] =	ssyncadd.s32 $0xFFFFFF90;
	s23 =	simm.s32 $0x3E00  }
0xf5: {  	[spmem:s2] =	stream.indirect.scatter.add.f32 [tilespmem:s23], [sflag:$0x11], $0x80, s8, s22, $0xb8;
	[tilespmem:$0x1EE00] =	vst v63  }
0xf6: {  	s17 =	smov.u32 s15;
	_ =	swait.ge [sflag:s9], $0x3800  }
0xf7: {  	s26 =	simm.s32 $0x80;
	s11 =	rddreg [dreg:$0xd];
	[sflag:s9] =	ssyncset.done $0x0  }
0xf8: {  	s12 =	rddreg [dreg:$0xc];
	[sflag:s9] =	ssyncadd.s32 $0xFFFFC800;
	s18 =	sadd.s32 s17, s11  }
0xf9: {  	[tilespmem:s26], [sflag:$0x2] =	stream.linear.gather [hbm4b:s18+s3], $0x70, $0x38;
	[tilespmem:$0x1EE00] =	vst v63  }
0xfa: {  	s14 =	sadd.s32 s17, s12;
	s18 =	simm.s32 $0x5  }
0xfb: {  	[tilespmem:s8], [sflag:$0x8] =	stream.linear.gather [hbm4b:s14+s3], $0x70, $0x38;
	[tilespmem:$0x1EE00] =	vst v63  }
0xfc: {  	_ =	swait.ge [sflag:s18], $0x70  }
0xfd: {  	[sflag:s18] =	ssyncset.done $0x0  }
0xfe: {  	s12 =	simm.s32 $0x200;
	[sflag:s18] =	ssyncadd.s32 $0xFFFFFF90  }
0xff: {  	[tilespmem:s23], [sflag:$0xE] =	stream.indirect.gather [hbm4b:s4+s22], $0x80, s12, s22, $0xb8;
	[tilespmem:$0x1EE00] =	vst v63  }
0x100: {  	_ =	swait.ge [sflag:s1], $0x3800  }
0x101: {  	[sflag:s1] =	ssyncset.done $0x0  }
0x102: {  	s19 =	simm.s32 $0x9;
	[sflag:s1] =	ssyncadd.s32 $0xFFFFC800  }
0x103: {  	_ =	swait.ge [sflag:s19], $0x70  }
0x104: {  	[sflag:s19] =	ssyncset.done $0x0  }
0x105: {  	s8 =	simm.s32 $0x400;
	[sflag:s19] =	ssyncadd.s32 $0xFFFFFF90  }
0x106: {  	[spmem:s2] =	stream.indirect.scatter.add.f32 [tilespmem:s28], [sflag:$0x12], $0x80, s8, s22, $0xb8;
	[tilespmem:$0x1EE00] =	vst v63  }
0x107: {  	_ =	swait.ge [sflag:s10], $0x3800  }
0x108: {  	s0 =	rddreg [dreg:$0xb];
	[sflag:s10] =	ssyncset.done $0x0  }
0x109: {  	s11 =	rddreg [dreg:$0xa];
	[sflag:s10] =	ssyncadd.s32 $0xFFFFC800;
	s18 =	sadd.s32 s17, s0  }
0x10a: {  	[tilespmem:s7], [sflag:$0x3] =	stream.linear.gather [hbm4b:s18+s3], $0x70, $0x38;
	[tilespmem:$0x1EE00] =	vst v63  }
0x10b: {  	s14 =	sadd.s32 s17, s11;
	s18 =	simm.s32 $0x6  }
0x10c: {  	[tilespmem:s8], [sflag:$0x9] =	stream.linear.gather [hbm4b:s14+s3], $0x70, $0x38;
	[tilespmem:$0x1EE00] =	vst v63  }
0x10d: {  	_ =	swait.ge [sflag:s18], $0x70  }
0x10e: {  	[sflag:s18] =	ssyncset.done $0x0  }
0x10f: {  	s14 =	simm.s32 $0x280;
	[sflag:s18] =	ssyncadd.s32 $0xFFFFFF90  }
0x110: {  	[tilespmem:s28], [sflag:$0xF] =	stream.indirect.gather [hbm4b:s4+s22], $0x80, s14, s22, $0xb8;
	[tilespmem:$0x1EE00] =	vst v63  }
0x111: {  	_ =	swait.ge [sflag:s29], $0x3800  }
0x112: {  	[sflag:s29] =	ssyncset.done $0x0  }
0x113: {  	s19 =	simm.s32 $0xA;
	[sflag:s29] =	ssyncadd.s32 $0xFFFFC800  }
0x114: {  	_ =	swait.ge [sflag:s19], $0x70  }
0x115: {  	[sflag:s19] =	ssyncset.done $0x0  }
0x116: {  	s11 =	simm.s32 $0x480;
	[sflag:s19] =	ssyncadd.s32 $0xFFFFFF90  }
0x117: {  	[spmem:s2] =	stream.indirect.scatter.add.f32 [tilespmem:s13], [sflag:$0x10], $0x80, s11, s22, $0xb8;
	[tilespmem:$0x1EE00] =	vst v63  }
0x118: {  	_ =	swait.ge [sflag:s31], $0x3800  }
0x119: {  	s8 =	rddreg [dreg:$0x9];
	[sflag:s31] =	ssyncset.done $0x0  }
0x11a: {  	s19 =	rddreg [dreg:$0x8];
	[sflag:s31] =	ssyncadd.s32 $0xFFFFC800;
	s18 =	sadd.s32 s17, s8  }
0x11b: {  	[tilespmem:s6], [sflag:$0x4] =	stream.linear.gather [hbm4b:s18+s3], $0x70, $0x38;
	[tilespmem:$0x1EE00] =	vst v63  }
0x11c: {  	s19 =	sadd.s32 s17, s19  }
0x11d: {  	[tilespmem:s11], [sflag:$0xA] =	stream.linear.gather [hbm4b:s19+s3], $0x70, $0x38;
	[tilespmem:$0x1EE00] =	vst v63  }
0x11e: {  	_ =	swait.ge [sflag:s21], $0x70  }
0x11f: {  	[sflag:s21] =	ssyncset.done $0x0  }
0x120: {  	[sflag:s21] =	ssyncadd.s32 $0xFFFFFF90  }
0x121: {  	[tilespmem:s13], [sflag:$0xD] =	stream.indirect.gather [hbm4b:s4+s22], $0x80, s3, s22, $0xb8;
	[tilespmem:$0x1EE00] =	vst v63  }
0x122: {  	_ =	swait.ge [sflag:s5], $0x3800  }
0x123: {  	[sflag:s5] =	ssyncset.done $0x0  }
0x124: {  	s19 =	simm.s32 $0xB;
	[sflag:s5] =	ssyncadd.s32 $0xFFFFC800  }
0x125: {  	_ =	swait.ge [sflag:s19], $0x70  }
0x126: {  	[sflag:s19] =	ssyncset.done $0x0  }
0x127: {  	s13 =	simm.s32 $0x500;
	[sflag:s19] =	ssyncadd.s32 $0xFFFFFF90  }
0x128: {  	[spmem:s2] =	stream.indirect.scatter.add.f32 [tilespmem:s23], [sflag:$0x11], $0x80, s13, s22, $0xb8;
	[tilespmem:$0x1EE00] =	vst v63  }
0x129: {  	_ =	swait.ge [sflag:s9], $0x3800  }
0x12a: {  	s11 =	rddreg [dreg:$0x7];
	[sflag:s9] =	ssyncset.done $0x0  }
0x12b: {  	s19 =	rddreg [dreg:$0x6];
	[sflag:s9] =	ssyncadd.s32 $0xFFFFC800;
	s18 =	sadd.s32 s17, s11  }
0x12c: {  	[tilespmem:s12], [sflag:$0x5] =	stream.linear.gather [hbm4b:s18+s3], $0x70, $0x38;
	[tilespmem:$0x1EE00] =	vst v63  }
0x12d: {  	s19 =	sadd.s32 s17, s19  }
0x12e: {  	[tilespmem:s13], [sflag:$0xB] =	stream.linear.gather [hbm4b:s19+s3], $0x70, $0x38;
	[tilespmem:$0x1EE00] =	vst v63  }
0x12f: {  	_ =	swait.ge [sflag:s25], $0x70  }
0x130: {  	[sflag:s25] =	ssyncset.done $0x0  }
0x131: {  	[sflag:s25] =	ssyncadd.s32 $0xFFFFFF90  }
0x132: {  	[tilespmem:s23], [sflag:$0xE] =	stream.indirect.gather [hbm4b:s4+s22], $0x80, s26, s22, $0xb8;
	[tilespmem:$0x1EE00] =	vst v63  }
0x133: {  	_ =	swait.ge [sflag:s1], $0x3800  }
0x134: {  	[sflag:s1] =	ssyncset.done $0x0  }
0x135: {  	s18 =	simm.s32 $0xC;
	[sflag:s1] =	ssyncadd.s32 $0xFFFFC800  }
0x136: {  	p0 =	sne.s32 s15, $0x498;
	s15 =	sadd.s32 $0x54, s15;
	_ =	swait.ge [sflag:s18], $0x70  }
0x137: {  	s24 =	simm.s32 $0x300;
	s30 =	simm.s32 $0x380;
	[sflag:s18] =	ssyncset.done $0x0  }
0x138: {  	s16 =	sadd.s32 $0x2A0, s16;
	s23 =	simm.s32 $0x580;
	[sflag:s18] =	ssyncadd.s32 $0xFFFFFF90  }
0x139: {  	[spmem:s2] =	stream.indirect.scatter.add.f32 [tilespmem:s28], [sflag:$0x12], $0x80, s23, s22, $0xb8;
	[tilespmem:$0x1EE00] =	vst v63  }
0x13a: {  	s0 =	simm.s32 $0x100;
	s7 =	simm.s32 $0x400;
	_ =	swait.ge [sflag:s10], $0x3800  }
0x13b: {  	s8 =	simm.s32 $0x180;
	s19 =	rddreg [dreg:$0x5];
	[sflag:s10] =	ssyncset.done $0x0  }
0x13c: {  	s28 =	rddreg [dreg:$0x4];
	[sflag:s10] =	ssyncadd.s32 $0xFFFFC800;
	s18 =	sadd.s32 s17, s19  }
0x13d: {  	[tilespmem:s14], [sflag:$0x6] =	stream.linear.gather [hbm4b:s18+s3], $0x70, $0x38;
	[tilespmem:$0x1EE00] =	vst v63  }
.Ltmp0:
0x13e: {  	s17 =	sadd.s32 s17, s28;
	s28 =	simm.s32 $0x3;
	(pc) =	sbr.rel @p0 .LBB2_2-.Ltmp0, $4  }
0x13f: {  	[tilespmem:s23], [sflag:$0xC] =	stream.linear.gather [hbm4b:s17+s3], $0x70, $0x38;
	[tilespmem:$0x1EE00] =	vst v63  }
0x140: {  	s6 =	simm.s32 $0x480;
	s11 =	simm.s32 $0x200;
	_ =	swait.ge [sflag:s28], $0x70  }
0x141: {  	s12 =	simm.s32 $0x500;
	s13 =	simm.s32 $0x280;
	[sflag:s28] =	ssyncset.done $0x0  }
0x142: {  	s19 =	smov.u32 s20;
	s14 =	simm.s32 $0x580;
	[sflag:s28] =	ssyncadd.s32 $0xFFFFFF90  }
0x143: {  	s15 =	simm.s32 $0x7600  }
0x144: {  	[tilespmem:s15], [sflag:$0xF] =	stream.indirect.gather [hbm4b:s4+s22], $0x80, s0, s22, $0xb8;
	[tilespmem:$0x1EE00] =	vst v63  }
0x145: {  	_ =	swait.ge [sflag:s29], $0x3800  }
0x146: {  	[sflag:s29] =	ssyncset.done $0x0  }
0x147: {  	s18 =	simm.s32 $0x7;
	[sflag:s29] =	ssyncadd.s32 $0xFFFFC800  }
0x148: {  	_ =	swait.ge [sflag:s18], $0x70  }
0x149: {  	[sflag:s18] =	ssyncset.done $0x0  }
0x14a: {  	s20 =	simm.s32 $0x600;
	[sflag:s18] =	ssyncadd.s32 $0xFFFFFF90  }
0x14b: {  	[spmem:s2] =	stream.indirect.scatter.add.f32 [tilespmem:s20], [sflag:$0x10], $0x80, s24, s22, $0xb8;
	[tilespmem:$0x1EE00] =	vst v63  }
0x14c: {  	_ =	swait.ge [sflag:s31], $0x3800  }
0x14d: {  	[sflag:s31] =	ssyncset.done $0x0  }
0x14e: {  	s16 =	simm.s32 $0x4;
	[sflag:s31] =	ssyncadd.s32 $0xFFFFC800  }
0x14f: {  	_ =	swait.ge [sflag:s16], $0x70  }
0x150: {  	[sflag:s16] =	ssyncset.done $0x0  }
0x151: {  	[sflag:s16] =	ssyncadd.s32 $0xFFFFFF90  }
0x152: {  	[tilespmem:s20], [sflag:$0xD] =	stream.indirect.gather [hbm4b:s4+s22], $0x80, s8, s22, $0xb8;
	[tilespmem:$0x1EE00] =	vst v63  }
0x153: {  	_ =	swait.ge [sflag:s5], $0x3800  }
0x154: {  	[sflag:s5] =	ssyncset.done $0x0  }
0x155: {  	s21 =	simm.s32 $0x8;
	[sflag:s5] =	ssyncadd.s32 $0xFFFFC800  }
0x156: {  	_ =	swait.ge [sflag:s21], $0x70  }
0x157: {  	[sflag:s21] =	ssyncset.done $0x0  }
0x158: {  	s23 =	simm.s32 $0x3E00;
	[sflag:s21] =	ssyncadd.s32 $0xFFFFFF90  }
0x159: {  	[spmem:s2] =	stream.indirect.scatter.add.f32 [tilespmem:s23], [sflag:$0x11], $0x80, s30, s22, $0xb8;
	[tilespmem:$0x1EE00] =	vst v63  }
0x15a: {  	_ =	swait.ge [sflag:s9], $0x3800  }
0x15b: {  	[sflag:s9] =	ssyncset.done $0x0  }
0x15c: {  	s24 =	simm.s32 $0x5;
	[sflag:s9] =	ssyncadd.s32 $0xFFFFC800  }
0x15d: {  	_ =	swait.ge [sflag:s24], $0x70  }
0x15e: {  	[sflag:s24] =	ssyncset.done $0x0  }
0x15f: {  	[sflag:s24] =	ssyncadd.s32 $0xFFFFFF90  }
0x160: {  	[tilespmem:s23], [sflag:$0xE] =	stream.indirect.gather [hbm4b:s4+s22], $0x80, s11, s22, $0xb8;
	[tilespmem:$0x1EE00] =	vst v63  }
0x161: {  	_ =	swait.ge [sflag:s1], $0x3800  }
0x162: {  	[sflag:s1] =	ssyncset.done $0x0  }
0x163: {  	s25 =	simm.s32 $0x9;
	[sflag:s1] =	ssyncadd.s32 $0xFFFFC800  }
0x164: {  	_ =	swait.ge [sflag:s25], $0x70  }
0x165: {  	[sflag:s25] =	ssyncset.done $0x0  }
0x166: {  	[sflag:s25] =	ssyncadd.s32 $0xFFFFFF90  }
0x167: {  	[spmem:s2] =	stream.indirect.scatter.add.f32 [tilespmem:s15], [sflag:$0x12], $0x80, s7, s22, $0xb8;
	[tilespmem:$0x1EE00] =	vst v63  }
0x168: {  	_ =	swait.ge [sflag:s10], $0x3800  }
0x169: {  	[sflag:s10] =	ssyncset.done $0x0  }
0x16a: {  	s28 =	simm.s32 $0x6;
	[sflag:s10] =	ssyncadd.s32 $0xFFFFC800  }
0x16b: {  	_ =	swait.ge [sflag:s28], $0x70  }
0x16c: {  	[sflag:s28] =	ssyncset.done $0x0  }
0x16d: {  	[sflag:s28] =	ssyncadd.s32 $0xFFFFFF90  }
0x16e: {  	[tilespmem:s15], [sflag:$0xF] =	stream.indirect.gather [hbm4b:s4+s22], $0x80, s13, s22, $0xb8;
	[tilespmem:$0x1EE00] =	vst v63  }
0x16f: {  	_ =	swait.ge [sflag:s29], $0x3800  }
0x170: {  	[sflag:s29] =	ssyncset.done $0x0  }
0x171: {  	s30 =	simm.s32 $0xA;
	[sflag:s29] =	ssyncadd.s32 $0xFFFFC800  }
0x172: {  	_ =	swait.ge [sflag:s30], $0x70  }
0x173: {  	[sflag:s30] =	ssyncset.done $0x0  }
0x174: {  	[sflag:s30] =	ssyncadd.s32 $0xFFFFFF90  }
0x175: {  	[spmem:s2] =	stream.indirect.scatter.add.f32 [tilespmem:s20], [sflag:$0x10], $0x80, s6, s22, $0xb8;
	[tilespmem:$0x1EE00] =	vst v63  }
0x176: {  	_ =	swait.ge [sflag:s5], $0x3800  }
0x177: {  	[sflag:s5] =	ssyncset.done $0x0  }
0x178: {  	s7 =	simm.s32 $0xB;
	[sflag:s5] =	ssyncadd.s32 $0xFFFFC800  }
0x179: {  	_ =	swait.ge [sflag:s7], $0x70  }
0x17a: {  	[sflag:s7] =	ssyncset.done $0x0  }
0x17b: {  	[sflag:s7] =	ssyncadd.s32 $0xFFFFFF90  }
0x17c: {  	[spmem:s2] =	stream.indirect.scatter.add.f32 [tilespmem:s23], [sflag:$0x11], $0x80, s12, s22, $0xb8;
	[tilespmem:$0x1EE00] =	vst v63  }
0x17d: {  	_ =	swait.ge [sflag:s1], $0x3800  }
0x17e: {  	[sflag:s1] =	ssyncset.done $0x0  }
0x17f: {  	s8 =	simm.s32 $0xC;
	[sflag:s1] =	ssyncadd.s32 $0xFFFFC800  }
0x180: {  	_ =	swait.ge [sflag:s8], $0x70  }
0x181: {  	[sflag:s8] =	ssyncset.done $0x0  }
0x182: {  	[sflag:s8] =	ssyncadd.s32 $0xFFFFFF90  }
0x183: {  	[spmem:s2] =	stream.indirect.scatter.add.f32 [tilespmem:s15], [sflag:$0x12], $0x80, s14, s22, $0xb8;
	[tilespmem:$0x1EE00] =	vst v63  }
0x184: {  	_ =	swait.ge [sflag:s31], $0x3800  }
0x185: {  	[sflag:s31] =	ssyncset.done $0x0  }
0x186: {  	[sflag:s31] =	ssyncadd.s32 $0xFFFFC800  }
0x187: {  	_ =	swait.ge [sflag:s9], $0x3800  }
0x188: {  	[sflag:s9] =	ssyncset.done $0x0  }
0x189: {  	[sflag:s9] =	ssyncadd.s32 $0xFFFFC800  }
0x18a: {  	_ =	swait.ge [sflag:s10], $0x3800  }
0x18b: {  	[sflag:s10] =	ssyncset.done $0x0  }
0x18c: {  	[sflag:s10] =	ssyncadd.s32 $0xFFFFC800  }
0x18d: {  	[bflag:$0x0] =	sbarrier.arrive $0xFFFF  }
0x18e: {  	s12 =	sld [smem:$0x7F0]  }
0x18f: {  	s16 =	rddreg [dreg:$0x11]  }
0x190: {  	s18 =	simm.s32 $0x13;
	s11 =	rddreg [dreg:$0x18]  }
0x191: {  	[hbm:s11], [sflag:s16] =	dma.local [spmem:s12], $0x800  }
0x192: {  	_ =	swait.ge [sflag:s18], $0x800  }
0x193: {  	s14 =	sld [smem:$0x7F1]  }
0x194: {  	[sflag:s18] =	ssyncset.done $0x0  }
0x195: {  	s13 =	rddreg [dreg:$0x19];
	[sflag:s18] =	ssyncadd.s32 $0xFFFFF800  }
0x196: {  	[hbm:s13], [sflag:s16] =	dma.local [spmem:s14], $0x800  }
0x197: {  	_ =	swait.ge [sflag:s18], $0x800  }
0x198: {  	s20 =	sld [smem:$0x7F2]  }
0x199: {  	[sflag:s18] =	ssyncset.done $0x0  }
0x19a: {  	s17 =	rddreg [dreg:$0x1a];
	[sflag:s18] =	ssyncadd.s32 $0xFFFFF800  }
0x19b: {  	[hbm:s17], [sflag:s16] =	dma.local [spmem:s20], $0x800  }
0x19c: {  	_ =	swait.ge [sflag:s18], $0x800  }
0x19d: {  	s23 =	sld [smem:$0x7F3]  }
0x19e: {  	[sflag:s18] =	ssyncset.done $0x0  }
0x19f: {  	s21 =	rddreg [dreg:$0x1b];
	[sflag:s18] =	ssyncadd.s32 $0xFFFFF800  }
0x1a0: {  	[hbm:s21], [sflag:s16] =	dma.local [spmem:s23], $0x800  }
0x1a1: {  	_ =	swait.ge [sflag:s18], $0x800  }
0x1a2: {  	s25 =	sld [smem:$0x7F4]  }
0x1a3: {  	[sflag:s18] =	ssyncset.done $0x0  }
0x1a4: {  	s24 =	rddreg [dreg:$0x1c];
	[sflag:s18] =	ssyncadd.s32 $0xFFFFF800  }
0x1a5: {  	[hbm:s24], [sflag:s16] =	dma.local [spmem:s25], $0x800  }
0x1a6: {  	_ =	swait.ge [sflag:s18], $0x800  }
0x1a7: {  	s28 =	sld [smem:$0x7EF]  }
0x1a8: {  	s30 =	sld [smem:$0x7FC];
	_ =	sdelay $0x1  }
0x1a9: {  	s0 =	sadd.s32 $0x1, s28  }
0x1aa: {  	p0 =	sne.s32 s0, s30  }
.Ltmp1:
0x1ab: {  	_ = 	snop;
	(pc) =	sbr.rel @p0 .LBB2_1-.Ltmp1, $3  }
0x1ac: {  	_ =	sdelay $0x1  }
0x1ad: {  	s21 =	simm.s32 $0x1;
	[sflag:s18] =	ssyncset.done $0x0  }
0x1ae: {  	s25 =	simm.s32 $0x2;
	s13 =	rddreg [dreg:$0xe];
	[sflag:s18] =	ssyncadd.s32 $0xFFFFF800  }
0x1af: {  	_ =	sfence.sel $0x180000  }
0x1b0: {  	[bflag:$0x0] =	sbarrier.arrive $0xFFFF  }
0x1b1: {  	_ =	strace $0x9000004D  }
0x1b2: {  	s0 =	stileid.u32;
	[bflag:$0x2] =	sbarrier.arrive $0xFFFF  }
0x1b3: {  	p0 =	sne.s32 s0, $0x0;
	s0 =	rddreg [dreg:$0x3]  }
0x1b4: {  	s0 =	sadd.s32 @!p0 $0x100000, s0  }
0x1b5: {  	[sflag:s0] =	ssyncadd.tile.s32 @!p0 $0x1;
	_ =	shalt  }
.Lfunc_end2:
_tile_overlayer_lowered:
.L_overlay_start_2:
0x1b6: {  	(tag) =	ssettag $0x2  }
0x1b7: {  	s0 =	rddreg [dreg:$0x0];
	s2 =	stileid.u32  }
0x1b8: {  	s1 =	rddreg [dreg:$0x1];
	p0 =	sne.s32 s2, $0x0  }
0x1b9: {  	s3 =	rddreg [dreg:$0x2];
	[bflag:$0x3] =	sbarrier.arrive $0xFFFF;
	s2 =	simm.s32 @!p0 $0x1C13  }
0x1ba: {  	[timem:s3], [sflag:s2] =	dma.local @!p0 [hbm:s0], s1  }
0x1bb: {  	s0 =	simm.s32 @!p0 $0x13  }
0x1bc: {  	_ =	swait.ge @!p0 [sflag:s0], s1  }
0x1bd: {  	s1 =	ssub.s32 @!p0 $0x0, s1;
	[sflag:s0] =	ssyncset.done @!p0 $0x0  }
0x1be: {  	[sflag:s0] =	ssyncadd.s32 @!p0 s1  }
0x1bf: {  	[bflag:$0x3] =	sbarrier.arrive $0xFFFF  }
0x1c0: {  	_ =	shalt  }

// kernel: kernel.19.cloned.1.call-start
scs
__scs_entry_jumppad:
0x0: {  	(pc) =	sbr.rel $0x88, $3  }
0x1: {  	(tag) =	ssettag $0x0;
	lr =	simm.s32 $0x1  }
0x2: {  	[smem:$0x3F95] =	sst lr;
	_ =	strace $0xD0000000  }
0x3: {  	_ = 	snop  }
0x4: {  	_ = 	snop  }
0x5: {  	_ = 	snop  }
0x6: {  	_ = 	snop  }
0x7: {  	_ = 	snop  }
__scs_overlays_trampoline_lowered:
0x8: {  	[smem:$0x3FA4] =	sst s0  }
0x9: {  	[smem:$0x3FA5] =	sst s1  }
0xa: {  	[smem:$0x3FA6] =	sst s2  }
0xb: {  	[smem:$0x3FA7] =	sst s3  }
0xc: {  	[smem:$0x3FA8] =	sst s4  }
0xd: {  	[smem:$0x3FA9] =	sst s5  }
0xe: {  	[smem:$0x3FAA] =	sst s6  }
0xf: {  	[smem:$0x3FAB] =	sst s7  }
0x10: {  	[smem:$0x3FAC] =	sst s8  }
0x11: {  	[smem:$0x3FAD] =	sst s9;
	s0 =	simm.s32 @!p0 $0x0  }
0x12: {  	s1 =	sld [smem:$0x3F93];
	s0 =	simm.s32 @p0 $0x1  }
0x13: {  	[smem:$0x3FAE] =	sst s0;
	s0 =	simm.s32 @!p1 $0x0  }
0x14: {  	s2 =	sld [smem:$0x3F92];
	s0 =	simm.s32 @p1 $0x1  }
0x15: {  	[smem:$0x3FAF] =	sst s0;
	s0 =	simm.s32 @!p2 $0x0  }
0x16: {  	s3 =	sld [smem:$0x3FDB];
	s0 =	simm.s32 @p2 $0x1  }
0x17: {  	s4 =	simm.s32 $0x1BF5;
	[smem:$0x3FB1] =	sst s0  }
0x18: {  	s0 =	sld [smem:$0x3F94];
	_ =	swait.ge [sflag:s4], $0x0  }
0x19: {  	s7 =	sld [smem:$0x3F95]  }
0x1a: {  	s8 =	sadd.s32 $0xFFFFE003, lr  }
0x1b: {  	s9 =	sadd.s32 $0xFFFFFEF7, lr;
	s5 =	simm.s32 $0xFFFFFFFF;
	p2 =	slt.u32 s8, $0xFFFFF086  }
0x1c: {  	p1 =	slt.u32 s9, $0xF7A;
	s5 =	simm.s32 @!p2 $0x0  }
0x1d: {  	s5 =	simm.s32 @p1 $0x1;
	p0 =	seq.s32 s7, s2  }
0x1e: {  	s7 =	smul.u32 @!p0 $0xF7A, s2;
	p2 =	seq.s32 @!p0 s5, $0x0  }
0x1f: {  	s9 =	smul.u32 $0xF7A, s1;
	s8 =	simm.s32 @!p0 $0x1BF5;
	p2 =	por !p2, p0  }
0x20: {  	[sflag:s8] =	ssyncset.s32 @!p0 $0xFFFFF086;
	s6 =	sadd.s32 @!p0 s3, s7;
	s7 =	simm.s32 @!p0 $0x108  }
0x21: {  	s3 =	sadd.s32 s3, s9;
	s6 =	sadd.s32 @!p0 $0x88, s6;
	s7 =	simm.s32 @p2 $0x1082  }
0x22: {  	[simem:s7], [sflag:s8] =	dma.local @!p0 [hbm:s6], $0xF7A  }
0x23: {  	s9 =	sor.u32 $0xD0000000, s2;
	s6 =	simm.s32 $0x108;
	_ =	swait.ge @!p0 [sflag:s8], $0x0  }
0x24: {  	s3 =	sadd.s32 $0x88, s3;
	s6 =	simm.s32 @!p1 $0x1082;
	[sflag:s4] =	ssyncset.s32 $0xFFFFF086  }
0x25: {  	[simem:s6], [sflag:s4] =	dma.local [hbm:s3], $0xF7A  }
0x26: {  	[smem:$0x3F95] =	sst s1;
	(tag) =	ssettag s2;
	_ =	strace s9  }
0x27: {  	s1 =	sld [smem:$0x3FA5]  }
0x28: {  	s2 =	sld [smem:$0x3FA6]  }
0x29: {  	s4 =	sld [smem:$0x3FA8]  }
0x2a: {  	p0 =	seq.s32 s5, $0x0;
	s5 =	sld [smem:$0x3FA9]  }
0x2b: {  	s6 =	sld [smem:$0x3FAA]  }
0x2c: {  	s7 =	sld [smem:$0x3FAB]  }
0x2d: {  	s3 =	simm.s32 $0x108;
	s8 =	sld [smem:$0x3FAC]  }
0x2e: {  	s3 =	simm.s32 @!p0 $0x1082;
	s9 =	sld [smem:$0x3FAD]  }
0x2f: {  	lr =	sadd.s32 s0, s3;
	s0 =	sld [smem:$0x3FA4]  }
0x30: {  	s3 =	sld [smem:$0x3FA7]  }
0x31: {  	[smem:$0x3FB0] =	sst s10  }
0x32: {  	s10 =	sld [smem:$0x3FAE];
	_ =	sdelay $0x3  }
0x33: {  	p0 =	seq.s32 s10, $0x1;
	s10 =	sld [smem:$0x3FB0];
	_ =	sdelay $0x3  }
0x34: {  	[smem:$0x3FB0] =	sst s10  }
0x35: {  	s10 =	sld [smem:$0x3FAF];
	_ =	sdelay $0x3  }
0x36: {  	p1 =	seq.s32 s10, $0x1;
	s10 =	sld [smem:$0x3FB0];
	_ =	sdelay $0x3  }
0x37: {  	[smem:$0x3FB0] =	sst s10  }
0x38: {  	s10 =	sld [smem:$0x3FB1]  }
0x39: {  	_ = 	snop;
	(pc) =	sbr.ind lr, $3  }
0x3a: {  	_ = 	snop  }
0x3b: {  	_ = 	snop  }
0x3c: {  	p2 =	seq.s32 s10, $0x1;
	s10 =	sld [smem:$0x3FB0]  }
0x3d: {  	_ =	shalt  }
0x3e: {  	_ =	shalt  }
0x3f: {  	_ =	shalt  }
0x40: {  	_ =	shalt  }
0x41: {  	_ =	shalt  }
0x42: {  	_ =	shalt  }
0x43: {  	_ =	shalt  }
0x44: {  	_ =	shalt  }
0x45: {  	_ =	shalt  }
0x46: {  	_ =	shalt  }
0x47: {  	_ =	shalt  }
0x48: {  	_ =	shalt  }
0x49: {  	_ =	shalt  }
0x4a: {  	_ =	shalt  }
0x4b: {  	_ =	shalt  }
0x4c: {  	_ =	shalt  }
0x4d: {  	_ =	shalt  }
0x4e: {  	_ =	shalt  }
0x4f: {  	_ =	shalt  }
0x50: {  	_ =	shalt  }
0x51: {  	_ =	shalt  }
0x52: {  	_ =	shalt  }
0x53: {  	_ =	shalt  }
0x54: {  	_ =	shalt  }
0x55: {  	_ =	shalt  }
0x56: {  	_ =	shalt  }
0x57: {  	_ =	shalt  }
0x58: {  	_ =	shalt  }
0x59: {  	_ =	shalt  }
0x5a: {  	_ =	shalt  }
0x5b: {  	_ =	shalt  }
0x5c: {  	_ =	shalt  }
0x5d: {  	_ =	shalt  }
0x5e: {  	_ =	shalt  }
0x5f: {  	_ =	shalt  }
0x60: {  	_ =	shalt  }
0x61: {  	_ =	shalt  }
0x62: {  	_ =	shalt  }
0x63: {  	_ =	shalt  }
0x64: {  	_ =	shalt  }
0x65: {  	_ =	shalt  }
0x66: {  	_ =	shalt  }
0x67: {  	_ =	shalt  }
0x68: {  	_ =	shalt  }
0x69: {  	_ =	shalt  }
0x6a: {  	_ =	shalt  }
0x6b: {  	_ =	shalt  }
0x6c: {  	_ =	shalt  }
0x6d: {  	_ =	shalt  }
0x6e: {  	_ =	shalt  }
0x6f: {  	_ =	shalt  }
0x70: {  	_ =	shalt  }
0x71: {  	_ =	shalt  }
0x72: {  	_ =	shalt  }
0x73: {  	_ =	shalt  }
0x74: {  	_ =	shalt  }
0x75: {  	_ =	shalt  }
0x76: {  	_ =	shalt  }
0x77: {  	_ =	shalt  }
0x78: {  	_ =	shalt  }
0x79: {  	_ =	shalt  }
0x7a: {  	_ =	shalt  }
0x7b: {  	_ =	shalt  }
0x7c: {  	_ =	shalt  }
0x7d: {  	_ =	shalt  }
0x7e: {  	_ =	shalt  }
0x7f: {  	_ =	shalt  }
0x80: {  	_ =	shalt  }
0x81: {  	_ =	shalt  }
0x82: {  	_ =	shalt  }
0x83: {  	_ =	shalt  }
0x84: {  	_ =	shalt  }
0x85: {  	_ =	shalt  }
0x86: {  	_ =	shalt  }
0x87: {  	_ =	shalt  }
.Lfunc_end0:
.L_simem_size_0:
called_computation.3_lowered:
.L_overlay_start_0:
0x88: {  	s2 =	sld [smem:$0x3FD9]  }
0x89: {  	s3 =	sld [smem:$0x3FFE];
	_ =	sdelay $0x1  }
0x8a: {  	s1 =	srdreg.scid  }
0x8b: {  	s0 =	sand.u32 $0x1, s1  }
0x8c: {  	s17 =	sshll.u32 s0, $0xA;
	s2 =	sadd.s32 s3, s2  }
0x8d: {  	s2 =	sadd.s32 s2, s17  }
0x8e: {  	[smem:$0x3FBC] =	sst s2  }
0x8f: {  	_ = 	snop  }
0x90: {  	s2 =	sld [smem:$0x3FD0];
	(tm) =	ssettm $0x1  }
0x91: {  	s18 =	sld [smem:$0x3FFB];
	_ =	sdelay $0x3  }
0x92: {  	_ =	strace s18  }
0x93: {  	s3 =	sld [smem:$0x3FFC];
	_ =	sdelay $0x3  }
0x94: {  	_ =	strace s3  }
0x95: {  	s3 =	sld [smem:$0x3FFD];
	_ =	sdelay $0x3  }
0x96: {  	_ =	strace s3  }
0x97: {  	_ =	strace $0x8FFFFFFF  }
0x98: {  	s19 =	sld [smem:$0x3FDB];
	_ =	sdelay $0x1  }
0x99: {  	s4 =	simm.s32 $_scs_section_size  }
0x9a: {  	s5 =	simm.s32 $_size__tile_overlayer_lowered;
	s6 =	simm.s32 $_tile_overlayer_lowered  }
0x9b: {  	s22 =	simm.s32 $0x1BFF;
	s21 =	sshll.u32 s6, $0x1;
	s3 =	sadd.s32 s4, s19  }
0x9c: {  	s7 =	simm.s32 $0x0;
	s20 =	sshll.u32 s5, $0x1;
	s5 =	sadd.s32 s21, s3  }
0x9d: {  	[timem:s7], [sflag:s22] =	dma.local [hbm:s5], s20  }
0x9e: {  	_ =	swait.ge [sflag:s22], s20  }
0x9f: {  	s4 =	ssub.s32 $0x0, s20;
	[sflag:s22] =	ssyncset.done $0x0  }
0xa0: {  	[sflag:s22] =	ssyncadd.s32 s4;
	_ =	sdelay $0x1  }
0xa1: {  	s23 =	simm.s32 $0x1B8B  }
0xa2: {  	_ =	swait.ge [sflag:s23], $0x1  }
0xa3: {  	[sflag:s23] =	ssyncset.done $0x0  }
0xa4: {  	s25 =	simm.s32 $0x1B8E;
	s24 =	sld [smem:$0x3FFE];
	[sflag:s23] =	ssyncadd.s32 $0xFFFFFFFF  }
0xa5: {  	s26 =	simm.s32 $execute0_lowered;
	[smem:$0x3FD2] =	sst s25  }
0xa6: {  	s5 =	sshll.u32 s26, $0x1;
	_ =	strace $0x8000004F;
	[dreg:$0x1] =	wrdreg $0xFFFFFFFF  }
0xa7: {  	s28 =	simm.s32 $_size_execute0_lowered;
	s3 =	sadd.s32 s3, s5;
	[dreg:$0x0] =	wrdreg $0x0  }
0xa8: {  	s5 =	sshll.u32 s28, $0x1;
	[dreg:$0x2] =	wrdreg s3  }
0xa9: {  	[dreg:$0x3] =	wrdreg s5  }
0xaa: {  	[dreg:$0x4] =	wrdreg $0xC0  }
0xab: {  	_ =	task [dreg:s7], $0x5FFFF  }
0xac: {  	[dreg:$0x1] =	wrdreg $0xFFFFFFFF  }
0xad: {  	[dreg:$0x0] =	wrdreg $0x60  }
0xae: {  	[dreg:$0x2] =	wrdreg s24  }
0xaf: {  	[dreg:$0x3] =	wrdreg s2  }
0xb0: {  	[dreg:$0x4] =	wrdreg $0xAE000  }
0xb1: {  	[dreg:$0x5] =	wrdreg $0x9  }
0xb2: {  	_ =	task.clear_ibuf [dreg:s7], $0x6FFFF;
	_ =	strace $0x9000004F  }
0xb3: {  	s29 =	simm.s32 $0x9;
	_ =	strace $0x80000051  }
0xb4: {  	_ =	swait.ge [sflag:s29], $0x1  }
0xb5: {  	[sflag:s29] =	ssyncadd.s32 $0xFFFFFFFF  }
0xb6: {  	_ =	strace $0x90000051  }
0xb7: {  	_ =	sfence  }
0xb8: {  	s30 =	sld [smem:$0x0];
	_ =	sdelay $0x2  }
0xb9: {  	s31 =	sshll.u32 s1, $0xD;
	s1 =	sshrl.u32 s1, $0x2  }
0xba: {  	s3 =	sand.u32 $0x4000, s31;
	s1 =	sadd.s32 s1, s30  }
0xbb: {  	s0 =	sor.u32 s3, s0;
	s1 =	sshll.u32 s1, $0x11  }
0xbc: {  	s0 =	sor.u32 s1, s0  }
0xbd: {  	s0 =	sadd.s32 $0x8F2B, s0  }
0xbe: {  	[sflag:s0] =	ssyncadd.remote.s32 $0x1  }
0xbf: {  	_ =	sfence.sel $0xFFFF  }
0xc0: {  	[dreg:$0x0] =	wrdreg $0xFFFFFFFF;
	(pc) =	sbr.abs _section_cstart, $3  }
0xc1: {  	[dreg:$0x1] =	wrdreg $0xFFFFFFFF  }
0xc2: {  	_ =	task.clear_ibuf [dreg:s7], $0x2FFFF;
	_ =	strace $0x9FFFFFFF  }
0xc3: {  	(tm) =	ssettm $0x7FFFFFFF  }
tec
execute0_lowered:
.L_overlay_start_1:
0x0: {  	(tag) =	ssettag $0x1  }
0x1: {  	s0 =	rddreg [dreg:$0x0]  }
0x2: {  	s19 =	rddreg [dreg:$0x1]  }
0x3: {  	s2 =	rddreg [dreg:$0x2];
	s3 =	simm.s32 $0x0;
	s1 =	srdreg.scid  }
0x4: {  	s15 =	stileid.u32;
	[smem:$0x7FF] =	sst s3;
	s4 =	sadd.s32 $0xF200, s0  }
0x5: {  	s13 =	sadd.s32 $0x3A00, s0;
	s5 =	sadd.s32 $0xEA00, s0;
	s9 =	smul.u32 $0x50000, s15  }
0x6: {  	s1 =	sand.u32 $0x1, s1;
	s30 =	smul.u32 $0x280, s15;
	s16 =	sshll.u32 s15, $0x6  }
0x7: {  	s12 =	smul.u32 $0x2A00, s15;
	_ =	strace $0x80000050;
	[dreg:$0xf] =	wrdreg s5  }
0x8: {  	s26 =	smul.u32 $0x28000, s1;
	s6 =	ssub.s32 $0x2, s1;
	s8 =	sshll.u32 s1, $0x4  }
0x9: {  	s16 =	sor.u32 $0x1C13, s16;
	s1 =	smul.u32 $0x2A000, s1;
	[dreg:$0xe] =	wrdreg s13  }
0xa: {  	s7 =	sshrl.u32 s6, $0x1;
	s28 =	sor.u32 s15, s8;
	s14 =	sshrl.u32 s9, $0x2  }
0xb: {  	s9 =	sadd.s32 $0x100, s30;
	[dreg:$0x11] =	wrdreg s16;
	s5 =	sadd.s32 s26, s0  }
0xc: {  	s0 =	ssub.s32 s6, s7;
	s6 =	smul.u32 $0x2A00, s28;
	s8 =	sadd.s32 s14, s2  }
0xd: {  	s11 =	sshll.u32 s9, $0x7;
	s7 =	sadd.s32 $0x200, s30;
	s1 =	sadd.s32 s12, s1  }
0xe: {  	s9 =	sshll.u32 s9, $0x4;
	[dreg:$0x10] =	wrdreg s8;
	s8 =	sadd.s32 $0x80, s30  }
0xf: {  	s17 =	sadd.s32 s11, s2;
	s20 =	sshll.u32 s7, $0x7;
	s12 =	sadd.s32 $0x4D0, s1  }
0x10: {  	s14 =	sadd.s32 $0x460, s1;
	s24 =	sadd.s32 $0x3F0, s1;
	s5 =	sadd.s32 $0x37200, s5  }
0x11: {  	s0 =	smax.u32 s0, $0x1;
	s10 =	sshll.u32 s8, $0x7;
	[dreg:$0x13] =	wrdreg s17  }
0x12: {  	s22 =	sshrl.u32 s14, $0x3;
	s14 =	sadd.s32 s9, s5;
	[smem:$0x7FC] =	sst s0  }
0x13: {  	s21 =	sshrl.u32 s12, $0x3;
	s10 =	sadd.s32 s10, s2;
	[dreg:$0x1a] =	wrdreg s14  }
0x14: {  	s6 =	sshrl.u32 s6, $0x3;
	s17 =	sadd.s32 s21, s13;
	[dreg:$0x12] =	wrdreg s10  }
0x15: {  	s26 =	sshrl.u32 s24, $0x3;
	s23 =	sadd.s32 s22, s13;
	[dreg:$0x4] =	wrdreg s17  }
0x16: {  	s8 =	sshll.u32 s8, $0x4;
	s25 =	sadd.s32 s22, s19;
	[dreg:$0x6] =	wrdreg s23  }
0x17: {  	s12 =	sor.u32 $0xE, s6;
	s28 =	sadd.s32 s26, s13;
	[dreg:$0x7] =	wrdreg s25  }
0x18: {  	s8 =	sadd.s32 s8, s5;
	s10 =	sadd.s32 $0x180, s30;
	[dreg:$0x8] =	wrdreg s28  }
0x19: {  	s30 =	sadd.s32 $0x380, s1;
	s17 =	sadd.s32 s26, s19;
	[dreg:$0x19] =	wrdreg s8  }
0x1a: {  	s24 =	sadd.s32 s19, s12;
	s12 =	sadd.s32 s13, s12;
	[dreg:$0x9] =	wrdreg s17  }
0x1b: {  	s28 =	sor.u32 $0x1C, s6;
	s18 =	sshll.u32 s10, $0x7;
	[dreg:$0x16] =	wrdreg s24  }
0x1c: {  	[dreg:$0x17] =	wrdreg s12;
	s10 =	sshll.u32 s10, $0x4;
	s17 =	sadd.s32 s19, s28  }
0x1d: {  	s11 =	sadd.s32 s18, s2;
	s18 =	sshrl.u32 s30, $0x3;
	[dreg:$0x1d] =	wrdreg s17  }
0x1e: {  	s30 =	smul.u32 $0x2800, s15;
	s15 =	sadd.s32 s10, s5;
	[dreg:$0x14] =	wrdreg s11  }
0x1f: {  	s11 =	sadd.s32 s20, s2;
	[dreg:$0x1b] =	wrdreg s15  }
0x20: {  	s20 =	sadd.s32 s18, s13;
	[dreg:$0x15] =	wrdreg s11  }
0x21: {  	s22 =	sadd.s32 s18, s19;
	[dreg:$0xa] =	wrdreg s20  }
0x22: {  	s7 =	sshll.u32 s7, $0x4;
	s11 =	sadd.s32 s21, s19;
	[dreg:$0xb] =	wrdreg s22  }
0x23: {  	s18 =	sor.u32 $0x2A, s6;
	s20 =	sadd.s32 s13, s28;
	[dreg:$0x5] =	wrdreg s11  }
0x24: {  	s21 =	sadd.s32 $0x310, s1;
	s11 =	sadd.s32 s30, s5;
	[dreg:$0x1e] =	wrdreg s20  }
0x25: {  	s22 =	sor.u32 $0x38, s6;
	s5 =	sadd.s32 s7, s5;
	[dreg:$0x18] =	wrdreg s11  }
0x26: {  	s23 =	sshrl.u32 s21, $0x3;
	s21 =	sadd.s32 s19, s18;
	[dreg:$0x1c] =	wrdreg s5  }
0x27: {  	s24 =	sadd.s32 s13, s22;
	[dreg:$0x1f] =	wrdreg s21  }
0x28: {  	s30 =	sadd.s32 $0x2A0, s1;
	[smem:$0x7F7] =	sst s24  }
0x29: {  	s29 =	simm.s32 $0xD;
	s25 =	sadd.s32 s23, s13;
	[smem:$0x7FD] =	sst s30  }
0x2a: {  	s31 =	simm.s32 $0x10;
	s26 =	sadd.s32 s23, s19;
	[dreg:$0xc] =	wrdreg s25  }
0x2b: {  	s9 =	simm.s32 $0x11;
	s5 =	sadd.s32 s13, s18;
	[dreg:$0xd] =	wrdreg s26  }
0x2c: {  	s0 =	simm.s32 $0x0;
	s23 =	sadd.s32 s19, s22;
	[smem:$0x7F5] =	sst s5  }
0x2d: {  	s10 =	simm.s32 $0x12;
	[smem:$0x7F6] =	sst s23;
	s25 =	sadd.s32 s19, s6  }
0x2e: {  	s28 =	sadd.s32 $0x46, s6;
	s26 =	sadd.s32 s13, s6;
	[smem:$0x7F8] =	sst s25  }
0x2f: {  	s1 =	simm.s32 $0xF;
	s6 =	sadd.s32 s19, s28;
	[smem:$0x7F9] =	sst s26  }
0x30: {  	s18 =	simm.s32 $0x13;
	s5 =	sadd.s32 s13, s28;
	[smem:$0x7FA] =	sst s6  }
0x31: {  	s21 =	simm.s32 $0x1;
	s22 =	simm.s32 $0x70;
	[smem:$0x7FB] =	sst s5  }
0x32: {  	s26 =	simm.s32 $0x80;
	s25 =	simm.s32 $0x2;
	s5 =	simm.s32 $0xE  }
.LBB2_1:
0x33: {  	[smem:$0x7EF] =	sst s0  }
0x34: {  	s15 =	rddreg [dreg:$0x10]  }
0x35: {  	s11 =	rddreg [dreg:$0xf];
	s8 =	sshrl.u32 s15, $0x3  }
0x36: {  	[smem:$0x7F0] =	sst s8  }
0x37: {  	[spmem:s8], [sflag:s16] =	dma.local [hbm:s11], $0x800  }
0x38: {  	_ =	swait.ge [sflag:s18], $0x800  }
0x39: {  	s17 =	rddreg [dreg:$0x12]  }
0x3a: {  	[sflag:s18] =	ssyncset.done $0x0;
	s12 =	sshrl.u32 s17, $0x3  }
0x3b: {  	[sflag:s18] =	ssyncadd.s32 $0xFFFFF800;
	[smem:$0x7F1] =	sst s12  }
0x3c: {  	[spmem:s12], [sflag:s16] =	dma.local [hbm:s11], $0x800  }
0x3d: {  	_ =	swait.ge [sflag:s18], $0x800  }
0x3e: {  	s14 =	rddreg [dreg:$0x13]  }
0x3f: {  	[sflag:s18] =	ssyncset.done $0x0;
	s20 =	sshrl.u32 s14, $0x3  }
0x40: {  	[sflag:s18] =	ssyncadd.s32 $0xFFFFF800;
	[smem:$0x7F2] =	sst s20  }
0x41: {  	[spmem:s20], [sflag:s16] =	dma.local [hbm:s11], $0x800  }
0x42: {  	_ =	swait.ge [sflag:s18], $0x800  }
0x43: {  	s23 =	rddreg [dreg:$0x14]  }
0x44: {  	[sflag:s18] =	ssyncset.done $0x0;
	s24 =	sshrl.u32 s23, $0x3  }
0x45: {  	[sflag:s18] =	ssyncadd.s32 $0xFFFFF800;
	[smem:$0x7F3] =	sst s24  }
0x46: {  	[spmem:s24], [sflag:s16] =	dma.local [hbm:s11], $0x800  }
0x47: {  	_ =	swait.ge [sflag:s18], $0x800  }
0x48: {  	s28 =	rddreg [dreg:$0x15]  }
0x49: {  	[sflag:s18] =	ssyncset.done $0x0;
	s30 =	sshrl.u32 s28, $0x3  }
0x4a: {  	[sflag:s18] =	ssyncadd.s32 $0xFFFFF800;
	[smem:$0x7F4] =	sst s30  }
0x4b: {  	[spmem:s30], [sflag:s16] =	dma.local [hbm:s11], $0x800  }
0x4c: {  	_ =	swait.ge [sflag:s18], $0x800  }
0x4d: {  	[sflag:s18] =	ssyncset.done $0x0  }
0x4e: {  	[sflag:s18] =	ssyncadd.s32 $0xFFFFF800  }
0x4f: {  	[bflag:$0x0] =	sbarrier.arrive $0xFFFF  }
0x50: {  	s0 =	sld [smem:$0x7F8];
	_ =	sdelay $0x1  }
0x51: {  	s6 =	sld [smem:$0x7F9]  }
0x52: {  	[tilespmem:s3], [sflag:$0x1] =	stream.linear.gather [hbm4b:s0+s3], $0x70, $0x38;
	[tilespmem:$0x1EE00] =	vst v63  }
0x53: {  	s18 =	simm.s32 $0x300;
	s7 =	rddreg [dreg:$0x16]  }
0x54: {  	[tilespmem:s18], [sflag:$0x7] =	stream.linear.gather [hbm4b:s6+s3], $0x70, $0x38;
	[tilespmem:$0x1EE00] =	vst v63  }
0x55: {  	s8 =	rddreg [dreg:$0x17]  }
0x56: {  	[tilespmem:s26], [sflag:$0x2] =	stream.linear.gather [hbm4b:s7+s3], $0x70, $0x38;
	[tilespmem:$0x1EE00] =	vst v63  }
0x57: {  	s20 =	simm.s32 $0x380;
	s11 =	rddreg [dreg:$0x1d]  }
0x58: {  	[tilespmem:s20], [sflag:$0x8] =	stream.linear.gather [hbm4b:s8+s3], $0x70, $0x38;
	[tilespmem:$0x1EE00] =	vst v63  }
0x59: {  	s12 =	rddreg [dreg:$0x1e];
	s0 =	simm.s32 $0x100  }
0x5a: {  	[tilespmem:s0], [sflag:$0x3] =	stream.linear.gather [hbm4b:s11+s3], $0x70, $0x38;
	[tilespmem:$0x1EE00] =	vst v63  }
0x5b: {  	s14 =	rddreg [dreg:$0x1f];
	s7 =	simm.s32 $0x400  }
0x5c: {  	[tilespmem:s7], [sflag:$0x9] =	stream.linear.gather [hbm4b:s12+s3], $0x70, $0x38;
	[tilespmem:$0x1EE00] =	vst v63  }
0x5d: {  	s16 =	sld [smem:$0x7F5];
	s6 =	simm.s32 $0x180  }
0x5e: {  	[tilespmem:s6], [sflag:$0x4] =	stream.linear.gather [hbm4b:s14+s3], $0x70, $0x38;
	[tilespmem:$0x1EE00] =	vst v63  }
0x5f: {  	s17 =	sld [smem:$0x7F6];
	s8 =	simm.s32 $0x480  }
0x60: {  	[tilespmem:s8], [sflag:$0xA] =	stream.linear.gather [hbm4b:s16+s3], $0x70, $0x38;
	[tilespmem:$0x1EE00] =	vst v63  }
0x61: {  	s23 =	sld [smem:$0x7F7];
	s11 =	simm.s32 $0x200  }
0x62: {  	[tilespmem:s11], [sflag:$0x5] =	stream.linear.gather [hbm4b:s17+s3], $0x70, $0x38;
	[tilespmem:$0x1EE00] =	vst v63  }
0x63: {  	s24 =	sld [smem:$0x7FA];
	s12 =	simm.s32 $0x500  }
0x64: {  	[tilespmem:s12], [sflag:$0xB] =	stream.linear.gather [hbm4b:s23+s3], $0x70, $0x38;
	[tilespmem:$0x1EE00] =	vst v63  }
0x65: {  	s28 =	sld [smem:$0x7FB];
	s14 =	simm.s32 $0x280  }
0x66: {  	[tilespmem:s14], [sflag:$0x6] =	stream.linear.gather [hbm4b:s24+s3], $0x70, $0x38;
	[tilespmem:$0x1EE00] =	vst v63  }
0x67: {  	s30 =	simm.s32 $0x580  }
0x68: {  	[tilespmem:s30], [sflag:$0xC] =	stream.linear.gather [hbm4b:s28+s3], $0x70, $0x38;
	[tilespmem:$0x1EE00] =	vst v63  }
0x69: {  	_ =	swait.ge [sflag:s21], $0x70  }
0x6a: {  	[sflag:s21] =	ssyncset.done $0x0  }
0x6b: {  	s24 =	simm.s32 $0x600;
	[sflag:s21] =	ssyncadd.s32 $0xFFFFFF90  }
0x6c: {  	[tilespmem:s24], [sflag:$0xD] =	stream.indirect.gather [hbm4b:s4+s22], $0x80, s3, s22, $0xb8;
	[tilespmem:$0x1EE00] =	vst v63  }
0x6d: {  	_ =	swait.ge [sflag:s25], $0x70  }
0x6e: {  	[sflag:s25] =	ssyncset.done $0x0  }
0x6f: {  	s23 =	simm.s32 $0x3;
	s30 =	simm.s32 $0x3E00;
	[sflag:s25] =	ssyncadd.s32 $0xFFFFFF90  }
0x70: {  	[tilespmem:s30], [sflag:$0xE] =	stream.indirect.gather [hbm4b:s4+s22], $0x80, s26, s22, $0xb8;
	[tilespmem:$0x1EE00] =	vst v63  }
0x71: {  	_ =	swait.ge [sflag:s23], $0x70  }
0x72: {  	[sflag:s23] =	ssyncset.done $0x0  }
0x73: {  	s28 =	simm.s32 $0x7600;
	[sflag:s23] =	ssyncadd.s32 $0xFFFFFF90  }
0x74: {  	[tilespmem:s28], [sflag:$0xF] =	stream.indirect.gather [hbm4b:s4+s22], $0x80, s0, s22, $0xb8;
	[tilespmem:$0x1EE00] =	vst v63  }
0x75: {  	_ =	swait.ge [sflag:s29], $0x3800  }
0x76: {  	[sflag:s29] =	ssyncset.done $0x0  }
0x77: {  	s17 =	simm.s32 $0x7;
	[sflag:s29] =	ssyncadd.s32 $0xFFFFC800  }
0x78: {  	_ =	swait.ge [sflag:s17], $0x70  }
0x79: {  	[sflag:s17] =	ssyncset.done $0x0  }
0x7a: {  	[sflag:s17] =	ssyncadd.s32 $0xFFFFFF90  }
0x7b: {  	[spmem:s2] =	stream.indirect.scatter.add.f32 [tilespmem:s24], [sflag:$0x10], $0x80, s18, s22, $0xb8;
	[tilespmem:$0x1EE00] =	vst v63  }
0x7c: {  	_ =	swait.ge [sflag:s31], $0x3800  }
0x7d: {  	s17 =	sld [smem:$0x7FD];
	_ =	sdelay $0x2  }
0x7e: {  	[sflag:s31] =	ssyncset.done $0x0;
	s15 =	sshrl.u32 s17, $0x3  }
0x7f: {  	[sflag:s31] =	ssyncadd.s32 $0xFFFFC800;
	s16 =	sadd.s32 s19, s15  }
0x80: {  	[tilespmem:s3], [sflag:$0x1] =	stream.linear.gather [hbm4b:s16+s3], $0x70, $0x38;
	[tilespmem:$0x1EE00] =	vst v63  }
0x81: {  	s15 =	sadd.s32 s13, s15  }
0x82: {  	[tilespmem:s18], [sflag:$0x7] =	stream.linear.gather [hbm4b:s15+s3], $0x70, $0x38;
	[tilespmem:$0x1EE00] =	vst v63  }
0x83: {  	s18 =	simm.s32 $0x4  }
0x84: {  	_ =	swait.ge [sflag:s18], $0x70  }
0x85: {  	[sflag:s18] =	ssyncset.done $0x0  }
0x86: {  	[sflag:s18] =	ssyncadd.s32 $0xFFFFFF90  }
0x87: {  	[tilespmem:s24], [sflag:$0xD] =	stream.indirect.gather [hbm4b:s4+s22], $0x80, s6, s22, $0xb8;
	[tilespmem:$0x1EE00] =	vst v63  }
0x88: {  	_ =	swait.ge [sflag:s5], $0x3800  }
0x89: {  	[sflag:s5] =	ssyncset.done $0x0  }
0x8a: {  	s13 =	simm.s32 $0x8;
	[sflag:s5] =	ssyncadd.s32 $0xFFFFC800  }
0x8b: {  	_ =	swait.ge [sflag:s13], $0x70  }
0x8c: {  	[sflag:s13] =	ssyncset.done $0x0  }
0x8d: {  	[sflag:s13] =	ssyncadd.s32 $0xFFFFFF90  }
0x8e: {  	[spmem:s2] =	stream.indirect.scatter.add.f32 [tilespmem:s30], [sflag:$0x11], $0x80, s20, s22, $0xb8;
	[tilespmem:$0x1EE00] =	vst v63  }
0x8f: {  	_ =	swait.ge [sflag:s9], $0x3800  }
0x90: {  	s16 =	rddreg [dreg:$0xd];
	[sflag:s9] =	ssyncset.done $0x0  }
0x91: {  	s18 =	rddreg [dreg:$0xc];
	[sflag:s9] =	ssyncadd.s32 $0xFFFFC800;
	s15 =	sadd.s32 $0x0, s16  }
0x92: {  	[tilespmem:s26], [sflag:$0x2] =	stream.linear.gather [hbm4b:s15+s3], $0x70, $0x38;
	[tilespmem:$0x1EE00] =	vst v63  }
0x93: {  	s13 =	sadd.s32 $0x0, s18;
	s16 =	simm.s32 $0x5  }
0x94: {  	[tilespmem:s20], [sflag:$0x8] =	stream.linear.gather [hbm4b:s13+s3], $0x70, $0x38;
	[tilespmem:$0x1EE00] =	vst v63  }
0x95: {  	_ =	swait.ge [sflag:s16], $0x70  }
0x96: {  	[sflag:s16] =	ssyncset.done $0x0  }
0x97: {  	[sflag:s16] =	ssyncadd.s32 $0xFFFFFF90  }
0x98: {  	[tilespmem:s30], [sflag:$0xE] =	stream.indirect.gather [hbm4b:s4+s22], $0x80, s11, s22, $0xb8;
	[tilespmem:$0x1EE00] =	vst v63  }
0x99: {  	_ =	swait.ge [sflag:s1], $0x3800  }
0x9a: {  	[sflag:s1] =	ssyncset.done $0x0  }
0x9b: {  	s18 =	simm.s32 $0x9;
	[sflag:s1] =	ssyncadd.s32 $0xFFFFC800  }
0x9c: {  	_ =	swait.ge [sflag:s18], $0x70  }
0x9d: {  	[sflag:s18] =	ssyncset.done $0x0  }
0x9e: {  	[sflag:s18] =	ssyncadd.s32 $0xFFFFFF90  }
0x9f: {  	[spmem:s2] =	stream.indirect.scatter.add.f32 [tilespmem:s28], [sflag:$0x12], $0x80, s7, s22, $0xb8;
	[tilespmem:$0x1EE00] =	vst v63  }
0xa0: {  	_ =	swait.ge [sflag:s10], $0x3800  }
0xa1: {  	s20 =	rddreg [dreg:$0xb];
	[sflag:s10] =	ssyncset.done $0x0  }
0xa2: {  	s13 =	rddreg [dreg:$0xa];
	[sflag:s10] =	ssyncadd.s32 $0xFFFFC800;
	s15 =	sadd.s32 $0x0, s20  }
0xa3: {  	[tilespmem:s0], [sflag:$0x3] =	stream.linear.gather [hbm4b:s15+s3], $0x70, $0x38;
	[tilespmem:$0x1EE00] =	vst v63  }
0xa4: {  	s18 =	simm.s32 $0x6;
	s16 =	sadd.s32 $0x0, s13  }
0xa5: {  	[tilespmem:s7], [sflag:$0x9] =	stream.linear.gather [hbm4b:s16+s3], $0x70, $0x38;
	[tilespmem:$0x1EE00] =	vst v63  }
0xa6: {  	_ =	swait.ge [sflag:s18], $0x70  }
0xa7: {  	[sflag:s18] =	ssyncset.done $0x0  }
0xa8: {  	[sflag:s18] =	ssyncadd.s32 $0xFFFFFF90  }
0xa9: {  	[tilespmem:s28], [sflag:$0xF] =	stream.indirect.gather [hbm4b:s4+s22], $0x80, s14, s22, $0xb8;
	[tilespmem:$0x1EE00] =	vst v63  }
0xaa: {  	_ =	swait.ge [sflag:s29], $0x3800  }
0xab: {  	[sflag:s29] =	ssyncset.done $0x0  }
0xac: {  	s20 =	simm.s32 $0xA;
	[sflag:s29] =	ssyncadd.s32 $0xFFFFC800  }
0xad: {  	_ =	swait.ge [sflag:s20], $0x70  }
0xae: {  	[sflag:s20] =	ssyncset.done $0x0  }
0xaf: {  	[sflag:s20] =	ssyncadd.s32 $0xFFFFFF90  }
0xb0: {  	[spmem:s2] =	stream.indirect.scatter.add.f32 [tilespmem:s24], [sflag:$0x10], $0x80, s8, s22, $0xb8;
	[tilespmem:$0x1EE00] =	vst v63  }
0xb1: {  	_ =	swait.ge [sflag:s31], $0x3800  }
0xb2: {  	s0 =	rddreg [dreg:$0x9];
	[sflag:s31] =	ssyncset.done $0x0  }
0xb3: {  	s7 =	rddreg [dreg:$0x8];
	[sflag:s31] =	ssyncadd.s32 $0xFFFFC800;
	s15 =	sadd.s32 $0x0, s0  }
0xb4: {  	[tilespmem:s6], [sflag:$0x4] =	stream.linear.gather [hbm4b:s15+s3], $0x70, $0x38;
	[tilespmem:$0x1EE00] =	vst v63  }
0xb5: {  	s13 =	sadd.s32 $0x0, s7  }
0xb6: {  	[tilespmem:s8], [sflag:$0xA] =	stream.linear.gather [hbm4b:s13+s3], $0x70, $0x38;
	[tilespmem:$0x1EE00] =	vst v63  }
0xb7: {  	_ =	swait.ge [sflag:s21], $0x70  }
0xb8: {  	[sflag:s21] =	ssyncset.done $0x0  }
0xb9: {  	[sflag:s21] =	ssyncadd.s32 $0xFFFFFF90  }
0xba: {  	[tilespmem:s24], [sflag:$0xD] =	stream.indirect.gather [hbm4b:s4+s22], $0x80, s3, s22, $0xb8;
	[tilespmem:$0x1EE00] =	vst v63  }
0xbb: {  	_ =	swait.ge [sflag:s5], $0x3800  }
0xbc: {  	[sflag:s5] =	ssyncset.done $0x0  }
0xbd: {  	s16 =	simm.s32 $0xB;
	[sflag:s5] =	ssyncadd.s32 $0xFFFFC800  }
0xbe: {  	_ =	swait.ge [sflag:s16], $0x70  }
0xbf: {  	[sflag:s16] =	ssyncset.done $0x0  }
0xc0: {  	[sflag:s16] =	ssyncadd.s32 $0xFFFFFF90  }
0xc1: {  	[spmem:s2] =	stream.indirect.scatter.add.f32 [tilespmem:s30], [sflag:$0x11], $0x80, s12, s22, $0xb8;
	[tilespmem:$0x1EE00] =	vst v63  }
0xc2: {  	_ =	swait.ge [sflag:s9], $0x3800  }
0xc3: {  	s18 =	rddreg [dreg:$0x7];
	[sflag:s9] =	ssyncset.done $0x0  }
0xc4: {  	s20 =	rddreg [dreg:$0x6];
	[sflag:s9] =	ssyncadd.s32 $0xFFFFC800;
	s15 =	sadd.s32 $0x0, s18  }
0xc5: {  	[tilespmem:s11], [sflag:$0x5] =	stream.linear.gather [hbm4b:s15+s3], $0x70, $0x38;
	[tilespmem:$0x1EE00] =	vst v63  }
0xc6: {  	s21 =	sadd.s32 $0x0, s20  }
0xc7: {  	[tilespmem:s12], [sflag:$0xB] =	stream.linear.gather [hbm4b:s21+s3], $0x70, $0x38;
	[tilespmem:$0x1EE00] =	vst v63  }
0xc8: {  	_ =	swait.ge [sflag:s25], $0x70  }
0xc9: {  	[sflag:s25] =	ssyncset.done $0x0  }
0xca: {  	[sflag:s25] =	ssyncadd.s32 $0xFFFFFF90  }
0xcb: {  	[tilespmem:s30], [sflag:$0xE] =	stream.indirect.gather [hbm4b:s4+s22], $0x80, s26, s22, $0xb8;
	[tilespmem:$0x1EE00] =	vst v63  }
0xcc: {  	_ =	swait.ge [sflag:s1], $0x3800  }
0xcd: {  	[sflag:s1] =	ssyncset.done $0x0  }
0xce: {  	s24 =	simm.s32 $0xC;
	[sflag:s1] =	ssyncadd.s32 $0xFFFFC800  }
0xcf: {  	_ =	swait.ge [sflag:s24], $0x70  }
0xd0: {  	[sflag:s24] =	ssyncset.done $0x0  }
0xd1: {  	s25 =	simm.s32 $0x580;
	[sflag:s24] =	ssyncadd.s32 $0xFFFFFF90  }
0xd2: {  	[spmem:s2] =	stream.indirect.scatter.add.f32 [tilespmem:s28], [sflag:$0x12], $0x80, s25, s22, $0xb8;
	[tilespmem:$0x1EE00] =	vst v63  }
0xd3: {  	_ =	swait.ge [sflag:s10], $0x3800  }
0xd4: {  	s26 =	rddreg [dreg:$0x5];
	[sflag:s10] =	ssyncset.done $0x0  }
0xd5: {  	s28 =	rddreg [dreg:$0x4];
	[sflag:s10] =	ssyncadd.s32 $0xFFFFC800;
	s15 =	sadd.s32 $0x0, s26  }
0xd6: {  	[tilespmem:s14], [sflag:$0x6] =	stream.linear.gather [hbm4b:s15+s3], $0x70, $0x38;
	[tilespmem:$0x1EE00] =	vst v63  }
0xd7: {  	s30 =	sadd.s32 $0x0, s28  }
0xd8: {  	[tilespmem:s25], [sflag:$0xC] =	stream.linear.gather [hbm4b:s30+s3], $0x70, $0x38;
	[tilespmem:$0x1EE00] =	vst v63  }
0xd9: {  	_ =	swait.ge [sflag:s23], $0x70  }
0xda: {  	s16 =	sadd.s32 $0x2A0, s17;
	s21 =	simm.s32 $0x1;
	[sflag:s23] =	ssyncset.done $0x0  }
0xdb: {  	s15 =	simm.s32 $0x54;
	s25 =	simm.s32 $0x2;
	[sflag:s23] =	ssyncadd.s32 $0xFFFFFF90  }
.LBB2_2:
0xdc: {  	s7 =	simm.s32 $0x100;
	s28 =	simm.s32 $0x7600  }
0xdd: {  	[tilespmem:s28], [sflag:$0xF] =	stream.indirect.gather [hbm4b:s4+s22], $0x80, s7, s22, $0xb8;
	[tilespmem:$0x1EE00] =	vst v63  }
0xde: {  	_ =	swait.ge [sflag:s29], $0x3800  }
0xdf: {  	[sflag:s29] =	ssyncset.done $0x0  }
0xe0: {  	s0 =	simm.s32 $0x7;
	[sflag:s29] =	ssyncadd.s32 $0xFFFFC800  }
0xe1: {  	_ =	swait.ge [sflag:s0], $0x70  }
0xe2: {  	[sflag:s0] =	ssyncset.done $0x0  }
0xe3: {  	s26 =	simm.s32 $0x300;
	s13 =	simm.s32 $0x600;
	[sflag:s0] =	ssyncadd.s32 $0xFFFFFF90  }
0xe4: {  	[spmem:s2] =	stream.indirect.scatter.add.f32 [tilespmem:s13], [sflag:$0x10], $0x80, s26, s22, $0xb8;
	[tilespmem:$0x1EE00] =	vst v63  }
0xe5: {  	_ =	swait.ge [sflag:s31], $0x3800  }
0xe6: {  	s18 =	sshrl.u32 s16, $0x3;
	[sflag:s31] =	ssyncset.done $0x0  }
0xe7: {  	s12 =	sadd.s32 s19, s18;
	s14 =	rddreg [dreg:$0xe];
	[sflag:s31] =	ssyncadd.s32 $0xFFFFC800  }
0xe8: {  	[tilespmem:s3], [sflag:$0x1] =	stream.linear.gather [hbm4b:s12+s3], $0x70, $0x38;
	[tilespmem:$0x1EE00] =	vst v63  }
0xe9: {  	s20 =	smov.u32 s19;
	s19 =	simm.s32 $0x4;
	s18 =	sadd.s32 s14, s18  }
0xea: {  	[tilespmem:s26], [sflag:$0x7] =	stream.linear.gather [hbm4b:s18+s3], $0x70, $0x38;
	[tilespmem:$0x1EE00] =	vst v63  }
0xeb: {  	_ =	swait.ge [sflag:s19], $0x70  }
0xec: {  	[sflag:s19] =	ssyncset.done $0x0  }
0xed: {  	s6 =	simm.s32 $0x180;
	[sflag:s19] =	ssyncadd.s32 $0xFFFFFF90  }
0xee: {  	[tilespmem:s13], [sflag:$0xD] =	stream.indirect.gather [hbm4b:s4+s22], $0x80, s6, s22, $0xb8;
	[tilespmem:$0x1EE00] =	vst v63  }
0xef: {  	_ =	swait.ge [sflag:s5], $0x3800  }
0xf0: {  	[sflag:s5] =	ssyncset.done $0x0  }
0xf1: {  	s23 =	simm.s32 $0x8;
	[sflag:s5] =	ssyncadd.s32 $0xFFFFC800  }
0xf2: {  	_ =	swait.ge [sflag:s23], $0x70  }
0xf3: {  	[sflag:s23] =	ssyncset.done $0x0  }
0xf4: {  	s8 =	simm.s32 $0x380;
	[sflag:s23] =	ssyncadd.s32 $0xFFFFFF90;
	s23 =	simm.s32 $0x3E00  }
0xf5: {  	[spmem:s2] =	stream.indirect.scatter.add.f32 [tilespmem:s23], [sflag:$0x11], $0x80, s8, s22, $0xb8;
	[tilespmem:$0x1EE00] =	vst v63  }
0xf6: {  	s17 =	smov.u32 s15;
	_ =	swait.ge [sflag:s9], $0x3800  }
0xf7: {  	s26 =	simm.s32 $0x80;
	s11 =	rddreg [dreg:$0xd];
	[sflag:s9] =	ssyncset.done $0x0  }
0xf8: {  	s12 =	rddreg [dreg:$0xc];
	[sflag:s9] =	ssyncadd.s32 $0xFFFFC800;
	s18 =	sadd.s32 s17, s11  }
0xf9: {  	[tilespmem:s26], [sflag:$0x2] =	stream.linear.gather [hbm4b:s18+s3], $0x70, $0x38;
	[tilespmem:$0x1EE00] =	vst v63  }
0xfa: {  	s14 =	sadd.s32 s17, s12;
	s18 =	simm.s32 $0x5  }
0xfb: {  	[tilespmem:s8], [sflag:$0x8] =	stream.linear.gather [hbm4b:s14+s3], $0x70, $0x38;
	[tilespmem:$0x1EE00] =	vst v63  }
0xfc: {  	_ =	swait.ge [sflag:s18], $0x70  }
0xfd: {  	[sflag:s18] =	ssyncset.done $0x0  }
0xfe: {  	s12 =	simm.s32 $0x200;
	[sflag:s18] =	ssyncadd.s32 $0xFFFFFF90  }
0xff: {  	[tilespmem:s23], [sflag:$0xE] =	stream.indirect.gather [hbm4b:s4+s22], $0x80, s12, s22, $0xb8;
	[tilespmem:$0x1EE00] =	vst v63  }
0x100: {  	_ =	swait.ge [sflag:s1], $0x3800  }
0x101: {  	[sflag:s1] =	ssyncset.done $0x0  }
0x102: {  	s19 =	simm.s32 $0x9;
	[sflag:s1] =	ssyncadd.s32 $0xFFFFC800  }
0x103: {  	_ =	swait.ge [sflag:s19], $0x70  }
0x104: {  	[sflag:s19] =	ssyncset.done $0x0  }
0x105: {  	s8 =	simm.s32 $0x400;
	[sflag:s19] =	ssyncadd.s32 $0xFFFFFF90  }
0x106: {  	[spmem:s2] =	stream.indirect.scatter.add.f32 [tilespmem:s28], [sflag:$0x12], $0x80, s8, s22, $0xb8;
	[tilespmem:$0x1EE00] =	vst v63  }
0x107: {  	_ =	swait.ge [sflag:s10], $0x3800  }
0x108: {  	s0 =	rddreg [dreg:$0xb];
	[sflag:s10] =	ssyncset.done $0x0  }
0x109: {  	s11 =	rddreg [dreg:$0xa];
	[sflag:s10] =	ssyncadd.s32 $0xFFFFC800;
	s18 =	sadd.s32 s17, s0  }
0x10a: {  	[tilespmem:s7], [sflag:$0x3] =	stream.linear.gather [hbm4b:s18+s3], $0x70, $0x38;
	[tilespmem:$0x1EE00] =	vst v63  }
0x10b: {  	s14 =	sadd.s32 s17, s11;
	s18 =	simm.s32 $0x6  }
0x10c: {  	[tilespmem:s8], [sflag:$0x9] =	stream.linear.gather [hbm4b:s14+s3], $0x70, $0x38;
	[tilespmem:$0x1EE00] =	vst v63  }
0x10d: {  	_ =	swait.ge [sflag:s18], $0x70  }
0x10e: {  	[sflag:s18] =	ssyncset.done $0x0  }
0x10f: {  	s14 =	simm.s32 $0x280;
	[sflag:s18] =	ssyncadd.s32 $0xFFFFFF90  }
0x110: {  	[tilespmem:s28], [sflag:$0xF] =	stream.indirect.gather [hbm4b:s4+s22], $0x80, s14, s22, $0xb8;
	[tilespmem:$0x1EE00] =	vst v63  }
0x111: {  	_ =	swait.ge [sflag:s29], $0x3800  }
0x112: {  	[sflag:s29] =	ssyncset.done $0x0  }
0x113: {  	s19 =	simm.s32 $0xA;
	[sflag:s29] =	ssyncadd.s32 $0xFFFFC800  }
0x114: {  	_ =	swait.ge [sflag:s19], $0x70  }
0x115: {  	[sflag:s19] =	ssyncset.done $0x0  }
0x116: {  	s11 =	simm.s32 $0x480;
	[sflag:s19] =	ssyncadd.s32 $0xFFFFFF90  }
0x117: {  	[spmem:s2] =	stream.indirect.scatter.add.f32 [tilespmem:s13], [sflag:$0x10], $0x80, s11, s22, $0xb8;
	[tilespmem:$0x1EE00] =	vst v63  }
0x118: {  	_ =	swait.ge [sflag:s31], $0x3800  }
0x119: {  	s8 =	rddreg [dreg:$0x9];
	[sflag:s31] =	ssyncset.done $0x0  }
0x11a: {  	s19 =	rddreg [dreg:$0x8];
	[sflag:s31] =	ssyncadd.s32 $0xFFFFC800;
	s18 =	sadd.s32 s17, s8  }
0x11b: {  	[tilespmem:s6], [sflag:$0x4] =	stream.linear.gather [hbm4b:s18+s3], $0x70, $0x38;
	[tilespmem:$0x1EE00] =	vst v63  }
0x11c: {  	s19 =	sadd.s32 s17, s19  }
0x11d: {  	[tilespmem:s11], [sflag:$0xA] =	stream.linear.gather [hbm4b:s19+s3], $0x70, $0x38;
	[tilespmem:$0x1EE00] =	vst v63  }
0x11e: {  	_ =	swait.ge [sflag:s21], $0x70  }
0x11f: {  	[sflag:s21] =	ssyncset.done $0x0  }
0x120: {  	[sflag:s21] =	ssyncadd.s32 $0xFFFFFF90  }
0x121: {  	[tilespmem:s13], [sflag:$0xD] =	stream.indirect.gather [hbm4b:s4+s22], $0x80, s3, s22, $0xb8;
	[tilespmem:$0x1EE00] =	vst v63  }
0x122: {  	_ =	swait.ge [sflag:s5], $0x3800  }
0x123: {  	[sflag:s5] =	ssyncset.done $0x0  }
0x124: {  	s19 =	simm.s32 $0xB;
	[sflag:s5] =	ssyncadd.s32 $0xFFFFC800  }
0x125: {  	_ =	swait.ge [sflag:s19], $0x70  }
0x126: {  	[sflag:s19] =	ssyncset.done $0x0  }
0x127: {  	s13 =	simm.s32 $0x500;
	[sflag:s19] =	ssyncadd.s32 $0xFFFFFF90  }
0x128: {  	[spmem:s2] =	stream.indirect.scatter.add.f32 [tilespmem:s23], [sflag:$0x11], $0x80, s13, s22, $0xb8;
	[tilespmem:$0x1EE00] =	vst v63  }
0x129: {  	_ =	swait.ge [sflag:s9], $0x3800  }
0x12a: {  	s11 =	rddreg [dreg:$0x7];
	[sflag:s9] =	ssyncset.done $0x0  }
0x12b: {  	s19 =	rddreg [dreg:$0x6];
	[sflag:s9] =	ssyncadd.s32 $0xFFFFC800;
	s18 =	sadd.s32 s17, s11  }
0x12c: {  	[tilespmem:s12], [sflag:$0x5] =	stream.linear.gather [hbm4b:s18+s3], $0x70, $0x38;
	[tilespmem:$0x1EE00] =	vst v63  }
0x12d: {  	s19 =	sadd.s32 s17, s19  }
0x12e: {  	[tilespmem:s13], [sflag:$0xB] =	stream.linear.gather [hbm4b:s19+s3], $0x70, $0x38;
	[tilespmem:$0x1EE00] =	vst v63  }
0x12f: {  	_ =	swait.ge [sflag:s25], $0x70  }
0x130: {  	[sflag:s25] =	ssyncset.done $0x0  }
0x131: {  	[sflag:s25] =	ssyncadd.s32 $0xFFFFFF90  }
0x132: {  	[tilespmem:s23], [sflag:$0xE] =	stream.indirect.gather [hbm4b:s4+s22], $0x80, s26, s22, $0xb8;
	[tilespmem:$0x1EE00] =	vst v63  }
0x133: {  	_ =	swait.ge [sflag:s1], $0x3800  }
0x134: {  	[sflag:s1] =	ssyncset.done $0x0  }
0x135: {  	s18 =	simm.s32 $0xC;
	[sflag:s1] =	ssyncadd.s32 $0xFFFFC800  }
0x136: {  	p0 =	sne.s32 s15, $0x498;
	s15 =	sadd.s32 $0x54, s15;
	_ =	swait.ge [sflag:s18], $0x70  }
0x137: {  	s24 =	simm.s32 $0x300;
	s30 =	simm.s32 $0x380;
	[sflag:s18] =	ssyncset.done $0x0  }
0x138: {  	s16 =	sadd.s32 $0x2A0, s16;
	s23 =	simm.s32 $0x580;
	[sflag:s18] =	ssyncadd.s32 $0xFFFFFF90  }
0x139: {  	[spmem:s2] =	stream.indirect.scatter.add.f32 [tilespmem:s28], [sflag:$0x12], $0x80, s23, s22, $0xb8;
	[tilespmem:$0x1EE00] =	vst v63  }
0x13a: {  	s0 =	simm.s32 $0x100;
	s7 =	simm.s32 $0x400;
	_ =	swait.ge [sflag:s10], $0x3800  }
0x13b: {  	s8 =	simm.s32 $0x180;
	s19 =	rddreg [dreg:$0x5];
	[sflag:s10] =	ssyncset.done $0x0  }
0x13c: {  	s28 =	rddreg [dreg:$0x4];
	[sflag:s10] =	ssyncadd.s32 $0xFFFFC800;
	s18 =	sadd.s32 s17, s19  }
0x13d: {  	[tilespmem:s14], [sflag:$0x6] =	stream.linear.gather [hbm4b:s18+s3], $0x70, $0x38;
	[tilespmem:$0x1EE00] =	vst v63  }
.Ltmp0:
0x13e: {  	s17 =	sadd.s32 s17, s28;
	s28 =	simm.s32 $0x3;
	(pc) =	sbr.rel @p0 .LBB2_2-.Ltmp0, $4  }
0x13f: {  	[tilespmem:s23], [sflag:$0xC] =	stream.linear.gather [hbm4b:s17+s3], $0x70, $0x38;
	[tilespmem:$0x1EE00] =	vst v63  }
0x140: {  	s6 =	simm.s32 $0x480;
	s11 =	simm.s32 $0x200;
	_ =	swait.ge [sflag:s28], $0x70  }
0x141: {  	s12 =	simm.s32 $0x500;
	s13 =	simm.s32 $0x280;
	[sflag:s28] =	ssyncset.done $0x0  }
0x142: {  	s19 =	smov.u32 s20;
	s14 =	simm.s32 $0x580;
	[sflag:s28] =	ssyncadd.s32 $0xFFFFFF90  }
0x143: {  	s15 =	simm.s32 $0x7600  }
0x144: {  	[tilespmem:s15], [sflag:$0xF] =	stream.indirect.gather [hbm4b:s4+s22], $0x80, s0, s22, $0xb8;
	[tilespmem:$0x1EE00] =	vst v63  }
0x145: {  	_ =	swait.ge [sflag:s29], $0x3800  }
0x146: {  	[sflag:s29] =	ssyncset.done $0x0  }
0x147: {  	s18 =	simm.s32 $0x7;
	[sflag:s29] =	ssyncadd.s32 $0xFFFFC800  }
0x148: {  	_ =	swait.ge [sflag:s18], $0x70  }
0x149: {  	[sflag:s18] =	ssyncset.done $0x0  }
0x14a: {  	s20 =	simm.s32 $0x600;
	[sflag:s18] =	ssyncadd.s32 $0xFFFFFF90  }
0x14b: {  	[spmem:s2] =	stream.indirect.scatter.add.f32 [tilespmem:s20], [sflag:$0x10], $0x80, s24, s22, $0xb8;
	[tilespmem:$0x1EE00] =	vst v63  }
0x14c: {  	_ =	swait.ge [sflag:s31], $0x3800  }
0x14d: {  	[sflag:s31] =	ssyncset.done $0x0  }
0x14e: {  	s16 =	simm.s32 $0x4;
	[sflag:s31] =	ssyncadd.s32 $0xFFFFC800  }
0x14f: {  	_ =	swait.ge [sflag:s16], $0x70  }
0x150: {  	[sflag:s16] =	ssyncset.done $0x0  }
0x151: {  	[sflag:s16] =	ssyncadd.s32 $0xFFFFFF90  }
0x152: {  	[tilespmem:s20], [sflag:$0xD] =	stream.indirect.gather [hbm4b:s4+s22], $0x80, s8, s22, $0xb8;
	[tilespmem:$0x1EE00] =	vst v63  }
0x153: {  	_ =	swait.ge [sflag:s5], $0x3800  }
0x154: {  	[sflag:s5] =	ssyncset.done $0x0  }
0x155: {  	s21 =	simm.s32 $0x8;
	[sflag:s5] =	ssyncadd.s32 $0xFFFFC800  }
0x156: {  	_ =	swait.ge [sflag:s21], $0x70  }
0x157: {  	[sflag:s21] =	ssyncset.done $0x0  }
0x158: {  	s23 =	simm.s32 $0x3E00;
	[sflag:s21] =	ssyncadd.s32 $0xFFFFFF90  }
0x159: {  	[spmem:s2] =	stream.indirect.scatter.add.f32 [tilespmem:s23], [sflag:$0x11], $0x80, s30, s22, $0xb8;
	[tilespmem:$0x1EE00] =	vst v63  }
0x15a: {  	_ =	swait.ge [sflag:s9], $0x3800  }
0x15b: {  	[sflag:s9] =	ssyncset.done $0x0  }
0x15c: {  	s24 =	simm.s32 $0x5;
	[sflag:s9] =	ssyncadd.s32 $0xFFFFC800  }
0x15d: {  	_ =	swait.ge [sflag:s24], $0x70  }
0x15e: {  	[sflag:s24] =	ssyncset.done $0x0  }
0x15f: {  	[sflag:s24] =	ssyncadd.s32 $0xFFFFFF90  }
0x160: {  	[tilespmem:s23], [sflag:$0xE] =	stream.indirect.gather [hbm4b:s4+s22], $0x80, s11, s22, $0xb8;
	[tilespmem:$0x1EE00] =	vst v63  }
0x161: {  	_ =	swait.ge [sflag:s1], $0x3800  }
0x162: {  	[sflag:s1] =	ssyncset.done $0x0  }
0x163: {  	s25 =	simm.s32 $0x9;
	[sflag:s1] =	ssyncadd.s32 $0xFFFFC800  }
0x164: {  	_ =	swait.ge [sflag:s25], $0x70  }
0x165: {  	[sflag:s25] =	ssyncset.done $0x0  }
0x166: {  	[sflag:s25] =	ssyncadd.s32 $0xFFFFFF90  }
0x167: {  	[spmem:s2] =	stream.indirect.scatter.add.f32 [tilespmem:s15], [sflag:$0x12], $0x80, s7, s22, $0xb8;
	[tilespmem:$0x1EE00] =	vst v63  }
0x168: {  	_ =	swait.ge [sflag:s10], $0x3800  }
0x169: {  	[sflag:s10] =	ssyncset.done $0x0  }
0x16a: {  	s28 =	simm.s32 $0x6;
	[sflag:s10] =	ssyncadd.s32 $0xFFFFC800  }
0x16b: {  	_ =	swait.ge [sflag:s28], $0x70  }
0x16c: {  	[sflag:s28] =	ssyncset.done $0x0  }
0x16d: {  	[sflag:s28] =	ssyncadd.s32 $0xFFFFFF90  }
0x16e: {  	[tilespmem:s15], [sflag:$0xF] =	stream.indirect.gather [hbm4b:s4+s22], $0x80, s13, s22, $0xb8;
	[tilespmem:$0x1EE00] =	vst v63  }
0x16f: {  	_ =	swait.ge [sflag:s29], $0x3800  }
0x170: {  	[sflag:s29] =	ssyncset.done $0x0  }
0x171: {  	s30 =	simm.s32 $0xA;
	[sflag:s29] =	ssyncadd.s32 $0xFFFFC800  }
0x172: {  	_ =	swait.ge [sflag:s30], $0x70  }
0x173: {  	[sflag:s30] =	ssyncset.done $0x0  }
0x174: {  	[sflag:s30] =	ssyncadd.s32 $0xFFFFFF90  }
0x175: {  	[spmem:s2] =	stream.indirect.scatter.add.f32 [tilespmem:s20], [sflag:$0x10], $0x80, s6, s22, $0xb8;
	[tilespmem:$0x1EE00] =	vst v63  }
0x176: {  	_ =	swait.ge [sflag:s5], $0x3800  }
0x177: {  	[sflag:s5] =	ssyncset.done $0x0  }
0x178: {  	s7 =	simm.s32 $0xB;
	[sflag:s5] =	ssyncadd.s32 $0xFFFFC800  }
0x179: {  	_ =	swait.ge [sflag:s7], $0x70  }
0x17a: {  	[sflag:s7] =	ssyncset.done $0x0  }
0x17b: {  	[sflag:s7] =	ssyncadd.s32 $0xFFFFFF90  }
0x17c: {  	[spmem:s2] =	stream.indirect.scatter.add.f32 [tilespmem:s23], [sflag:$0x11], $0x80, s12, s22, $0xb8;
	[tilespmem:$0x1EE00] =	vst v63  }
0x17d: {  	_ =	swait.ge [sflag:s1], $0x3800  }
0x17e: {  	[sflag:s1] =	ssyncset.done $0x0  }
0x17f: {  	s8 =	simm.s32 $0xC;
	[sflag:s1] =	ssyncadd.s32 $0xFFFFC800  }
0x180: {  	_ =	swait.ge [sflag:s8], $0x70  }
0x181: {  	[sflag:s8] =	ssyncset.done $0x0  }
0x182: {  	[sflag:s8] =	ssyncadd.s32 $0xFFFFFF90  }
0x183: {  	[spmem:s2] =	stream.indirect.scatter.add.f32 [tilespmem:s15], [sflag:$0x12], $0x80, s14, s22, $0xb8;
	[tilespmem:$0x1EE00] =	vst v63  }
0x184: {  	_ =	swait.ge [sflag:s31], $0x3800  }
0x185: {  	[sflag:s31] =	ssyncset.done $0x0  }
0x186: {  	[sflag:s31] =	ssyncadd.s32 $0xFFFFC800  }
0x187: {  	_ =	swait.ge [sflag:s9], $0x3800  }
0x188: {  	[sflag:s9] =	ssyncset.done $0x0  }
0x189: {  	[sflag:s9] =	ssyncadd.s32 $0xFFFFC800  }
0x18a: {  	_ =	swait.ge [sflag:s10], $0x3800  }
0x18b: {  	[sflag:s10] =	ssyncset.done $0x0  }
0x18c: {  	[sflag:s10] =	ssyncadd.s32 $0xFFFFC800  }
0x18d: {  	[bflag:$0x0] =	sbarrier.arrive $0xFFFF  }
0x18e: {  	s12 =	sld [smem:$0x7F0]  }
0x18f: {  	s16 =	rddreg [dreg:$0x11]  }
0x190: {  	s18 =	simm.s32 $0x13;
	s11 =	rddreg [dreg:$0x18]  }
0x191: {  	[hbm:s11], [sflag:s16] =	dma.local [spmem:s12], $0x800  }
0x192: {  	_ =	swait.ge [sflag:s18], $0x800  }
0x193: {  	s14 =	sld [smem:$0x7F1]  }
0x194: {  	[sflag:s18] =	ssyncset.done $0x0  }
0x195: {  	s13 =	rddreg [dreg:$0x19];
	[sflag:s18] =	ssyncadd.s32 $0xFFFFF800  }
0x196: {  	[hbm:s13], [sflag:s16] =	dma.local [spmem:s14], $0x800  }
0x197: {  	_ =	swait.ge [sflag:s18], $0x800  }
0x198: {  	s20 =	sld [smem:$0x7F2]  }
0x199: {  	[sflag:s18] =	ssyncset.done $0x0  }
0x19a: {  	s17 =	rddreg [dreg:$0x1a];
	[sflag:s18] =	ssyncadd.s32 $0xFFFFF800  }
0x19b: {  	[hbm:s17], [sflag:s16] =	dma.local [spmem:s20], $0x800  }
0x19c: {  	_ =	swait.ge [sflag:s18], $0x800  }
0x19d: {  	s23 =	sld [smem:$0x7F3]  }
0x19e: {  	[sflag:s18] =	ssyncset.done $0x0  }
0x19f: {  	s21 =	rddreg [dreg:$0x1b];
	[sflag:s18] =	ssyncadd.s32 $0xFFFFF800  }
0x1a0: {  	[hbm:s21], [sflag:s16] =	dma.local [spmem:s23], $0x800  }
0x1a1: {  	_ =	swait.ge [sflag:s18], $0x800  }
0x1a2: {  	s25 =	sld [smem:$0x7F4]  }
0x1a3: {  	[sflag:s18] =	ssyncset.done $0x0  }
0x1a4: {  	s24 =	rddreg [dreg:$0x1c];
	[sflag:s18] =	ssyncadd.s32 $0xFFFFF800  }
0x1a5: {  	[hbm:s24], [sflag:s16] =	dma.local [spmem:s25], $0x800  }
0x1a6: {  	_ =	swait.ge [sflag:s18], $0x800  }
0x1a7: {  	s28 =	sld [smem:$0x7EF]  }
0x1a8: {  	s30 =	sld [smem:$0x7FC];
	_ =	sdelay $0x1  }
0x1a9: {  	s0 =	sadd.s32 $0x1, s28  }
0x1aa: {  	p0 =	sne.s32 s0, s30  }
.Ltmp1:
0x1ab: {  	_ = 	snop;
	(pc) =	sbr.rel @p0 .LBB2_1-.Ltmp1, $3  }
0x1ac: {  	_ =	sdelay $0x1  }
0x1ad: {  	s21 =	simm.s32 $0x1;
	[sflag:s18] =	ssyncset.done $0x0  }
0x1ae: {  	s25 =	simm.s32 $0x2;
	s13 =	rddreg [dreg:$0xe];
	[sflag:s18] =	ssyncadd.s32 $0xFFFFF800  }
0x1af: {  	_ =	sfence.sel $0x180000  }
0x1b0: {  	[bflag:$0x0] =	sbarrier.arrive $0xFFFF  }
0x1b1: {  	_ =	strace $0x90000050  }
0x1b2: {  	s0 =	stileid.u32;
	[bflag:$0x2] =	sbarrier.arrive $0xFFFF  }
0x1b3: {  	p0 =	sne.s32 s0, $0x0;
	s0 =	rddreg [dreg:$0x3]  }
0x1b4: {  	s0 =	sadd.s32 @!p0 $0x100000, s0  }
0x1b5: {  	[sflag:s0] =	ssyncadd.tile.s32 @!p0 $0x1;
	_ =	shalt  }
.Lfunc_end2:
_tile_overlayer_lowered:
.L_overlay_start_2:
0x1b6: {  	(tag) =	ssettag $0x2  }
0x1b7: {  	s0 =	rddreg [dreg:$0x0];
	s2 =	stileid.u32  }
0x1b8: {  	s1 =	rddreg [dreg:$0x1];
	p0 =	sne.s32 s2, $0x0  }
0x1b9: {  	s3 =	rddreg [dreg:$0x2];
	[bflag:$0x3] =	sbarrier.arrive $0xFFFF;
	s2 =	simm.s32 @!p0 $0x1C13  }
0x1ba: {  	[timem:s3], [sflag:s2] =	dma.local @!p0 [hbm:s0], s1  }
0x1bb: {  	s0 =	simm.s32 @!p0 $0x13  }
0x1bc: {  	_ =	swait.ge @!p0 [sflag:s0], s1  }
0x1bd: {  	s1 =	ssub.s32 @!p0 $0x0, s1;
	[sflag:s0] =	ssyncset.done @!p0 $0x0  }
0x1be: {  	[sflag:s0] =	ssyncadd.s32 @!p0 s1  }
0x1bf: {  	[bflag:$0x3] =	sbarrier.arrive $0xFFFF  }
0x1c0: {  	_ =	shalt  }

</sc_bundles>
